<compile_context>
chip_gen: v7x
topology: tpu7x:2x2x1
jax: 0.10.2.dev20260603
libtpu: 0.0.44.dev20260713+nightly
codegen_flags: <defaults>
</compile_context>

<pallas_src>
import functools

import jax
import jax.numpy as jnp
from jax import lax
from jax.experimental import pallas as pl
from jax.experimental.pallas import tpu as pltpu
from jax.experimental.pallas import tpu_sc as plsc

C = 128
C2 = 256
NNODES = 50000
KNB = 9
NW = 32
CPN = 14
NCH = 112
NCHP = NCH + 4
NPW = CPN * NCH
NPAD = NW * NPW
ROWS = 128
GRP = 4
BN = 1024
NBLK = NPAD // BN
LANES = 16
CW = C // 2


def _tc_transpose(x2dp):
    def k1(x_ref, o_ref):
        o_ref[...] = x_ref[...].T

    return pl.pallas_call(
        k1,
        grid=(NBLK,),
        in_specs=[pl.BlockSpec((C, BN), lambda i: (0, i))],
        out_specs=pl.BlockSpec((BN, C), lambda i: (i, 0)),
        out_shape=jax.ShapeDtypeStruct((NPAD, C), jnp.float32),
    )(x2dp)


def _sc_gather_maxdiff(xT, idxJ, idxI):
    mesh = plsc.VectorSubcoreMesh(core_axis_name="c", subcore_axis_name="s")

    @functools.partial(
        pl.kernel,
        mesh=mesh,
        out_type=jax.ShapeDtypeStruct((NPAD, C), jnp.float32),
        scratch_types=[
            pltpu.VMEM((NCHP, ROWS), jnp.int32),
            pltpu.VMEM((NCHP, ROWS), jnp.int32),
            pltpu.VMEM((ROWS, C), jnp.float32),
            pltpu.VMEM((ROWS, C), jnp.float32),
            pltpu.VMEM((ROWS, C), jnp.float32),
            pltpu.VMEM((ROWS, C), jnp.float32),
            pltpu.VMEM((GRP * CPN, C), jnp.float32),
            pltpu.SemaphoreType.DMA,
            pltpu.SemaphoreType.DMA,
        ],
    )
    def k2(xT_hbm, idxJ_hbm, idxI_hbm, out_hbm,
           idxj_v, idxi_v, rowsj0, rowsi0, rowsj1, rowsi1, xj_v, sem0, sem1):
        wid = lax.axis_index("s") * 2 + lax.axis_index("c")
        bufs = ((rowsj0, rowsi0, sem0), (rowsj1, rowsi1, sem1))
        pltpu.sync_copy(idxJ_hbm.at[wid], idxj_v)
        pltpu.sync_copy(idxI_hbm.at[wid], idxi_v)

        def issue(j, buf):
            rj, ri, sem = bufs[buf]
            pltpu.async_copy(xT_hbm.at[idxj_v.at[j]], rj, sem)
            pltpu.async_copy(xT_hbm.at[idxi_v.at[j]], ri, sem)

        def drain(buf):
            rj, ri, sem = bufs[buf]
            dummy = xT_hbm.at[pl.ds(0, ROWS)]
            pltpu.make_async_copy(dummy, rj, sem).wait()
            pltpu.make_async_copy(dummy, ri, sem).wait()

        def group(jj, carry):
            for bb in range(GRP):
                buf = bb % 2
                rj, ri, _ = bufs[buf]
                j = jj * GRP + bb
                issue(j, buf)
                drain(buf)

                def node(ln, c2):
                    base = ln * KNB
                    for v in range(C // LANES):
                        sl = pl.ds(v * LANES, LANES)
                        acc = rj[base, sl] - ri[base, sl]
                        for kk in range(1, KNB):
                            acc = jnp.maximum(
                                acc, rj[base + kk, sl] - ri[base + kk, sl])
                        xj_v[bb * CPN + ln, sl] = acc
                    return c2

                lax.fori_loop(0, CPN, node, 0)
            pltpu.sync_copy(
                xj_v, out_hbm.at[pl.ds(wid * NPW + jj * (GRP * CPN), GRP * CPN)])
            return carry

        lax.fori_loop(0, NCH // GRP, group, 0)

    return k2(xT, idxJ, idxI)


def _tc_stats(x2dp, xjT, W, bcol, gcol, betacol):
    def k3(x_ref, xjT_ref, W_ref, b_ref, g_ref, beta_ref,
           W2_ref, b2_ref, gxx, gxj, gjj, sx, sj):
        pid = pl.program_id(0)

        @pl.when(pid == 0)
        def _init():
            gxx[...] = jnp.zeros_like(gxx)
            gxj[...] = jnp.zeros_like(gxj)
            gjj[...] = jnp.zeros_like(gjj)
            sx[...] = jnp.zeros_like(sx)
            sj[...] = jnp.zeros_like(sj)

        xb = x_ref[...]
        jb = xjT_ref[...]
        f32 = jnp.float32
        gxx[...] += lax.dot_general(xb, xb, (((1,), (1,)), ((), ())),
                                    preferred_element_type=f32)
        gxj[...] += lax.dot_general(xb, jb, (((1,), (0,)), ((), ())),
                                    preferred_element_type=f32)
        gjj[...] += lax.dot_general(jb, jb, (((0,), (0,)), ((), ())),
                                    preferred_element_type=f32)
        sx[...] += jnp.sum(xb, axis=1, keepdims=True)
        sj[...] += jnp.sum(jb, axis=0, keepdims=True)

        @pl.when(pid == NBLK - 1)
        def _fold():
            top = jnp.concatenate([gxx[...], gxj[...]], axis=1)
            bot = jnp.concatenate([gxj[...].T, gjj[...]], axis=1)
            G = jnp.concatenate([top, bot], axis=0)
            m = jnp.concatenate([sx[...], sj[...].T], axis=0) * (1.0 / NNODES)
            cov = G * (1.0 / NNODES) - lax.dot_general(
                m, m, (((1,), (1,)), ((), ())), preferred_element_type=f32, precision=lax.Precision.HIGHEST)
            Wf = W_ref[...]
            t = jnp.dot(Wf, cov, preferred_element_type=f32, precision=lax.Precision.HIGHEST)
            var = jnp.sum(t * Wf, axis=1, keepdims=True)
            mean = jnp.dot(Wf, m, preferred_element_type=f32, precision=lax.Precision.HIGHEST) + b_ref[...]
            a = g_ref[...] * lax.rsqrt(var + 1e-5)
            W2_ref[...] = a * Wf
            b2_ref[...] = a * (b_ref[...] - mean) + beta_ref[...]

    const = lambda i: (0, 0)
    return pl.pallas_call(
        k3,
        grid=(NBLK,),
        in_specs=[
            pl.BlockSpec((C, BN), lambda i: (0, i)),
            pl.BlockSpec((BN, C), lambda i: (i, 0)),
            pl.BlockSpec((C2, C2), const),
            pl.BlockSpec((C2, 1), const),
            pl.BlockSpec((C2, 1), const),
            pl.BlockSpec((C2, 1), const),
        ],
        out_specs=[
            pl.BlockSpec((C2, C2), const),
            pl.BlockSpec((C2, 1), const),
        ],
        out_shape=[
            jax.ShapeDtypeStruct((C2, C2), jnp.float32),
            jax.ShapeDtypeStruct((C2, 1), jnp.float32),
        ],
        scratch_shapes=[
            pltpu.VMEM((C, C), jnp.float32),
            pltpu.VMEM((C, C), jnp.float32),
            pltpu.VMEM((C, C), jnp.float32),
            pltpu.VMEM((C, 1), jnp.float32),
            pltpu.VMEM((1, C), jnp.float32),
        ],
    )(x2dp, xjT, W, bcol, gcol, betacol)


def _tc_final(x2dp, xjT, W2, b2):
    def k4(x_ref, xjT_ref, W2_ref, b2_ref, o_ref):
        acc = jnp.dot(W2_ref[:, :C], x_ref[...],
                      preferred_element_type=jnp.float32, precision=lax.Precision.HIGHEST)
        acc = acc + lax.dot_general(W2_ref[:, C:], xjT_ref[...],
                                    (((1,), (1,)), ((), ())),
                                    preferred_element_type=jnp.float32, precision=lax.Precision.HIGHEST)
        o_ref[...] = jnp.maximum(acc + b2_ref[...], 0.0)

    return pl.pallas_call(
        k4,
        grid=(NBLK,),
        in_specs=[
            pl.BlockSpec((C, BN), lambda i: (0, i)),
            pl.BlockSpec((BN, C), lambda i: (i, 0)),
            pl.BlockSpec((C2, C2), lambda i: (0, 0)),
            pl.BlockSpec((C2, 1), lambda i: (0, 0)),
        ],
        out_specs=pl.BlockSpec((C2, BN), lambda i: (0, i)),
        out_shape=jax.ShapeDtypeStruct((C2, NNODES), jnp.float32),
    )(x2dp, xjT, W2, b2)


def kernel(x, edge_index, W, b, gamma, beta):
    x2d = x.reshape(C, NNODES)
    x2dp = jnp.pad(x2d, ((0, 0), (0, NPAD - NNODES)))
    e = edge_index.reshape(2, NNODES, KNB).astype(jnp.int32)
    ep = jnp.pad(e, ((0, 0), (0, NPAD - NNODES), (0, 0)))
    er = ep.reshape(2, NW, NCH, CPN * KNB)
    er = jnp.pad(er, ((0, 0), (0, 0), (0, NCHP - NCH), (0, ROWS - CPN * KNB)))

    Wp = jnp.concatenate([W[:, 0::2], W[:, 1::2]], axis=1)

    xT = _tc_transpose(x2dp)
    xjT = _sc_gather_maxdiff(xT, er[0], er[1])
    W2, b2 = _tc_stats(x2dp, xjT, Wp,
                       b.reshape(C2, 1), gamma.reshape(C2, 1),
                       beta.reshape(C2, 1))
    y = _tc_final(x2dp, xjT, W2, b2)
    return y.reshape(1, C2, NNODES, 1)

# --- scband reference (transcript-rebuilt; emitter-appended) ---
"""Pipeline reference for scband-nex-to-u-encoder-17042430231091 (READ-ONLY COPY).

The authoritative reference and input builder live on the scoring server;
editing this copy changes nothing except your own understanding.
"""

import jax, jax.numpy as jnp
import numpy as np

B, C, N, K = 1, 128, 50000, 9
C_OUT = 256

def setup_inputs(seed: int = 0):
    key = jax.random.key(seed)
    ks = jax.random.split(key, 6)
    x = jax.random.normal(ks[0], (B, C, N, 1), dtype=jnp.float32)
    edge_index = jax.random.randint(ks[1], (2, B, N, K), 0, N)
    W = jax.random.normal(ks[2], (C_OUT, 2 * C), dtype=jnp.float32) * (1.0 / np.sqrt(2 * C))
    b = jnp.zeros((C_OUT,), dtype=jnp.float32)
    gamma = jnp.ones((C_OUT,), dtype=jnp.float32)
    beta = jnp.zeros((C_OUT,), dtype=jnp.float32)
    return {"x": x, "edge_index": edge_index, "W": W, "b": b, "gamma": gamma, "beta": beta}

def batched_index_select(x, idx):
    # x: [B, C, N, 1], idx: [B, N, K] -> [B, C, N, K]
    Bb, Cc, Nn, _ = x.shape
    Kk = idx.shape[-1]
    xf = x.reshape(Bb, Cc, Nn)
    idx_b = jnp.broadcast_to(idx.reshape(Bb, 1, Nn * Kk), (Bb, Cc, Nn * Kk))
    return jnp.take_along_axis(xf, idx_b, axis=2).reshape(Bb, Cc, Nn, Kk)

def reference(x, edge_index, W, b, gamma, beta):
    # MRConv (max-relative graph conv), the core of Grapher/DyGraphConv in NexToU_Encoder
    x_i = batched_index_select(x, edge_index[1])
    x_j = batched_index_select(x, edge_index[0])
    x_j = jnp.max(x_j - x_i, axis=-1, keepdims=True)  # [B, C, N, 1]
    bb, cc, nn, _ = x.shape
    xc = jnp.concatenate([x[:, :, None], x_j[:, :, None]], axis=2).reshape(bb, 2 * cc, nn, 1)
    # BasicConv: 1x1 conv (Conv3d kernel 1) == per-node matmul, then BatchNorm (training stats) + ReLU
    y = jnp.einsum('oc,bcn->bon', W, xc[..., 0]) + b[None, :, None]
    mean = jnp.mean(y, axis=(0, 2), keepdims=True)
    var = jnp.var(y, axis=(0, 2), keepdims=True)
    y = (y - mean) / jnp.sqrt(var + 1e-5)
    y = y * gamma[None, :, None] + beta[None, :, None]
    y = jax.nn.relu(y)
    return y[..., None]

if __name__ == "__main__":
    import jax
    _d = setup_inputs()
    print(jax.jit(kernel)(*tuple(_d.values())))

</pallas_src>

<mosaic_0001>
#map = affine_map<(d0, d1) -> (0, 0)>
#map1 = affine_map<(d0, d1) -> (0, 0, 0)>
module attributes {stable_mosaic.version = 14 : i64} {
  func.func @k2(%arg0: i32, %arg1: i32, %arg2: memref<50176x128xf32, #tpu.memory_space<hbm>>, %arg3: memref<32x116x128xi32, #tpu.memory_space<hbm>>, %arg4: memref<32x116x128xi32, #tpu.memory_space<hbm>>, %arg5: memref<50176x128xf32, #tpu.memory_space<hbm>>, %arg6: memref<116x128xi32, #tpu.memory_space<vmem>>, %arg7: memref<116x128xi32, #tpu.memory_space<vmem>>, %arg8: memref<128x128xf32, #tpu.memory_space<vmem>>, %arg9: memref<128x128xf32, #tpu.memory_space<vmem>>, %arg10: memref<128x128xf32, #tpu.memory_space<vmem>>, %arg11: memref<128x128xf32, #tpu.memory_space<vmem>>, %arg12: memref<56x128xf32, #tpu.memory_space<vmem>>, %arg13: memref<!tpu.dma_semaphore, #tpu.memory_space<semaphore_mem>>, %arg14: memref<!tpu.dma_semaphore, #tpu.memory_space<semaphore_mem>>) attributes {dimension_semantics = [#tpu.dimension_semantics<core_parallel>, #tpu.dimension_semantics<subcore_parallel>], iteration_bounds = array<i64: 2, 16>, scalar_prefetch = 0 : i64, scratch_operands = 9 : i64, tpu.core_type = #tpu.core_type<sc_vector_subcore>, window_params = [{transform_indices = #map}, {transform_indices = #map1}, {transform_indices = #map1}, {transform_indices = #map}]} {
    %mul3A = arith.constant 2 : i32
    %mul3A_0 = arith.muli %arg1, %mul3A : i32
    %add3A = arith.addi %mul3A_0, %arg0 : i32
    "tpu.region"() ({
      %run_scoped3A = tpu.sem_alloc : memref<!tpu.dma_semaphore, #tpu.memory_space<semaphore_mem>>
      %dma_start3A = arith.constant 0 : i32
      %dma_start3A_6 = arith.constant 0 : i32
      %dma_start3A_7 = tpu.memref_slice %arg3[%add3A, %dma_start3A, %dma_start3A_6] : memref<32x116x128xi32, #tpu.memory_space<hbm>> -> memref<1x116x128xi32, #tpu.memory_space<hbm>>
      %dma_start3A_8 = tpu.memref_squeeze %dma_start3A_7 : memref<1x116x128xi32, #tpu.memory_space<hbm>> -> memref<116x128xi32, #tpu.memory_space<hbm>>
      %dma_start3A_9 = arith.constant 0 : i32
      %dma_start3A_10 = arith.constant 0 : i32
      %dma_start3A_11 = tpu.memref_slice %arg3[%add3A, %dma_start3A_9, %dma_start3A_10] : memref<32x116x128xi32, #tpu.memory_space<hbm>> -> memref<1x116x128xi32, #tpu.memory_space<hbm>>
      %dma_start3A_12 = tpu.memref_squeeze %dma_start3A_11 : memref<1x116x128xi32, #tpu.memory_space<hbm>> -> memref<116x128xi32, #tpu.memory_space<hbm>>
      tpu.enqueue_dma source(%dma_start3A_12 : memref<116x128xi32, #tpu.memory_space<hbm>>) target(%arg6 : memref<116x128xi32, #tpu.memory_space<vmem>>) target_semaphore(%run_scoped3A : memref<!tpu.dma_semaphore, #tpu.memory_space<semaphore_mem>>)
      %dma_wait3A = arith.constant 0 : i32
      %dma_wait3A_13 = arith.constant 0 : i32
      %dma_wait3A_14 = tpu.memref_slice %arg3[%add3A, %dma_wait3A, %dma_wait3A_13] : memref<32x116x128xi32, #tpu.memory_space<hbm>> -> memref<1x116x128xi32, #tpu.memory_space<hbm>>
      %dma_wait3A_15 = tpu.memref_squeeze %dma_wait3A_14 : memref<1x116x128xi32, #tpu.memory_space<hbm>> -> memref<116x128xi32, #tpu.memory_space<hbm>>
      %dma_wait3A_16 = arith.constant 0 : i32
      %dma_wait3A_17 = arith.constant 0 : i32
      %dma_wait3A_18 = tpu.memref_slice %arg3[%add3A, %dma_wait3A_16, %dma_wait3A_17] : memref<32x116x128xi32, #tpu.memory_space<hbm>> -> memref<1x116x128xi32, #tpu.memory_space<hbm>>
      %dma_wait3A_19 = tpu.memref_squeeze %dma_wait3A_18 : memref<1x116x128xi32, #tpu.memory_space<hbm>> -> memref<116x128xi32, #tpu.memory_space<hbm>>
      tpu.wait_dma2 semaphore(%run_scoped3A : memref<!tpu.dma_semaphore, #tpu.memory_space<semaphore_mem>>) src(%dma_wait3A_19 : memref<116x128xi32, #tpu.memory_space<hbm>>) dst(%arg6 : memref<116x128xi32, #tpu.memory_space<vmem>>)
      tpu.yield
    }) : () -> ()
    "tpu.region"() ({
      %run_scoped3A = tpu.sem_alloc : memref<!tpu.dma_semaphore, #tpu.memory_space<semaphore_mem>>
      %dma_start3A = arith.constant 0 : i32
      %dma_start3A_6 = arith.constant 0 : i32
      %dma_start3A_7 = tpu.memref_slice %arg4[%add3A, %dma_start3A, %dma_start3A_6] : memref<32x116x128xi32, #tpu.memory_space<hbm>> -> memref<1x116x128xi32, #tpu.memory_space<hbm>>
      %dma_start3A_8 = tpu.memref_squeeze %dma_start3A_7 : memref<1x116x128xi32, #tpu.memory_space<hbm>> -> memref<116x128xi32, #tpu.memory_space<hbm>>
      %dma_start3A_9 = arith.constant 0 : i32
      %dma_start3A_10 = arith.constant 0 : i32
      %dma_start3A_11 = tpu.memref_slice %arg4[%add3A, %dma_start3A_9, %dma_start3A_10] : memref<32x116x128xi32, #tpu.memory_space<hbm>> -> memref<1x116x128xi32, #tpu.memory_space<hbm>>
      %dma_start3A_12 = tpu.memref_squeeze %dma_start3A_11 : memref<1x116x128xi32, #tpu.memory_space<hbm>> -> memref<116x128xi32, #tpu.memory_space<hbm>>
      tpu.enqueue_dma source(%dma_start3A_12 : memref<116x128xi32, #tpu.memory_space<hbm>>) target(%arg7 : memref<116x128xi32, #tpu.memory_space<vmem>>) target_semaphore(%run_scoped3A : memref<!tpu.dma_semaphore, #tpu.memory_space<semaphore_mem>>)
      %dma_wait3A = arith.constant 0 : i32
      %dma_wait3A_13 = arith.constant 0 : i32
      %dma_wait3A_14 = tpu.memref_slice %arg4[%add3A, %dma_wait3A, %dma_wait3A_13] : memref<32x116x128xi32, #tpu.memory_space<hbm>> -> memref<1x116x128xi32, #tpu.memory_space<hbm>>
      %dma_wait3A_15 = tpu.memref_squeeze %dma_wait3A_14 : memref<1x116x128xi32, #tpu.memory_space<hbm>> -> memref<116x128xi32, #tpu.memory_space<hbm>>
      %dma_wait3A_16 = arith.constant 0 : i32
      %dma_wait3A_17 = arith.constant 0 : i32
      %dma_wait3A_18 = tpu.memref_slice %arg4[%add3A, %dma_wait3A_16, %dma_wait3A_17] : memref<32x116x128xi32, #tpu.memory_space<hbm>> -> memref<1x116x128xi32, #tpu.memory_space<hbm>>
      %dma_wait3A_19 = tpu.memref_squeeze %dma_wait3A_18 : memref<1x116x128xi32, #tpu.memory_space<hbm>> -> memref<116x128xi32, #tpu.memory_space<hbm>>
      tpu.wait_dma2 semaphore(%run_scoped3A : memref<!tpu.dma_semaphore, #tpu.memory_space<semaphore_mem>>) src(%dma_wait3A_19 : memref<116x128xi32, #tpu.memory_space<hbm>>) dst(%arg7 : memref<116x128xi32, #tpu.memory_space<vmem>>)
      tpu.yield
    }) : () -> ()
    %scan3A = arith.constant 0 : i32
    %scan3A_1 = arith.constant 0 : i32
    %scan3A_2 = arith.constant 28 : i32
    %scan3A_3 = arith.addi %scan3A_1, %scan3A_2 : i32
    %scan3A_4 = arith.constant 1 : i32
    scf.for %scan3A_6 = %scan3A_1 to %scan3A_3 step %scan3A_4  : i32 {
      %mul3A_7 = arith.constant 4 : i32
      %mul3A_8 = arith.muli %scan3A_6, %mul3A_7 : i32
      %add3A_9 = arith.constant 0 : i32
      %add3A_10 = arith.addi %mul3A_8, %add3A_9 : i32
      %dma_start3A = arith.constant 0 : i32
      %dma_start3A_11 = tpu.memref_slice %arg6[%add3A_10, %dma_start3A] : memref<116x128xi32, #tpu.memory_space<vmem>> -> memref<1x128xi32, #tpu.memory_space<vmem>>
      %dma_start3A_12 = tpu.memref_squeeze %dma_start3A_11 : memref<1x128xi32, #tpu.memory_space<vmem>> -> memref<128xi32, #tpu.memory_space<vmem>>
      %dma_start3A_13 = arith.constant 0 : i32
      %dma_start3A_14 = arith.constant 0 : i32
      %dma_start3A_15 = tpu.memref_slice %arg2[%dma_start3A_13, %dma_start3A_14] : memref<50176x128xf32, #tpu.memory_space<hbm>> -> memref<50176x128xf32, #tpu.memory_space<hbm>>
      tpu.enqueue_indirect_dma source(%dma_start3A_15 : memref<50176x128xf32, #tpu.memory_space<hbm>>) target(%arg8 : memref<128x128xf32, #tpu.memory_space<vmem>>) offsets(%dma_start3A_12 : memref<128xi32, #tpu.memory_space<vmem>>) semaphore(%arg13 : memref<!tpu.dma_semaphore, #tpu.memory_space<semaphore_mem>>)
      %dma_start3A_16 = arith.constant 0 : i32
      %dma_start3A_17 = tpu.memref_slice %arg7[%add3A_10, %dma_start3A_16] : memref<116x128xi32, #tpu.memory_space<vmem>> -> memref<1x128xi32, #tpu.memory_space<vmem>>
      %dma_start3A_18 = tpu.memref_squeeze %dma_start3A_17 : memref<1x128xi32, #tpu.memory_space<vmem>> -> memref<128xi32, #tpu.memory_space<vmem>>
      %dma_start3A_19 = arith.constant 0 : i32
      %dma_start3A_20 = arith.constant 0 : i32
      %dma_start3A_21 = tpu.memref_slice %arg2[%dma_start3A_19, %dma_start3A_20] : memref<50176x128xf32, #tpu.memory_space<hbm>> -> memref<50176x128xf32, #tpu.memory_space<hbm>>
      tpu.enqueue_indirect_dma source(%dma_start3A_21 : memref<50176x128xf32, #tpu.memory_space<hbm>>) target(%arg9 : memref<128x128xf32, #tpu.memory_space<vmem>>) offsets(%dma_start3A_18 : memref<128xi32, #tpu.memory_space<vmem>>) semaphore(%arg13 : memref<!tpu.dma_semaphore, #tpu.memory_space<semaphore_mem>>)
      %dma_wait3A = arith.constant 0 : i32
      %dma_wait3A_22 = arith.constant 0 : i32
      %dma_wait3A_23 = tpu.memref_slice %arg2[%dma_wait3A, %dma_wait3A_22] : memref<50176x128xf32, #tpu.memory_space<hbm>> -> memref<128x128xf32, #tpu.memory_space<hbm>>
      %dma_wait3A_24 = arith.constant 0 : i32
      %dma_wait3A_25 = arith.constant 0 : i32
      %dma_wait3A_26 = tpu.memref_slice %arg2[%dma_wait3A_24, %dma_wait3A_25] : memref<50176x128xf32, #tpu.memory_space<hbm>> -> memref<128x128xf32, #tpu.memory_space<hbm>>
      tpu.wait_dma2 semaphore(%arg13 : memref<!tpu.dma_semaphore, #tpu.memory_space<semaphore_mem>>) src(%dma_wait3A_26 : memref<128x128xf32, #tpu.memory_space<hbm>>) dst(%arg8 : memref<128x128xf32, #tpu.memory_space<vmem>>)
      %dma_wait3A_27 = arith.constant 0 : i32
      %dma_wait3A_28 = arith.constant 0 : i32
      %dma_wait3A_29 = tpu.memref_slice %arg2[%dma_wait3A_27, %dma_wait3A_28] : memref<50176x128xf32, #tpu.memory_space<hbm>> -> memref<128x128xf32, #tpu.memory_space<hbm>>
      %dma_wait3A_30 = arith.constant 0 : i32
      %dma_wait3A_31 = arith.constant 0 : i32
      %dma_wait3A_32 = tpu.memref_slice %arg2[%dma_wait3A_30, %dma_wait3A_31] : memref<50176x128xf32, #tpu.memory_space<hbm>> -> memref<128x128xf32, #tpu.memory_space<hbm>>
      tpu.wait_dma2 semaphore(%arg13 : memref<!tpu.dma_semaphore, #tpu.memory_space<semaphore_mem>>) src(%dma_wait3A_32 : memref<128x128xf32, #tpu.memory_space<hbm>>) dst(%arg9 : memref<128x128xf32, #tpu.memory_space<vmem>>)
      %scan3A_33 = arith.constant 0 : i32
      %scan3A_34 = arith.constant 0 : i32
      %scan3A_35 = arith.constant 14 : i32
      %scan3A_36 = arith.addi %scan3A_34, %scan3A_35 : i32
      %scan3A_37 = arith.constant 1 : i32
      scf.for %scan3A_146 = %scan3A_34 to %scan3A_36 step %scan3A_37  : i32 {
        %mul3A_147 = arith.constant 9 : i32
        %mul3A_148 = arith.muli %scan3A_146, %mul3A_147 : i32
        %get3A = arith.index_cast %mul3A_148 : i32 to index
        %get3A_149 = arith.constant 0 : index
        %get3A_150 = tpu.vector_load %arg8[%get3A, %get3A_149] {strides = array<i32>} : memref<128x128xf32, #tpu.memory_space<vmem>>, vector<1x16xf32>,
        %get3A_151 = vector.shape_cast %get3A_150 : vector<1x16xf32> to vector<16xf32>
        %get3A_152 = arith.index_cast %mul3A_148 : i32 to index
        %get3A_153 = arith.constant 0 : index
        %get3A_154 = tpu.vector_load %arg9[%get3A_152, %get3A_153] {strides = array<i32>} : memref<128x128xf32, #tpu.memory_space<vmem>>, vector<1x16xf32>,
        %get3A_155 = vector.shape_cast %get3A_154 : vector<1x16xf32> to vector<16xf32>
        %sub3A = arith.subf %get3A_151, %get3A_155 : vector<16xf32>
        %add3A_156 = arith.constant 1 : i32
        %add3A_157 = arith.addi %mul3A_148, %add3A_156 : i32
        %get3A_158 = arith.index_cast %add3A_157 : i32 to index
        %get3A_159 = arith.constant 0 : index
        %get3A_160 = tpu.vector_load %arg8[%get3A_158, %get3A_159] {strides = array<i32>} : memref<128x128xf32, #tpu.memory_space<vmem>>, vector<1x16xf32>,
        %get3A_161 = vector.shape_cast %get3A_160 : vector<1x16xf32> to vector<16xf32>
        %add3A_162 = arith.constant 1 : i32
        %add3A_163 = arith.addi %mul3A_148, %add3A_162 : i32
        %get3A_164 = arith.index_cast %add3A_163 : i32 to index
        %get3A_165 = arith.constant 0 : index
        %get3A_166 = tpu.vector_load %arg9[%get3A_164, %get3A_165] {strides = array<i32>} : memref<128x128xf32, #tpu.memory_space<vmem>>, vector<1x16xf32>,
        %get3A_167 = vector.shape_cast %get3A_166 : vector<1x16xf32> to vector<16xf32>
        %sub3A_168 = arith.subf %get3A_161, %get3A_167 : vector<16xf32>
        %max3A = arith.maximumf %sub3A, %sub3A_168 : vector<16xf32>
        %add3A_169 = arith.constant 2 : i32
        %add3A_170 = arith.addi %mul3A_148, %add3A_169 : i32
        %get3A_171 = arith.index_cast %add3A_170 : i32 to index
        %get3A_172 = arith.constant 0 : index
        %get3A_173 = tpu.vector_load %arg8[%get3A_171, %get3A_172] {strides = array<i32>} : memref<128x128xf32, #tpu.memory_space<vmem>>, vector<1x16xf32>,
        %get3A_174 = vector.shape_cast %get3A_173 : vector<1x16xf32> to vector<16xf32>
        %add3A_175 = arith.constant 2 : i32
        %add3A_176 = arith.addi %mul3A_148, %add3A_175 : i32
        %get3A_177 = arith.index_cast %add3A_176 : i32 to index
        %get3A_178 = arith.constant 0 : index
        %get3A_179 = tpu.vector_load %arg9[%get3A_177, %get3A_178] {strides = array<i32>} : memref<128x128xf32, #tpu.memory_space<vmem>>, vector<1x16xf32>,
        %get3A_180 = vector.shape_cast %get3A_179 : vector<1x16xf32> to vector<16xf32>
        %sub3A_181 = arith.subf %get3A_174, %get3A_180 : vector<16xf32>
        %max3A_182 = arith.maximumf %max3A, %sub3A_181 : vector<16xf32>
        %add3A_183 = arith.constant 3 : i32
        %add3A_184 = arith.addi %mul3A_148, %add3A_183 : i32
        %get3A_185 = arith.index_cast %add3A_184 : i32 to index
        %get3A_186 = arith.constant 0 : index
        %get3A_187 = tpu.vector_load %arg8[%get3A_185, %get3A_186] {strides = array<i32>} : memref<128x128xf32, #tpu.memory_space<vmem>>, vector<1x16xf32>,
        %get3A_188 = vector.shape_cast %get3A_187 : vector<1x16xf32> to vector<16xf32>
        %add3A_189 = arith.constant 3 : i32
        %add3A_190 = arith.addi %mul3A_148, %add3A_189 : i32
        %get3A_191 = arith.index_cast %add3A_190 : i32 to index
        %get3A_192 = arith.constant 0 : index
        %get3A_193 = tpu.vector_load %arg9[%get3A_191, %get3A_192] {strides = array<i32>} : memref<128x128xf32, #tpu.memory_space<vmem>>, vector<1x16xf32>,
        %get3A_194 = vector.shape_cast %get3A_193 : vector<1x16xf32> to vector<16xf32>
        %sub3A_195 = arith.subf %get3A_188, %get3A_194 : vector<16xf32>
        %max3A_196 = arith.maximumf %max3A_182, %sub3A_195 : vector<16xf32>
        %add3A_197 = arith.constant 4 : i32
        %add3A_198 = arith.addi %mul3A_148, %add3A_197 : i32
        %get3A_199 = arith.index_cast %add3A_198 : i32 to index
        %get3A_200 = arith.constant 0 : index
        %get3A_201 = tpu.vector_load %arg8[%get3A_199, %get3A_200] {strides = array<i32>} : memref<128x128xf32, #tpu.memory_space<vmem>>, vector<1x16xf32>,
        %get3A_202 = vector.shape_cast %get3A_201 : vector<1x16xf32> to vector<16xf32>
        %add3A_203 = arith.constant 4 : i32
        %add3A_204 = arith.addi %mul3A_148, %add3A_203 : i32
        %get3A_205 = arith.index_cast %add3A_204 : i32 to index
        %get3A_206 = arith.constant 0 : index
        %get3A_207 = tpu.vector_load %arg9[%get3A_205, %get3A_206] {strides = array<i32>} : memref<128x128xf32, #tpu.memory_space<vmem>>, vector<1x16xf32>,
        %get3A_208 = vector.shape_cast %get3A_207 : vector<1x16xf32> to vector<16xf32>
        %sub3A_209 = arith.subf %get3A_202, %get3A_208 : vector<16xf32>
        %max3A_210 = arith.maximumf %max3A_196, %sub3A_209 : vector<16xf32>
        %add3A_211 = arith.constant 5 : i32
        %add3A_212 = arith.addi %mul3A_148, %add3A_211 : i32
        %get3A_213 = arith.index_cast %add3A_212 : i32 to index
        %get3A_214 = arith.constant 0 : index
        %get3A_215 = tpu.vector_load %arg8[%get3A_213, %get3A_214] {strides = array<i32>} : memref<128x128xf32, #tpu.memory_space<vmem>>, vector<1x16xf32>,
        %get3A_216 = vector.shape_cast %get3A_215 : vector<1x16xf32> to vector<16xf32>
        %add3A_217 = arith.constant 5 : i32
        %add3A_218 = arith.addi %mul3A_148, %add3A_217 : i32
        %get3A_219 = arith.index_cast %add3A_218 : i32 to index
        %get3A_220 = arith.constant 0 : index
        %get3A_221 = tpu.vector_load %arg9[%get3A_219, %get3A_220] {strides = array<i32>} : memref<128x128xf32, #tpu.memory_space<vmem>>, vector<1x16xf32>,
        %get3A_222 = vector.shape_cast %get3A_221 : vector<1x16xf32> to vector<16xf32>
        %sub3A_223 = arith.subf %get3A_216, %get3A_222 : vector<16xf32>
        %max3A_224 = arith.maximumf %max3A_210, %sub3A_223 : vector<16xf32>
        %add3A_225 = arith.constant 6 : i32
        %add3A_226 = arith.addi %mul3A_148, %add3A_225 : i32
        %get3A_227 = arith.index_cast %add3A_226 : i32 to index
        %get3A_228 = arith.constant 0 : index
        %get3A_229 = tpu.vector_load %arg8[%get3A_227, %get3A_228] {strides = array<i32>} : memref<128x128xf32, #tpu.memory_space<vmem>>, vector<1x16xf32>,
        %get3A_230 = vector.shape_cast %get3A_229 : vector<1x16xf32> to vector<16xf32>
        %add3A_231 = arith.constant 6 : i32
        %add3A_232 = arith.addi %mul3A_148, %add3A_231 : i32
        %get3A_233 = arith.index_cast %add3A_232 : i32 to index
        %get3A_234 = arith.constant 0 : index
        %get3A_235 = tpu.vector_load %arg9[%get3A_233, %get3A_234] {strides = array<i32>} : memref<128x128xf32, #tpu.memory_space<vmem>>, vector<1x16xf32>,
        %get3A_236 = vector.shape_cast %get3A_235 : vector<1x16xf32> to vector<16xf32>
        %sub3A_237 = arith.subf %get3A_230, %get3A_236 : vector<16xf32>
        %max3A_238 = arith.maximumf %max3A_224, %sub3A_237 : vector<16xf32>
        %add3A_239 = arith.constant 7 : i32
        %add3A_240 = arith.addi %mul3A_148, %add3A_239 : i32
        %get3A_241 = arith.index_cast %add3A_240 : i32 to index
        %get3A_242 = arith.constant 0 : index
        %get3A_243 = tpu.vector_load %arg8[%get3A_241, %get3A_242] {strides = array<i32>} : memref<128x128xf32, #tpu.memory_space<vmem>>, vector<1x16xf32>,
        %get3A_244 = vector.shape_cast %get3A_243 : vector<1x16xf32> to vector<16xf32>
        %add3A_245 = arith.constant 7 : i32
        %add3A_246 = arith.addi %mul3A_148, %add3A_245 : i32
        %get3A_247 = arith.index_cast %add3A_246 : i32 to index
        %get3A_248 = arith.constant 0 : index
        %get3A_249 = tpu.vector_load %arg9[%get3A_247, %get3A_248] {strides = array<i32>} : memref<128x128xf32, #tpu.memory_space<vmem>>, vector<1x16xf32>,
        %get3A_250 = vector.shape_cast %get3A_249 : vector<1x16xf32> to vector<16xf32>
        %sub3A_251 = arith.subf %get3A_244, %get3A_250 : vector<16xf32>
        %max3A_252 = arith.maximumf %max3A_238, %sub3A_251 : vector<16xf32>
        %add3A_253 = arith.constant 8 : i32
        %add3A_254 = arith.addi %mul3A_148, %add3A_253 : i32
        %get3A_255 = arith.index_cast %add3A_254 : i32 to index
        %get3A_256 = arith.constant 0 : index
        %get3A_257 = tpu.vector_load %arg8[%get3A_255, %get3A_256] {strides = array<i32>} : memref<128x128xf32, #tpu.memory_space<vmem>>, vector<1x16xf32>,
        %get3A_258 = vector.shape_cast %get3A_257 : vector<1x16xf32> to vector<16xf32>
        %add3A_259 = arith.constant 8 : i32
        %add3A_260 = arith.addi %mul3A_148, %add3A_259 : i32
        %get3A_261 = arith.index_cast %add3A_260 : i32 to index
        %get3A_262 = arith.constant 0 : index
        %get3A_263 = tpu.vector_load %arg9[%get3A_261, %get3A_262] {strides = array<i32>} : memref<128x128xf32, #tpu.memory_space<vmem>>, vector<1x16xf32>,
        %get3A_264 = vector.shape_cast %get3A_263 : vector<1x16xf32> to vector<16xf32>
        %sub3A_265 = arith.subf %get3A_258, %get3A_264 : vector<16xf32>
        %max3A_266 = arith.maximumf %max3A_252, %sub3A_265 : vector<16xf32>
        %add3A_267 = arith.constant 0 : i32
        %add3A_268 = arith.addi %add3A_267, %scan3A_146 : i32
        %swap3A = arith.index_cast %add3A_268 : i32 to index
        %swap3A_269 = arith.constant 0 : index
        %swap3A_270 = tpu.vector_load %arg12[%swap3A, %swap3A_269] {strides = array<i32>} : memref<56x128xf32, #tpu.memory_space<vmem>>, vector<1x16xf32>,
        %swap3A_271 = vector.shape_cast %swap3A_270 : vector<1x16xf32> to vector<16xf32>
        %swap3A_272 = vector.shape_cast %max3A_266 : vector<16xf32> to vector<1x16xf32>
        tpu.vector_store %arg12[%swap3A, %swap3A_269], %swap3A_272 {strides = array<i32>} : memref<56x128xf32, #tpu.memory_space<vmem>>, vector<1x16xf32>,
        %get3A_273 = arith.index_cast %mul3A_148 : i32 to index
        %get3A_274 = arith.constant 16 : index
        %get3A_275 = tpu.vector_load %arg8[%get3A_273, %get3A_274] {strides = array<i32>} : memref<128x128xf32, #tpu.memory_space<vmem>>, vector<1x16xf32>,
        %get3A_276 = vector.shape_cast %get3A_275 : vector<1x16xf32> to vector<16xf32>
        %get3A_277 = arith.index_cast %mul3A_148 : i32 to index
        %get3A_278 = arith.constant 16 : index
        %get3A_279 = tpu.vector_load %arg9[%get3A_277, %get3A_278] {strides = array<i32>} : memref<128x128xf32, #tpu.memory_space<vmem>>, vector<1x16xf32>,
        %get3A_280 = vector.shape_cast %get3A_279 : vector<1x16xf32> to vector<16xf32>
        %sub3A_281 = arith.subf %get3A_276, %get3A_280 : vector<16xf32>
        %add3A_282 = arith.constant 1 : i32
        %add3A_283 = arith.addi %mul3A_148, %add3A_282 : i32
        %get3A_284 = arith.index_cast %add3A_283 : i32 to index
        %get3A_285 = arith.constant 16 : index
        %get3A_286 = tpu.vector_load %arg8[%get3A_284, %get3A_285] {strides = array<i32>} : memref<128x128xf32, #tpu.memory_space<vmem>>, vector<1x16xf32>,
        %get3A_287 = vector.shape_cast %get3A_286 : vector<1x16xf32> to vector<16xf32>
        %add3A_288 = arith.constant 1 : i32
        %add3A_289 = arith.addi %mul3A_148, %add3A_288 : i32
        %get3A_290 = arith.index_cast %add3A_289 : i32 to index
        %get3A_291 = arith.constant 16 : index
        %get3A_292 = tpu.vector_load %arg9[%get3A_290, %get3A_291] {strides = array<i32>} : memref<128x128xf32, #tpu.memory_space<vmem>>, vector<1x16xf32>,
        %get3A_293 = vector.shape_cast %get3A_292 : vector<1x16xf32> to vector<16xf32>
        %sub3A_294 = arith.subf %get3A_287, %get3A_293 : vector<16xf32>
        %max3A_295 = arith.maximumf %sub3A_281, %sub3A_294 : vector<16xf32>
        %add3A_296 = arith.constant 2 : i32
        %add3A_297 = arith.addi %mul3A_148, %add3A_296 : i32
        %get3A_298 = arith.index_cast %add3A_297 : i32 to index
        %get3A_299 = arith.constant 16 : index
        %get3A_300 = tpu.vector_load %arg8[%get3A_298, %get3A_299] {strides = array<i32>} : memref<128x128xf32, #tpu.memory_space<vmem>>, vector<1x16xf32>,
        %get3A_301 = vector.shape_cast %get3A_300 : vector<1x16xf32> to vector<16xf32>
        %add3A_302 = arith.constant 2 : i32
        %add3A_303 = arith.addi %mul3A_148, %add3A_302 : i32
        %get3A_304 = arith.index_cast %add3A_303 : i32 to index
        %get3A_305 = arith.constant 16 : index
        %get3A_306 = tpu.vector_load %arg9[%get3A_304, %get3A_305] {strides = array<i32>} : memref<128x128xf32, #tpu.memory_space<vmem>>, vector<1x16xf32>,
        %get3A_307 = vector.shape_cast %get3A_306 : vector<1x16xf32> to vector<16xf32>
        %sub3A_308 = arith.subf %get3A_301, %get3A_307 : vector<16xf32>
        %max3A_309 = arith.maximumf %max3A_295, %sub3A_308 : vector<16xf32>
        %add3A_310 = arith.constant 3 : i32
        %add3A_311 = arith.addi %mul3A_148, %add3A_310 : i32
        %get3A_312 = arith.index_cast %add3A_311 : i32 to index
        %get3A_313 = arith.constant 16 : index
        %get3A_314 = tpu.vector_load %arg8[%get3A_312, %get3A_313] {strides = array<i32>} : memref<128x128xf32, #tpu.memory_space<vmem>>, vector<1x16xf32>,
        %get3A_315 = vector.shape_cast %get3A_314 : vector<1x16xf32> to vector<16xf32>
        %add3A_316 = arith.constant 3 : i32
        %add3A_317 = arith.addi %mul3A_148, %add3A_316 : i32
        %get3A_318 = arith.index_cast %add3A_317 : i32 to index
        %get3A_319 = arith.constant 16 : index
        %get3A_320 = tpu.vector_load %arg9[%get3A_318, %get3A_319] {strides = array<i32>} : memref<128x128xf32, #tpu.memory_space<vmem>>, vector<1x16xf32>,
        %get3A_321 = vector.shape_cast %get3A_320 : vector<1x16xf32> to vector<16xf32>
        %sub3A_322 = arith.subf %get3A_315, %get3A_321 : vector<16xf32>
        %max3A_323 = arith.maximumf %max3A_309, %sub3A_322 : vector<16xf32>
        %add3A_324 = arith.constant 4 : i32
        %add3A_325 = arith.addi %mul3A_148, %add3A_324 : i32
        %get3A_326 = arith.index_cast %add3A_325 : i32 to index
        %get3A_327 = arith.constant 16 : index
        %get3A_328 = tpu.vector_load %arg8[%get3A_326, %get3A_327] {strides = array<i32>} : memref<128x128xf32, #tpu.memory_space<vmem>>, vector<1x16xf32>,
        %get3A_329 = vector.shape_cast %get3A_328 : vector<1x16xf32> to vector<16xf32>
        %add3A_330 = arith.constant 4 : i32
        %add3A_331 = arith.addi %mul3A_148, %add3A_330 : i32
        %get3A_332 = arith.index_cast %add3A_331 : i32 to index
        %get3A_333 = arith.constant 16 : index
        %get3A_334 = tpu.vector_load %arg9[%get3A_332, %get3A_333] {strides = array<i32>} : memref<128x128xf32, #tpu.memory_space<vmem>>, vector<1x16xf32>,
        %get3A_335 = vector.shape_cast %get3A_334 : vector<1x16xf32> to vector<16xf32>
        %sub3A_336 = arith.subf %get3A_329, %get3A_335 : vector<16xf32>
        %max3A_337 = arith.maximumf %max3A_323, %sub3A_336 : vector<16xf32>
        %add3A_338 = arith.constant 5 : i32
        %add3A_339 = arith.addi %mul3A_148, %add3A_338 : i32
        %get3A_340 = arith.index_cast %add3A_339 : i32 to index
        %get3A_341 = arith.constant 16 : index
        %get3A_342 = tpu.vector_load %arg8[%get3A_340, %get3A_341] {strides = array<i32>} : memref<128x128xf32, #tpu.memory_space<vmem>>, vector<1x16xf32>,
        %get3A_343 = vector.shape_cast %get3A_342 : vector<1x16xf32> to vector<16xf32>
        %add3A_344 = arith.constant 5 : i32
        %add3A_345 = arith.addi %mul3A_148, %add3A_344 : i32
        %get3A_346 = arith.index_cast %add3A_345 : i32 to index
        %get3A_347 = arith.constant 16 : index
        %get3A_348 = tpu.vector_load %arg9[%get3A_346, %get3A_347] {strides = array<i32>} : memref<128x128xf32, #tpu.memory_space<vmem>>, vector<1x16xf32>,
        %get3A_349 = vector.shape_cast %get3A_348 : vector<1x16xf32> to vector<16xf32>
        %sub3A_350 = arith.subf %get3A_343, %get3A_349 : vector<16xf32>
        %max3A_351 = arith.maximumf %max3A_337, %sub3A_350 : vector<16xf32>
        %add3A_352 = arith.constant 6 : i32
        %add3A_353 = arith.addi %mul3A_148, %add3A_352 : i32
        %get3A_354 = arith.index_cast %add3A_353 : i32 to index
        %get3A_355 = arith.constant 16 : index
        %get3A_356 = tpu.vector_load %arg8[%get3A_354, %get3A_355] {strides = array<i32>} : memref<128x128xf32, #tpu.memory_space<vmem>>, vector<1x16xf32>,
        %get3A_357 = vector.shape_cast %get3A_356 : vector<1x16xf32> to vector<16xf32>
        %add3A_358 = arith.constant 6 : i32
        %add3A_359 = arith.addi %mul3A_148, %add3A_358 : i32
        %get3A_360 = arith.index_cast %add3A_359 : i32 to index
        %get3A_361 = arith.constant 16 : index
        %get3A_362 = tpu.vector_load %arg9[%get3A_360, %get3A_361] {strides = array<i32>} : memref<128x128xf32, #tpu.memory_space<vmem>>, vector<1x16xf32>,
        %get3A_363 = vector.shape_cast %get3A_362 : vector<1x16xf32> to vector<16xf32>
        %sub3A_364 = arith.subf %get3A_357, %get3A_363 : vector<16xf32>
        %max3A_365 = arith.maximumf %max3A_351, %sub3A_364 : vector<16xf32>
        %add3A_366 = arith.constant 7 : i32
        %add3A_367 = arith.addi %mul3A_148, %add3A_366 : i32
        %get3A_368 = arith.index_cast %add3A_367 : i32 to index
        %get3A_369 = arith.constant 16 : index
        %get3A_370 = tpu.vector_load %arg8[%get3A_368, %get3A_369] {strides = array<i32>} : memref<128x128xf32, #tpu.memory_space<vmem>>, vector<1x16xf32>,
        %get3A_371 = vector.shape_cast %get3A_370 : vector<1x16xf32> to vector<16xf32>
        %add3A_372 = arith.constant 7 : i32
        %add3A_373 = arith.addi %mul3A_148, %add3A_372 : i32
        %get3A_374 = arith.index_cast %add3A_373 : i32 to index
        %get3A_375 = arith.constant 16 : index
        %get3A_376 = tpu.vector_load %arg9[%get3A_374, %get3A_375] {strides = array<i32>} : memref<128x128xf32, #tpu.memory_space<vmem>>, vector<1x16xf32>,
        %get3A_377 = vector.shape_cast %get3A_376 : vector<1x16xf32> to vector<16xf32>
        %sub3A_378 = arith.subf %get3A_371, %get3A_377 : vector<16xf32>
        %max3A_379 = arith.maximumf %max3A_365, %sub3A_378 : vector<16xf32>
        %add3A_380 = arith.constant 8 : i32
        %add3A_381 = arith.addi %mul3A_148, %add3A_380 : i32
        %get3A_382 = arith.index_cast %add3A_381 : i32 to index
        %get3A_383 = arith.constant 16 : index
        %get3A_384 = tpu.vector_load %arg8[%get3A_382, %get3A_383] {strides = array<i32>} : memref<128x128xf32, #tpu.memory_space<vmem>>, vector<1x16xf32>,
        %get3A_385 = vector.shape_cast %get3A_384 : vector<1x16xf32> to vector<16xf32>
        %add3A_386 = arith.constant 8 : i32
        %add3A_387 = arith.addi %mul3A_148, %add3A_386 : i32
        %get3A_388 = arith.index_cast %add3A_387 : i32 to index
        %get3A_389 = arith.constant 16 : index
        %get3A_390 = tpu.vector_load %arg9[%get3A_388, %get3A_389] {strides = array<i32>} : memref<128x128xf32, #tpu.memory_space<vmem>>, vector<1x16xf32>,
        %get3A_391 = vector.shape_cast %get3A_390 : vector<1x16xf32> to vector<16xf32>
        %sub3A_392 = arith.subf %get3A_385, %get3A_391 : vector<16xf32>
        %max3A_393 = arith.maximumf %max3A_379, %sub3A_392 : vector<16xf32>
        %add3A_394 = arith.constant 0 : i32
        %add3A_395 = arith.addi %add3A_394, %scan3A_146 : i32
        %swap3A_396 = arith.index_cast %add3A_395 : i32 to index
        %swap3A_397 = arith.constant 16 : index
        %swap3A_398 = tpu.vector_load %arg12[%swap3A_396, %swap3A_397] {strides = array<i32>} : memref<56x128xf32, #tpu.memory_space<vmem>>, vector<1x16xf32>,
        %swap3A_399 = vector.shape_cast %swap3A_398 : vector<1x16xf32> to vector<16xf32>
        %swap3A_400 = vector.shape_cast %max3A_393 : vector<16xf32> to vector<1x16xf32>
        tpu.vector_store %arg12[%swap3A_396, %swap3A_397], %swap3A_400 {strides = array<i32>} : memref<56x128xf32, #tpu.memory_space<vmem>>, vector<1x16xf32>,
        %get3A_401 = arith.index_cast %mul3A_148 : i32 to index
        %get3A_402 = arith.constant 32 : index
        %get3A_403 = tpu.vector_load %arg8[%get3A_401, %get3A_402] {strides = array<i32>} : memref<128x128xf32, #tpu.memory_space<vmem>>, vector<1x16xf32>,
        %get3A_404 = vector.shape_cast %get3A_403 : vector<1x16xf32> to vector<16xf32>
        %get3A_405 = arith.index_cast %mul3A_148 : i32 to index
        %get3A_406 = arith.constant 32 : index
        %get3A_407 = tpu.vector_load %arg9[%get3A_405, %get3A_406] {strides = array<i32>} : memref<128x128xf32, #tpu.memory_space<vmem>>, vector<1x16xf32>,
        %get3A_408 = vector.shape_cast %get3A_407 : vector<1x16xf32> to vector<16xf32>
        %sub3A_409 = arith.subf %get3A_404, %get3A_408 : vector<16xf32>
        %add3A_410 = arith.constant 1 : i32
        %add3A_411 = arith.addi %mul3A_148, %add3A_410 : i32
        %get3A_412 = arith.index_cast %add3A_411 : i32 to index
        %get3A_413 = arith.constant 32 : index
        %get3A_414 = tpu.vector_load %arg8[%get3A_412, %get3A_413] {strides = array<i32>} : memref<128x128xf32, #tpu.memory_space<vmem>>, vector<1x16xf32>,
        %get3A_415 = vector.shape_cast %get3A_414 : vector<1x16xf32> to vector<16xf32>
        %add3A_416 = arith.constant 1 : i32
        %add3A_417 = arith.addi %mul3A_148, %add3A_416 : i32
        %get3A_418 = arith.index_cast %add3A_417 : i32 to index
        %get3A_419 = arith.constant 32 : index
        %get3A_420 = tpu.vector_load %arg9[%get3A_418, %get3A_419] {strides = array<i32>} : memref<128x128xf32, #tpu.memory_space<vmem>>, vector<1x16xf32>,
        %get3A_421 = vector.shape_cast %get3A_420 : vector<1x16xf32> to vector<16xf32>
        %sub3A_422 = arith.subf %get3A_415, %get3A_421 : vector<16xf32>
        %max3A_423 = arith.maximumf %sub3A_409, %sub3A_422 : vector<16xf32>
        %add3A_424 = arith.constant 2 : i32
        %add3A_425 = arith.addi %mul3A_148, %add3A_424 : i32
        %get3A_426 = arith.index_cast %add3A_425 : i32 to index
        %get3A_427 = arith.constant 32 : index
        %get3A_428 = tpu.vector_load %arg8[%get3A_426, %get3A_427] {strides = array<i32>} : memref<128x128xf32, #tpu.memory_space<vmem>>, vector<1x16xf32>,
        %get3A_429 = vector.shape_cast %get3A_428 : vector<1x16xf32> to vector<16xf32>
        %add3A_430 = arith.constant 2 : i32
        %add3A_431 = arith.addi %mul3A_148, %add3A_430 : i32
        %get3A_432 = arith.index_cast %add3A_431 : i32 to index
        %get3A_433 = arith.constant 32 : index
        %get3A_434 = tpu.vector_load %arg9[%get3A_432, %get3A_433] {strides = array<i32>} : memref<128x128xf32, #tpu.memory_space<vmem>>, vector<1x16xf32>,
        %get3A_435 = vector.shape_cast %get3A_434 : vector<1x16xf32> to vector<16xf32>
        %sub3A_436 = arith.subf %get3A_429, %get3A_435 : vector<16xf32>
        %max3A_437 = arith.maximumf %max3A_423, %sub3A_436 : vector<16xf32>
        %add3A_438 = arith.constant 3 : i32
        %add3A_439 = arith.addi %mul3A_148, %add3A_438 : i32
        %get3A_440 = arith.index_cast %add3A_439 : i32 to index
        %get3A_441 = arith.constant 32 : index
        %get3A_442 = tpu.vector_load %arg8[%get3A_440, %get3A_441] {strides = array<i32>} : memref<128x128xf32, #tpu.memory_space<vmem>>, vector<1x16xf32>,
        %get3A_443 = vector.shape_cast %get3A_442 : vector<1x16xf32> to vector<16xf32>
        %add3A_444 = arith.constant 3 : i32
        %add3A_445 = arith.addi %mul3A_148, %add3A_444 : i32
        %get3A_446 = arith.index_cast %add3A_445 : i32 to index
        %get3A_447 = arith.constant 32 : index
        %get3A_448 = tpu.vector_load %arg9[%get3A_446, %get3A_447] {strides = array<i32>} : memref<128x128xf32, #tpu.memory_space<vmem>>, vector<1x16xf32>,
        %get3A_449 = vector.shape_cast %get3A_448 : vector<1x16xf32> to vector<16xf32>
        %sub3A_450 = arith.subf %get3A_443, %get3A_449 : vector<16xf32>
        %max3A_451 = arith.maximumf %max3A_437, %sub3A_450 : vector<16xf32>
        %add3A_452 = arith.constant 4 : i32
        %add3A_453 = arith.addi %mul3A_148, %add3A_452 : i32
        %get3A_454 = arith.index_cast %add3A_453 : i32 to index
        %get3A_455 = arith.constant 32 : index
        %get3A_456 = tpu.vector_load %arg8[%get3A_454, %get3A_455] {strides = array<i32>} : memref<128x128xf32, #tpu.memory_space<vmem>>, vector<1x16xf32>,
        %get3A_457 = vector.shape_cast %get3A_456 : vector<1x16xf32> to vector<16xf32>
        %add3A_458 = arith.constant 4 : i32
        %add3A_459 = arith.addi %mul3A_148, %add3A_458 : i32
        %get3A_460 = arith.index_cast %add3A_459 : i32 to index
        %get3A_461 = arith.constant 32 : index
        %get3A_462 = tpu.vector_load %arg9[%get3A_460, %get3A_461] {strides = array<i32>} : memref<128x128xf32, #tpu.memory_space<vmem>>, vector<1x16xf32>,
        %get3A_463 = vector.shape_cast %get3A_462 : vector<1x16xf32> to vector<16xf32>
        %sub3A_464 = arith.subf %get3A_457, %get3A_463 : vector<16xf32>
        %max3A_465 = arith.maximumf %max3A_451, %sub3A_464 : vector<16xf32>
        %add3A_466 = arith.constant 5 : i32
        %add3A_467 = arith.addi %mul3A_148, %add3A_466 : i32
        %get3A_468 = arith.index_cast %add3A_467 : i32 to index
        %get3A_469 = arith.constant 32 : index
        %get3A_470 = tpu.vector_load %arg8[%get3A_468, %get3A_469] {strides = array<i32>} : memref<128x128xf32, #tpu.memory_space<vmem>>, vector<1x16xf32>,
        %get3A_471 = vector.shape_cast %get3A_470 : vector<1x16xf32> to vector<16xf32>
        %add3A_472 = arith.constant 5 : i32
        %add3A_473 = arith.addi %mul3A_148, %add3A_472 : i32
        %get3A_474 = arith.index_cast %add3A_473 : i32 to index
        %get3A_475 = arith.constant 32 : index
        %get3A_476 = tpu.vector_load %arg9[%get3A_474, %get3A_475] {strides = array<i32>} : memref<128x128xf32, #tpu.memory_space<vmem>>, vector<1x16xf32>,
        %get3A_477 = vector.shape_cast %get3A_476 : vector<1x16xf32> to vector<16xf32>
        %sub3A_478 = arith.subf %get3A_471, %get3A_477 : vector<16xf32>
        %max3A_479 = arith.maximumf %max3A_465, %sub3A_478 : vector<16xf32>
        %add3A_480 = arith.constant 6 : i32
        %add3A_481 = arith.addi %mul3A_148, %add3A_480 : i32
        %get3A_482 = arith.index_cast %add3A_481 : i32 to index
        %get3A_483 = arith.constant 32 : index
        %get3A_484 = tpu.vector_load %arg8[%get3A_482, %get3A_483] {strides = array<i32>} : memref<128x128xf32, #tpu.memory_space<vmem>>, vector<1x16xf32>,
        %get3A_485 = vector.shape_cast %get3A_484 : vector<1x16xf32> to vector<16xf32>
        %add3A_486 = arith.constant 6 : i32
        %add3A_487 = arith.addi %mul3A_148, %add3A_486 : i32
        %get3A_488 = arith.index_cast %add3A_487 : i32 to index
        %get3A_489 = arith.constant 32 : index
        %get3A_490 = tpu.vector_load %arg9[%get3A_488, %get3A_489] {strides = array<i32>} : memref<128x128xf32, #tpu.memory_space<vmem>>, vector<1x16xf32>,
        %get3A_491 = vector.shape_cast %get3A_490 : vector<1x16xf32> to vector<16xf32>
        %sub3A_492 = arith.subf %get3A_485, %get3A_491 : vector<16xf32>
        %max3A_493 = arith.maximumf %max3A_479, %sub3A_492 : vector<16xf32>
        %add3A_494 = arith.constant 7 : i32
        %add3A_495 = arith.addi %mul3A_148, %add3A_494 : i32
        %get3A_496 = arith.index_cast %add3A_495 : i32 to index
        %get3A_497 = arith.constant 32 : index
        %get3A_498 = tpu.vector_load %arg8[%get3A_496, %get3A_497] {strides = array<i32>} : memref<128x128xf32, #tpu.memory_space<vmem>>, vector<1x16xf32>,
        %get3A_499 = vector.shape_cast %get3A_498 : vector<1x16xf32> to vector<16xf32>
        %add3A_500 = arith.constant 7 : i32
        %add3A_501 = arith.addi %mul3A_148, %add3A_500 : i32
        %get3A_502 = arith.index_cast %add3A_501 : i32 to index
        %get3A_503 = arith.constant 32 : index
        %get3A_504 = tpu.vector_load %arg9[%get3A_502, %get3A_503] {strides = array<i32>} : memref<128x128xf32, #tpu.memory_space<vmem>>, vector<1x16xf32>,
        %get3A_505 = vector.shape_cast %get3A_504 : vector<1x16xf32> to vector<16xf32>
        %sub3A_506 = arith.subf %get3A_499, %get3A_505 : vector<16xf32>
        %max3A_507 = arith.maximumf %max3A_493, %sub3A_506 : vector<16xf32>
        %add3A_508 = arith.constant 8 : i32
        %add3A_509 = arith.addi %mul3A_148, %add3A_508 : i32
        %get3A_510 = arith.index_cast %add3A_509 : i32 to index
        %get3A_511 = arith.constant 32 : index
        %get3A_512 = tpu.vector_load %arg8[%get3A_510, %get3A_511] {strides = array<i32>} : memref<128x128xf32, #tpu.memory_space<vmem>>, vector<1x16xf32>,
        %get3A_513 = vector.shape_cast %get3A_512 : vector<1x16xf32> to vector<16xf32>
        %add3A_514 = arith.constant 8 : i32
        %add3A_515 = arith.addi %mul3A_148, %add3A_514 : i32
        %get3A_516 = arith.index_cast %add3A_515 : i32 to index
        %get3A_517 = arith.constant 32 : index
        %get3A_518 = tpu.vector_load %arg9[%get3A_516, %get3A_517] {strides = array<i32>} : memref<128x128xf32, #tpu.memory_space<vmem>>, vector<1x16xf32>,
        %get3A_519 = vector.shape_cast %get3A_518 : vector<1x16xf32> to vector<16xf32>
        %sub3A_520 = arith.subf %get3A_513, %get3A_519 : vector<16xf32>
        %max3A_521 = arith.maximumf %max3A_507, %sub3A_520 : vector<16xf32>
        %add3A_522 = arith.constant 0 : i32
        %add3A_523 = arith.addi %add3A_522, %scan3A_146 : i32
        %swap3A_524 = arith.index_cast %add3A_523 : i32 to index
        %swap3A_525 = arith.constant 32 : index
        %swap3A_526 = tpu.vector_load %arg12[%swap3A_524, %swap3A_525] {strides = array<i32>} : memref<56x128xf32, #tpu.memory_space<vmem>>, vector<1x16xf32>,
        %swap3A_527 = vector.shape_cast %swap3A_526 : vector<1x16xf32> to vector<16xf32>
        %swap3A_528 = vector.shape_cast %max3A_521 : vector<16xf32> to vector<1x16xf32>
        tpu.vector_store %arg12[%swap3A_524, %swap3A_525], %swap3A_528 {strides = array<i32>} : memref<56x128xf32, #tpu.memory_space<vmem>>, vector<1x16xf32>,
        %get3A_529 = arith.index_cast %mul3A_148 : i32 to index
        %get3A_530 = arith.constant 48 : index
        %get3A_531 = tpu.vector_load %arg8[%get3A_529, %get3A_530] {strides = array<i32>} : memref<128x128xf32, #tpu.memory_space<vmem>>, vector<1x16xf32>,
        %get3A_532 = vector.shape_cast %get3A_531 : vector<1x16xf32> to vector<16xf32>
        %get3A_533 = arith.index_cast %mul3A_148 : i32 to index
        %get3A_534 = arith.constant 48 : index
        %get3A_535 = tpu.vector_load %arg9[%get3A_533, %get3A_534] {strides = array<i32>} : memref<128x128xf32, #tpu.memory_space<vmem>>, vector<1x16xf32>,
        %get3A_536 = vector.shape_cast %get3A_535 : vector<1x16xf32> to vector<16xf32>
        %sub3A_537 = arith.subf %get3A_532, %get3A_536 : vector<16xf32>
        %add3A_538 = arith.constant 1 : i32
        %add3A_539 = arith.addi %mul3A_148, %add3A_538 : i32
        %get3A_540 = arith.index_cast %add3A_539 : i32 to index
        %get3A_541 = arith.constant 48 : index
        %get3A_542 = tpu.vector_load %arg8[%get3A_540, %get3A_541] {strides = array<i32>} : memref<128x128xf32, #tpu.memory_space<vmem>>, vector<1x16xf32>,
        %get3A_543 = vector.shape_cast %get3A_542 : vector<1x16xf32> to vector<16xf32>
        %add3A_544 = arith.constant 1 : i32
        %add3A_545 = arith.addi %mul3A_148, %add3A_544 : i32
        %get3A_546 = arith.index_cast %add3A_545 : i32 to index
        %get3A_547 = arith.constant 48 : index
        %get3A_548 = tpu.vector_load %arg9[%get3A_546, %get3A_547] {strides = array<i32>} : memref<128x128xf32, #tpu.memory_space<vmem>>, vector<1x16xf32>,
        %get3A_549 = vector.shape_cast %get3A_548 : vector<1x16xf32> to vector<16xf32>
        %sub3A_550 = arith.subf %get3A_543, %get3A_549 : vector<16xf32>
        %max3A_551 = arith.maximumf %sub3A_537, %sub3A_550 : vector<16xf32>
        %add3A_552 = arith.constant 2 : i32
        %add3A_553 = arith.addi %mul3A_148, %add3A_552 : i32
        %get3A_554 = arith.index_cast %add3A_553 : i32 to index
        %get3A_555 = arith.constant 48 : index
        %get3A_556 = tpu.vector_load %arg8[%get3A_554, %get3A_555] {strides = array<i32>} : memref<128x128xf32, #tpu.memory_space<vmem>>, vector<1x16xf32>,
        %get3A_557 = vector.shape_cast %get3A_556 : vector<1x16xf32> to vector<16xf32>
        %add3A_558 = arith.constant 2 : i32
        %add3A_559 = arith.addi %mul3A_148, %add3A_558 : i32
        %get3A_560 = arith.index_cast %add3A_559 : i32 to index
        %get3A_561 = arith.constant 48 : index
        %get3A_562 = tpu.vector_load %arg9[%get3A_560, %get3A_561] {strides = array<i32>} : memref<128x128xf32, #tpu.memory_space<vmem>>, vector<1x16xf32>,
        %get3A_563 = vector.shape_cast %get3A_562 : vector<1x16xf32> to vector<16xf32>
        %sub3A_564 = arith.subf %get3A_557, %get3A_563 : vector<16xf32>
        %max3A_565 = arith.maximumf %max3A_551, %sub3A_564 : vector<16xf32>
        %add3A_566 = arith.constant 3 : i32
        %add3A_567 = arith.addi %mul3A_148, %add3A_566 : i32
        %get3A_568 = arith.index_cast %add3A_567 : i32 to index
        %get3A_569 = arith.constant 48 : index
        %get3A_570 = tpu.vector_load %arg8[%get3A_568, %get3A_569] {strides = array<i32>} : memref<128x128xf32, #tpu.memory_space<vmem>>, vector<1x16xf32>,
        %get3A_571 = vector.shape_cast %get3A_570 : vector<1x16xf32> to vector<16xf32>
        %add3A_572 = arith.constant 3 : i32
        %add3A_573 = arith.addi %mul3A_148, %add3A_572 : i32
        %get3A_574 = arith.index_cast %add3A_573 : i32 to index
        %get3A_575 = arith.constant 48 : index
        %get3A_576 = tpu.vector_load %arg9[%get3A_574, %get3A_575] {strides = array<i32>} : memref<128x128xf32, #tpu.memory_space<vmem>>, vector<1x16xf32>,
        %get3A_577 = vector.shape_cast %get3A_576 : vector<1x16xf32> to vector<16xf32>
        %sub3A_578 = arith.subf %get3A_571, %get3A_577 : vector<16xf32>
        %max3A_579 = arith.maximumf %max3A_565, %sub3A_578 : vector<16xf32>
        %add3A_580 = arith.constant 4 : i32
        %add3A_581 = arith.addi %mul3A_148, %add3A_580 : i32
        %get3A_582 = arith.index_cast %add3A_581 : i32 to index
        %get3A_583 = arith.constant 48 : index
        %get3A_584 = tpu.vector_load %arg8[%get3A_582, %get3A_583] {strides = array<i32>} : memref<128x128xf32, #tpu.memory_space<vmem>>, vector<1x16xf32>,
        %get3A_585 = vector.shape_cast %get3A_584 : vector<1x16xf32> to vector<16xf32>
        %add3A_586 = arith.constant 4 : i32
        %add3A_587 = arith.addi %mul3A_148, %add3A_586 : i32
        %get3A_588 = arith.index_cast %add3A_587 : i32 to index
        %get3A_589 = arith.constant 48 : index
        %get3A_590 = tpu.vector_load %arg9[%get3A_588, %get3A_589] {strides = array<i32>} : memref<128x128xf32, #tpu.memory_space<vmem>>, vector<1x16xf32>,
        %get3A_591 = vector.shape_cast %get3A_590 : vector<1x16xf32> to vector<16xf32>
        %sub3A_592 = arith.subf %get3A_585, %get3A_591 : vector<16xf32>
        %max3A_593 = arith.maximumf %max3A_579, %sub3A_592 : vector<16xf32>
        %add3A_594 = arith.constant 5 : i32
        %add3A_595 = arith.addi %mul3A_148, %add3A_594 : i32
        %get3A_596 = arith.index_cast %add3A_595 : i32 to index
        %get3A_597 = arith.constant 48 : index
        %get3A_598 = tpu.vector_load %arg8[%get3A_596, %get3A_597] {strides = array<i32>} : memref<128x128xf32, #tpu.memory_space<vmem>>, vector<1x16xf32>,
        %get3A_599 = vector.shape_cast %get3A_598 : vector<1x16xf32> to vector<16xf32>
        %add3A_600 = arith.constant 5 : i32
        %add3A_601 = arith.addi %mul3A_148, %add3A_600 : i32
        %get3A_602 = arith.index_cast %add3A_601 : i32 to index
        %get3A_603 = arith.constant 48 : index
        %get3A_604 = tpu.vector_load %arg9[%get3A_602, %get3A_603] {strides = array<i32>} : memref<128x128xf32, #tpu.memory_space<vmem>>, vector<1x16xf32>,
        %get3A_605 = vector.shape_cast %get3A_604 : vector<1x16xf32> to vector<16xf32>
        %sub3A_606 = arith.subf %get3A_599, %get3A_605 : vector<16xf32>
        %max3A_607 = arith.maximumf %max3A_593, %sub3A_606 : vector<16xf32>
        %add3A_608 = arith.constant 6 : i32
        %add3A_609 = arith.addi %mul3A_148, %add3A_608 : i32
        %get3A_610 = arith.index_cast %add3A_609 : i32 to index
        %get3A_611 = arith.constant 48 : index
        %get3A_612 = tpu.vector_load %arg8[%get3A_610, %get3A_611] {strides = array<i32>} : memref<128x128xf32, #tpu.memory_space<vmem>>, vector<1x16xf32>,
        %get3A_613 = vector.shape_cast %get3A_612 : vector<1x16xf32> to vector<16xf32>
        %add3A_614 = arith.constant 6 : i32
        %add3A_615 = arith.addi %mul3A_148, %add3A_614 : i32
        %get3A_616 = arith.index_cast %add3A_615 : i32 to index
        %get3A_617 = arith.constant 48 : index
        %get3A_618 = tpu.vector_load %arg9[%get3A_616, %get3A_617] {strides = array<i32>} : memref<128x128xf32, #tpu.memory_space<vmem>>, vector<1x16xf32>,
        %get3A_619 = vector.shape_cast %get3A_618 : vector<1x16xf32> to vector<16xf32>
        %sub3A_620 = arith.subf %get3A_613, %get3A_619 : vector<16xf32>
        %max3A_621 = arith.maximumf %max3A_607, %sub3A_620 : vector<16xf32>
        %add3A_622 = arith.constant 7 : i32
        %add3A_623 = arith.addi %mul3A_148, %add3A_622 : i32
        %get3A_624 = arith.index_cast %add3A_623 : i32 to index
        %get3A_625 = arith.constant 48 : index
        %get3A_626 = tpu.vector_load %arg8[%get3A_624, %get3A_625] {strides = array<i32>} : memref<128x128xf32, #tpu.memory_space<vmem>>, vector<1x16xf32>,
        %get3A_627 = vector.shape_cast %get3A_626 : vector<1x16xf32> to vector<16xf32>
        %add3A_628 = arith.constant 7 : i32
        %add3A_629 = arith.addi %mul3A_148, %add3A_628 : i32
        %get3A_630 = arith.index_cast %add3A_629 : i32 to index
        %get3A_631 = arith.constant 48 : index
        %get3A_632 = tpu.vector_load %arg9[%get3A_630, %get3A_631] {strides = array<i32>} : memref<128x128xf32, #tpu.memory_space<vmem>>, vector<1x16xf32>,
        %get3A_633 = vector.shape_cast %get3A_632 : vector<1x16xf32> to vector<16xf32>
        %sub3A_634 = arith.subf %get3A_627, %get3A_633 : vector<16xf32>
        %max3A_635 = arith.maximumf %max3A_621, %sub3A_634 : vector<16xf32>
        %add3A_636 = arith.constant 8 : i32
        %add3A_637 = arith.addi %mul3A_148, %add3A_636 : i32
        %get3A_638 = arith.index_cast %add3A_637 : i32 to index
        %get3A_639 = arith.constant 48 : index
        %get3A_640 = tpu.vector_load %arg8[%get3A_638, %get3A_639] {strides = array<i32>} : memref<128x128xf32, #tpu.memory_space<vmem>>, vector<1x16xf32>,
        %get3A_641 = vector.shape_cast %get3A_640 : vector<1x16xf32> to vector<16xf32>
        %add3A_642 = arith.constant 8 : i32
        %add3A_643 = arith.addi %mul3A_148, %add3A_642 : i32
        %get3A_644 = arith.index_cast %add3A_643 : i32 to index
        %get3A_645 = arith.constant 48 : index
        %get3A_646 = tpu.vector_load %arg9[%get3A_644, %get3A_645] {strides = array<i32>} : memref<128x128xf32, #tpu.memory_space<vmem>>, vector<1x16xf32>,
        %get3A_647 = vector.shape_cast %get3A_646 : vector<1x16xf32> to vector<16xf32>
        %sub3A_648 = arith.subf %get3A_641, %get3A_647 : vector<16xf32>
        %max3A_649 = arith.maximumf %max3A_635, %sub3A_648 : vector<16xf32>
        %add3A_650 = arith.constant 0 : i32
        %add3A_651 = arith.addi %add3A_650, %scan3A_146 : i32
        %swap3A_652 = arith.index_cast %add3A_651 : i32 to index
        %swap3A_653 = arith.constant 48 : index
        %swap3A_654 = tpu.vector_load %arg12[%swap3A_652, %swap3A_653] {strides = array<i32>} : memref<56x128xf32, #tpu.memory_space<vmem>>, vector<1x16xf32>,
        %swap3A_655 = vector.shape_cast %swap3A_654 : vector<1x16xf32> to vector<16xf32>
        %swap3A_656 = vector.shape_cast %max3A_649 : vector<16xf32> to vector<1x16xf32>
        tpu.vector_store %arg12[%swap3A_652, %swap3A_653], %swap3A_656 {strides = array<i32>} : memref<56x128xf32, #tpu.memory_space<vmem>>, vector<1x16xf32>,
        %get3A_657 = arith.index_cast %mul3A_148 : i32 to index
        %get3A_658 = arith.constant 64 : index
        %get3A_659 = tpu.vector_load %arg8[%get3A_657, %get3A_658] {strides = array<i32>} : memref<128x128xf32, #tpu.memory_space<vmem>>, vector<1x16xf32>,
        %get3A_660 = vector.shape_cast %get3A_659 : vector<1x16xf32> to vector<16xf32>
        %get3A_661 = arith.index_cast %mul3A_148 : i32 to index
        %get3A_662 = arith.constant 64 : index
        %get3A_663 = tpu.vector_load %arg9[%get3A_661, %get3A_662] {strides = array<i32>} : memref<128x128xf32, #tpu.memory_space<vmem>>, vector<1x16xf32>,
        %get3A_664 = vector.shape_cast %get3A_663 : vector<1x16xf32> to vector<16xf32>
        %sub3A_665 = arith.subf %get3A_660, %get3A_664 : vector<16xf32>
        %add3A_666 = arith.constant 1 : i32
        %add3A_667 = arith.addi %mul3A_148, %add3A_666 : i32
        %get3A_668 = arith.index_cast %add3A_667 : i32 to index
        %get3A_669 = arith.constant 64 : index
        %get3A_670 = tpu.vector_load %arg8[%get3A_668, %get3A_669] {strides = array<i32>} : memref<128x128xf32, #tpu.memory_space<vmem>>, vector<1x16xf32>,
        %get3A_671 = vector.shape_cast %get3A_670 : vector<1x16xf32> to vector<16xf32>
        %add3A_672 = arith.constant 1 : i32
        %add3A_673 = arith.addi %mul3A_148, %add3A_672 : i32
        %get3A_674 = arith.index_cast %add3A_673 : i32 to index
        %get3A_675 = arith.constant 64 : index
        %get3A_676 = tpu.vector_load %arg9[%get3A_674, %get3A_675] {strides = array<i32>} : memref<128x128xf32, #tpu.memory_space<vmem>>, vector<1x16xf32>,
        %get3A_677 = vector.shape_cast %get3A_676 : vector<1x16xf32> to vector<16xf32>
        %sub3A_678 = arith.subf %get3A_671, %get3A_677 : vector<16xf32>
        %max3A_679 = arith.maximumf %sub3A_665, %sub3A_678 : vector<16xf32>
        %add3A_680 = arith.constant 2 : i32
        %add3A_681 = arith.addi %mul3A_148, %add3A_680 : i32
        %get3A_682 = arith.index_cast %add3A_681 : i32 to index
        %get3A_683 = arith.constant 64 : index
        %get3A_684 = tpu.vector_load %arg8[%get3A_682, %get3A_683] {strides = array<i32>} : memref<128x128xf32, #tpu.memory_space<vmem>>, vector<1x16xf32>,
        %get3A_685 = vector.shape_cast %get3A_684 : vector<1x16xf32> to vector<16xf32>
        %add3A_686 = arith.constant 2 : i32
        %add3A_687 = arith.addi %mul3A_148, %add3A_686 : i32
        %get3A_688 = arith.index_cast %add3A_687 : i32 to index
        %get3A_689 = arith.constant 64 : index
        %get3A_690 = tpu.vector_load %arg9[%get3A_688, %get3A_689] {strides = array<i32>} : memref<128x128xf32, #tpu.memory_space<vmem>>, vector<1x16xf32>,
        %get3A_691 = vector.shape_cast %get3A_690 : vector<1x16xf32> to vector<16xf32>
        %sub3A_692 = arith.subf %get3A_685, %get3A_691 : vector<16xf32>
        %max3A_693 = arith.maximumf %max3A_679, %sub3A_692 : vector<16xf32>
        %add3A_694 = arith.constant 3 : i32
        %add3A_695 = arith.addi %mul3A_148, %add3A_694 : i32
        %get3A_696 = arith.index_cast %add3A_695 : i32 to index
        %get3A_697 = arith.constant 64 : index
        %get3A_698 = tpu.vector_load %arg8[%get3A_696, %get3A_697] {strides = array<i32>} : memref<128x128xf32, #tpu.memory_space<vmem>>, vector<1x16xf32>,
        %get3A_699 = vector.shape_cast %get3A_698 : vector<1x16xf32> to vector<16xf32>
        %add3A_700 = arith.constant 3 : i32
        %add3A_701 = arith.addi %mul3A_148, %add3A_700 : i32
        %get3A_702 = arith.index_cast %add3A_701 : i32 to index
        %get3A_703 = arith.constant 64 : index
        %get3A_704 = tpu.vector_load %arg9[%get3A_702, %get3A_703] {strides = array<i32>} : memref<128x128xf32, #tpu.memory_space<vmem>>, vector<1x16xf32>,
        %get3A_705 = vector.shape_cast %get3A_704 : vector<1x16xf32> to vector<16xf32>
        %sub3A_706 = arith.subf %get3A_699, %get3A_705 : vector<16xf32>
        %max3A_707 = arith.maximumf %max3A_693, %sub3A_706 : vector<16xf32>
        %add3A_708 = arith.constant 4 : i32
        %add3A_709 = arith.addi %mul3A_148, %add3A_708 : i32
        %get3A_710 = arith.index_cast %add3A_709 : i32 to index
        %get3A_711 = arith.constant 64 : index
        %get3A_712 = tpu.vector_load %arg8[%get3A_710, %get3A_711] {strides = array<i32>} : memref<128x128xf32, #tpu.memory_space<vmem>>, vector<1x16xf32>,
        %get3A_713 = vector.shape_cast %get3A_712 : vector<1x16xf32> to vector<16xf32>
        %add3A_714 = arith.constant 4 : i32
        %add3A_715 = arith.addi %mul3A_148, %add3A_714 : i32
        %get3A_716 = arith.index_cast %add3A_715 : i32 to index
        %get3A_717 = arith.constant 64 : index
        %get3A_718 = tpu.vector_load %arg9[%get3A_716, %get3A_717] {strides = array<i32>} : memref<128x128xf32, #tpu.memory_space<vmem>>, vector<1x16xf32>,
        %get3A_719 = vector.shape_cast %get3A_718 : vector<1x16xf32> to vector<16xf32>
        %sub3A_720 = arith.subf %get3A_713, %get3A_719 : vector<16xf32>
        %max3A_721 = arith.maximumf %max3A_707, %sub3A_720 : vector<16xf32>
        %add3A_722 = arith.constant 5 : i32
        %add3A_723 = arith.addi %mul3A_148, %add3A_722 : i32
        %get3A_724 = arith.index_cast %add3A_723 : i32 to index
        %get3A_725 = arith.constant 64 : index
        %get3A_726 = tpu.vector_load %arg8[%get3A_724, %get3A_725] {strides = array<i32>} : memref<128x128xf32, #tpu.memory_space<vmem>>, vector<1x16xf32>,
        %get3A_727 = vector.shape_cast %get3A_726 : vector<1x16xf32> to vector<16xf32>
        %add3A_728 = arith.constant 5 : i32
        %add3A_729 = arith.addi %mul3A_148, %add3A_728 : i32
        %get3A_730 = arith.index_cast %add3A_729 : i32 to index
        %get3A_731 = arith.constant 64 : index
        %get3A_732 = tpu.vector_load %arg9[%get3A_730, %get3A_731] {strides = array<i32>} : memref<128x128xf32, #tpu.memory_space<vmem>>, vector<1x16xf32>,
        %get3A_733 = vector.shape_cast %get3A_732 : vector<1x16xf32> to vector<16xf32>
        %sub3A_734 = arith.subf %get3A_727, %get3A_733 : vector<16xf32>
        %max3A_735 = arith.maximumf %max3A_721, %sub3A_734 : vector<16xf32>
        %add3A_736 = arith.constant 6 : i32
        %add3A_737 = arith.addi %mul3A_148, %add3A_736 : i32
        %get3A_738 = arith.index_cast %add3A_737 : i32 to index
        %get3A_739 = arith.constant 64 : index
        %get3A_740 = tpu.vector_load %arg8[%get3A_738, %get3A_739] {strides = array<i32>} : memref<128x128xf32, #tpu.memory_space<vmem>>, vector<1x16xf32>,
        %get3A_741 = vector.shape_cast %get3A_740 : vector<1x16xf32> to vector<16xf32>
        %add3A_742 = arith.constant 6 : i32
        %add3A_743 = arith.addi %mul3A_148, %add3A_742 : i32
        %get3A_744 = arith.index_cast %add3A_743 : i32 to index
        %get3A_745 = arith.constant 64 : index
        %get3A_746 = tpu.vector_load %arg9[%get3A_744, %get3A_745] {strides = array<i32>} : memref<128x128xf32, #tpu.memory_space<vmem>>, vector<1x16xf32>,
        %get3A_747 = vector.shape_cast %get3A_746 : vector<1x16xf32> to vector<16xf32>
        %sub3A_748 = arith.subf %get3A_741, %get3A_747 : vector<16xf32>
        %max3A_749 = arith.maximumf %max3A_735, %sub3A_748 : vector<16xf32>
        %add3A_750 = arith.constant 7 : i32
        %add3A_751 = arith.addi %mul3A_148, %add3A_750 : i32
        %get3A_752 = arith.index_cast %add3A_751 : i32 to index
        %get3A_753 = arith.constant 64 : index
        %get3A_754 = tpu.vector_load %arg8[%get3A_752, %get3A_753] {strides = array<i32>} : memref<128x128xf32, #tpu.memory_space<vmem>>, vector<1x16xf32>,
        %get3A_755 = vector.shape_cast %get3A_754 : vector<1x16xf32> to vector<16xf32>
        %add3A_756 = arith.constant 7 : i32
        %add3A_757 = arith.addi %mul3A_148, %add3A_756 : i32
        %get3A_758 = arith.index_cast %add3A_757 : i32 to index
        %get3A_759 = arith.constant 64 : index
        %get3A_760 = tpu.vector_load %arg9[%get3A_758, %get3A_759] {strides = array<i32>} : memref<128x128xf32, #tpu.memory_space<vmem>>, vector<1x16xf32>,
        %get3A_761 = vector.shape_cast %get3A_760 : vector<1x16xf32> to vector<16xf32>
        %sub3A_762 = arith.subf %get3A_755, %get3A_761 : vector<16xf32>
        %max3A_763 = arith.maximumf %max3A_749, %sub3A_762 : vector<16xf32>
        %add3A_764 = arith.constant 8 : i32
        %add3A_765 = arith.addi %mul3A_148, %add3A_764 : i32
        %get3A_766 = arith.index_cast %add3A_765 : i32 to index
        %get3A_767 = arith.constant 64 : index
        %get3A_768 = tpu.vector_load %arg8[%get3A_766, %get3A_767] {strides = array<i32>} : memref<128x128xf32, #tpu.memory_space<vmem>>, vector<1x16xf32>,
        %get3A_769 = vector.shape_cast %get3A_768 : vector<1x16xf32> to vector<16xf32>
        %add3A_770 = arith.constant 8 : i32
        %add3A_771 = arith.addi %mul3A_148, %add3A_770 : i32
        %get3A_772 = arith.index_cast %add3A_771 : i32 to index
        %get3A_773 = arith.constant 64 : index
        %get3A_774 = tpu.vector_load %arg9[%get3A_772, %get3A_773] {strides = array<i32>} : memref<128x128xf32, #tpu.memory_space<vmem>>, vector<1x16xf32>,
        %get3A_775 = vector.shape_cast %get3A_774 : vector<1x16xf32> to vector<16xf32>
        %sub3A_776 = arith.subf %get3A_769, %get3A_775 : vector<16xf32>
        %max3A_777 = arith.maximumf %max3A_763, %sub3A_776 : vector<16xf32>
        %add3A_778 = arith.constant 0 : i32
        %add3A_779 = arith.addi %add3A_778, %scan3A_146 : i32
        %swap3A_780 = arith.index_cast %add3A_779 : i32 to index
        %swap3A_781 = arith.constant 64 : index
        %swap3A_782 = tpu.vector_load %arg12[%swap3A_780, %swap3A_781] {strides = array<i32>} : memref<56x128xf32, #tpu.memory_space<vmem>>, vector<1x16xf32>,
        %swap3A_783 = vector.shape_cast %swap3A_782 : vector<1x16xf32> to vector<16xf32>
        %swap3A_784 = vector.shape_cast %max3A_777 : vector<16xf32> to vector<1x16xf32>
        tpu.vector_store %arg12[%swap3A_780, %swap3A_781], %swap3A_784 {strides = array<i32>} : memref<56x128xf32, #tpu.memory_space<vmem>>, vector<1x16xf32>,
        %get3A_785 = arith.index_cast %mul3A_148 : i32 to index
        %get3A_786 = arith.constant 80 : index
        %get3A_787 = tpu.vector_load %arg8[%get3A_785, %get3A_786] {strides = array<i32>} : memref<128x128xf32, #tpu.memory_space<vmem>>, vector<1x16xf32>,
        %get3A_788 = vector.shape_cast %get3A_787 : vector<1x16xf32> to vector<16xf32>
        %get3A_789 = arith.index_cast %mul3A_148 : i32 to index
        %get3A_790 = arith.constant 80 : index
        %get3A_791 = tpu.vector_load %arg9[%get3A_789, %get3A_790] {strides = array<i32>} : memref<128x128xf32, #tpu.memory_space<vmem>>, vector<1x16xf32>,
        %get3A_792 = vector.shape_cast %get3A_791 : vector<1x16xf32> to vector<16xf32>
        %sub3A_793 = arith.subf %get3A_788, %get3A_792 : vector<16xf32>
        %add3A_794 = arith.constant 1 : i32
        %add3A_795 = arith.addi %mul3A_148, %add3A_794 : i32
        %get3A_796 = arith.index_cast %add3A_795 : i32 to index
        %get3A_797 = arith.constant 80 : index
        %get3A_798 = tpu.vector_load %arg8[%get3A_796, %get3A_797] {strides = array<i32>} : memref<128x128xf32, #tpu.memory_space<vmem>>, vector<1x16xf32>,
        %get3A_799 = vector.shape_cast %get3A_798 : vector<1x16xf32> to vector<16xf32>
        %add3A_800 = arith.constant 1 : i32
        %add3A_801 = arith.addi %mul3A_148, %add3A_800 : i32
        %get3A_802 = arith.index_cast %add3A_801 : i32 to index
        %get3A_803 = arith.constant 80 : index
        %get3A_804 = tpu.vector_load %arg9[%get3A_802, %get3A_803] {strides = array<i32>} : memref<128x128xf32, #tpu.memory_space<vmem>>, vector<1x16xf32>,
        %get3A_805 = vector.shape_cast %get3A_804 : vector<1x16xf32> to vector<16xf32>
        %sub3A_806 = arith.subf %get3A_799, %get3A_805 : vector<16xf32>
        %max3A_807 = arith.maximumf %sub3A_793, %sub3A_806 : vector<16xf32>
        %add3A_808 = arith.constant 2 : i32
        %add3A_809 = arith.addi %mul3A_148, %add3A_808 : i32
        %get3A_810 = arith.index_cast %add3A_809 : i32 to index
        %get3A_811 = arith.constant 80 : index
        %get3A_812 = tpu.vector_load %arg8[%get3A_810, %get3A_811] {strides = array<i32>} : memref<128x128xf32, #tpu.memory_space<vmem>>, vector<1x16xf32>,
        %get3A_813 = vector.shape_cast %get3A_812 : vector<1x16xf32> to vector<16xf32>
        %add3A_814 = arith.constant 2 : i32
        %add3A_815 = arith.addi %mul3A_148, %add3A_814 : i32
        %get3A_816 = arith.index_cast %add3A_815 : i32 to index
        %get3A_817 = arith.constant 80 : index
        %get3A_818 = tpu.vector_load %arg9[%get3A_816, %get3A_817] {strides = array<i32>} : memref<128x128xf32, #tpu.memory_space<vmem>>, vector<1x16xf32>,
        %get3A_819 = vector.shape_cast %get3A_818 : vector<1x16xf32> to vector<16xf32>
        %sub3A_820 = arith.subf %get3A_813, %get3A_819 : vector<16xf32>
        %max3A_821 = arith.maximumf %max3A_807, %sub3A_820 : vector<16xf32>
        %add3A_822 = arith.constant 3 : i32
        %add3A_823 = arith.addi %mul3A_148, %add3A_822 : i32
        %get3A_824 = arith.index_cast %add3A_823 : i32 to index
        %get3A_825 = arith.constant 80 : index
        %get3A_826 = tpu.vector_load %arg8[%get3A_824, %get3A_825] {strides = array<i32>} : memref<128x128xf32, #tpu.memory_space<vmem>>, vector<1x16xf32>,
        %get3A_827 = vector.shape_cast %get3A_826 : vector<1x16xf32> to vector<16xf32>
        %add3A_828 = arith.constant 3 : i32
        %add3A_829 = arith.addi %mul3A_148, %add3A_828 : i32
        %get3A_830 = arith.index_cast %add3A_829 : i32 to index
        %get3A_831 = arith.constant 80 : index
        %get3A_832 = tpu.vector_load %arg9[%get3A_830, %get3A_831] {strides = array<i32>} : memref<128x128xf32, #tpu.memory_space<vmem>>, vector<1x16xf32>,
        %get3A_833 = vector.shape_cast %get3A_832 : vector<1x16xf32> to vector<16xf32>
        %sub3A_834 = arith.subf %get3A_827, %get3A_833 : vector<16xf32>
        %max3A_835 = arith.maximumf %max3A_821, %sub3A_834 : vector<16xf32>
        %add3A_836 = arith.constant 4 : i32
        %add3A_837 = arith.addi %mul3A_148, %add3A_836 : i32
        %get3A_838 = arith.index_cast %add3A_837 : i32 to index
        %get3A_839 = arith.constant 80 : index
        %get3A_840 = tpu.vector_load %arg8[%get3A_838, %get3A_839] {strides = array<i32>} : memref<128x128xf32, #tpu.memory_space<vmem>>, vector<1x16xf32>,
        %get3A_841 = vector.shape_cast %get3A_840 : vector<1x16xf32> to vector<16xf32>
        %add3A_842 = arith.constant 4 : i32
        %add3A_843 = arith.addi %mul3A_148, %add3A_842 : i32
        %get3A_844 = arith.index_cast %add3A_843 : i32 to index
        %get3A_845 = arith.constant 80 : index
        %get3A_846 = tpu.vector_load %arg9[%get3A_844, %get3A_845] {strides = array<i32>} : memref<128x128xf32, #tpu.memory_space<vmem>>, vector<1x16xf32>,
        %get3A_847 = vector.shape_cast %get3A_846 : vector<1x16xf32> to vector<16xf32>
        %sub3A_848 = arith.subf %get3A_841, %get3A_847 : vector<16xf32>
        %max3A_849 = arith.maximumf %max3A_835, %sub3A_848 : vector<16xf32>
        %add3A_850 = arith.constant 5 : i32
        %add3A_851 = arith.addi %mul3A_148, %add3A_850 : i32
        %get3A_852 = arith.index_cast %add3A_851 : i32 to index
        %get3A_853 = arith.constant 80 : index
        %get3A_854 = tpu.vector_load %arg8[%get3A_852, %get3A_853] {strides = array<i32>} : memref<128x128xf32, #tpu.memory_space<vmem>>, vector<1x16xf32>,
        %get3A_855 = vector.shape_cast %get3A_854 : vector<1x16xf32> to vector<16xf32>
        %add3A_856 = arith.constant 5 : i32
        %add3A_857 = arith.addi %mul3A_148, %add3A_856 : i32
        %get3A_858 = arith.index_cast %add3A_857 : i32 to index
        %get3A_859 = arith.constant 80 : index
        %get3A_860 = tpu.vector_load %arg9[%get3A_858, %get3A_859] {strides = array<i32>} : memref<128x128xf32, #tpu.memory_space<vmem>>, vector<1x16xf32>,
        %get3A_861 = vector.shape_cast %get3A_860 : vector<1x16xf32> to vector<16xf32>
        %sub3A_862 = arith.subf %get3A_855, %get3A_861 : vector<16xf32>
        %max3A_863 = arith.maximumf %max3A_849, %sub3A_862 : vector<16xf32>
        %add3A_864 = arith.constant 6 : i32
        %add3A_865 = arith.addi %mul3A_148, %add3A_864 : i32
        %get3A_866 = arith.index_cast %add3A_865 : i32 to index
        %get3A_867 = arith.constant 80 : index
        %get3A_868 = tpu.vector_load %arg8[%get3A_866, %get3A_867] {strides = array<i32>} : memref<128x128xf32, #tpu.memory_space<vmem>>, vector<1x16xf32>,
        %get3A_869 = vector.shape_cast %get3A_868 : vector<1x16xf32> to vector<16xf32>
        %add3A_870 = arith.constant 6 : i32
        %add3A_871 = arith.addi %mul3A_148, %add3A_870 : i32
        %get3A_872 = arith.index_cast %add3A_871 : i32 to index
        %get3A_873 = arith.constant 80 : index
        %get3A_874 = tpu.vector_load %arg9[%get3A_872, %get3A_873] {strides = array<i32>} : memref<128x128xf32, #tpu.memory_space<vmem>>, vector<1x16xf32>,
        %get3A_875 = vector.shape_cast %get3A_874 : vector<1x16xf32> to vector<16xf32>
        %sub3A_876 = arith.subf %get3A_869, %get3A_875 : vector<16xf32>
        %max3A_877 = arith.maximumf %max3A_863, %sub3A_876 : vector<16xf32>
        %add3A_878 = arith.constant 7 : i32
        %add3A_879 = arith.addi %mul3A_148, %add3A_878 : i32
        %get3A_880 = arith.index_cast %add3A_879 : i32 to index
        %get3A_881 = arith.constant 80 : index
        %get3A_882 = tpu.vector_load %arg8[%get3A_880, %get3A_881] {strides = array<i32>} : memref<128x128xf32, #tpu.memory_space<vmem>>, vector<1x16xf32>,
        %get3A_883 = vector.shape_cast %get3A_882 : vector<1x16xf32> to vector<16xf32>
        %add3A_884 = arith.constant 7 : i32
        %add3A_885 = arith.addi %mul3A_148, %add3A_884 : i32
        %get3A_886 = arith.index_cast %add3A_885 : i32 to index
        %get3A_887 = arith.constant 80 : index
        %get3A_888 = tpu.vector_load %arg9[%get3A_886, %get3A_887] {strides = array<i32>} : memref<128x128xf32, #tpu.memory_space<vmem>>, vector<1x16xf32>,
        %get3A_889 = vector.shape_cast %get3A_888 : vector<1x16xf32> to vector<16xf32>
        %sub3A_890 = arith.subf %get3A_883, %get3A_889 : vector<16xf32>
        %max3A_891 = arith.maximumf %max3A_877, %sub3A_890 : vector<16xf32>
        %add3A_892 = arith.constant 8 : i32
        %add3A_893 = arith.addi %mul3A_148, %add3A_892 : i32
        %get3A_894 = arith.index_cast %add3A_893 : i32 to index
        %get3A_895 = arith.constant 80 : index
        %get3A_896 = tpu.vector_load %arg8[%get3A_894, %get3A_895] {strides = array<i32>} : memref<128x128xf32, #tpu.memory_space<vmem>>, vector<1x16xf32>,
        %get3A_897 = vector.shape_cast %get3A_896 : vector<1x16xf32> to vector<16xf32>
        %add3A_898 = arith.constant 8 : i32
        %add3A_899 = arith.addi %mul3A_148, %add3A_898 : i32
        %get3A_900 = arith.index_cast %add3A_899 : i32 to index
        %get3A_901 = arith.constant 80 : index
        %get3A_902 = tpu.vector_load %arg9[%get3A_900, %get3A_901] {strides = array<i32>} : memref<128x128xf32, #tpu.memory_space<vmem>>, vector<1x16xf32>,
        %get3A_903 = vector.shape_cast %get3A_902 : vector<1x16xf32> to vector<16xf32>
        %sub3A_904 = arith.subf %get3A_897, %get3A_903 : vector<16xf32>
        %max3A_905 = arith.maximumf %max3A_891, %sub3A_904 : vector<16xf32>
        %add3A_906 = arith.constant 0 : i32
        %add3A_907 = arith.addi %add3A_906, %scan3A_146 : i32
        %swap3A_908 = arith.index_cast %add3A_907 : i32 to index
        %swap3A_909 = arith.constant 80 : index
        %swap3A_910 = tpu.vector_load %arg12[%swap3A_908, %swap3A_909] {strides = array<i32>} : memref<56x128xf32, #tpu.memory_space<vmem>>, vector<1x16xf32>,
        %swap3A_911 = vector.shape_cast %swap3A_910 : vector<1x16xf32> to vector<16xf32>
        %swap3A_912 = vector.shape_cast %max3A_905 : vector<16xf32> to vector<1x16xf32>
        tpu.vector_store %arg12[%swap3A_908, %swap3A_909], %swap3A_912 {strides = array<i32>} : memref<56x128xf32, #tpu.memory_space<vmem>>, vector<1x16xf32>,
        %get3A_913 = arith.index_cast %mul3A_148 : i32 to index
        %get3A_914 = arith.constant 96 : index
        %get3A_915 = tpu.vector_load %arg8[%get3A_913, %get3A_914] {strides = array<i32>} : memref<128x128xf32, #tpu.memory_space<vmem>>, vector<1x16xf32>,
        %get3A_916 = vector.shape_cast %get3A_915 : vector<1x16xf32> to vector<16xf32>
        %get3A_917 = arith.index_cast %mul3A_148 : i32 to index
        %get3A_918 = arith.constant 96 : index
        %get3A_919 = tpu.vector_load %arg9[%get3A_917, %get3A_918] {strides = array<i32>} : memref<128x128xf32, #tpu.memory_space<vmem>>, vector<1x16xf32>,
        %get3A_920 = vector.shape_cast %get3A_919 : vector<1x16xf32> to vector<16xf32>
        %sub3A_921 = arith.subf %get3A_916, %get3A_920 : vector<16xf32>
        %add3A_922 = arith.constant 1 : i32
        %add3A_923 = arith.addi %mul3A_148, %add3A_922 : i32
        %get3A_924 = arith.index_cast %add3A_923 : i32 to index
        %get3A_925 = arith.constant 96 : index
        %get3A_926 = tpu.vector_load %arg8[%get3A_924, %get3A_925] {strides = array<i32>} : memref<128x128xf32, #tpu.memory_space<vmem>>, vector<1x16xf32>,
        %get3A_927 = vector.shape_cast %get3A_926 : vector<1x16xf32> to vector<16xf32>
        %add3A_928 = arith.constant 1 : i32
        %add3A_929 = arith.addi %mul3A_148, %add3A_928 : i32
        %get3A_930 = arith.index_cast %add3A_929 : i32 to index
        %get3A_931 = arith.constant 96 : index
        %get3A_932 = tpu.vector_load %arg9[%get3A_930, %get3A_931] {strides = array<i32>} : memref<128x128xf32, #tpu.memory_space<vmem>>, vector<1x16xf32>,
        %get3A_933 = vector.shape_cast %get3A_932 : vector<1x16xf32> to vector<16xf32>
        %sub3A_934 = arith.subf %get3A_927, %get3A_933 : vector<16xf32>
        %max3A_935 = arith.maximumf %sub3A_921, %sub3A_934 : vector<16xf32>
        %add3A_936 = arith.constant 2 : i32
        %add3A_937 = arith.addi %mul3A_148, %add3A_936 : i32
        %get3A_938 = arith.index_cast %add3A_937 : i32 to index
        %get3A_939 = arith.constant 96 : index
        %get3A_940 = tpu.vector_load %arg8[%get3A_938, %get3A_939] {strides = array<i32>} : memref<128x128xf32, #tpu.memory_space<vmem>>, vector<1x16xf32>,
        %get3A_941 = vector.shape_cast %get3A_940 : vector<1x16xf32> to vector<16xf32>
        %add3A_942 = arith.constant 2 : i32
        %add3A_943 = arith.addi %mul3A_148, %add3A_942 : i32
        %get3A_944 = arith.index_cast %add3A_943 : i32 to index
        %get3A_945 = arith.constant 96 : index
        %get3A_946 = tpu.vector_load %arg9[%get3A_944, %get3A_945] {strides = array<i32>} : memref<128x128xf32, #tpu.memory_space<vmem>>, vector<1x16xf32>,
        %get3A_947 = vector.shape_cast %get3A_946 : vector<1x16xf32> to vector<16xf32>
        %sub3A_948 = arith.subf %get3A_941, %get3A_947 : vector<16xf32>
        %max3A_949 = arith.maximumf %max3A_935, %sub3A_948 : vector<16xf32>
        %add3A_950 = arith.constant 3 : i32
        %add3A_951 = arith.addi %mul3A_148, %add3A_950 : i32
        %get3A_952 = arith.index_cast %add3A_951 : i32 to index
        %get3A_953 = arith.constant 96 : index
        %get3A_954 = tpu.vector_load %arg8[%get3A_952, %get3A_953] {strides = array<i32>} : memref<128x128xf32, #tpu.memory_space<vmem>>, vector<1x16xf32>,
        %get3A_955 = vector.shape_cast %get3A_954 : vector<1x16xf32> to vector<16xf32>
        %add3A_956 = arith.constant 3 : i32
        %add3A_957 = arith.addi %mul3A_148, %add3A_956 : i32
        %get3A_958 = arith.index_cast %add3A_957 : i32 to index
        %get3A_959 = arith.constant 96 : index
        %get3A_960 = tpu.vector_load %arg9[%get3A_958, %get3A_959] {strides = array<i32>} : memref<128x128xf32, #tpu.memory_space<vmem>>, vector<1x16xf32>,
        %get3A_961 = vector.shape_cast %get3A_960 : vector<1x16xf32> to vector<16xf32>
        %sub3A_962 = arith.subf %get3A_955, %get3A_961 : vector<16xf32>
        %max3A_963 = arith.maximumf %max3A_949, %sub3A_962 : vector<16xf32>
        %add3A_964 = arith.constant 4 : i32
        %add3A_965 = arith.addi %mul3A_148, %add3A_964 : i32
        %get3A_966 = arith.index_cast %add3A_965 : i32 to index
        %get3A_967 = arith.constant 96 : index
        %get3A_968 = tpu.vector_load %arg8[%get3A_966, %get3A_967] {strides = array<i32>} : memref<128x128xf32, #tpu.memory_space<vmem>>, vector<1x16xf32>,
        %get3A_969 = vector.shape_cast %get3A_968 : vector<1x16xf32> to vector<16xf32>
        %add3A_970 = arith.constant 4 : i32
        %add3A_971 = arith.addi %mul3A_148, %add3A_970 : i32
        %get3A_972 = arith.index_cast %add3A_971 : i32 to index
        %get3A_973 = arith.constant 96 : index
        %get3A_974 = tpu.vector_load %arg9[%get3A_972, %get3A_973] {strides = array<i32>} : memref<128x128xf32, #tpu.memory_space<vmem>>, vector<1x16xf32>,
        %get3A_975 = vector.shape_cast %get3A_974 : vector<1x16xf32> to vector<16xf32>
        %sub3A_976 = arith.subf %get3A_969, %get3A_975 : vector<16xf32>
        %max3A_977 = arith.maximumf %max3A_963, %sub3A_976 : vector<16xf32>
        %add3A_978 = arith.constant 5 : i32
        %add3A_979 = arith.addi %mul3A_148, %add3A_978 : i32
        %get3A_980 = arith.index_cast %add3A_979 : i32 to index
        %get3A_981 = arith.constant 96 : index
        %get3A_982 = tpu.vector_load %arg8[%get3A_980, %get3A_981] {strides = array<i32>} : memref<128x128xf32, #tpu.memory_space<vmem>>, vector<1x16xf32>,
        %get3A_983 = vector.shape_cast %get3A_982 : vector<1x16xf32> to vector<16xf32>
        %add3A_984 = arith.constant 5 : i32
        %add3A_985 = arith.addi %mul3A_148, %add3A_984 : i32
        %get3A_986 = arith.index_cast %add3A_985 : i32 to index
        %get3A_987 = arith.constant 96 : index
        %get3A_988 = tpu.vector_load %arg9[%get3A_986, %get3A_987] {strides = array<i32>} : memref<128x128xf32, #tpu.memory_space<vmem>>, vector<1x16xf32>,
        %get3A_989 = vector.shape_cast %get3A_988 : vector<1x16xf32> to vector<16xf32>
        %sub3A_990 = arith.subf %get3A_983, %get3A_989 : vector<16xf32>
        %max3A_991 = arith.maximumf %max3A_977, %sub3A_990 : vector<16xf32>
        %add3A_992 = arith.constant 6 : i32
        %add3A_993 = arith.addi %mul3A_148, %add3A_992 : i32
        %get3A_994 = arith.index_cast %add3A_993 : i32 to index
        %get3A_995 = arith.constant 96 : index
        %get3A_996 = tpu.vector_load %arg8[%get3A_994, %get3A_995] {strides = array<i32>} : memref<128x128xf32, #tpu.memory_space<vmem>>, vector<1x16xf32>,
        %get3A_997 = vector.shape_cast %get3A_996 : vector<1x16xf32> to vector<16xf32>
        %add3A_998 = arith.constant 6 : i32
        %add3A_999 = arith.addi %mul3A_148, %add3A_998 : i32
        %get3A_1000 = arith.index_cast %add3A_999 : i32 to index
        %get3A_1001 = arith.constant 96 : index
        %get3A_1002 = tpu.vector_load %arg9[%get3A_1000, %get3A_1001] {strides = array<i32>} : memref<128x128xf32, #tpu.memory_space<vmem>>, vector<1x16xf32>,
        %get3A_1003 = vector.shape_cast %get3A_1002 : vector<1x16xf32> to vector<16xf32>
        %sub3A_1004 = arith.subf %get3A_997, %get3A_1003 : vector<16xf32>
        %max3A_1005 = arith.maximumf %max3A_991, %sub3A_1004 : vector<16xf32>
        %add3A_1006 = arith.constant 7 : i32
        %add3A_1007 = arith.addi %mul3A_148, %add3A_1006 : i32
        %get3A_1008 = arith.index_cast %add3A_1007 : i32 to index
        %get3A_1009 = arith.constant 96 : index
        %get3A_1010 = tpu.vector_load %arg8[%get3A_1008, %get3A_1009] {strides = array<i32>} : memref<128x128xf32, #tpu.memory_space<vmem>>, vector<1x16xf32>,
        %get3A_1011 = vector.shape_cast %get3A_1010 : vector<1x16xf32> to vector<16xf32>
        %add3A_1012 = arith.constant 7 : i32
        %add3A_1013 = arith.addi %mul3A_148, %add3A_1012 : i32
        %get3A_1014 = arith.index_cast %add3A_1013 : i32 to index
        %get3A_1015 = arith.constant 96 : index
        %get3A_1016 = tpu.vector_load %arg9[%get3A_1014, %get3A_1015] {strides = array<i32>} : memref<128x128xf32, #tpu.memory_space<vmem>>, vector<1x16xf32>,
        %get3A_1017 = vector.shape_cast %get3A_1016 : vector<1x16xf32> to vector<16xf32>
        %sub3A_1018 = arith.subf %get3A_1011, %get3A_1017 : vector<16xf32>
        %max3A_1019 = arith.maximumf %max3A_1005, %sub3A_1018 : vector<16xf32>
        %add3A_1020 = arith.constant 8 : i32
        %add3A_1021 = arith.addi %mul3A_148, %add3A_1020 : i32
        %get3A_1022 = arith.index_cast %add3A_1021 : i32 to index
        %get3A_1023 = arith.constant 96 : index
        %get3A_1024 = tpu.vector_load %arg8[%get3A_1022, %get3A_1023] {strides = array<i32>} : memref<128x128xf32, #tpu.memory_space<vmem>>, vector<1x16xf32>,
        %get3A_1025 = vector.shape_cast %get3A_1024 : vector<1x16xf32> to vector<16xf32>
        %add3A_1026 = arith.constant 8 : i32
        %add3A_1027 = arith.addi %mul3A_148, %add3A_1026 : i32
        %get3A_1028 = arith.index_cast %add3A_1027 : i32 to index
        %get3A_1029 = arith.constant 96 : index
        %get3A_1030 = tpu.vector_load %arg9[%get3A_1028, %get3A_1029] {strides = array<i32>} : memref<128x128xf32, #tpu.memory_space<vmem>>, vector<1x16xf32>,
        %get3A_1031 = vector.shape_cast %get3A_1030 : vector<1x16xf32> to vector<16xf32>
        %sub3A_1032 = arith.subf %get3A_1025, %get3A_1031 : vector<16xf32>
        %max3A_1033 = arith.maximumf %max3A_1019, %sub3A_1032 : vector<16xf32>
        %add3A_1034 = arith.constant 0 : i32
        %add3A_1035 = arith.addi %add3A_1034, %scan3A_146 : i32
        %swap3A_1036 = arith.index_cast %add3A_1035 : i32 to index
        %swap3A_1037 = arith.constant 96 : index
        %swap3A_1038 = tpu.vector_load %arg12[%swap3A_1036, %swap3A_1037] {strides = array<i32>} : memref<56x128xf32, #tpu.memory_space<vmem>>, vector<1x16xf32>,
        %swap3A_1039 = vector.shape_cast %swap3A_1038 : vector<1x16xf32> to vector<16xf32>
        %swap3A_1040 = vector.shape_cast %max3A_1033 : vector<16xf32> to vector<1x16xf32>
        tpu.vector_store %arg12[%swap3A_1036, %swap3A_1037], %swap3A_1040 {strides = array<i32>} : memref<56x128xf32, #tpu.memory_space<vmem>>, vector<1x16xf32>,
        %get3A_1041 = arith.index_cast %mul3A_148 : i32 to index
        %get3A_1042 = arith.constant 112 : index
        %get3A_1043 = tpu.vector_load %arg8[%get3A_1041, %get3A_1042] {strides = array<i32>} : memref<128x128xf32, #tpu.memory_space<vmem>>, vector<1x16xf32>,
        %get3A_1044 = vector.shape_cast %get3A_1043 : vector<1x16xf32> to vector<16xf32>
        %get3A_1045 = arith.index_cast %mul3A_148 : i32 to index
        %get3A_1046 = arith.constant 112 : index
        %get3A_1047 = tpu.vector_load %arg9[%get3A_1045, %get3A_1046] {strides = array<i32>} : memref<128x128xf32, #tpu.memory_space<vmem>>, vector<1x16xf32>,
        %get3A_1048 = vector.shape_cast %get3A_1047 : vector<1x16xf32> to vector<16xf32>
        %sub3A_1049 = arith.subf %get3A_1044, %get3A_1048 : vector<16xf32>
        %add3A_1050 = arith.constant 1 : i32
        %add3A_1051 = arith.addi %mul3A_148, %add3A_1050 : i32
        %get3A_1052 = arith.index_cast %add3A_1051 : i32 to index
        %get3A_1053 = arith.constant 112 : index
        %get3A_1054 = tpu.vector_load %arg8[%get3A_1052, %get3A_1053] {strides = array<i32>} : memref<128x128xf32, #tpu.memory_space<vmem>>, vector<1x16xf32>,
        %get3A_1055 = vector.shape_cast %get3A_1054 : vector<1x16xf32> to vector<16xf32>
        %add3A_1056 = arith.constant 1 : i32
        %add3A_1057 = arith.addi %mul3A_148, %add3A_1056 : i32
        %get3A_1058 = arith.index_cast %add3A_1057 : i32 to index
        %get3A_1059 = arith.constant 112 : index
        %get3A_1060 = tpu.vector_load %arg9[%get3A_1058, %get3A_1059] {strides = array<i32>} : memref<128x128xf32, #tpu.memory_space<vmem>>, vector<1x16xf32>,
        %get3A_1061 = vector.shape_cast %get3A_1060 : vector<1x16xf32> to vector<16xf32>
        %sub3A_1062 = arith.subf %get3A_1055, %get3A_1061 : vector<16xf32>
        %max3A_1063 = arith.maximumf %sub3A_1049, %sub3A_1062 : vector<16xf32>
        %add3A_1064 = arith.constant 2 : i32
        %add3A_1065 = arith.addi %mul3A_148, %add3A_1064 : i32
        %get3A_1066 = arith.index_cast %add3A_1065 : i32 to index
        %get3A_1067 = arith.constant 112 : index
        %get3A_1068 = tpu.vector_load %arg8[%get3A_1066, %get3A_1067] {strides = array<i32>} : memref<128x128xf32, #tpu.memory_space<vmem>>, vector<1x16xf32>,
        %get3A_1069 = vector.shape_cast %get3A_1068 : vector<1x16xf32> to vector<16xf32>
        %add3A_1070 = arith.constant 2 : i32
        %add3A_1071 = arith.addi %mul3A_148, %add3A_1070 : i32
        %get3A_1072 = arith.index_cast %add3A_1071 : i32 to index
        %get3A_1073 = arith.constant 112 : index
        %get3A_1074 = tpu.vector_load %arg9[%get3A_1072, %get3A_1073] {strides = array<i32>} : memref<128x128xf32, #tpu.memory_space<vmem>>, vector<1x16xf32>,
        %get3A_1075 = vector.shape_cast %get3A_1074 : vector<1x16xf32> to vector<16xf32>
        %sub3A_1076 = arith.subf %get3A_1069, %get3A_1075 : vector<16xf32>
        %max3A_1077 = arith.maximumf %max3A_1063, %sub3A_1076 : vector<16xf32>
        %add3A_1078 = arith.constant 3 : i32
        %add3A_1079 = arith.addi %mul3A_148, %add3A_1078 : i32
        %get3A_1080 = arith.index_cast %add3A_1079 : i32 to index
        %get3A_1081 = arith.constant 112 : index
        %get3A_1082 = tpu.vector_load %arg8[%get3A_1080, %get3A_1081] {strides = array<i32>} : memref<128x128xf32, #tpu.memory_space<vmem>>, vector<1x16xf32>,
        %get3A_1083 = vector.shape_cast %get3A_1082 : vector<1x16xf32> to vector<16xf32>
        %add3A_1084 = arith.constant 3 : i32
        %add3A_1085 = arith.addi %mul3A_148, %add3A_1084 : i32
        %get3A_1086 = arith.index_cast %add3A_1085 : i32 to index
        %get3A_1087 = arith.constant 112 : index
        %get3A_1088 = tpu.vector_load %arg9[%get3A_1086, %get3A_1087] {strides = array<i32>} : memref<128x128xf32, #tpu.memory_space<vmem>>, vector<1x16xf32>,
        %get3A_1089 = vector.shape_cast %get3A_1088 : vector<1x16xf32> to vector<16xf32>
        %sub3A_1090 = arith.subf %get3A_1083, %get3A_1089 : vector<16xf32>
        %max3A_1091 = arith.maximumf %max3A_1077, %sub3A_1090 : vector<16xf32>
        %add3A_1092 = arith.constant 4 : i32
        %add3A_1093 = arith.addi %mul3A_148, %add3A_1092 : i32
        %get3A_1094 = arith.index_cast %add3A_1093 : i32 to index
        %get3A_1095 = arith.constant 112 : index
        %get3A_1096 = tpu.vector_load %arg8[%get3A_1094, %get3A_1095] {strides = array<i32>} : memref<128x128xf32, #tpu.memory_space<vmem>>, vector<1x16xf32>,
        %get3A_1097 = vector.shape_cast %get3A_1096 : vector<1x16xf32> to vector<16xf32>
        %add3A_1098 = arith.constant 4 : i32
        %add3A_1099 = arith.addi %mul3A_148, %add3A_1098 : i32
        %get3A_1100 = arith.index_cast %add3A_1099 : i32 to index
        %get3A_1101 = arith.constant 112 : index
        %get3A_1102 = tpu.vector_load %arg9[%get3A_1100, %get3A_1101] {strides = array<i32>} : memref<128x128xf32, #tpu.memory_space<vmem>>, vector<1x16xf32>,
        %get3A_1103 = vector.shape_cast %get3A_1102 : vector<1x16xf32> to vector<16xf32>
        %sub3A_1104 = arith.subf %get3A_1097, %get3A_1103 : vector<16xf32>
        %max3A_1105 = arith.maximumf %max3A_1091, %sub3A_1104 : vector<16xf32>
        %add3A_1106 = arith.constant 5 : i32
        %add3A_1107 = arith.addi %mul3A_148, %add3A_1106 : i32
        %get3A_1108 = arith.index_cast %add3A_1107 : i32 to index
        %get3A_1109 = arith.constant 112 : index
        %get3A_1110 = tpu.vector_load %arg8[%get3A_1108, %get3A_1109] {strides = array<i32>} : memref<128x128xf32, #tpu.memory_space<vmem>>, vector<1x16xf32>,
        %get3A_1111 = vector.shape_cast %get3A_1110 : vector<1x16xf32> to vector<16xf32>
        %add3A_1112 = arith.constant 5 : i32
        %add3A_1113 = arith.addi %mul3A_148, %add3A_1112 : i32
        %get3A_1114 = arith.index_cast %add3A_1113 : i32 to index
        %get3A_1115 = arith.constant 112 : index
        %get3A_1116 = tpu.vector_load %arg9[%get3A_1114, %get3A_1115] {strides = array<i32>} : memref<128x128xf32, #tpu.memory_space<vmem>>, vector<1x16xf32>,
        %get3A_1117 = vector.shape_cast %get3A_1116 : vector<1x16xf32> to vector<16xf32>
        %sub3A_1118 = arith.subf %get3A_1111, %get3A_1117 : vector<16xf32>
        %max3A_1119 = arith.maximumf %max3A_1105, %sub3A_1118 : vector<16xf32>
        %add3A_1120 = arith.constant 6 : i32
        %add3A_1121 = arith.addi %mul3A_148, %add3A_1120 : i32
        %get3A_1122 = arith.index_cast %add3A_1121 : i32 to index
        %get3A_1123 = arith.constant 112 : index
        %get3A_1124 = tpu.vector_load %arg8[%get3A_1122, %get3A_1123] {strides = array<i32>} : memref<128x128xf32, #tpu.memory_space<vmem>>, vector<1x16xf32>,
        %get3A_1125 = vector.shape_cast %get3A_1124 : vector<1x16xf32> to vector<16xf32>
        %add3A_1126 = arith.constant 6 : i32
        %add3A_1127 = arith.addi %mul3A_148, %add3A_1126 : i32
        %get3A_1128 = arith.index_cast %add3A_1127 : i32 to index
        %get3A_1129 = arith.constant 112 : index
        %get3A_1130 = tpu.vector_load %arg9[%get3A_1128, %get3A_1129] {strides = array<i32>} : memref<128x128xf32, #tpu.memory_space<vmem>>, vector<1x16xf32>,
        %get3A_1131 = vector.shape_cast %get3A_1130 : vector<1x16xf32> to vector<16xf32>
        %sub3A_1132 = arith.subf %get3A_1125, %get3A_1131 : vector<16xf32>
        %max3A_1133 = arith.maximumf %max3A_1119, %sub3A_1132 : vector<16xf32>
        %add3A_1134 = arith.constant 7 : i32
        %add3A_1135 = arith.addi %mul3A_148, %add3A_1134 : i32
        %get3A_1136 = arith.index_cast %add3A_1135 : i32 to index
        %get3A_1137 = arith.constant 112 : index
        %get3A_1138 = tpu.vector_load %arg8[%get3A_1136, %get3A_1137] {strides = array<i32>} : memref<128x128xf32, #tpu.memory_space<vmem>>, vector<1x16xf32>,
        %get3A_1139 = vector.shape_cast %get3A_1138 : vector<1x16xf32> to vector<16xf32>
        %add3A_1140 = arith.constant 7 : i32
        %add3A_1141 = arith.addi %mul3A_148, %add3A_1140 : i32
        %get3A_1142 = arith.index_cast %add3A_1141 : i32 to index
        %get3A_1143 = arith.constant 112 : index
        %get3A_1144 = tpu.vector_load %arg9[%get3A_1142, %get3A_1143] {strides = array<i32>} : memref<128x128xf32, #tpu.memory_space<vmem>>, vector<1x16xf32>,
        %get3A_1145 = vector.shape_cast %get3A_1144 : vector<1x16xf32> to vector<16xf32>
        %sub3A_1146 = arith.subf %get3A_1139, %get3A_1145 : vector<16xf32>
        %max3A_1147 = arith.maximumf %max3A_1133, %sub3A_1146 : vector<16xf32>
        %add3A_1148 = arith.constant 8 : i32
        %add3A_1149 = arith.addi %mul3A_148, %add3A_1148 : i32
        %get3A_1150 = arith.index_cast %add3A_1149 : i32 to index
        %get3A_1151 = arith.constant 112 : index
        %get3A_1152 = tpu.vector_load %arg8[%get3A_1150, %get3A_1151] {strides = array<i32>} : memref<128x128xf32, #tpu.memory_space<vmem>>, vector<1x16xf32>,
        %get3A_1153 = vector.shape_cast %get3A_1152 : vector<1x16xf32> to vector<16xf32>
        %add3A_1154 = arith.constant 8 : i32
        %add3A_1155 = arith.addi %mul3A_148, %add3A_1154 : i32
        %get3A_1156 = arith.index_cast %add3A_1155 : i32 to index
        %get3A_1157 = arith.constant 112 : index
        %get3A_1158 = tpu.vector_load %arg9[%get3A_1156, %get3A_1157] {strides = array<i32>} : memref<128x128xf32, #tpu.memory_space<vmem>>, vector<1x16xf32>,
        %get3A_1159 = vector.shape_cast %get3A_1158 : vector<1x16xf32> to vector<16xf32>
        %sub3A_1160 = arith.subf %get3A_1153, %get3A_1159 : vector<16xf32>
        %max3A_1161 = arith.maximumf %max3A_1147, %sub3A_1160 : vector<16xf32>
        %add3A_1162 = arith.constant 0 : i32
        %add3A_1163 = arith.addi %add3A_1162, %scan3A_146 : i32
        %swap3A_1164 = arith.index_cast %add3A_1163 : i32 to index
        %swap3A_1165 = arith.constant 112 : index
        %swap3A_1166 = tpu.vector_load %arg12[%swap3A_1164, %swap3A_1165] {strides = array<i32>} : memref<56x128xf32, #tpu.memory_space<vmem>>, vector<1x16xf32>,
        %swap3A_1167 = vector.shape_cast %swap3A_1166 : vector<1x16xf32> to vector<16xf32>
        %swap3A_1168 = vector.shape_cast %max3A_1161 : vector<16xf32> to vector<1x16xf32>
        tpu.vector_store %arg12[%swap3A_1164, %swap3A_1165], %swap3A_1168 {strides = array<i32>} : memref<56x128xf32, #tpu.memory_space<vmem>>, vector<1x16xf32>,
      }
      %scan3A_38 = arith.constant 14 : i32
      %mul3A_39 = arith.constant 4 : i32
      %mul3A_40 = arith.muli %scan3A_6, %mul3A_39 : i32
      %add3A_41 = arith.constant 1 : i32
      %add3A_42 = arith.addi %mul3A_40, %add3A_41 : i32
      %dma_start3A_43 = arith.constant 0 : i32
      %dma_start3A_44 = tpu.memref_slice %arg6[%add3A_42, %dma_start3A_43] : memref<116x128xi32, #tpu.memory_space<vmem>> -> memref<1x128xi32, #tpu.memory_space<vmem>>
      %dma_start3A_45 = tpu.memref_squeeze %dma_start3A_44 : memref<1x128xi32, #tpu.memory_space<vmem>> -> memref<128xi32, #tpu.memory_space<vmem>>
      %dma_start3A_46 = arith.constant 0 : i32
      %dma_start3A_47 = arith.constant 0 : i32
      %dma_start3A_48 = tpu.memref_slice %arg2[%dma_start3A_46, %dma_start3A_47] : memref<50176x128xf32, #tpu.memory_space<hbm>> -> memref<50176x128xf32, #tpu.memory_space<hbm>>
      tpu.enqueue_indirect_dma source(%dma_start3A_48 : memref<50176x128xf32, #tpu.memory_space<hbm>>) target(%arg10 : memref<128x128xf32, #tpu.memory_space<vmem>>) offsets(%dma_start3A_45 : memref<128xi32, #tpu.memory_space<vmem>>) semaphore(%arg14 : memref<!tpu.dma_semaphore, #tpu.memory_space<semaphore_mem>>)
      %dma_start3A_49 = arith.constant 0 : i32
      %dma_start3A_50 = tpu.memref_slice %arg7[%add3A_42, %dma_start3A_49] : memref<116x128xi32, #tpu.memory_space<vmem>> -> memref<1x128xi32, #tpu.memory_space<vmem>>
      %dma_start3A_51 = tpu.memref_squeeze %dma_start3A_50 : memref<1x128xi32, #tpu.memory_space<vmem>> -> memref<128xi32, #tpu.memory_space<vmem>>
      %dma_start3A_52 = arith.constant 0 : i32
      %dma_start3A_53 = arith.constant 0 : i32
      %dma_start3A_54 = tpu.memref_slice %arg2[%dma_start3A_52, %dma_start3A_53] : memref<50176x128xf32, #tpu.memory_space<hbm>> -> memref<50176x128xf32, #tpu.memory_space<hbm>>
      tpu.enqueue_indirect_dma source(%dma_start3A_54 : memref<50176x128xf32, #tpu.memory_space<hbm>>) target(%arg11 : memref<128x128xf32, #tpu.memory_space<vmem>>) offsets(%dma_start3A_51 : memref<128xi32, #tpu.memory_space<vmem>>) semaphore(%arg14 : memref<!tpu.dma_semaphore, #tpu.memory_space<semaphore_mem>>)
      %dma_wait3A_55 = arith.constant 0 : i32
      %dma_wait3A_56 = arith.constant 0 : i32
      %dma_wait3A_57 = tpu.memref_slice %arg2[%dma_wait3A_55, %dma_wait3A_56] : memref<50176x128xf32, #tpu.memory_space<hbm>> -> memref<128x128xf32, #tpu.memory_space<hbm>>
      %dma_wait3A_58 = arith.constant 0 : i32
      %dma_wait3A_59 = arith.constant 0 : i32
      %dma_wait3A_60 = tpu.memref_slice %arg2[%dma_wait3A_58, %dma_wait3A_59] : memref<50176x128xf32, #tpu.memory_space<hbm>> -> memref<128x128xf32, #tpu.memory_space<hbm>>
      tpu.wait_dma2 semaphore(%arg14 : memref<!tpu.dma_semaphore, #tpu.memory_space<semaphore_mem>>) src(%dma_wait3A_60 : memref<128x128xf32, #tpu.memory_space<hbm>>) dst(%arg10 : memref<128x128xf32, #tpu.memory_space<vmem>>)
      %dma_wait3A_61 = arith.constant 0 : i32
      %dma_wait3A_62 = arith.constant 0 : i32
      %dma_wait3A_63 = tpu.memref_slice %arg2[%dma_wait3A_61, %dma_wait3A_62] : memref<50176x128xf32, #tpu.memory_space<hbm>> -> memref<128x128xf32, #tpu.memory_space<hbm>>
      %dma_wait3A_64 = arith.constant 0 : i32
      %dma_wait3A_65 = arith.constant 0 : i32
      %dma_wait3A_66 = tpu.memref_slice %arg2[%dma_wait3A_64, %dma_wait3A_65] : memref<50176x128xf32, #tpu.memory_space<hbm>> -> memref<128x128xf32, #tpu.memory_space<hbm>>
      tpu.wait_dma2 semaphore(%arg14 : memref<!tpu.dma_semaphore, #tpu.memory_space<semaphore_mem>>) src(%dma_wait3A_66 : memref<128x128xf32, #tpu.memory_space<hbm>>) dst(%arg11 : memref<128x128xf32, #tpu.memory_space<vmem>>)
      %scan3A_67 = arith.constant 0 : i32
      %scan3A_68 = arith.constant 0 : i32
      %scan3A_69 = arith.constant 14 : i32
      %scan3A_70 = arith.addi %scan3A_68, %scan3A_69 : i32
      %scan3A_71 = arith.constant 1 : i32
      scf.for %scan3A_146 = %scan3A_68 to %scan3A_70 step %scan3A_71  : i32 {
        %mul3A_147 = arith.constant 9 : i32
        %mul3A_148 = arith.muli %scan3A_146, %mul3A_147 : i32
        %get3A = arith.index_cast %mul3A_148 : i32 to index
        %get3A_149 = arith.constant 0 : index
        %get3A_150 = tpu.vector_load %arg10[%get3A, %get3A_149] {strides = array<i32>} : memref<128x128xf32, #tpu.memory_space<vmem>>, vector<1x16xf32>,
        %get3A_151 = vector.shape_cast %get3A_150 : vector<1x16xf32> to vector<16xf32>
        %get3A_152 = arith.index_cast %mul3A_148 : i32 to index
        %get3A_153 = arith.constant 0 : index
        %get3A_154 = tpu.vector_load %arg11[%get3A_152, %get3A_153] {strides = array<i32>} : memref<128x128xf32, #tpu.memory_space<vmem>>, vector<1x16xf32>,
        %get3A_155 = vector.shape_cast %get3A_154 : vector<1x16xf32> to vector<16xf32>
        %sub3A = arith.subf %get3A_151, %get3A_155 : vector<16xf32>
        %add3A_156 = arith.constant 1 : i32
        %add3A_157 = arith.addi %mul3A_148, %add3A_156 : i32
        %get3A_158 = arith.index_cast %add3A_157 : i32 to index
        %get3A_159 = arith.constant 0 : index
        %get3A_160 = tpu.vector_load %arg10[%get3A_158, %get3A_159] {strides = array<i32>} : memref<128x128xf32, #tpu.memory_space<vmem>>, vector<1x16xf32>,
        %get3A_161 = vector.shape_cast %get3A_160 : vector<1x16xf32> to vector<16xf32>
        %add3A_162 = arith.constant 1 : i32
        %add3A_163 = arith.addi %mul3A_148, %add3A_162 : i32
        %get3A_164 = arith.index_cast %add3A_163 : i32 to index
        %get3A_165 = arith.constant 0 : index
        %get3A_166 = tpu.vector_load %arg11[%get3A_164, %get3A_165] {strides = array<i32>} : memref<128x128xf32, #tpu.memory_space<vmem>>, vector<1x16xf32>,
        %get3A_167 = vector.shape_cast %get3A_166 : vector<1x16xf32> to vector<16xf32>
        %sub3A_168 = arith.subf %get3A_161, %get3A_167 : vector<16xf32>
        %max3A = arith.maximumf %sub3A, %sub3A_168 : vector<16xf32>
        %add3A_169 = arith.constant 2 : i32
        %add3A_170 = arith.addi %mul3A_148, %add3A_169 : i32
        %get3A_171 = arith.index_cast %add3A_170 : i32 to index
        %get3A_172 = arith.constant 0 : index
        %get3A_173 = tpu.vector_load %arg10[%get3A_171, %get3A_172] {strides = array<i32>} : memref<128x128xf32, #tpu.memory_space<vmem>>, vector<1x16xf32>,
        %get3A_174 = vector.shape_cast %get3A_173 : vector<1x16xf32> to vector<16xf32>
        %add3A_175 = arith.constant 2 : i32
        %add3A_176 = arith.addi %mul3A_148, %add3A_175 : i32
        %get3A_177 = arith.index_cast %add3A_176 : i32 to index
        %get3A_178 = arith.constant 0 : index
        %get3A_179 = tpu.vector_load %arg11[%get3A_177, %get3A_178] {strides = array<i32>} : memref<128x128xf32, #tpu.memory_space<vmem>>, vector<1x16xf32>,
        %get3A_180 = vector.shape_cast %get3A_179 : vector<1x16xf32> to vector<16xf32>
        %sub3A_181 = arith.subf %get3A_174, %get3A_180 : vector<16xf32>
        %max3A_182 = arith.maximumf %max3A, %sub3A_181 : vector<16xf32>
        %add3A_183 = arith.constant 3 : i32
        %add3A_184 = arith.addi %mul3A_148, %add3A_183 : i32
        %get3A_185 = arith.index_cast %add3A_184 : i32 to index
        %get3A_186 = arith.constant 0 : index
        %get3A_187 = tpu.vector_load %arg10[%get3A_185, %get3A_186] {strides = array<i32>} : memref<128x128xf32, #tpu.memory_space<vmem>>, vector<1x16xf32>,
        %get3A_188 = vector.shape_cast %get3A_187 : vector<1x16xf32> to vector<16xf32>
        %add3A_189 = arith.constant 3 : i32
        %add3A_190 = arith.addi %mul3A_148, %add3A_189 : i32
        %get3A_191 = arith.index_cast %add3A_190 : i32 to index
        %get3A_192 = arith.constant 0 : index
        %get3A_193 = tpu.vector_load %arg11[%get3A_191, %get3A_192] {strides = array<i32>} : memref<128x128xf32, #tpu.memory_space<vmem>>, vector<1x16xf32>,
        %get3A_194 = vector.shape_cast %get3A_193 : vector<1x16xf32> to vector<16xf32>
        %sub3A_195 = arith.subf %get3A_188, %get3A_194 : vector<16xf32>
        %max3A_196 = arith.maximumf %max3A_182, %sub3A_195 : vector<16xf32>
        %add3A_197 = arith.constant 4 : i32
        %add3A_198 = arith.addi %mul3A_148, %add3A_197 : i32
        %get3A_199 = arith.index_cast %add3A_198 : i32 to index
        %get3A_200 = arith.constant 0 : index
        %get3A_201 = tpu.vector_load %arg10[%get3A_199, %get3A_200] {strides = array<i32>} : memref<128x128xf32, #tpu.memory_space<vmem>>, vector<1x16xf32>,
        %get3A_202 = vector.shape_cast %get3A_201 : vector<1x16xf32> to vector<16xf32>
        %add3A_203 = arith.constant 4 : i32
        %add3A_204 = arith.addi %mul3A_148, %add3A_203 : i32
        %get3A_205 = arith.index_cast %add3A_204 : i32 to index
        %get3A_206 = arith.constant 0 : index
        %get3A_207 = tpu.vector_load %arg11[%get3A_205, %get3A_206] {strides = array<i32>} : memref<128x128xf32, #tpu.memory_space<vmem>>, vector<1x16xf32>,
        %get3A_208 = vector.shape_cast %get3A_207 : vector<1x16xf32> to vector<16xf32>
        %sub3A_209 = arith.subf %get3A_202, %get3A_208 : vector<16xf32>
        %max3A_210 = arith.maximumf %max3A_196, %sub3A_209 : vector<16xf32>
        %add3A_211 = arith.constant 5 : i32
        %add3A_212 = arith.addi %mul3A_148, %add3A_211 : i32
        %get3A_213 = arith.index_cast %add3A_212 : i32 to index
        %get3A_214 = arith.constant 0 : index
        %get3A_215 = tpu.vector_load %arg10[%get3A_213, %get3A_214] {strides = array<i32>} : memref<128x128xf32, #tpu.memory_space<vmem>>, vector<1x16xf32>,
        %get3A_216 = vector.shape_cast %get3A_215 : vector<1x16xf32> to vector<16xf32>
        %add3A_217 = arith.constant 5 : i32
        %add3A_218 = arith.addi %mul3A_148, %add3A_217 : i32
        %get3A_219 = arith.index_cast %add3A_218 : i32 to index
        %get3A_220 = arith.constant 0 : index
        %get3A_221 = tpu.vector_load %arg11[%get3A_219, %get3A_220] {strides = array<i32>} : memref<128x128xf32, #tpu.memory_space<vmem>>, vector<1x16xf32>,
        %get3A_222 = vector.shape_cast %get3A_221 : vector<1x16xf32> to vector<16xf32>
        %sub3A_223 = arith.subf %get3A_216, %get3A_222 : vector<16xf32>
        %max3A_224 = arith.maximumf %max3A_210, %sub3A_223 : vector<16xf32>
        %add3A_225 = arith.constant 6 : i32
        %add3A_226 = arith.addi %mul3A_148, %add3A_225 : i32
        %get3A_227 = arith.index_cast %add3A_226 : i32 to index
        %get3A_228 = arith.constant 0 : index
        %get3A_229 = tpu.vector_load %arg10[%get3A_227, %get3A_228] {strides = array<i32>} : memref<128x128xf32, #tpu.memory_space<vmem>>, vector<1x16xf32>,
        %get3A_230 = vector.shape_cast %get3A_229 : vector<1x16xf32> to vector<16xf32>
        %add3A_231 = arith.constant 6 : i32
        %add3A_232 = arith.addi %mul3A_148, %add3A_231 : i32
        %get3A_233 = arith.index_cast %add3A_232 : i32 to index
        %get3A_234 = arith.constant 0 : index
        %get3A_235 = tpu.vector_load %arg11[%get3A_233, %get3A_234] {strides = array<i32>} : memref<128x128xf32, #tpu.memory_space<vmem>>, vector<1x16xf32>,
        %get3A_236 = vector.shape_cast %get3A_235 : vector<1x16xf32> to vector<16xf32>
        %sub3A_237 = arith.subf %get3A_230, %get3A_236 : vector<16xf32>
        %max3A_238 = arith.maximumf %max3A_224, %sub3A_237 : vector<16xf32>
        %add3A_239 = arith.constant 7 : i32
        %add3A_240 = arith.addi %mul3A_148, %add3A_239 : i32
        %get3A_241 = arith.index_cast %add3A_240 : i32 to index
        %get3A_242 = arith.constant 0 : index
        %get3A_243 = tpu.vector_load %arg10[%get3A_241, %get3A_242] {strides = array<i32>} : memref<128x128xf32, #tpu.memory_space<vmem>>, vector<1x16xf32>,
        %get3A_244 = vector.shape_cast %get3A_243 : vector<1x16xf32> to vector<16xf32>
        %add3A_245 = arith.constant 7 : i32
        %add3A_246 = arith.addi %mul3A_148, %add3A_245 : i32
        %get3A_247 = arith.index_cast %add3A_246 : i32 to index
        %get3A_248 = arith.constant 0 : index
        %get3A_249 = tpu.vector_load %arg11[%get3A_247, %get3A_248] {strides = array<i32>} : memref<128x128xf32, #tpu.memory_space<vmem>>, vector<1x16xf32>,
        %get3A_250 = vector.shape_cast %get3A_249 : vector<1x16xf32> to vector<16xf32>
        %sub3A_251 = arith.subf %get3A_244, %get3A_250 : vector<16xf32>
        %max3A_252 = arith.maximumf %max3A_238, %sub3A_251 : vector<16xf32>
        %add3A_253 = arith.constant 8 : i32
        %add3A_254 = arith.addi %mul3A_148, %add3A_253 : i32
        %get3A_255 = arith.index_cast %add3A_254 : i32 to index
        %get3A_256 = arith.constant 0 : index
        %get3A_257 = tpu.vector_load %arg10[%get3A_255, %get3A_256] {strides = array<i32>} : memref<128x128xf32, #tpu.memory_space<vmem>>, vector<1x16xf32>,
        %get3A_258 = vector.shape_cast %get3A_257 : vector<1x16xf32> to vector<16xf32>
        %add3A_259 = arith.constant 8 : i32
        %add3A_260 = arith.addi %mul3A_148, %add3A_259 : i32
        %get3A_261 = arith.index_cast %add3A_260 : i32 to index
        %get3A_262 = arith.constant 0 : index
        %get3A_263 = tpu.vector_load %arg11[%get3A_261, %get3A_262] {strides = array<i32>} : memref<128x128xf32, #tpu.memory_space<vmem>>, vector<1x16xf32>,
        %get3A_264 = vector.shape_cast %get3A_263 : vector<1x16xf32> to vector<16xf32>
        %sub3A_265 = arith.subf %get3A_258, %get3A_264 : vector<16xf32>
        %max3A_266 = arith.maximumf %max3A_252, %sub3A_265 : vector<16xf32>
        %add3A_267 = arith.constant 14 : i32
        %add3A_268 = arith.addi %add3A_267, %scan3A_146 : i32
        %swap3A = arith.index_cast %add3A_268 : i32 to index
        %swap3A_269 = arith.constant 0 : index
        %swap3A_270 = tpu.vector_load %arg12[%swap3A, %swap3A_269] {strides = array<i32>} : memref<56x128xf32, #tpu.memory_space<vmem>>, vector<1x16xf32>,
        %swap3A_271 = vector.shape_cast %swap3A_270 : vector<1x16xf32> to vector<16xf32>
        %swap3A_272 = vector.shape_cast %max3A_266 : vector<16xf32> to vector<1x16xf32>
        tpu.vector_store %arg12[%swap3A, %swap3A_269], %swap3A_272 {strides = array<i32>} : memref<56x128xf32, #tpu.memory_space<vmem>>, vector<1x16xf32>,
        %get3A_273 = arith.index_cast %mul3A_148 : i32 to index
        %get3A_274 = arith.constant 16 : index
        %get3A_275 = tpu.vector_load %arg10[%get3A_273, %get3A_274] {strides = array<i32>} : memref<128x128xf32, #tpu.memory_space<vmem>>, vector<1x16xf32>,
        %get3A_276 = vector.shape_cast %get3A_275 : vector<1x16xf32> to vector<16xf32>
        %get3A_277 = arith.index_cast %mul3A_148 : i32 to index
        %get3A_278 = arith.constant 16 : index
        %get3A_279 = tpu.vector_load %arg11[%get3A_277, %get3A_278] {strides = array<i32>} : memref<128x128xf32, #tpu.memory_space<vmem>>, vector<1x16xf32>,
        %get3A_280 = vector.shape_cast %get3A_279 : vector<1x16xf32> to vector<16xf32>
        %sub3A_281 = arith.subf %get3A_276, %get3A_280 : vector<16xf32>
        %add3A_282 = arith.constant 1 : i32
        %add3A_283 = arith.addi %mul3A_148, %add3A_282 : i32
        %get3A_284 = arith.index_cast %add3A_283 : i32 to index
        %get3A_285 = arith.constant 16 : index
        %get3A_286 = tpu.vector_load %arg10[%get3A_284, %get3A_285] {strides = array<i32>} : memref<128x128xf32, #tpu.memory_space<vmem>>, vector<1x16xf32>,
        %get3A_287 = vector.shape_cast %get3A_286 : vector<1x16xf32> to vector<16xf32>
        %add3A_288 = arith.constant 1 : i32
        %add3A_289 = arith.addi %mul3A_148, %add3A_288 : i32
        %get3A_290 = arith.index_cast %add3A_289 : i32 to index
        %get3A_291 = arith.constant 16 : index
        %get3A_292 = tpu.vector_load %arg11[%get3A_290, %get3A_291] {strides = array<i32>} : memref<128x128xf32, #tpu.memory_space<vmem>>, vector<1x16xf32>,
        %get3A_293 = vector.shape_cast %get3A_292 : vector<1x16xf32> to vector<16xf32>
        %sub3A_294 = arith.subf %get3A_287, %get3A_293 : vector<16xf32>
        %max3A_295 = arith.maximumf %sub3A_281, %sub3A_294 : vector<16xf32>
        %add3A_296 = arith.constant 2 : i32
        %add3A_297 = arith.addi %mul3A_148, %add3A_296 : i32
        %get3A_298 = arith.index_cast %add3A_297 : i32 to index
        %get3A_299 = arith.constant 16 : index
        %get3A_300 = tpu.vector_load %arg10[%get3A_298, %get3A_299] {strides = array<i32>} : memref<128x128xf32, #tpu.memory_space<vmem>>, vector<1x16xf32>,
        %get3A_301 = vector.shape_cast %get3A_300 : vector<1x16xf32> to vector<16xf32>
        %add3A_302 = arith.constant 2 : i32
        %add3A_303 = arith.addi %mul3A_148, %add3A_302 : i32
        %get3A_304 = arith.index_cast %add3A_303 : i32 to index
        %get3A_305 = arith.constant 16 : index
        %get3A_306 = tpu.vector_load %arg11[%get3A_304, %get3A_305] {strides = array<i32>} : memref<128x128xf32, #tpu.memory_space<vmem>>, vector<1x16xf32>,
        %get3A_307 = vector.shape_cast %get3A_306 : vector<1x16xf32> to vector<16xf32>
        %sub3A_308 = arith.subf %get3A_301, %get3A_307 : vector<16xf32>
        %max3A_309 = arith.maximumf %max3A_295, %sub3A_308 : vector<16xf32>
        %add3A_310 = arith.constant 3 : i32
        %add3A_311 = arith.addi %mul3A_148, %add3A_310 : i32
        %get3A_312 = arith.index_cast %add3A_311 : i32 to index
        %get3A_313 = arith.constant 16 : index
        %get3A_314 = tpu.vector_load %arg10[%get3A_312, %get3A_313] {strides = array<i32>} : memref<128x128xf32, #tpu.memory_space<vmem>>, vector<1x16xf32>,
        %get3A_315 = vector.shape_cast %get3A_314 : vector<1x16xf32> to vector<16xf32>
        %add3A_316 = arith.constant 3 : i32
        %add3A_317 = arith.addi %mul3A_148, %add3A_316 : i32
        %get3A_318 = arith.index_cast %add3A_317 : i32 to index
        %get3A_319 = arith.constant 16 : index
        %get3A_320 = tpu.vector_load %arg11[%get3A_318, %get3A_319] {strides = array<i32>} : memref<128x128xf32, #tpu.memory_space<vmem>>, vector<1x16xf32>,
        %get3A_321 = vector.shape_cast %get3A_320 : vector<1x16xf32> to vector<16xf32>
        %sub3A_322 = arith.subf %get3A_315, %get3A_321 : vector<16xf32>
        %max3A_323 = arith.maximumf %max3A_309, %sub3A_322 : vector<16xf32>
        %add3A_324 = arith.constant 4 : i32
        %add3A_325 = arith.addi %mul3A_148, %add3A_324 : i32
        %get3A_326 = arith.index_cast %add3A_325 : i32 to index
        %get3A_327 = arith.constant 16 : index
        %get3A_328 = tpu.vector_load %arg10[%get3A_326, %get3A_327] {strides = array<i32>} : memref<128x128xf32, #tpu.memory_space<vmem>>, vector<1x16xf32>,
        %get3A_329 = vector.shape_cast %get3A_328 : vector<1x16xf32> to vector<16xf32>
        %add3A_330 = arith.constant 4 : i32
        %add3A_331 = arith.addi %mul3A_148, %add3A_330 : i32
        %get3A_332 = arith.index_cast %add3A_331 : i32 to index
        %get3A_333 = arith.constant 16 : index
        %get3A_334 = tpu.vector_load %arg11[%get3A_332, %get3A_333] {strides = array<i32>} : memref<128x128xf32, #tpu.memory_space<vmem>>, vector<1x16xf32>,
        %get3A_335 = vector.shape_cast %get3A_334 : vector<1x16xf32> to vector<16xf32>
        %sub3A_336 = arith.subf %get3A_329, %get3A_335 : vector<16xf32>
        %max3A_337 = arith.maximumf %max3A_323, %sub3A_336 : vector<16xf32>
        %add3A_338 = arith.constant 5 : i32
        %add3A_339 = arith.addi %mul3A_148, %add3A_338 : i32
        %get3A_340 = arith.index_cast %add3A_339 : i32 to index
        %get3A_341 = arith.constant 16 : index
        %get3A_342 = tpu.vector_load %arg10[%get3A_340, %get3A_341] {strides = array<i32>} : memref<128x128xf32, #tpu.memory_space<vmem>>, vector<1x16xf32>,
        %get3A_343 = vector.shape_cast %get3A_342 : vector<1x16xf32> to vector<16xf32>
        %add3A_344 = arith.constant 5 : i32
        %add3A_345 = arith.addi %mul3A_148, %add3A_344 : i32
        %get3A_346 = arith.index_cast %add3A_345 : i32 to index
        %get3A_347 = arith.constant 16 : index
        %get3A_348 = tpu.vector_load %arg11[%get3A_346, %get3A_347] {strides = array<i32>} : memref<128x128xf32, #tpu.memory_space<vmem>>, vector<1x16xf32>,
        %get3A_349 = vector.shape_cast %get3A_348 : vector<1x16xf32> to vector<16xf32>
        %sub3A_350 = arith.subf %get3A_343, %get3A_349 : vector<16xf32>
        %max3A_351 = arith.maximumf %max3A_337, %sub3A_350 : vector<16xf32>
        %add3A_352 = arith.constant 6 : i32
        %add3A_353 = arith.addi %mul3A_148, %add3A_352 : i32
        %get3A_354 = arith.index_cast %add3A_353 : i32 to index
        %get3A_355 = arith.constant 16 : index
        %get3A_356 = tpu.vector_load %arg10[%get3A_354, %get3A_355] {strides = array<i32>} : memref<128x128xf32, #tpu.memory_space<vmem>>, vector<1x16xf32>,
        %get3A_357 = vector.shape_cast %get3A_356 : vector<1x16xf32> to vector<16xf32>
        %add3A_358 = arith.constant 6 : i32
        %add3A_359 = arith.addi %mul3A_148, %add3A_358 : i32
        %get3A_360 = arith.index_cast %add3A_359 : i32 to index
        %get3A_361 = arith.constant 16 : index
        %get3A_362 = tpu.vector_load %arg11[%get3A_360, %get3A_361] {strides = array<i32>} : memref<128x128xf32, #tpu.memory_space<vmem>>, vector<1x16xf32>,
        %get3A_363 = vector.shape_cast %get3A_362 : vector<1x16xf32> to vector<16xf32>
        %sub3A_364 = arith.subf %get3A_357, %get3A_363 : vector<16xf32>
        %max3A_365 = arith.maximumf %max3A_351, %sub3A_364 : vector<16xf32>
        %add3A_366 = arith.constant 7 : i32
        %add3A_367 = arith.addi %mul3A_148, %add3A_366 : i32
        %get3A_368 = arith.index_cast %add3A_367 : i32 to index
        %get3A_369 = arith.constant 16 : index
        %get3A_370 = tpu.vector_load %arg10[%get3A_368, %get3A_369] {strides = array<i32>} : memref<128x128xf32, #tpu.memory_space<vmem>>, vector<1x16xf32>,
        %get3A_371 = vector.shape_cast %get3A_370 : vector<1x16xf32> to vector<16xf32>
        %add3A_372 = arith.constant 7 : i32
        %add3A_373 = arith.addi %mul3A_148, %add3A_372 : i32
        %get3A_374 = arith.index_cast %add3A_373 : i32 to index
        %get3A_375 = arith.constant 16 : index
        %get3A_376 = tpu.vector_load %arg11[%get3A_374, %get3A_375] {strides = array<i32>} : memref<128x128xf32, #tpu.memory_space<vmem>>, vector<1x16xf32>,
        %get3A_377 = vector.shape_cast %get3A_376 : vector<1x16xf32> to vector<16xf32>
        %sub3A_378 = arith.subf %get3A_371, %get3A_377 : vector<16xf32>
        %max3A_379 = arith.maximumf %max3A_365, %sub3A_378 : vector<16xf32>
        %add3A_380 = arith.constant 8 : i32
        %add3A_381 = arith.addi %mul3A_148, %add3A_380 : i32
        %get3A_382 = arith.index_cast %add3A_381 : i32 to index
        %get3A_383 = arith.constant 16 : index
        %get3A_384 = tpu.vector_load %arg10[%get3A_382, %get3A_383] {strides = array<i32>} : memref<128x128xf32, #tpu.memory_space<vmem>>, vector<1x16xf32>,
        %get3A_385 = vector.shape_cast %get3A_384 : vector<1x16xf32> to vector<16xf32>
        %add3A_386 = arith.constant 8 : i32
        %add3A_387 = arith.addi %mul3A_148, %add3A_386 : i32
        %get3A_388 = arith.index_cast %add3A_387 : i32 to index
        %get3A_389 = arith.constant 16 : index
        %get3A_390 = tpu.vector_load %arg11[%get3A_388, %get3A_389] {strides = array<i32>} : memref<128x128xf32, #tpu.memory_space<vmem>>, vector<1x16xf32>,
        %get3A_391 = vector.shape_cast %get3A_390 : vector<1x16xf32> to vector<16xf32>
        %sub3A_392 = arith.subf %get3A_385, %get3A_391 : vector<16xf32>
        %max3A_393 = arith.maximumf %max3A_379, %sub3A_392 : vector<16xf32>
        %add3A_394 = arith.constant 14 : i32
        %add3A_395 = arith.addi %add3A_394, %scan3A_146 : i32
        %swap3A_396 = arith.index_cast %add3A_395 : i32 to index
        %swap3A_397 = arith.constant 16 : index
        %swap3A_398 = tpu.vector_load %arg12[%swap3A_396, %swap3A_397] {strides = array<i32>} : memref<56x128xf32, #tpu.memory_space<vmem>>, vector<1x16xf32>,
        %swap3A_399 = vector.shape_cast %swap3A_398 : vector<1x16xf32> to vector<16xf32>
        %swap3A_400 = vector.shape_cast %max3A_393 : vector<16xf32> to vector<1x16xf32>
        tpu.vector_store %arg12[%swap3A_396, %swap3A_397], %swap3A_400 {strides = array<i32>} : memref<56x128xf32, #tpu.memory_space<vmem>>, vector<1x16xf32>,
        %get3A_401 = arith.index_cast %mul3A_148 : i32 to index
        %get3A_402 = arith.constant 32 : index
        %get3A_403 = tpu.vector_load %arg10[%get3A_401, %get3A_402] {strides = array<i32>} : memref<128x128xf32, #tpu.memory_space<vmem>>, vector<1x16xf32>,
        %get3A_404 = vector.shape_cast %get3A_403 : vector<1x16xf32> to vector<16xf32>
        %get3A_405 = arith.index_cast %mul3A_148 : i32 to index
        %get3A_406 = arith.constant 32 : index
        %get3A_407 = tpu.vector_load %arg11[%get3A_405, %get3A_406] {strides = array<i32>} : memref<128x128xf32, #tpu.memory_space<vmem>>, vector<1x16xf32>,
        %get3A_408 = vector.shape_cast %get3A_407 : vector<1x16xf32> to vector<16xf32>
        %sub3A_409 = arith.subf %get3A_404, %get3A_408 : vector<16xf32>
        %add3A_410 = arith.constant 1 : i32
        %add3A_411 = arith.addi %mul3A_148, %add3A_410 : i32
        %get3A_412 = arith.index_cast %add3A_411 : i32 to index
        %get3A_413 = arith.constant 32 : index
        %get3A_414 = tpu.vector_load %arg10[%get3A_412, %get3A_413] {strides = array<i32>} : memref<128x128xf32, #tpu.memory_space<vmem>>, vector<1x16xf32>,
        %get3A_415 = vector.shape_cast %get3A_414 : vector<1x16xf32> to vector<16xf32>
        %add3A_416 = arith.constant 1 : i32
        %add3A_417 = arith.addi %mul3A_148, %add3A_416 : i32
        %get3A_418 = arith.index_cast %add3A_417 : i32 to index
        %get3A_419 = arith.constant 32 : index
        %get3A_420 = tpu.vector_load %arg11[%get3A_418, %get3A_419] {strides = array<i32>} : memref<128x128xf32, #tpu.memory_space<vmem>>, vector<1x16xf32>,
        %get3A_421 = vector.shape_cast %get3A_420 : vector<1x16xf32> to vector<16xf32>
        %sub3A_422 = arith.subf %get3A_415, %get3A_421 : vector<16xf32>
        %max3A_423 = arith.maximumf %sub3A_409, %sub3A_422 : vector<16xf32>
        %add3A_424 = arith.constant 2 : i32
        %add3A_425 = arith.addi %mul3A_148, %add3A_424 : i32
        %get3A_426 = arith.index_cast %add3A_425 : i32 to index
        %get3A_427 = arith.constant 32 : index
        %get3A_428 = tpu.vector_load %arg10[%get3A_426, %get3A_427] {strides = array<i32>} : memref<128x128xf32, #tpu.memory_space<vmem>>, vector<1x16xf32>,
        %get3A_429 = vector.shape_cast %get3A_428 : vector<1x16xf32> to vector<16xf32>
        %add3A_430 = arith.constant 2 : i32
        %add3A_431 = arith.addi %mul3A_148, %add3A_430 : i32
        %get3A_432 = arith.index_cast %add3A_431 : i32 to index
        %get3A_433 = arith.constant 32 : index
        %get3A_434 = tpu.vector_load %arg11[%get3A_432, %get3A_433] {strides = array<i32>} : memref<128x128xf32, #tpu.memory_space<vmem>>, vector<1x16xf32>,
        %get3A_435 = vector.shape_cast %get3A_434 : vector<1x16xf32> to vector<16xf32>
        %sub3A_436 = arith.subf %get3A_429, %get3A_435 : vector<16xf32>
        %max3A_437 = arith.maximumf %max3A_423, %sub3A_436 : vector<16xf32>
        %add3A_438 = arith.constant 3 : i32
        %add3A_439 = arith.addi %mul3A_148, %add3A_438 : i32
        %get3A_440 = arith.index_cast %add3A_439 : i32 to index
        %get3A_441 = arith.constant 32 : index
        %get3A_442 = tpu.vector_load %arg10[%get3A_440, %get3A_441] {strides = array<i32>} : memref<128x128xf32, #tpu.memory_space<vmem>>, vector<1x16xf32>,
        %get3A_443 = vector.shape_cast %get3A_442 : vector<1x16xf32> to vector<16xf32>
        %add3A_444 = arith.constant 3 : i32
        %add3A_445 = arith.addi %mul3A_148, %add3A_444 : i32
        %get3A_446 = arith.index_cast %add3A_445 : i32 to index
        %get3A_447 = arith.constant 32 : index
        %get3A_448 = tpu.vector_load %arg11[%get3A_446, %get3A_447] {strides = array<i32>} : memref<128x128xf32, #tpu.memory_space<vmem>>, vector<1x16xf32>,
        %get3A_449 = vector.shape_cast %get3A_448 : vector<1x16xf32> to vector<16xf32>
        %sub3A_450 = arith.subf %get3A_443, %get3A_449 : vector<16xf32>
        %max3A_451 = arith.maximumf %max3A_437, %sub3A_450 : vector<16xf32>
        %add3A_452 = arith.constant 4 : i32
        %add3A_453 = arith.addi %mul3A_148, %add3A_452 : i32
        %get3A_454 = arith.index_cast %add3A_453 : i32 to index
        %get3A_455 = arith.constant 32 : index
        %get3A_456 = tpu.vector_load %arg10[%get3A_454, %get3A_455] {strides = array<i32>} : memref<128x128xf32, #tpu.memory_space<vmem>>, vector<1x16xf32>,
        %get3A_457 = vector.shape_cast %get3A_456 : vector<1x16xf32> to vector<16xf32>
        %add3A_458 = arith.constant 4 : i32
        %add3A_459 = arith.addi %mul3A_148, %add3A_458 : i32
        %get3A_460 = arith.index_cast %add3A_459 : i32 to index
        %get3A_461 = arith.constant 32 : index
        %get3A_462 = tpu.vector_load %arg11[%get3A_460, %get3A_461] {strides = array<i32>} : memref<128x128xf32, #tpu.memory_space<vmem>>, vector<1x16xf32>,
        %get3A_463 = vector.shape_cast %get3A_462 : vector<1x16xf32> to vector<16xf32>
        %sub3A_464 = arith.subf %get3A_457, %get3A_463 : vector<16xf32>
        %max3A_465 = arith.maximumf %max3A_451, %sub3A_464 : vector<16xf32>
        %add3A_466 = arith.constant 5 : i32
        %add3A_467 = arith.addi %mul3A_148, %add3A_466 : i32
        %get3A_468 = arith.index_cast %add3A_467 : i32 to index
        %get3A_469 = arith.constant 32 : index
        %get3A_470 = tpu.vector_load %arg10[%get3A_468, %get3A_469] {strides = array<i32>} : memref<128x128xf32, #tpu.memory_space<vmem>>, vector<1x16xf32>,
        %get3A_471 = vector.shape_cast %get3A_470 : vector<1x16xf32> to vector<16xf32>
        %add3A_472 = arith.constant 5 : i32
        %add3A_473 = arith.addi %mul3A_148, %add3A_472 : i32
        %get3A_474 = arith.index_cast %add3A_473 : i32 to index
        %get3A_475 = arith.constant 32 : index
        %get3A_476 = tpu.vector_load %arg11[%get3A_474, %get3A_475] {strides = array<i32>} : memref<128x128xf32, #tpu.memory_space<vmem>>, vector<1x16xf32>,
        %get3A_477 = vector.shape_cast %get3A_476 : vector<1x16xf32> to vector<16xf32>
        %sub3A_478 = arith.subf %get3A_471, %get3A_477 : vector<16xf32>
        %max3A_479 = arith.maximumf %max3A_465, %sub3A_478 : vector<16xf32>
        %add3A_480 = arith.constant 6 : i32
        %add3A_481 = arith.addi %mul3A_148, %add3A_480 : i32
        %get3A_482 = arith.index_cast %add3A_481 : i32 to index
        %get3A_483 = arith.constant 32 : index
        %get3A_484 = tpu.vector_load %arg10[%get3A_482, %get3A_483] {strides = array<i32>} : memref<128x128xf32, #tpu.memory_space<vmem>>, vector<1x16xf32>,
        %get3A_485 = vector.shape_cast %get3A_484 : vector<1x16xf32> to vector<16xf32>
        %add3A_486 = arith.constant 6 : i32
        %add3A_487 = arith.addi %mul3A_148, %add3A_486 : i32
        %get3A_488 = arith.index_cast %add3A_487 : i32 to index
        %get3A_489 = arith.constant 32 : index
        %get3A_490 = tpu.vector_load %arg11[%get3A_488, %get3A_489] {strides = array<i32>} : memref<128x128xf32, #tpu.memory_space<vmem>>, vector<1x16xf32>,
        %get3A_491 = vector.shape_cast %get3A_490 : vector<1x16xf32> to vector<16xf32>
        %sub3A_492 = arith.subf %get3A_485, %get3A_491 : vector<16xf32>
        %max3A_493 = arith.maximumf %max3A_479, %sub3A_492 : vector<16xf32>
        %add3A_494 = arith.constant 7 : i32
        %add3A_495 = arith.addi %mul3A_148, %add3A_494 : i32
        %get3A_496 = arith.index_cast %add3A_495 : i32 to index
        %get3A_497 = arith.constant 32 : index
        %get3A_498 = tpu.vector_load %arg10[%get3A_496, %get3A_497] {strides = array<i32>} : memref<128x128xf32, #tpu.memory_space<vmem>>, vector<1x16xf32>,
        %get3A_499 = vector.shape_cast %get3A_498 : vector<1x16xf32> to vector<16xf32>
        %add3A_500 = arith.constant 7 : i32
        %add3A_501 = arith.addi %mul3A_148, %add3A_500 : i32
        %get3A_502 = arith.index_cast %add3A_501 : i32 to index
        %get3A_503 = arith.constant 32 : index
        %get3A_504 = tpu.vector_load %arg11[%get3A_502, %get3A_503] {strides = array<i32>} : memref<128x128xf32, #tpu.memory_space<vmem>>, vector<1x16xf32>,
        %get3A_505 = vector.shape_cast %get3A_504 : vector<1x16xf32> to vector<16xf32>
        %sub3A_506 = arith.subf %get3A_499, %get3A_505 : vector<16xf32>
        %max3A_507 = arith.maximumf %max3A_493, %sub3A_506 : vector<16xf32>
        %add3A_508 = arith.constant 8 : i32
        %add3A_509 = arith.addi %mul3A_148, %add3A_508 : i32
        %get3A_510 = arith.index_cast %add3A_509 : i32 to index
        %get3A_511 = arith.constant 32 : index
        %get3A_512 = tpu.vector_load %arg10[%get3A_510, %get3A_511] {strides = array<i32>} : memref<128x128xf32, #tpu.memory_space<vmem>>, vector<1x16xf32>,
        %get3A_513 = vector.shape_cast %get3A_512 : vector<1x16xf32> to vector<16xf32>
        %add3A_514 = arith.constant 8 : i32
        %add3A_515 = arith.addi %mul3A_148, %add3A_514 : i32
        %get3A_516 = arith.index_cast %add3A_515 : i32 to index
        %get3A_517 = arith.constant 32 : index
        %get3A_518 = tpu.vector_load %arg11[%get3A_516, %get3A_517] {strides = array<i32>} : memref<128x128xf32, #tpu.memory_space<vmem>>, vector<1x16xf32>,
        %get3A_519 = vector.shape_cast %get3A_518 : vector<1x16xf32> to vector<16xf32>
        %sub3A_520 = arith.subf %get3A_513, %get3A_519 : vector<16xf32>
        %max3A_521 = arith.maximumf %max3A_507, %sub3A_520 : vector<16xf32>
        %add3A_522 = arith.constant 14 : i32
        %add3A_523 = arith.addi %add3A_522, %scan3A_146 : i32
        %swap3A_524 = arith.index_cast %add3A_523 : i32 to index
        %swap3A_525 = arith.constant 32 : index
        %swap3A_526 = tpu.vector_load %arg12[%swap3A_524, %swap3A_525] {strides = array<i32>} : memref<56x128xf32, #tpu.memory_space<vmem>>, vector<1x16xf32>,
        %swap3A_527 = vector.shape_cast %swap3A_526 : vector<1x16xf32> to vector<16xf32>
        %swap3A_528 = vector.shape_cast %max3A_521 : vector<16xf32> to vector<1x16xf32>
        tpu.vector_store %arg12[%swap3A_524, %swap3A_525], %swap3A_528 {strides = array<i32>} : memref<56x128xf32, #tpu.memory_space<vmem>>, vector<1x16xf32>,
        %get3A_529 = arith.index_cast %mul3A_148 : i32 to index
        %get3A_530 = arith.constant 48 : index
        %get3A_531 = tpu.vector_load %arg10[%get3A_529, %get3A_530] {strides = array<i32>} : memref<128x128xf32, #tpu.memory_space<vmem>>, vector<1x16xf32>,
        %get3A_532 = vector.shape_cast %get3A_531 : vector<1x16xf32> to vector<16xf32>
        %get3A_533 = arith.index_cast %mul3A_148 : i32 to index
        %get3A_534 = arith.constant 48 : index
        %get3A_535 = tpu.vector_load %arg11[%get3A_533, %get3A_534] {strides = array<i32>} : memref<128x128xf32, #tpu.memory_space<vmem>>, vector<1x16xf32>,
        %get3A_536 = vector.shape_cast %get3A_535 : vector<1x16xf32> to vector<16xf32>
        %sub3A_537 = arith.subf %get3A_532, %get3A_536 : vector<16xf32>
        %add3A_538 = arith.constant 1 : i32
        %add3A_539 = arith.addi %mul3A_148, %add3A_538 : i32
        %get3A_540 = arith.index_cast %add3A_539 : i32 to index
        %get3A_541 = arith.constant 48 : index
        %get3A_542 = tpu.vector_load %arg10[%get3A_540, %get3A_541] {strides = array<i32>} : memref<128x128xf32, #tpu.memory_space<vmem>>, vector<1x16xf32>,
        %get3A_543 = vector.shape_cast %get3A_542 : vector<1x16xf32> to vector<16xf32>
        %add3A_544 = arith.constant 1 : i32
        %add3A_545 = arith.addi %mul3A_148, %add3A_544 : i32
        %get3A_546 = arith.index_cast %add3A_545 : i32 to index
        %get3A_547 = arith.constant 48 : index
        %get3A_548 = tpu.vector_load %arg11[%get3A_546, %get3A_547] {strides = array<i32>} : memref<128x128xf32, #tpu.memory_space<vmem>>, vector<1x16xf32>,
        %get3A_549 = vector.shape_cast %get3A_548 : vector<1x16xf32> to vector<16xf32>
        %sub3A_550 = arith.subf %get3A_543, %get3A_549 : vector<16xf32>
        %max3A_551 = arith.maximumf %sub3A_537, %sub3A_550 : vector<16xf32>
        %add3A_552 = arith.constant 2 : i32
        %add3A_553 = arith.addi %mul3A_148, %add3A_552 : i32
        %get3A_554 = arith.index_cast %add3A_553 : i32 to index
        %get3A_555 = arith.constant 48 : index
        %get3A_556 = tpu.vector_load %arg10[%get3A_554, %get3A_555] {strides = array<i32>} : memref<128x128xf32, #tpu.memory_space<vmem>>, vector<1x16xf32>,
        %get3A_557 = vector.shape_cast %get3A_556 : vector<1x16xf32> to vector<16xf32>
        %add3A_558 = arith.constant 2 : i32
        %add3A_559 = arith.addi %mul3A_148, %add3A_558 : i32
        %get3A_560 = arith.index_cast %add3A_559 : i32 to index
        %get3A_561 = arith.constant 48 : index
        %get3A_562 = tpu.vector_load %arg11[%get3A_560, %get3A_561] {strides = array<i32>} : memref<128x128xf32, #tpu.memory_space<vmem>>, vector<1x16xf32>,
        %get3A_563 = vector.shape_cast %get3A_562 : vector<1x16xf32> to vector<16xf32>
        %sub3A_564 = arith.subf %get3A_557, %get3A_563 : vector<16xf32>
        %max3A_565 = arith.maximumf %max3A_551, %sub3A_564 : vector<16xf32>
        %add3A_566 = arith.constant 3 : i32
        %add3A_567 = arith.addi %mul3A_148, %add3A_566 : i32
        %get3A_568 = arith.index_cast %add3A_567 : i32 to index
        %get3A_569 = arith.constant 48 : index
        %get3A_570 = tpu.vector_load %arg10[%get3A_568, %get3A_569] {strides = array<i32>} : memref<128x128xf32, #tpu.memory_space<vmem>>, vector<1x16xf32>,
        %get3A_571 = vector.shape_cast %get3A_570 : vector<1x16xf32> to vector<16xf32>
        %add3A_572 = arith.constant 3 : i32
        %add3A_573 = arith.addi %mul3A_148, %add3A_572 : i32
        %get3A_574 = arith.index_cast %add3A_573 : i32 to index
        %get3A_575 = arith.constant 48 : index
        %get3A_576 = tpu.vector_load %arg11[%get3A_574, %get3A_575] {strides = array<i32>} : memref<128x128xf32, #tpu.memory_space<vmem>>, vector<1x16xf32>,
        %get3A_577 = vector.shape_cast %get3A_576 : vector<1x16xf32> to vector<16xf32>
        %sub3A_578 = arith.subf %get3A_571, %get3A_577 : vector<16xf32>
        %max3A_579 = arith.maximumf %max3A_565, %sub3A_578 : vector<16xf32>
        %add3A_580 = arith.constant 4 : i32
        %add3A_581 = arith.addi %mul3A_148, %add3A_580 : i32
        %get3A_582 = arith.index_cast %add3A_581 : i32 to index
        %get3A_583 = arith.constant 48 : index
        %get3A_584 = tpu.vector_load %arg10[%get3A_582, %get3A_583] {strides = array<i32>} : memref<128x128xf32, #tpu.memory_space<vmem>>, vector<1x16xf32>,
        %get3A_585 = vector.shape_cast %get3A_584 : vector<1x16xf32> to vector<16xf32>
        %add3A_586 = arith.constant 4 : i32
        %add3A_587 = arith.addi %mul3A_148, %add3A_586 : i32
        %get3A_588 = arith.index_cast %add3A_587 : i32 to index
        %get3A_589 = arith.constant 48 : index
        %get3A_590 = tpu.vector_load %arg11[%get3A_588, %get3A_589] {strides = array<i32>} : memref<128x128xf32, #tpu.memory_space<vmem>>, vector<1x16xf32>,
        %get3A_591 = vector.shape_cast %get3A_590 : vector<1x16xf32> to vector<16xf32>
        %sub3A_592 = arith.subf %get3A_585, %get3A_591 : vector<16xf32>
        %max3A_593 = arith.maximumf %max3A_579, %sub3A_592 : vector<16xf32>
        %add3A_594 = arith.constant 5 : i32
        %add3A_595 = arith.addi %mul3A_148, %add3A_594 : i32
        %get3A_596 = arith.index_cast %add3A_595 : i32 to index
        %get3A_597 = arith.constant 48 : index
        %get3A_598 = tpu.vector_load %arg10[%get3A_596, %get3A_597] {strides = array<i32>} : memref<128x128xf32, #tpu.memory_space<vmem>>, vector<1x16xf32>,
        %get3A_599 = vector.shape_cast %get3A_598 : vector<1x16xf32> to vector<16xf32>
        %add3A_600 = arith.constant 5 : i32
        %add3A_601 = arith.addi %mul3A_148, %add3A_600 : i32
        %get3A_602 = arith.index_cast %add3A_601 : i32 to index
        %get3A_603 = arith.constant 48 : index
        %get3A_604 = tpu.vector_load %arg11[%get3A_602, %get3A_603] {strides = array<i32>} : memref<128x128xf32, #tpu.memory_space<vmem>>, vector<1x16xf32>,
        %get3A_605 = vector.shape_cast %get3A_604 : vector<1x16xf32> to vector<16xf32>
        %sub3A_606 = arith.subf %get3A_599, %get3A_605 : vector<16xf32>
        %max3A_607 = arith.maximumf %max3A_593, %sub3A_606 : vector<16xf32>
        %add3A_608 = arith.constant 6 : i32
        %add3A_609 = arith.addi %mul3A_148, %add3A_608 : i32
        %get3A_610 = arith.index_cast %add3A_609 : i32 to index
        %get3A_611 = arith.constant 48 : index
        %get3A_612 = tpu.vector_load %arg10[%get3A_610, %get3A_611] {strides = array<i32>} : memref<128x128xf32, #tpu.memory_space<vmem>>, vector<1x16xf32>,
        %get3A_613 = vector.shape_cast %get3A_612 : vector<1x16xf32> to vector<16xf32>
        %add3A_614 = arith.constant 6 : i32
        %add3A_615 = arith.addi %mul3A_148, %add3A_614 : i32
        %get3A_616 = arith.index_cast %add3A_615 : i32 to index
        %get3A_617 = arith.constant 48 : index
        %get3A_618 = tpu.vector_load %arg11[%get3A_616, %get3A_617] {strides = array<i32>} : memref<128x128xf32, #tpu.memory_space<vmem>>, vector<1x16xf32>,
        %get3A_619 = vector.shape_cast %get3A_618 : vector<1x16xf32> to vector<16xf32>
        %sub3A_620 = arith.subf %get3A_613, %get3A_619 : vector<16xf32>
        %max3A_621 = arith.maximumf %max3A_607, %sub3A_620 : vector<16xf32>
        %add3A_622 = arith.constant 7 : i32
        %add3A_623 = arith.addi %mul3A_148, %add3A_622 : i32
        %get3A_624 = arith.index_cast %add3A_623 : i32 to index
        %get3A_625 = arith.constant 48 : index
        %get3A_626 = tpu.vector_load %arg10[%get3A_624, %get3A_625] {strides = array<i32>} : memref<128x128xf32, #tpu.memory_space<vmem>>, vector<1x16xf32>,
        %get3A_627 = vector.shape_cast %get3A_626 : vector<1x16xf32> to vector<16xf32>
        %add3A_628 = arith.constant 7 : i32
        %add3A_629 = arith.addi %mul3A_148, %add3A_628 : i32
        %get3A_630 = arith.index_cast %add3A_629 : i32 to index
        %get3A_631 = arith.constant 48 : index
        %get3A_632 = tpu.vector_load %arg11[%get3A_630, %get3A_631] {strides = array<i32>} : memref<128x128xf32, #tpu.memory_space<vmem>>, vector<1x16xf32>,
        %get3A_633 = vector.shape_cast %get3A_632 : vector<1x16xf32> to vector<16xf32>
        %sub3A_634 = arith.subf %get3A_627, %get3A_633 : vector<16xf32>
        %max3A_635 = arith.maximumf %max3A_621, %sub3A_634 : vector<16xf32>
        %add3A_636 = arith.constant 8 : i32
        %add3A_637 = arith.addi %mul3A_148, %add3A_636 : i32
        %get3A_638 = arith.index_cast %add3A_637 : i32 to index
        %get3A_639 = arith.constant 48 : index
        %get3A_640 = tpu.vector_load %arg10[%get3A_638, %get3A_639] {strides = array<i32>} : memref<128x128xf32, #tpu.memory_space<vmem>>, vector<1x16xf32>,
        %get3A_641 = vector.shape_cast %get3A_640 : vector<1x16xf32> to vector<16xf32>
        %add3A_642 = arith.constant 8 : i32
        %add3A_643 = arith.addi %mul3A_148, %add3A_642 : i32
        %get3A_644 = arith.index_cast %add3A_643 : i32 to index
        %get3A_645 = arith.constant 48 : index
        %get3A_646 = tpu.vector_load %arg11[%get3A_644, %get3A_645] {strides = array<i32>} : memref<128x128xf32, #tpu.memory_space<vmem>>, vector<1x16xf32>,
        %get3A_647 = vector.shape_cast %get3A_646 : vector<1x16xf32> to vector<16xf32>
        %sub3A_648 = arith.subf %get3A_641, %get3A_647 : vector<16xf32>
        %max3A_649 = arith.maximumf %max3A_635, %sub3A_648 : vector<16xf32>
        %add3A_650 = arith.constant 14 : i32
        %add3A_651 = arith.addi %add3A_650, %scan3A_146 : i32
        %swap3A_652 = arith.index_cast %add3A_651 : i32 to index
        %swap3A_653 = arith.constant 48 : index
        %swap3A_654 = tpu.vector_load %arg12[%swap3A_652, %swap3A_653] {strides = array<i32>} : memref<56x128xf32, #tpu.memory_space<vmem>>, vector<1x16xf32>,
        %swap3A_655 = vector.shape_cast %swap3A_654 : vector<1x16xf32> to vector<16xf32>
        %swap3A_656 = vector.shape_cast %max3A_649 : vector<16xf32> to vector<1x16xf32>
        tpu.vector_store %arg12[%swap3A_652, %swap3A_653], %swap3A_656 {strides = array<i32>} : memref<56x128xf32, #tpu.memory_space<vmem>>, vector<1x16xf32>,
        %get3A_657 = arith.index_cast %mul3A_148 : i32 to index
        %get3A_658 = arith.constant 64 : index
        %get3A_659 = tpu.vector_load %arg10[%get3A_657, %get3A_658] {strides = array<i32>} : memref<128x128xf32, #tpu.memory_space<vmem>>, vector<1x16xf32>,
        %get3A_660 = vector.shape_cast %get3A_659 : vector<1x16xf32> to vector<16xf32>
        %get3A_661 = arith.index_cast %mul3A_148 : i32 to index
        %get3A_662 = arith.constant 64 : index
        %get3A_663 = tpu.vector_load %arg11[%get3A_661, %get3A_662] {strides = array<i32>} : memref<128x128xf32, #tpu.memory_space<vmem>>, vector<1x16xf32>,
        %get3A_664 = vector.shape_cast %get3A_663 : vector<1x16xf32> to vector<16xf32>
        %sub3A_665 = arith.subf %get3A_660, %get3A_664 : vector<16xf32>
        %add3A_666 = arith.constant 1 : i32
        %add3A_667 = arith.addi %mul3A_148, %add3A_666 : i32
        %get3A_668 = arith.index_cast %add3A_667 : i32 to index
        %get3A_669 = arith.constant 64 : index
        %get3A_670 = tpu.vector_load %arg10[%get3A_668, %get3A_669] {strides = array<i32>} : memref<128x128xf32, #tpu.memory_space<vmem>>, vector<1x16xf32>,
        %get3A_671 = vector.shape_cast %get3A_670 : vector<1x16xf32> to vector<16xf32>
        %add3A_672 = arith.constant 1 : i32
        %add3A_673 = arith.addi %mul3A_148, %add3A_672 : i32
        %get3A_674 = arith.index_cast %add3A_673 : i32 to index
        %get3A_675 = arith.constant 64 : index
        %get3A_676 = tpu.vector_load %arg11[%get3A_674, %get3A_675] {strides = array<i32>} : memref<128x128xf32, #tpu.memory_space<vmem>>, vector<1x16xf32>,
        %get3A_677 = vector.shape_cast %get3A_676 : vector<1x16xf32> to vector<16xf32>
        %sub3A_678 = arith.subf %get3A_671, %get3A_677 : vector<16xf32>
        %max3A_679 = arith.maximumf %sub3A_665, %sub3A_678 : vector<16xf32>
        %add3A_680 = arith.constant 2 : i32
        %add3A_681 = arith.addi %mul3A_148, %add3A_680 : i32
        %get3A_682 = arith.index_cast %add3A_681 : i32 to index
        %get3A_683 = arith.constant 64 : index
        %get3A_684 = tpu.vector_load %arg10[%get3A_682, %get3A_683] {strides = array<i32>} : memref<128x128xf32, #tpu.memory_space<vmem>>, vector<1x16xf32>,
        %get3A_685 = vector.shape_cast %get3A_684 : vector<1x16xf32> to vector<16xf32>
        %add3A_686 = arith.constant 2 : i32
        %add3A_687 = arith.addi %mul3A_148, %add3A_686 : i32
        %get3A_688 = arith.index_cast %add3A_687 : i32 to index
        %get3A_689 = arith.constant 64 : index
        %get3A_690 = tpu.vector_load %arg11[%get3A_688, %get3A_689] {strides = array<i32>} : memref<128x128xf32, #tpu.memory_space<vmem>>, vector<1x16xf32>,
        %get3A_691 = vector.shape_cast %get3A_690 : vector<1x16xf32> to vector<16xf32>
        %sub3A_692 = arith.subf %get3A_685, %get3A_691 : vector<16xf32>
        %max3A_693 = arith.maximumf %max3A_679, %sub3A_692 : vector<16xf32>
        %add3A_694 = arith.constant 3 : i32
        %add3A_695 = arith.addi %mul3A_148, %add3A_694 : i32
        %get3A_696 = arith.index_cast %add3A_695 : i32 to index
        %get3A_697 = arith.constant 64 : index
        %get3A_698 = tpu.vector_load %arg10[%get3A_696, %get3A_697] {strides = array<i32>} : memref<128x128xf32, #tpu.memory_space<vmem>>, vector<1x16xf32>,
        %get3A_699 = vector.shape_cast %get3A_698 : vector<1x16xf32> to vector<16xf32>
        %add3A_700 = arith.constant 3 : i32
        %add3A_701 = arith.addi %mul3A_148, %add3A_700 : i32
        %get3A_702 = arith.index_cast %add3A_701 : i32 to index
        %get3A_703 = arith.constant 64 : index
        %get3A_704 = tpu.vector_load %arg11[%get3A_702, %get3A_703] {strides = array<i32>} : memref<128x128xf32, #tpu.memory_space<vmem>>, vector<1x16xf32>,
        %get3A_705 = vector.shape_cast %get3A_704 : vector<1x16xf32> to vector<16xf32>
        %sub3A_706 = arith.subf %get3A_699, %get3A_705 : vector<16xf32>
        %max3A_707 = arith.maximumf %max3A_693, %sub3A_706 : vector<16xf32>
        %add3A_708 = arith.constant 4 : i32
        %add3A_709 = arith.addi %mul3A_148, %add3A_708 : i32
        %get3A_710 = arith.index_cast %add3A_709 : i32 to index
        %get3A_711 = arith.constant 64 : index
        %get3A_712 = tpu.vector_load %arg10[%get3A_710, %get3A_711] {strides = array<i32>} : memref<128x128xf32, #tpu.memory_space<vmem>>, vector<1x16xf32>,
        %get3A_713 = vector.shape_cast %get3A_712 : vector<1x16xf32> to vector<16xf32>
        %add3A_714 = arith.constant 4 : i32
        %add3A_715 = arith.addi %mul3A_148, %add3A_714 : i32
        %get3A_716 = arith.index_cast %add3A_715 : i32 to index
        %get3A_717 = arith.constant 64 : index
        %get3A_718 = tpu.vector_load %arg11[%get3A_716, %get3A_717] {strides = array<i32>} : memref<128x128xf32, #tpu.memory_space<vmem>>, vector<1x16xf32>,
        %get3A_719 = vector.shape_cast %get3A_718 : vector<1x16xf32> to vector<16xf32>
        %sub3A_720 = arith.subf %get3A_713, %get3A_719 : vector<16xf32>
        %max3A_721 = arith.maximumf %max3A_707, %sub3A_720 : vector<16xf32>
        %add3A_722 = arith.constant 5 : i32
        %add3A_723 = arith.addi %mul3A_148, %add3A_722 : i32
        %get3A_724 = arith.index_cast %add3A_723 : i32 to index
        %get3A_725 = arith.constant 64 : index
        %get3A_726 = tpu.vector_load %arg10[%get3A_724, %get3A_725] {strides = array<i32>} : memref<128x128xf32, #tpu.memory_space<vmem>>, vector<1x16xf32>,
        %get3A_727 = vector.shape_cast %get3A_726 : vector<1x16xf32> to vector<16xf32>
        %add3A_728 = arith.constant 5 : i32
        %add3A_729 = arith.addi %mul3A_148, %add3A_728 : i32
        %get3A_730 = arith.index_cast %add3A_729 : i32 to index
        %get3A_731 = arith.constant 64 : index
        %get3A_732 = tpu.vector_load %arg11[%get3A_730, %get3A_731] {strides = array<i32>} : memref<128x128xf32, #tpu.memory_space<vmem>>, vector<1x16xf32>,
        %get3A_733 = vector.shape_cast %get3A_732 : vector<1x16xf32> to vector<16xf32>
        %sub3A_734 = arith.subf %get3A_727, %get3A_733 : vector<16xf32>
        %max3A_735 = arith.maximumf %max3A_721, %sub3A_734 : vector<16xf32>
        %add3A_736 = arith.constant 6 : i32
        %add3A_737 = arith.addi %mul3A_148, %add3A_736 : i32
        %get3A_738 = arith.index_cast %add3A_737 : i32 to index
        %get3A_739 = arith.constant 64 : index
        %get3A_740 = tpu.vector_load %arg10[%get3A_738, %get3A_739] {strides = array<i32>} : memref<128x128xf32, #tpu.memory_space<vmem>>, vector<1x16xf32>,
        %get3A_741 = vector.shape_cast %get3A_740 : vector<1x16xf32> to vector<16xf32>
        %add3A_742 = arith.constant 6 : i32
        %add3A_743 = arith.addi %mul3A_148, %add3A_742 : i32
        %get3A_744 = arith.index_cast %add3A_743 : i32 to index
        %get3A_745 = arith.constant 64 : index
        %get3A_746 = tpu.vector_load %arg11[%get3A_744, %get3A_745] {strides = array<i32>} : memref<128x128xf32, #tpu.memory_space<vmem>>, vector<1x16xf32>,
        %get3A_747 = vector.shape_cast %get3A_746 : vector<1x16xf32> to vector<16xf32>
        %sub3A_748 = arith.subf %get3A_741, %get3A_747 : vector<16xf32>
        %max3A_749 = arith.maximumf %max3A_735, %sub3A_748 : vector<16xf32>
        %add3A_750 = arith.constant 7 : i32
        %add3A_751 = arith.addi %mul3A_148, %add3A_750 : i32
        %get3A_752 = arith.index_cast %add3A_751 : i32 to index
        %get3A_753 = arith.constant 64 : index
        %get3A_754 = tpu.vector_load %arg10[%get3A_752, %get3A_753] {strides = array<i32>} : memref<128x128xf32, #tpu.memory_space<vmem>>, vector<1x16xf32>,
        %get3A_755 = vector.shape_cast %get3A_754 : vector<1x16xf32> to vector<16xf32>
        %add3A_756 = arith.constant 7 : i32
        %add3A_757 = arith.addi %mul3A_148, %add3A_756 : i32
        %get3A_758 = arith.index_cast %add3A_757 : i32 to index
        %get3A_759 = arith.constant 64 : index
        %get3A_760 = tpu.vector_load %arg11[%get3A_758, %get3A_759] {strides = array<i32>} : memref<128x128xf32, #tpu.memory_space<vmem>>, vector<1x16xf32>,
        %get3A_761 = vector.shape_cast %get3A_760 : vector<1x16xf32> to vector<16xf32>
        %sub3A_762 = arith.subf %get3A_755, %get3A_761 : vector<16xf32>
        %max3A_763 = arith.maximumf %max3A_749, %sub3A_762 : vector<16xf32>
        %add3A_764 = arith.constant 8 : i32
        %add3A_765 = arith.addi %mul3A_148, %add3A_764 : i32
        %get3A_766 = arith.index_cast %add3A_765 : i32 to index
        %get3A_767 = arith.constant 64 : index
        %get3A_768 = tpu.vector_load %arg10[%get3A_766, %get3A_767] {strides = array<i32>} : memref<128x128xf32, #tpu.memory_space<vmem>>, vector<1x16xf32>,
        %get3A_769 = vector.shape_cast %get3A_768 : vector<1x16xf32> to vector<16xf32>
        %add3A_770 = arith.constant 8 : i32
        %add3A_771 = arith.addi %mul3A_148, %add3A_770 : i32
        %get3A_772 = arith.index_cast %add3A_771 : i32 to index
        %get3A_773 = arith.constant 64 : index
        %get3A_774 = tpu.vector_load %arg11[%get3A_772, %get3A_773] {strides = array<i32>} : memref<128x128xf32, #tpu.memory_space<vmem>>, vector<1x16xf32>,
        %get3A_775 = vector.shape_cast %get3A_774 : vector<1x16xf32> to vector<16xf32>
        %sub3A_776 = arith.subf %get3A_769, %get3A_775 : vector<16xf32>
        %max3A_777 = arith.maximumf %max3A_763, %sub3A_776 : vector<16xf32>
        %add3A_778 = arith.constant 14 : i32
        %add3A_779 = arith.addi %add3A_778, %scan3A_146 : i32
        %swap3A_780 = arith.index_cast %add3A_779 : i32 to index
        %swap3A_781 = arith.constant 64 : index
        %swap3A_782 = tpu.vector_load %arg12[%swap3A_780, %swap3A_781] {strides = array<i32>} : memref<56x128xf32, #tpu.memory_space<vmem>>, vector<1x16xf32>,
        %swap3A_783 = vector.shape_cast %swap3A_782 : vector<1x16xf32> to vector<16xf32>
        %swap3A_784 = vector.shape_cast %max3A_777 : vector<16xf32> to vector<1x16xf32>
        tpu.vector_store %arg12[%swap3A_780, %swap3A_781], %swap3A_784 {strides = array<i32>} : memref<56x128xf32, #tpu.memory_space<vmem>>, vector<1x16xf32>,
        %get3A_785 = arith.index_cast %mul3A_148 : i32 to index
        %get3A_786 = arith.constant 80 : index
        %get3A_787 = tpu.vector_load %arg10[%get3A_785, %get3A_786] {strides = array<i32>} : memref<128x128xf32, #tpu.memory_space<vmem>>, vector<1x16xf32>,
        %get3A_788 = vector.shape_cast %get3A_787 : vector<1x16xf32> to vector<16xf32>
        %get3A_789 = arith.index_cast %mul3A_148 : i32 to index
        %get3A_790 = arith.constant 80 : index
        %get3A_791 = tpu.vector_load %arg11[%get3A_789, %get3A_790] {strides = array<i32>} : memref<128x128xf32, #tpu.memory_space<vmem>>, vector<1x16xf32>,
        %get3A_792 = vector.shape_cast %get3A_791 : vector<1x16xf32> to vector<16xf32>
        %sub3A_793 = arith.subf %get3A_788, %get3A_792 : vector<16xf32>
        %add3A_794 = arith.constant 1 : i32
        %add3A_795 = arith.addi %mul3A_148, %add3A_794 : i32
        %get3A_796 = arith.index_cast %add3A_795 : i32 to index
        %get3A_797 = arith.constant 80 : index
        %get3A_798 = tpu.vector_load %arg10[%get3A_796, %get3A_797] {strides = array<i32>} : memref<128x128xf32, #tpu.memory_space<vmem>>, vector<1x16xf32>,
        %get3A_799 = vector.shape_cast %get3A_798 : vector<1x16xf32> to vector<16xf32>
        %add3A_800 = arith.constant 1 : i32
        %add3A_801 = arith.addi %mul3A_148, %add3A_800 : i32
        %get3A_802 = arith.index_cast %add3A_801 : i32 to index
        %get3A_803 = arith.constant 80 : index
        %get3A_804 = tpu.vector_load %arg11[%get3A_802, %get3A_803] {strides = array<i32>} : memref<128x128xf32, #tpu.memory_space<vmem>>, vector<1x16xf32>,
        %get3A_805 = vector.shape_cast %get3A_804 : vector<1x16xf32> to vector<16xf32>
        %sub3A_806 = arith.subf %get3A_799, %get3A_805 : vector<16xf32>
        %max3A_807 = arith.maximumf %sub3A_793, %sub3A_806 : vector<16xf32>
        %add3A_808 = arith.constant 2 : i32
        %add3A_809 = arith.addi %mul3A_148, %add3A_808 : i32
        %get3A_810 = arith.index_cast %add3A_809 : i32 to index
        %get3A_811 = arith.constant 80 : index
        %get3A_812 = tpu.vector_load %arg10[%get3A_810, %get3A_811] {strides = array<i32>} : memref<128x128xf32, #tpu.memory_space<vmem>>, vector<1x16xf32>,
        %get3A_813 = vector.shape_cast %get3A_812 : vector<1x16xf32> to vector<16xf32>
        %add3A_814 = arith.constant 2 : i32
        %add3A_815 = arith.addi %mul3A_148, %add3A_814 : i32
        %get3A_816 = arith.index_cast %add3A_815 : i32 to index
        %get3A_817 = arith.constant 80 : index
        %get3A_818 = tpu.vector_load %arg11[%get3A_816, %get3A_817] {strides = array<i32>} : memref<128x128xf32, #tpu.memory_space<vmem>>, vector<1x16xf32>,
        %get3A_819 = vector.shape_cast %get3A_818 : vector<1x16xf32> to vector<16xf32>
        %sub3A_820 = arith.subf %get3A_813, %get3A_819 : vector<16xf32>
        %max3A_821 = arith.maximumf %max3A_807, %sub3A_820 : vector<16xf32>
        %add3A_822 = arith.constant 3 : i32
        %add3A_823 = arith.addi %mul3A_148, %add3A_822 : i32
        %get3A_824 = arith.index_cast %add3A_823 : i32 to index
        %get3A_825 = arith.constant 80 : index
        %get3A_826 = tpu.vector_load %arg10[%get3A_824, %get3A_825] {strides = array<i32>} : memref<128x128xf32, #tpu.memory_space<vmem>>, vector<1x16xf32>,
        %get3A_827 = vector.shape_cast %get3A_826 : vector<1x16xf32> to vector<16xf32>
        %add3A_828 = arith.constant 3 : i32
        %add3A_829 = arith.addi %mul3A_148, %add3A_828 : i32
        %get3A_830 = arith.index_cast %add3A_829 : i32 to index
        %get3A_831 = arith.constant 80 : index
        %get3A_832 = tpu.vector_load %arg11[%get3A_830, %get3A_831] {strides = array<i32>} : memref<128x128xf32, #tpu.memory_space<vmem>>, vector<1x16xf32>,
        %get3A_833 = vector.shape_cast %get3A_832 : vector<1x16xf32> to vector<16xf32>
        %sub3A_834 = arith.subf %get3A_827, %get3A_833 : vector<16xf32>
        %max3A_835 = arith.maximumf %max3A_821, %sub3A_834 : vector<16xf32>
        %add3A_836 = arith.constant 4 : i32
        %add3A_837 = arith.addi %mul3A_148, %add3A_836 : i32
        %get3A_838 = arith.index_cast %add3A_837 : i32 to index
        %get3A_839 = arith.constant 80 : index
        %get3A_840 = tpu.vector_load %arg10[%get3A_838, %get3A_839] {strides = array<i32>} : memref<128x128xf32, #tpu.memory_space<vmem>>, vector<1x16xf32>,
        %get3A_841 = vector.shape_cast %get3A_840 : vector<1x16xf32> to vector<16xf32>
        %add3A_842 = arith.constant 4 : i32
        %add3A_843 = arith.addi %mul3A_148, %add3A_842 : i32
        %get3A_844 = arith.index_cast %add3A_843 : i32 to index
        %get3A_845 = arith.constant 80 : index
        %get3A_846 = tpu.vector_load %arg11[%get3A_844, %get3A_845] {strides = array<i32>} : memref<128x128xf32, #tpu.memory_space<vmem>>, vector<1x16xf32>,
        %get3A_847 = vector.shape_cast %get3A_846 : vector<1x16xf32> to vector<16xf32>
        %sub3A_848 = arith.subf %get3A_841, %get3A_847 : vector<16xf32>
        %max3A_849 = arith.maximumf %max3A_835, %sub3A_848 : vector<16xf32>
        %add3A_850 = arith.constant 5 : i32
        %add3A_851 = arith.addi %mul3A_148, %add3A_850 : i32
        %get3A_852 = arith.index_cast %add3A_851 : i32 to index
        %get3A_853 = arith.constant 80 : index
        %get3A_854 = tpu.vector_load %arg10[%get3A_852, %get3A_853] {strides = array<i32>} : memref<128x128xf32, #tpu.memory_space<vmem>>, vector<1x16xf32>,
        %get3A_855 = vector.shape_cast %get3A_854 : vector<1x16xf32> to vector<16xf32>
        %add3A_856 = arith.constant 5 : i32
        %add3A_857 = arith.addi %mul3A_148, %add3A_856 : i32
        %get3A_858 = arith.index_cast %add3A_857 : i32 to index
        %get3A_859 = arith.constant 80 : index
        %get3A_860 = tpu.vector_load %arg11[%get3A_858, %get3A_859] {strides = array<i32>} : memref<128x128xf32, #tpu.memory_space<vmem>>, vector<1x16xf32>,
        %get3A_861 = vector.shape_cast %get3A_860 : vector<1x16xf32> to vector<16xf32>
        %sub3A_862 = arith.subf %get3A_855, %get3A_861 : vector<16xf32>
        %max3A_863 = arith.maximumf %max3A_849, %sub3A_862 : vector<16xf32>
        %add3A_864 = arith.constant 6 : i32
        %add3A_865 = arith.addi %mul3A_148, %add3A_864 : i32
        %get3A_866 = arith.index_cast %add3A_865 : i32 to index
        %get3A_867 = arith.constant 80 : index
        %get3A_868 = tpu.vector_load %arg10[%get3A_866, %get3A_867] {strides = array<i32>} : memref<128x128xf32, #tpu.memory_space<vmem>>, vector<1x16xf32>,
        %get3A_869 = vector.shape_cast %get3A_868 : vector<1x16xf32> to vector<16xf32>
        %add3A_870 = arith.constant 6 : i32
        %add3A_871 = arith.addi %mul3A_148, %add3A_870 : i32
        %get3A_872 = arith.index_cast %add3A_871 : i32 to index
        %get3A_873 = arith.constant 80 : index
        %get3A_874 = tpu.vector_load %arg11[%get3A_872, %get3A_873] {strides = array<i32>} : memref<128x128xf32, #tpu.memory_space<vmem>>, vector<1x16xf32>,
        %get3A_875 = vector.shape_cast %get3A_874 : vector<1x16xf32> to vector<16xf32>
        %sub3A_876 = arith.subf %get3A_869, %get3A_875 : vector<16xf32>
        %max3A_877 = arith.maximumf %max3A_863, %sub3A_876 : vector<16xf32>
        %add3A_878 = arith.constant 7 : i32
        %add3A_879 = arith.addi %mul3A_148, %add3A_878 : i32
        %get3A_880 = arith.index_cast %add3A_879 : i32 to index
        %get3A_881 = arith.constant 80 : index
        %get3A_882 = tpu.vector_load %arg10[%get3A_880, %get3A_881] {strides = array<i32>} : memref<128x128xf32, #tpu.memory_space<vmem>>, vector<1x16xf32>,
        %get3A_883 = vector.shape_cast %get3A_882 : vector<1x16xf32> to vector<16xf32>
        %add3A_884 = arith.constant 7 : i32
        %add3A_885 = arith.addi %mul3A_148, %add3A_884 : i32
        %get3A_886 = arith.index_cast %add3A_885 : i32 to index
        %get3A_887 = arith.constant 80 : index
        %get3A_888 = tpu.vector_load %arg11[%get3A_886, %get3A_887] {strides = array<i32>} : memref<128x128xf32, #tpu.memory_space<vmem>>, vector<1x16xf32>,
        %get3A_889 = vector.shape_cast %get3A_888 : vector<1x16xf32> to vector<16xf32>
        %sub3A_890 = arith.subf %get3A_883, %get3A_889 : vector<16xf32>
        %max3A_891 = arith.maximumf %max3A_877, %sub3A_890 : vector<16xf32>
        %add3A_892 = arith.constant 8 : i32
        %add3A_893 = arith.addi %mul3A_148, %add3A_892 : i32
        %get3A_894 = arith.index_cast %add3A_893 : i32 to index
        %get3A_895 = arith.constant 80 : index
        %get3A_896 = tpu.vector_load %arg10[%get3A_894, %get3A_895] {strides = array<i32>} : memref<128x128xf32, #tpu.memory_space<vmem>>, vector<1x16xf32>,
        %get3A_897 = vector.shape_cast %get3A_896 : vector<1x16xf32> to vector<16xf32>
        %add3A_898 = arith.constant 8 : i32
        %add3A_899 = arith.addi %mul3A_148, %add3A_898 : i32
        %get3A_900 = arith.index_cast %add3A_899 : i32 to index
        %get3A_901 = arith.constant 80 : index
        %get3A_902 = tpu.vector_load %arg11[%get3A_900, %get3A_901] {strides = array<i32>} : memref<128x128xf32, #tpu.memory_space<vmem>>, vector<1x16xf32>,
        %get3A_903 = vector.shape_cast %get3A_902 : vector<1x16xf32> to vector<16xf32>
        %sub3A_904 = arith.subf %get3A_897, %get3A_903 : vector<16xf32>
        %max3A_905 = arith.maximumf %max3A_891, %sub3A_904 : vector<16xf32>
        %add3A_906 = arith.constant 14 : i32
        %add3A_907 = arith.addi %add3A_906, %scan3A_146 : i32
        %swap3A_908 = arith.index_cast %add3A_907 : i32 to index
        %swap3A_909 = arith.constant 80 : index
        %swap3A_910 = tpu.vector_load %arg12[%swap3A_908, %swap3A_909] {strides = array<i32>} : memref<56x128xf32, #tpu.memory_space<vmem>>, vector<1x16xf32>,
        %swap3A_911 = vector.shape_cast %swap3A_910 : vector<1x16xf32> to vector<16xf32>
        %swap3A_912 = vector.shape_cast %max3A_905 : vector<16xf32> to vector<1x16xf32>
        tpu.vector_store %arg12[%swap3A_908, %swap3A_909], %swap3A_912 {strides = array<i32>} : memref<56x128xf32, #tpu.memory_space<vmem>>, vector<1x16xf32>,
        %get3A_913 = arith.index_cast %mul3A_148 : i32 to index
        %get3A_914 = arith.constant 96 : index
        %get3A_915 = tpu.vector_load %arg10[%get3A_913, %get3A_914] {strides = array<i32>} : memref<128x128xf32, #tpu.memory_space<vmem>>, vector<1x16xf32>,
        %get3A_916 = vector.shape_cast %get3A_915 : vector<1x16xf32> to vector<16xf32>
        %get3A_917 = arith.index_cast %mul3A_148 : i32 to index
        %get3A_918 = arith.constant 96 : index
        %get3A_919 = tpu.vector_load %arg11[%get3A_917, %get3A_918] {strides = array<i32>} : memref<128x128xf32, #tpu.memory_space<vmem>>, vector<1x16xf32>,
        %get3A_920 = vector.shape_cast %get3A_919 : vector<1x16xf32> to vector<16xf32>
        %sub3A_921 = arith.subf %get3A_916, %get3A_920 : vector<16xf32>
        %add3A_922 = arith.constant 1 : i32
        %add3A_923 = arith.addi %mul3A_148, %add3A_922 : i32
        %get3A_924 = arith.index_cast %add3A_923 : i32 to index
        %get3A_925 = arith.constant 96 : index
        %get3A_926 = tpu.vector_load %arg10[%get3A_924, %get3A_925] {strides = array<i32>} : memref<128x128xf32, #tpu.memory_space<vmem>>, vector<1x16xf32>,
        %get3A_927 = vector.shape_cast %get3A_926 : vector<1x16xf32> to vector<16xf32>
        %add3A_928 = arith.constant 1 : i32
        %add3A_929 = arith.addi %mul3A_148, %add3A_928 : i32
        %get3A_930 = arith.index_cast %add3A_929 : i32 to index
        %get3A_931 = arith.constant 96 : index
        %get3A_932 = tpu.vector_load %arg11[%get3A_930, %get3A_931] {strides = array<i32>} : memref<128x128xf32, #tpu.memory_space<vmem>>, vector<1x16xf32>,
        %get3A_933 = vector.shape_cast %get3A_932 : vector<1x16xf32> to vector<16xf32>
        %sub3A_934 = arith.subf %get3A_927, %get3A_933 : vector<16xf32>
        %max3A_935 = arith.maximumf %sub3A_921, %sub3A_934 : vector<16xf32>
        %add3A_936 = arith.constant 2 : i32
        %add3A_937 = arith.addi %mul3A_148, %add3A_936 : i32
        %get3A_938 = arith.index_cast %add3A_937 : i32 to index
        %get3A_939 = arith.constant 96 : index
        %get3A_940 = tpu.vector_load %arg10[%get3A_938, %get3A_939] {strides = array<i32>} : memref<128x128xf32, #tpu.memory_space<vmem>>, vector<1x16xf32>,
        %get3A_941 = vector.shape_cast %get3A_940 : vector<1x16xf32> to vector<16xf32>
        %add3A_942 = arith.constant 2 : i32
        %add3A_943 = arith.addi %mul3A_148, %add3A_942 : i32
        %get3A_944 = arith.index_cast %add3A_943 : i32 to index
        %get3A_945 = arith.constant 96 : index
        %get3A_946 = tpu.vector_load %arg11[%get3A_944, %get3A_945] {strides = array<i32>} : memref<128x128xf32, #tpu.memory_space<vmem>>, vector<1x16xf32>,
        %get3A_947 = vector.shape_cast %get3A_946 : vector<1x16xf32> to vector<16xf32>
        %sub3A_948 = arith.subf %get3A_941, %get3A_947 : vector<16xf32>
        %max3A_949 = arith.maximumf %max3A_935, %sub3A_948 : vector<16xf32>
        %add3A_950 = arith.constant 3 : i32
        %add3A_951 = arith.addi %mul3A_148, %add3A_950 : i32
        %get3A_952 = arith.index_cast %add3A_951 : i32 to index
        %get3A_953 = arith.constant 96 : index
        %get3A_954 = tpu.vector_load %arg10[%get3A_952, %get3A_953] {strides = array<i32>} : memref<128x128xf32, #tpu.memory_space<vmem>>, vector<1x16xf32>,
        %get3A_955 = vector.shape_cast %get3A_954 : vector<1x16xf32> to vector<16xf32>
        %add3A_956 = arith.constant 3 : i32
        %add3A_957 = arith.addi %mul3A_148, %add3A_956 : i32
        %get3A_958 = arith.index_cast %add3A_957 : i32 to index
        %get3A_959 = arith.constant 96 : index
        %get3A_960 = tpu.vector_load %arg11[%get3A_958, %get3A_959] {strides = array<i32>} : memref<128x128xf32, #tpu.memory_space<vmem>>, vector<1x16xf32>,
        %get3A_961 = vector.shape_cast %get3A_960 : vector<1x16xf32> to vector<16xf32>
        %sub3A_962 = arith.subf %get3A_955, %get3A_961 : vector<16xf32>
        %max3A_963 = arith.maximumf %max3A_949, %sub3A_962 : vector<16xf32>
        %add3A_964 = arith.constant 4 : i32
        %add3A_965 = arith.addi %mul3A_148, %add3A_964 : i32
        %get3A_966 = arith.index_cast %add3A_965 : i32 to index
        %get3A_967 = arith.constant 96 : index
        %get3A_968 = tpu.vector_load %arg10[%get3A_966, %get3A_967] {strides = array<i32>} : memref<128x128xf32, #tpu.memory_space<vmem>>, vector<1x16xf32>,
        %get3A_969 = vector.shape_cast %get3A_968 : vector<1x16xf32> to vector<16xf32>
        %add3A_970 = arith.constant 4 : i32
        %add3A_971 = arith.addi %mul3A_148, %add3A_970 : i32
        %get3A_972 = arith.index_cast %add3A_971 : i32 to index
        %get3A_973 = arith.constant 96 : index
        %get3A_974 = tpu.vector_load %arg11[%get3A_972, %get3A_973] {strides = array<i32>} : memref<128x128xf32, #tpu.memory_space<vmem>>, vector<1x16xf32>,
        %get3A_975 = vector.shape_cast %get3A_974 : vector<1x16xf32> to vector<16xf32>
        %sub3A_976 = arith.subf %get3A_969, %get3A_975 : vector<16xf32>
        %max3A_977 = arith.maximumf %max3A_963, %sub3A_976 : vector<16xf32>
        %add3A_978 = arith.constant 5 : i32
        %add3A_979 = arith.addi %mul3A_148, %add3A_978 : i32
        %get3A_980 = arith.index_cast %add3A_979 : i32 to index
        %get3A_981 = arith.constant 96 : index
        %get3A_982 = tpu.vector_load %arg10[%get3A_980, %get3A_981] {strides = array<i32>} : memref<128x128xf32, #tpu.memory_space<vmem>>, vector<1x16xf32>,
        %get3A_983 = vector.shape_cast %get3A_982 : vector<1x16xf32> to vector<16xf32>
        %add3A_984 = arith.constant 5 : i32
        %add3A_985 = arith.addi %mul3A_148, %add3A_984 : i32
        %get3A_986 = arith.index_cast %add3A_985 : i32 to index
        %get3A_987 = arith.constant 96 : index
        %get3A_988 = tpu.vector_load %arg11[%get3A_986, %get3A_987] {strides = array<i32>} : memref<128x128xf32, #tpu.memory_space<vmem>>, vector<1x16xf32>,
        %get3A_989 = vector.shape_cast %get3A_988 : vector<1x16xf32> to vector<16xf32>
        %sub3A_990 = arith.subf %get3A_983, %get3A_989 : vector<16xf32>
        %max3A_991 = arith.maximumf %max3A_977, %sub3A_990 : vector<16xf32>
        %add3A_992 = arith.constant 6 : i32
        %add3A_993 = arith.addi %mul3A_148, %add3A_992 : i32
        %get3A_994 = arith.index_cast %add3A_993 : i32 to index
        %get3A_995 = arith.constant 96 : index
        %get3A_996 = tpu.vector_load %arg10[%get3A_994, %get3A_995] {strides = array<i32>} : memref<128x128xf32, #tpu.memory_space<vmem>>, vector<1x16xf32>,
        %get3A_997 = vector.shape_cast %get3A_996 : vector<1x16xf32> to vector<16xf32>
        %add3A_998 = arith.constant 6 : i32
        %add3A_999 = arith.addi %mul3A_148, %add3A_998 : i32
        %get3A_1000 = arith.index_cast %add3A_999 : i32 to index
        %get3A_1001 = arith.constant 96 : index
        %get3A_1002 = tpu.vector_load %arg11[%get3A_1000, %get3A_1001] {strides = array<i32>} : memref<128x128xf32, #tpu.memory_space<vmem>>, vector<1x16xf32>,
        %get3A_1003 = vector.shape_cast %get3A_1002 : vector<1x16xf32> to vector<16xf32>
        %sub3A_1004 = arith.subf %get3A_997, %get3A_1003 : vector<16xf32>
        %max3A_1005 = arith.maximumf %max3A_991, %sub3A_1004 : vector<16xf32>
        %add3A_1006 = arith.constant 7 : i32
        %add3A_1007 = arith.addi %mul3A_148, %add3A_1006 : i32
        %get3A_1008 = arith.index_cast %add3A_1007 : i32 to index
        %get3A_1009 = arith.constant 96 : index
        %get3A_1010 = tpu.vector_load %arg10[%get3A_1008, %get3A_1009] {strides = array<i32>} : memref<128x128xf32, #tpu.memory_space<vmem>>, vector<1x16xf32>,
        %get3A_1011 = vector.shape_cast %get3A_1010 : vector<1x16xf32> to vector<16xf32>
        %add3A_1012 = arith.constant 7 : i32
        %add3A_1013 = arith.addi %mul3A_148, %add3A_1012 : i32
        %get3A_1014 = arith.index_cast %add3A_1013 : i32 to index
        %get3A_1015 = arith.constant 96 : index
        %get3A_1016 = tpu.vector_load %arg11[%get3A_1014, %get3A_1015] {strides = array<i32>} : memref<128x128xf32, #tpu.memory_space<vmem>>, vector<1x16xf32>,
        %get3A_1017 = vector.shape_cast %get3A_1016 : vector<1x16xf32> to vector<16xf32>
        %sub3A_1018 = arith.subf %get3A_1011, %get3A_1017 : vector<16xf32>
        %max3A_1019 = arith.maximumf %max3A_1005, %sub3A_1018 : vector<16xf32>
        %add3A_1020 = arith.constant 8 : i32
        %add3A_1021 = arith.addi %mul3A_148, %add3A_1020 : i32
        %get3A_1022 = arith.index_cast %add3A_1021 : i32 to index
        %get3A_1023 = arith.constant 96 : index
        %get3A_1024 = tpu.vector_load %arg10[%get3A_1022, %get3A_1023] {strides = array<i32>} : memref<128x128xf32, #tpu.memory_space<vmem>>, vector<1x16xf32>,
        %get3A_1025 = vector.shape_cast %get3A_1024 : vector<1x16xf32> to vector<16xf32>
        %add3A_1026 = arith.constant 8 : i32
        %add3A_1027 = arith.addi %mul3A_148, %add3A_1026 : i32
        %get3A_1028 = arith.index_cast %add3A_1027 : i32 to index
        %get3A_1029 = arith.constant 96 : index
        %get3A_1030 = tpu.vector_load %arg11[%get3A_1028, %get3A_1029] {strides = array<i32>} : memref<128x128xf32, #tpu.memory_space<vmem>>, vector<1x16xf32>,
        %get3A_1031 = vector.shape_cast %get3A_1030 : vector<1x16xf32> to vector<16xf32>
        %sub3A_1032 = arith.subf %get3A_1025, %get3A_1031 : vector<16xf32>
        %max3A_1033 = arith.maximumf %max3A_1019, %sub3A_1032 : vector<16xf32>
        %add3A_1034 = arith.constant 14 : i32
        %add3A_1035 = arith.addi %add3A_1034, %scan3A_146 : i32
        %swap3A_1036 = arith.index_cast %add3A_1035 : i32 to index
        %swap3A_1037 = arith.constant 96 : index
        %swap3A_1038 = tpu.vector_load %arg12[%swap3A_1036, %swap3A_1037] {strides = array<i32>} : memref<56x128xf32, #tpu.memory_space<vmem>>, vector<1x16xf32>,
        %swap3A_1039 = vector.shape_cast %swap3A_1038 : vector<1x16xf32> to vector<16xf32>
        %swap3A_1040 = vector.shape_cast %max3A_1033 : vector<16xf32> to vector<1x16xf32>
        tpu.vector_store %arg12[%swap3A_1036, %swap3A_1037], %swap3A_1040 {strides = array<i32>} : memref<56x128xf32, #tpu.memory_space<vmem>>, vector<1x16xf32>,
        %get3A_1041 = arith.index_cast %mul3A_148 : i32 to index
        %get3A_1042 = arith.constant 112 : index
        %get3A_1043 = tpu.vector_load %arg10[%get3A_1041, %get3A_1042] {strides = array<i32>} : memref<128x128xf32, #tpu.memory_space<vmem>>, vector<1x16xf32>,
        %get3A_1044 = vector.shape_cast %get3A_1043 : vector<1x16xf32> to vector<16xf32>
        %get3A_1045 = arith.index_cast %mul3A_148 : i32 to index
        %get3A_1046 = arith.constant 112 : index
        %get3A_1047 = tpu.vector_load %arg11[%get3A_1045, %get3A_1046] {strides = array<i32>} : memref<128x128xf32, #tpu.memory_space<vmem>>, vector<1x16xf32>,
        %get3A_1048 = vector.shape_cast %get3A_1047 : vector<1x16xf32> to vector<16xf32>
        %sub3A_1049 = arith.subf %get3A_1044, %get3A_1048 : vector<16xf32>
        %add3A_1050 = arith.constant 1 : i32
        %add3A_1051 = arith.addi %mul3A_148, %add3A_1050 : i32
        %get3A_1052 = arith.index_cast %add3A_1051 : i32 to index
        %get3A_1053 = arith.constant 112 : index
        %get3A_1054 = tpu.vector_load %arg10[%get3A_1052, %get3A_1053] {strides = array<i32>} : memref<128x128xf32, #tpu.memory_space<vmem>>, vector<1x16xf32>,
        %get3A_1055 = vector.shape_cast %get3A_1054 : vector<1x16xf32> to vector<16xf32>
        %add3A_1056 = arith.constant 1 : i32
        %add3A_1057 = arith.addi %mul3A_148, %add3A_1056 : i32
        %get3A_1058 = arith.index_cast %add3A_1057 : i32 to index
        %get3A_1059 = arith.constant 112 : index
        %get3A_1060 = tpu.vector_load %arg11[%get3A_1058, %get3A_1059] {strides = array<i32>} : memref<128x128xf32, #tpu.memory_space<vmem>>, vector<1x16xf32>,
        %get3A_1061 = vector.shape_cast %get3A_1060 : vector<1x16xf32> to vector<16xf32>
        %sub3A_1062 = arith.subf %get3A_1055, %get3A_1061 : vector<16xf32>
        %max3A_1063 = arith.maximumf %sub3A_1049, %sub3A_1062 : vector<16xf32>
        %add3A_1064 = arith.constant 2 : i32
        %add3A_1065 = arith.addi %mul3A_148, %add3A_1064 : i32
        %get3A_1066 = arith.index_cast %add3A_1065 : i32 to index
        %get3A_1067 = arith.constant 112 : index
        %get3A_1068 = tpu.vector_load %arg10[%get3A_1066, %get3A_1067] {strides = array<i32>} : memref<128x128xf32, #tpu.memory_space<vmem>>, vector<1x16xf32>,
        %get3A_1069 = vector.shape_cast %get3A_1068 : vector<1x16xf32> to vector<16xf32>
        %add3A_1070 = arith.constant 2 : i32
        %add3A_1071 = arith.addi %mul3A_148, %add3A_1070 : i32
        %get3A_1072 = arith.index_cast %add3A_1071 : i32 to index
        %get3A_1073 = arith.constant 112 : index
        %get3A_1074 = tpu.vector_load %arg11[%get3A_1072, %get3A_1073] {strides = array<i32>} : memref<128x128xf32, #tpu.memory_space<vmem>>, vector<1x16xf32>,
        %get3A_1075 = vector.shape_cast %get3A_1074 : vector<1x16xf32> to vector<16xf32>
        %sub3A_1076 = arith.subf %get3A_1069, %get3A_1075 : vector<16xf32>
        %max3A_1077 = arith.maximumf %max3A_1063, %sub3A_1076 : vector<16xf32>
        %add3A_1078 = arith.constant 3 : i32
        %add3A_1079 = arith.addi %mul3A_148, %add3A_1078 : i32
        %get3A_1080 = arith.index_cast %add3A_1079 : i32 to index
        %get3A_1081 = arith.constant 112 : index
        %get3A_1082 = tpu.vector_load %arg10[%get3A_1080, %get3A_1081] {strides = array<i32>} : memref<128x128xf32, #tpu.memory_space<vmem>>, vector<1x16xf32>,
        %get3A_1083 = vector.shape_cast %get3A_1082 : vector<1x16xf32> to vector<16xf32>
        %add3A_1084 = arith.constant 3 : i32
        %add3A_1085 = arith.addi %mul3A_148, %add3A_1084 : i32
        %get3A_1086 = arith.index_cast %add3A_1085 : i32 to index
        %get3A_1087 = arith.constant 112 : index
        %get3A_1088 = tpu.vector_load %arg11[%get3A_1086, %get3A_1087] {strides = array<i32>} : memref<128x128xf32, #tpu.memory_space<vmem>>, vector<1x16xf32>,
        %get3A_1089 = vector.shape_cast %get3A_1088 : vector<1x16xf32> to vector<16xf32>
        %sub3A_1090 = arith.subf %get3A_1083, %get3A_1089 : vector<16xf32>
        %max3A_1091 = arith.maximumf %max3A_1077, %sub3A_1090 : vector<16xf32>
        %add3A_1092 = arith.constant 4 : i32
        %add3A_1093 = arith.addi %mul3A_148, %add3A_1092 : i32
        %get3A_1094 = arith.index_cast %add3A_1093 : i32 to index
        %get3A_1095 = arith.constant 112 : index
        %get3A_1096 = tpu.vector_load %arg10[%get3A_1094, %get3A_1095] {strides = array<i32>} : memref<128x128xf32, #tpu.memory_space<vmem>>, vector<1x16xf32>,
        %get3A_1097 = vector.shape_cast %get3A_1096 : vector<1x16xf32> to vector<16xf32>
        %add3A_1098 = arith.constant 4 : i32
        %add3A_1099 = arith.addi %mul3A_148, %add3A_1098 : i32
        %get3A_1100 = arith.index_cast %add3A_1099 : i32 to index
        %get3A_1101 = arith.constant 112 : index
        %get3A_1102 = tpu.vector_load %arg11[%get3A_1100, %get3A_1101] {strides = array<i32>} : memref<128x128xf32, #tpu.memory_space<vmem>>, vector<1x16xf32>,
        %get3A_1103 = vector.shape_cast %get3A_1102 : vector<1x16xf32> to vector<16xf32>
        %sub3A_1104 = arith.subf %get3A_1097, %get3A_1103 : vector<16xf32>
        %max3A_1105 = arith.maximumf %max3A_1091, %sub3A_1104 : vector<16xf32>
        %add3A_1106 = arith.constant 5 : i32
        %add3A_1107 = arith.addi %mul3A_148, %add3A_1106 : i32
        %get3A_1108 = arith.index_cast %add3A_1107 : i32 to index
        %get3A_1109 = arith.constant 112 : index
        %get3A_1110 = tpu.vector_load %arg10[%get3A_1108, %get3A_1109] {strides = array<i32>} : memref<128x128xf32, #tpu.memory_space<vmem>>, vector<1x16xf32>,
        %get3A_1111 = vector.shape_cast %get3A_1110 : vector<1x16xf32> to vector<16xf32>
        %add3A_1112 = arith.constant 5 : i32
        %add3A_1113 = arith.addi %mul3A_148, %add3A_1112 : i32
        %get3A_1114 = arith.index_cast %add3A_1113 : i32 to index
        %get3A_1115 = arith.constant 112 : index
        %get3A_1116 = tpu.vector_load %arg11[%get3A_1114, %get3A_1115] {strides = array<i32>} : memref<128x128xf32, #tpu.memory_space<vmem>>, vector<1x16xf32>,
        %get3A_1117 = vector.shape_cast %get3A_1116 : vector<1x16xf32> to vector<16xf32>
        %sub3A_1118 = arith.subf %get3A_1111, %get3A_1117 : vector<16xf32>
        %max3A_1119 = arith.maximumf %max3A_1105, %sub3A_1118 : vector<16xf32>
        %add3A_1120 = arith.constant 6 : i32
        %add3A_1121 = arith.addi %mul3A_148, %add3A_1120 : i32
        %get3A_1122 = arith.index_cast %add3A_1121 : i32 to index
        %get3A_1123 = arith.constant 112 : index
        %get3A_1124 = tpu.vector_load %arg10[%get3A_1122, %get3A_1123] {strides = array<i32>} : memref<128x128xf32, #tpu.memory_space<vmem>>, vector<1x16xf32>,
        %get3A_1125 = vector.shape_cast %get3A_1124 : vector<1x16xf32> to vector<16xf32>
        %add3A_1126 = arith.constant 6 : i32
        %add3A_1127 = arith.addi %mul3A_148, %add3A_1126 : i32
        %get3A_1128 = arith.index_cast %add3A_1127 : i32 to index
        %get3A_1129 = arith.constant 112 : index
        %get3A_1130 = tpu.vector_load %arg11[%get3A_1128, %get3A_1129] {strides = array<i32>} : memref<128x128xf32, #tpu.memory_space<vmem>>, vector<1x16xf32>,
        %get3A_1131 = vector.shape_cast %get3A_1130 : vector<1x16xf32> to vector<16xf32>
        %sub3A_1132 = arith.subf %get3A_1125, %get3A_1131 : vector<16xf32>
        %max3A_1133 = arith.maximumf %max3A_1119, %sub3A_1132 : vector<16xf32>
        %add3A_1134 = arith.constant 7 : i32
        %add3A_1135 = arith.addi %mul3A_148, %add3A_1134 : i32
        %get3A_1136 = arith.index_cast %add3A_1135 : i32 to index
        %get3A_1137 = arith.constant 112 : index
        %get3A_1138 = tpu.vector_load %arg10[%get3A_1136, %get3A_1137] {strides = array<i32>} : memref<128x128xf32, #tpu.memory_space<vmem>>, vector<1x16xf32>,
        %get3A_1139 = vector.shape_cast %get3A_1138 : vector<1x16xf32> to vector<16xf32>
        %add3A_1140 = arith.constant 7 : i32
        %add3A_1141 = arith.addi %mul3A_148, %add3A_1140 : i32
        %get3A_1142 = arith.index_cast %add3A_1141 : i32 to index
        %get3A_1143 = arith.constant 112 : index
        %get3A_1144 = tpu.vector_load %arg11[%get3A_1142, %get3A_1143] {strides = array<i32>} : memref<128x128xf32, #tpu.memory_space<vmem>>, vector<1x16xf32>,
        %get3A_1145 = vector.shape_cast %get3A_1144 : vector<1x16xf32> to vector<16xf32>
        %sub3A_1146 = arith.subf %get3A_1139, %get3A_1145 : vector<16xf32>
        %max3A_1147 = arith.maximumf %max3A_1133, %sub3A_1146 : vector<16xf32>
        %add3A_1148 = arith.constant 8 : i32
        %add3A_1149 = arith.addi %mul3A_148, %add3A_1148 : i32
        %get3A_1150 = arith.index_cast %add3A_1149 : i32 to index
        %get3A_1151 = arith.constant 112 : index
        %get3A_1152 = tpu.vector_load %arg10[%get3A_1150, %get3A_1151] {strides = array<i32>} : memref<128x128xf32, #tpu.memory_space<vmem>>, vector<1x16xf32>,
        %get3A_1153 = vector.shape_cast %get3A_1152 : vector<1x16xf32> to vector<16xf32>
        %add3A_1154 = arith.constant 8 : i32
        %add3A_1155 = arith.addi %mul3A_148, %add3A_1154 : i32
        %get3A_1156 = arith.index_cast %add3A_1155 : i32 to index
        %get3A_1157 = arith.constant 112 : index
        %get3A_1158 = tpu.vector_load %arg11[%get3A_1156, %get3A_1157] {strides = array<i32>} : memref<128x128xf32, #tpu.memory_space<vmem>>, vector<1x16xf32>,
        %get3A_1159 = vector.shape_cast %get3A_1158 : vector<1x16xf32> to vector<16xf32>
        %sub3A_1160 = arith.subf %get3A_1153, %get3A_1159 : vector<16xf32>
        %max3A_1161 = arith.maximumf %max3A_1147, %sub3A_1160 : vector<16xf32>
        %add3A_1162 = arith.constant 14 : i32
        %add3A_1163 = arith.addi %add3A_1162, %scan3A_146 : i32
        %swap3A_1164 = arith.index_cast %add3A_1163 : i32 to index
        %swap3A_1165 = arith.constant 112 : index
        %swap3A_1166 = tpu.vector_load %arg12[%swap3A_1164, %swap3A_1165] {strides = array<i32>} : memref<56x128xf32, #tpu.memory_space<vmem>>, vector<1x16xf32>,
        %swap3A_1167 = vector.shape_cast %swap3A_1166 : vector<1x16xf32> to vector<16xf32>
        %swap3A_1168 = vector.shape_cast %max3A_1161 : vector<16xf32> to vector<1x16xf32>
        tpu.vector_store %arg12[%swap3A_1164, %swap3A_1165], %swap3A_1168 {strides = array<i32>} : memref<56x128xf32, #tpu.memory_space<vmem>>, vector<1x16xf32>,
      }
      %scan3A_72 = arith.constant 14 : i32
      %mul3A_73 = arith.constant 4 : i32
      %mul3A_74 = arith.muli %scan3A_6, %mul3A_73 : i32
      %add3A_75 = arith.constant 2 : i32
      %add3A_76 = arith.addi %mul3A_74, %add3A_75 : i32
      %dma_start3A_77 = arith.constant 0 : i32
      %dma_start3A_78 = tpu.memref_slice %arg6[%add3A_76, %dma_start3A_77] : memref<116x128xi32, #tpu.memory_space<vmem>> -> memref<1x128xi32, #tpu.memory_space<vmem>>
      %dma_start3A_79 = tpu.memref_squeeze %dma_start3A_78 : memref<1x128xi32, #tpu.memory_space<vmem>> -> memref<128xi32, #tpu.memory_space<vmem>>
      %dma_start3A_80 = arith.constant 0 : i32
      %dma_start3A_81 = arith.constant 0 : i32
      %dma_start3A_82 = tpu.memref_slice %arg2[%dma_start3A_80, %dma_start3A_81] : memref<50176x128xf32, #tpu.memory_space<hbm>> -> memref<50176x128xf32, #tpu.memory_space<hbm>>
      tpu.enqueue_indirect_dma source(%dma_start3A_82 : memref<50176x128xf32, #tpu.memory_space<hbm>>) target(%arg8 : memref<128x128xf32, #tpu.memory_space<vmem>>) offsets(%dma_start3A_79 : memref<128xi32, #tpu.memory_space<vmem>>) semaphore(%arg13 : memref<!tpu.dma_semaphore, #tpu.memory_space<semaphore_mem>>)
      %dma_start3A_83 = arith.constant 0 : i32
      %dma_start3A_84 = tpu.memref_slice %arg7[%add3A_76, %dma_start3A_83] : memref<116x128xi32, #tpu.memory_space<vmem>> -> memref<1x128xi32, #tpu.memory_space<vmem>>
      %dma_start3A_85 = tpu.memref_squeeze %dma_start3A_84 : memref<1x128xi32, #tpu.memory_space<vmem>> -> memref<128xi32, #tpu.memory_space<vmem>>
      %dma_start3A_86 = arith.constant 0 : i32
      %dma_start3A_87 = arith.constant 0 : i32
      %dma_start3A_88 = tpu.memref_slice %arg2[%dma_start3A_86, %dma_start3A_87] : memref<50176x128xf32, #tpu.memory_space<hbm>> -> memref<50176x128xf32, #tpu.memory_space<hbm>>
      tpu.enqueue_indirect_dma source(%dma_start3A_88 : memref<50176x128xf32, #tpu.memory_space<hbm>>) target(%arg9 : memref<128x128xf32, #tpu.memory_space<vmem>>) offsets(%dma_start3A_85 : memref<128xi32, #tpu.memory_space<vmem>>) semaphore(%arg13 : memref<!tpu.dma_semaphore, #tpu.memory_space<semaphore_mem>>)
      %dma_wait3A_89 = arith.constant 0 : i32
      %dma_wait3A_90 = arith.constant 0 : i32
      %dma_wait3A_91 = tpu.memref_slice %arg2[%dma_wait3A_89, %dma_wait3A_90] : memref<50176x128xf32, #tpu.memory_space<hbm>> -> memref<128x128xf32, #tpu.memory_space<hbm>>
      %dma_wait3A_92 = arith.constant 0 : i32
      %dma_wait3A_93 = arith.constant 0 : i32
      %dma_wait3A_94 = tpu.memref_slice %arg2[%dma_wait3A_92, %dma_wait3A_93] : memref<50176x128xf32, #tpu.memory_space<hbm>> -> memref<128x128xf32, #tpu.memory_space<hbm>>
      tpu.wait_dma2 semaphore(%arg13 : memref<!tpu.dma_semaphore, #tpu.memory_space<semaphore_mem>>) src(%dma_wait3A_94 : memref<128x128xf32, #tpu.memory_space<hbm>>) dst(%arg8 : memref<128x128xf32, #tpu.memory_space<vmem>>)
      %dma_wait3A_95 = arith.constant 0 : i32
      %dma_wait3A_96 = arith.constant 0 : i32
      %dma_wait3A_97 = tpu.memref_slice %arg2[%dma_wait3A_95, %dma_wait3A_96] : memref<50176x128xf32, #tpu.memory_space<hbm>> -> memref<128x128xf32, #tpu.memory_space<hbm>>
      %dma_wait3A_98 = arith.constant 0 : i32
      %dma_wait3A_99 = arith.constant 0 : i32
      %dma_wait3A_100 = tpu.memref_slice %arg2[%dma_wait3A_98, %dma_wait3A_99] : memref<50176x128xf32, #tpu.memory_space<hbm>> -> memref<128x128xf32, #tpu.memory_space<hbm>>
      tpu.wait_dma2 semaphore(%arg13 : memref<!tpu.dma_semaphore, #tpu.memory_space<semaphore_mem>>) src(%dma_wait3A_100 : memref<128x128xf32, #tpu.memory_space<hbm>>) dst(%arg9 : memref<128x128xf32, #tpu.memory_space<vmem>>)
      %scan3A_101 = arith.constant 0 : i32
      %scan3A_102 = arith.constant 0 : i32
      %scan3A_103 = arith.constant 14 : i32
      %scan3A_104 = arith.addi %scan3A_102, %scan3A_103 : i32
      %scan3A_105 = arith.constant 1 : i32
      scf.for %scan3A_146 = %scan3A_102 to %scan3A_104 step %scan3A_105  : i32 {
        %mul3A_147 = arith.constant 9 : i32
        %mul3A_148 = arith.muli %scan3A_146, %mul3A_147 : i32
        %get3A = arith.index_cast %mul3A_148 : i32 to index
        %get3A_149 = arith.constant 0 : index
        %get3A_150 = tpu.vector_load %arg8[%get3A, %get3A_149] {strides = array<i32>} : memref<128x128xf32, #tpu.memory_space<vmem>>, vector<1x16xf32>,
        %get3A_151 = vector.shape_cast %get3A_150 : vector<1x16xf32> to vector<16xf32>
        %get3A_152 = arith.index_cast %mul3A_148 : i32 to index
        %get3A_153 = arith.constant 0 : index
        %get3A_154 = tpu.vector_load %arg9[%get3A_152, %get3A_153] {strides = array<i32>} : memref<128x128xf32, #tpu.memory_space<vmem>>, vector<1x16xf32>,
        %get3A_155 = vector.shape_cast %get3A_154 : vector<1x16xf32> to vector<16xf32>
        %sub3A = arith.subf %get3A_151, %get3A_155 : vector<16xf32>
        %add3A_156 = arith.constant 1 : i32
        %add3A_157 = arith.addi %mul3A_148, %add3A_156 : i32
        %get3A_158 = arith.index_cast %add3A_157 : i32 to index
        %get3A_159 = arith.constant 0 : index
        %get3A_160 = tpu.vector_load %arg8[%get3A_158, %get3A_159] {strides = array<i32>} : memref<128x128xf32, #tpu.memory_space<vmem>>, vector<1x16xf32>,
        %get3A_161 = vector.shape_cast %get3A_160 : vector<1x16xf32> to vector<16xf32>
        %add3A_162 = arith.constant 1 : i32
        %add3A_163 = arith.addi %mul3A_148, %add3A_162 : i32
        %get3A_164 = arith.index_cast %add3A_163 : i32 to index
        %get3A_165 = arith.constant 0 : index
        %get3A_166 = tpu.vector_load %arg9[%get3A_164, %get3A_165] {strides = array<i32>} : memref<128x128xf32, #tpu.memory_space<vmem>>, vector<1x16xf32>,
        %get3A_167 = vector.shape_cast %get3A_166 : vector<1x16xf32> to vector<16xf32>
        %sub3A_168 = arith.subf %get3A_161, %get3A_167 : vector<16xf32>
        %max3A = arith.maximumf %sub3A, %sub3A_168 : vector<16xf32>
        %add3A_169 = arith.constant 2 : i32
        %add3A_170 = arith.addi %mul3A_148, %add3A_169 : i32
        %get3A_171 = arith.index_cast %add3A_170 : i32 to index
        %get3A_172 = arith.constant 0 : index
        %get3A_173 = tpu.vector_load %arg8[%get3A_171, %get3A_172] {strides = array<i32>} : memref<128x128xf32, #tpu.memory_space<vmem>>, vector<1x16xf32>,
        %get3A_174 = vector.shape_cast %get3A_173 : vector<1x16xf32> to vector<16xf32>
        %add3A_175 = arith.constant 2 : i32
        %add3A_176 = arith.addi %mul3A_148, %add3A_175 : i32
        %get3A_177 = arith.index_cast %add3A_176 : i32 to index
        %get3A_178 = arith.constant 0 : index
        %get3A_179 = tpu.vector_load %arg9[%get3A_177, %get3A_178] {strides = array<i32>} : memref<128x128xf32, #tpu.memory_space<vmem>>, vector<1x16xf32>,
        %get3A_180 = vector.shape_cast %get3A_179 : vector<1x16xf32> to vector<16xf32>
        %sub3A_181 = arith.subf %get3A_174, %get3A_180 : vector<16xf32>
        %max3A_182 = arith.maximumf %max3A, %sub3A_181 : vector<16xf32>
        %add3A_183 = arith.constant 3 : i32
        %add3A_184 = arith.addi %mul3A_148, %add3A_183 : i32
        %get3A_185 = arith.index_cast %add3A_184 : i32 to index
        %get3A_186 = arith.constant 0 : index
        %get3A_187 = tpu.vector_load %arg8[%get3A_185, %get3A_186] {strides = array<i32>} : memref<128x128xf32, #tpu.memory_space<vmem>>, vector<1x16xf32>,
        %get3A_188 = vector.shape_cast %get3A_187 : vector<1x16xf32> to vector<16xf32>
        %add3A_189 = arith.constant 3 : i32
        %add3A_190 = arith.addi %mul3A_148, %add3A_189 : i32
        %get3A_191 = arith.index_cast %add3A_190 : i32 to index
        %get3A_192 = arith.constant 0 : index
        %get3A_193 = tpu.vector_load %arg9[%get3A_191, %get3A_192] {strides = array<i32>} : memref<128x128xf32, #tpu.memory_space<vmem>>, vector<1x16xf32>,
        %get3A_194 = vector.shape_cast %get3A_193 : vector<1x16xf32> to vector<16xf32>
        %sub3A_195 = arith.subf %get3A_188, %get3A_194 : vector<16xf32>
        %max3A_196 = arith.maximumf %max3A_182, %sub3A_195 : vector<16xf32>
        %add3A_197 = arith.constant 4 : i32
        %add3A_198 = arith.addi %mul3A_148, %add3A_197 : i32
        %get3A_199 = arith.index_cast %add3A_198 : i32 to index
        %get3A_200 = arith.constant 0 : index
        %get3A_201 = tpu.vector_load %arg8[%get3A_199, %get3A_200] {strides = array<i32>} : memref<128x128xf32, #tpu.memory_space<vmem>>, vector<1x16xf32>,
        %get3A_202 = vector.shape_cast %get3A_201 : vector<1x16xf32> to vector<16xf32>
        %add3A_203 = arith.constant 4 : i32
        %add3A_204 = arith.addi %mul3A_148, %add3A_203 : i32
        %get3A_205 = arith.index_cast %add3A_204 : i32 to index
        %get3A_206 = arith.constant 0 : index
        %get3A_207 = tpu.vector_load %arg9[%get3A_205, %get3A_206] {strides = array<i32>} : memref<128x128xf32, #tpu.memory_space<vmem>>, vector<1x16xf32>,
        %get3A_208 = vector.shape_cast %get3A_207 : vector<1x16xf32> to vector<16xf32>
        %sub3A_209 = arith.subf %get3A_202, %get3A_208 : vector<16xf32>
        %max3A_210 = arith.maximumf %max3A_196, %sub3A_209 : vector<16xf32>
        %add3A_211 = arith.constant 5 : i32
        %add3A_212 = arith.addi %mul3A_148, %add3A_211 : i32
        %get3A_213 = arith.index_cast %add3A_212 : i32 to index
        %get3A_214 = arith.constant 0 : index
        %get3A_215 = tpu.vector_load %arg8[%get3A_213, %get3A_214] {strides = array<i32>} : memref<128x128xf32, #tpu.memory_space<vmem>>, vector<1x16xf32>,
        %get3A_216 = vector.shape_cast %get3A_215 : vector<1x16xf32> to vector<16xf32>
        %add3A_217 = arith.constant 5 : i32
        %add3A_218 = arith.addi %mul3A_148, %add3A_217 : i32
        %get3A_219 = arith.index_cast %add3A_218 : i32 to index
        %get3A_220 = arith.constant 0 : index
        %get3A_221 = tpu.vector_load %arg9[%get3A_219, %get3A_220] {strides = array<i32>} : memref<128x128xf32, #tpu.memory_space<vmem>>, vector<1x16xf32>,
        %get3A_222 = vector.shape_cast %get3A_221 : vector<1x16xf32> to vector<16xf32>
        %sub3A_223 = arith.subf %get3A_216, %get3A_222 : vector<16xf32>
        %max3A_224 = arith.maximumf %max3A_210, %sub3A_223 : vector<16xf32>
        %add3A_225 = arith.constant 6 : i32
        %add3A_226 = arith.addi %mul3A_148, %add3A_225 : i32
        %get3A_227 = arith.index_cast %add3A_226 : i32 to index
        %get3A_228 = arith.constant 0 : index
        %get3A_229 = tpu.vector_load %arg8[%get3A_227, %get3A_228] {strides = array<i32>} : memref<128x128xf32, #tpu.memory_space<vmem>>, vector<1x16xf32>,
        %get3A_230 = vector.shape_cast %get3A_229 : vector<1x16xf32> to vector<16xf32>
        %add3A_231 = arith.constant 6 : i32
        %add3A_232 = arith.addi %mul3A_148, %add3A_231 : i32
        %get3A_233 = arith.index_cast %add3A_232 : i32 to index
        %get3A_234 = arith.constant 0 : index
        %get3A_235 = tpu.vector_load %arg9[%get3A_233, %get3A_234] {strides = array<i32>} : memref<128x128xf32, #tpu.memory_space<vmem>>, vector<1x16xf32>,
        %get3A_236 = vector.shape_cast %get3A_235 : vector<1x16xf32> to vector<16xf32>
        %sub3A_237 = arith.subf %get3A_230, %get3A_236 : vector<16xf32>
        %max3A_238 = arith.maximumf %max3A_224, %sub3A_237 : vector<16xf32>
        %add3A_239 = arith.constant 7 : i32
        %add3A_240 = arith.addi %mul3A_148, %add3A_239 : i32
        %get3A_241 = arith.index_cast %add3A_240 : i32 to index
        %get3A_242 = arith.constant 0 : index
        %get3A_243 = tpu.vector_load %arg8[%get3A_241, %get3A_242] {strides = array<i32>} : memref<128x128xf32, #tpu.memory_space<vmem>>, vector<1x16xf32>,
        %get3A_244 = vector.shape_cast %get3A_243 : vector<1x16xf32> to vector<16xf32>
        %add3A_245 = arith.constant 7 : i32
        %add3A_246 = arith.addi %mul3A_148, %add3A_245 : i32
        %get3A_247 = arith.index_cast %add3A_246 : i32 to index
        %get3A_248 = arith.constant 0 : index
        %get3A_249 = tpu.vector_load %arg9[%get3A_247, %get3A_248] {strides = array<i32>} : memref<128x128xf32, #tpu.memory_space<vmem>>, vector<1x16xf32>,
        %get3A_250 = vector.shape_cast %get3A_249 : vector<1x16xf32> to vector<16xf32>
        %sub3A_251 = arith.subf %get3A_244, %get3A_250 : vector<16xf32>
        %max3A_252 = arith.maximumf %max3A_238, %sub3A_251 : vector<16xf32>
        %add3A_253 = arith.constant 8 : i32
        %add3A_254 = arith.addi %mul3A_148, %add3A_253 : i32
        %get3A_255 = arith.index_cast %add3A_254 : i32 to index
        %get3A_256 = arith.constant 0 : index
        %get3A_257 = tpu.vector_load %arg8[%get3A_255, %get3A_256] {strides = array<i32>} : memref<128x128xf32, #tpu.memory_space<vmem>>, vector<1x16xf32>,
        %get3A_258 = vector.shape_cast %get3A_257 : vector<1x16xf32> to vector<16xf32>
        %add3A_259 = arith.constant 8 : i32
        %add3A_260 = arith.addi %mul3A_148, %add3A_259 : i32
        %get3A_261 = arith.index_cast %add3A_260 : i32 to index
        %get3A_262 = arith.constant 0 : index
        %get3A_263 = tpu.vector_load %arg9[%get3A_261, %get3A_262] {strides = array<i32>} : memref<128x128xf32, #tpu.memory_space<vmem>>, vector<1x16xf32>,
        %get3A_264 = vector.shape_cast %get3A_263 : vector<1x16xf32> to vector<16xf32>
        %sub3A_265 = arith.subf %get3A_258, %get3A_264 : vector<16xf32>
        %max3A_266 = arith.maximumf %max3A_252, %sub3A_265 : vector<16xf32>
        %add3A_267 = arith.constant 28 : i32
        %add3A_268 = arith.addi %add3A_267, %scan3A_146 : i32
        %swap3A = arith.index_cast %add3A_268 : i32 to index
        %swap3A_269 = arith.constant 0 : index
        %swap3A_270 = tpu.vector_load %arg12[%swap3A, %swap3A_269] {strides = array<i32>} : memref<56x128xf32, #tpu.memory_space<vmem>>, vector<1x16xf32>,
        %swap3A_271 = vector.shape_cast %swap3A_270 : vector<1x16xf32> to vector<16xf32>
        %swap3A_272 = vector.shape_cast %max3A_266 : vector<16xf32> to vector<1x16xf32>
        tpu.vector_store %arg12[%swap3A, %swap3A_269], %swap3A_272 {strides = array<i32>} : memref<56x128xf32, #tpu.memory_space<vmem>>, vector<1x16xf32>,
        %get3A_273 = arith.index_cast %mul3A_148 : i32 to index
        %get3A_274 = arith.constant 16 : index
        %get3A_275 = tpu.vector_load %arg8[%get3A_273, %get3A_274] {strides = array<i32>} : memref<128x128xf32, #tpu.memory_space<vmem>>, vector<1x16xf32>,
        %get3A_276 = vector.shape_cast %get3A_275 : vector<1x16xf32> to vector<16xf32>
        %get3A_277 = arith.index_cast %mul3A_148 : i32 to index
        %get3A_278 = arith.constant 16 : index
        %get3A_279 = tpu.vector_load %arg9[%get3A_277, %get3A_278] {strides = array<i32>} : memref<128x128xf32, #tpu.memory_space<vmem>>, vector<1x16xf32>,
        %get3A_280 = vector.shape_cast %get3A_279 : vector<1x16xf32> to vector<16xf32>
        %sub3A_281 = arith.subf %get3A_276, %get3A_280 : vector<16xf32>
        %add3A_282 = arith.constant 1 : i32
        %add3A_283 = arith.addi %mul3A_148, %add3A_282 : i32
        %get3A_284 = arith.index_cast %add3A_283 : i32 to index
        %get3A_285 = arith.constant 16 : index
        %get3A_286 = tpu.vector_load %arg8[%get3A_284, %get3A_285] {strides = array<i32>} : memref<128x128xf32, #tpu.memory_space<vmem>>, vector<1x16xf32>,
        %get3A_287 = vector.shape_cast %get3A_286 : vector<1x16xf32> to vector<16xf32>
        %add3A_288 = arith.constant 1 : i32
        %add3A_289 = arith.addi %mul3A_148, %add3A_288 : i32
        %get3A_290 = arith.index_cast %add3A_289 : i32 to index
        %get3A_291 = arith.constant 16 : index
        %get3A_292 = tpu.vector_load %arg9[%get3A_290, %get3A_291] {strides = array<i32>} : memref<128x128xf32, #tpu.memory_space<vmem>>, vector<1x16xf32>,
        %get3A_293 = vector.shape_cast %get3A_292 : vector<1x16xf32> to vector<16xf32>
        %sub3A_294 = arith.subf %get3A_287, %get3A_293 : vector<16xf32>
        %max3A_295 = arith.maximumf %sub3A_281, %sub3A_294 : vector<16xf32>
        %add3A_296 = arith.constant 2 : i32
        %add3A_297 = arith.addi %mul3A_148, %add3A_296 : i32
        %get3A_298 = arith.index_cast %add3A_297 : i32 to index
        %get3A_299 = arith.constant 16 : index
        %get3A_300 = tpu.vector_load %arg8[%get3A_298, %get3A_299] {strides = array<i32>} : memref<128x128xf32, #tpu.memory_space<vmem>>, vector<1x16xf32>,
        %get3A_301 = vector.shape_cast %get3A_300 : vector<1x16xf32> to vector<16xf32>
        %add3A_302 = arith.constant 2 : i32
        %add3A_303 = arith.addi %mul3A_148, %add3A_302 : i32
        %get3A_304 = arith.index_cast %add3A_303 : i32 to index
        %get3A_305 = arith.constant 16 : index
        %get3A_306 = tpu.vector_load %arg9[%get3A_304, %get3A_305] {strides = array<i32>} : memref<128x128xf32, #tpu.memory_space<vmem>>, vector<1x16xf32>,
        %get3A_307 = vector.shape_cast %get3A_306 : vector<1x16xf32> to vector<16xf32>
        %sub3A_308 = arith.subf %get3A_301, %get3A_307 : vector<16xf32>
        %max3A_309 = arith.maximumf %max3A_295, %sub3A_308 : vector<16xf32>
        %add3A_310 = arith.constant 3 : i32
        %add3A_311 = arith.addi %mul3A_148, %add3A_310 : i32
        %get3A_312 = arith.index_cast %add3A_311 : i32 to index
        %get3A_313 = arith.constant 16 : index
        %get3A_314 = tpu.vector_load %arg8[%get3A_312, %get3A_313] {strides = array<i32>} : memref<128x128xf32, #tpu.memory_space<vmem>>, vector<1x16xf32>,
        %get3A_315 = vector.shape_cast %get3A_314 : vector<1x16xf32> to vector<16xf32>
        %add3A_316 = arith.constant 3 : i32
        %add3A_317 = arith.addi %mul3A_148, %add3A_316 : i32
        %get3A_318 = arith.index_cast %add3A_317 : i32 to index
        %get3A_319 = arith.constant 16 : index
        %get3A_320 = tpu.vector_load %arg9[%get3A_318, %get3A_319] {strides = array<i32>} : memref<128x128xf32, #tpu.memory_space<vmem>>, vector<1x16xf32>,
        %get3A_321 = vector.shape_cast %get3A_320 : vector<1x16xf32> to vector<16xf32>
        %sub3A_322 = arith.subf %get3A_315, %get3A_321 : vector<16xf32>
        %max3A_323 = arith.maximumf %max3A_309, %sub3A_322 : vector<16xf32>
        %add3A_324 = arith.constant 4 : i32
        %add3A_325 = arith.addi %mul3A_148, %add3A_324 : i32
        %get3A_326 = arith.index_cast %add3A_325 : i32 to index
        %get3A_327 = arith.constant 16 : index
        %get3A_328 = tpu.vector_load %arg8[%get3A_326, %get3A_327] {strides = array<i32>} : memref<128x128xf32, #tpu.memory_space<vmem>>, vector<1x16xf32>,
        %get3A_329 = vector.shape_cast %get3A_328 : vector<1x16xf32> to vector<16xf32>
        %add3A_330 = arith.constant 4 : i32
        %add3A_331 = arith.addi %mul3A_148, %add3A_330 : i32
        %get3A_332 = arith.index_cast %add3A_331 : i32 to index
        %get3A_333 = arith.constant 16 : index
        %get3A_334 = tpu.vector_load %arg9[%get3A_332, %get3A_333] {strides = array<i32>} : memref<128x128xf32, #tpu.memory_space<vmem>>, vector<1x16xf32>,
        %get3A_335 = vector.shape_cast %get3A_334 : vector<1x16xf32> to vector<16xf32>
        %sub3A_336 = arith.subf %get3A_329, %get3A_335 : vector<16xf32>
        %max3A_337 = arith.maximumf %max3A_323, %sub3A_336 : vector<16xf32>
        %add3A_338 = arith.constant 5 : i32
        %add3A_339 = arith.addi %mul3A_148, %add3A_338 : i32
        %get3A_340 = arith.index_cast %add3A_339 : i32 to index
        %get3A_341 = arith.constant 16 : index
        %get3A_342 = tpu.vector_load %arg8[%get3A_340, %get3A_341] {strides = array<i32>} : memref<128x128xf32, #tpu.memory_space<vmem>>, vector<1x16xf32>,
        %get3A_343 = vector.shape_cast %get3A_342 : vector<1x16xf32> to vector<16xf32>
        %add3A_344 = arith.constant 5 : i32
        %add3A_345 = arith.addi %mul3A_148, %add3A_344 : i32
        %get3A_346 = arith.index_cast %add3A_345 : i32 to index
        %get3A_347 = arith.constant 16 : index
        %get3A_348 = tpu.vector_load %arg9[%get3A_346, %get3A_347] {strides = array<i32>} : memref<128x128xf32, #tpu.memory_space<vmem>>, vector<1x16xf32>,
        %get3A_349 = vector.shape_cast %get3A_348 : vector<1x16xf32> to vector<16xf32>
        %sub3A_350 = arith.subf %get3A_343, %get3A_349 : vector<16xf32>
        %max3A_351 = arith.maximumf %max3A_337, %sub3A_350 : vector<16xf32>
        %add3A_352 = arith.constant 6 : i32
        %add3A_353 = arith.addi %mul3A_148, %add3A_352 : i32
        %get3A_354 = arith.index_cast %add3A_353 : i32 to index
        %get3A_355 = arith.constant 16 : index
        %get3A_356 = tpu.vector_load %arg8[%get3A_354, %get3A_355] {strides = array<i32>} : memref<128x128xf32, #tpu.memory_space<vmem>>, vector<1x16xf32>,
        %get3A_357 = vector.shape_cast %get3A_356 : vector<1x16xf32> to vector<16xf32>
        %add3A_358 = arith.constant 6 : i32
        %add3A_359 = arith.addi %mul3A_148, %add3A_358 : i32
        %get3A_360 = arith.index_cast %add3A_359 : i32 to index
        %get3A_361 = arith.constant 16 : index
        %get3A_362 = tpu.vector_load %arg9[%get3A_360, %get3A_361] {strides = array<i32>} : memref<128x128xf32, #tpu.memory_space<vmem>>, vector<1x16xf32>,
        %get3A_363 = vector.shape_cast %get3A_362 : vector<1x16xf32> to vector<16xf32>
        %sub3A_364 = arith.subf %get3A_357, %get3A_363 : vector<16xf32>
        %max3A_365 = arith.maximumf %max3A_351, %sub3A_364 : vector<16xf32>
        %add3A_366 = arith.constant 7 : i32
        %add3A_367 = arith.addi %mul3A_148, %add3A_366 : i32
        %get3A_368 = arith.index_cast %add3A_367 : i32 to index
        %get3A_369 = arith.constant 16 : index
        %get3A_370 = tpu.vector_load %arg8[%get3A_368, %get3A_369] {strides = array<i32>} : memref<128x128xf32, #tpu.memory_space<vmem>>, vector<1x16xf32>,
        %get3A_371 = vector.shape_cast %get3A_370 : vector<1x16xf32> to vector<16xf32>
        %add3A_372 = arith.constant 7 : i32
        %add3A_373 = arith.addi %mul3A_148, %add3A_372 : i32
        %get3A_374 = arith.index_cast %add3A_373 : i32 to index
        %get3A_375 = arith.constant 16 : index
        %get3A_376 = tpu.vector_load %arg9[%get3A_374, %get3A_375] {strides = array<i32>} : memref<128x128xf32, #tpu.memory_space<vmem>>, vector<1x16xf32>,
        %get3A_377 = vector.shape_cast %get3A_376 : vector<1x16xf32> to vector<16xf32>
        %sub3A_378 = arith.subf %get3A_371, %get3A_377 : vector<16xf32>
        %max3A_379 = arith.maximumf %max3A_365, %sub3A_378 : vector<16xf32>
        %add3A_380 = arith.constant 8 : i32
        %add3A_381 = arith.addi %mul3A_148, %add3A_380 : i32
        %get3A_382 = arith.index_cast %add3A_381 : i32 to index
        %get3A_383 = arith.constant 16 : index
        %get3A_384 = tpu.vector_load %arg8[%get3A_382, %get3A_383] {strides = array<i32>} : memref<128x128xf32, #tpu.memory_space<vmem>>, vector<1x16xf32>,
        %get3A_385 = vector.shape_cast %get3A_384 : vector<1x16xf32> to vector<16xf32>
        %add3A_386 = arith.constant 8 : i32
        %add3A_387 = arith.addi %mul3A_148, %add3A_386 : i32
        %get3A_388 = arith.index_cast %add3A_387 : i32 to index
        %get3A_389 = arith.constant 16 : index
        %get3A_390 = tpu.vector_load %arg9[%get3A_388, %get3A_389] {strides = array<i32>} : memref<128x128xf32, #tpu.memory_space<vmem>>, vector<1x16xf32>,
        %get3A_391 = vector.shape_cast %get3A_390 : vector<1x16xf32> to vector<16xf32>
        %sub3A_392 = arith.subf %get3A_385, %get3A_391 : vector<16xf32>
        %max3A_393 = arith.maximumf %max3A_379, %sub3A_392 : vector<16xf32>
        %add3A_394 = arith.constant 28 : i32
        %add3A_395 = arith.addi %add3A_394, %scan3A_146 : i32
        %swap3A_396 = arith.index_cast %add3A_395 : i32 to index
        %swap3A_397 = arith.constant 16 : index
        %swap3A_398 = tpu.vector_load %arg12[%swap3A_396, %swap3A_397] {strides = array<i32>} : memref<56x128xf32, #tpu.memory_space<vmem>>, vector<1x16xf32>,
        %swap3A_399 = vector.shape_cast %swap3A_398 : vector<1x16xf32> to vector<16xf32>
        %swap3A_400 = vector.shape_cast %max3A_393 : vector<16xf32> to vector<1x16xf32>
        tpu.vector_store %arg12[%swap3A_396, %swap3A_397], %swap3A_400 {strides = array<i32>} : memref<56x128xf32, #tpu.memory_space<vmem>>, vector<1x16xf32>,
        %get3A_401 = arith.index_cast %mul3A_148 : i32 to index
        %get3A_402 = arith.constant 32 : index
        %get3A_403 = tpu.vector_load %arg8[%get3A_401, %get3A_402] {strides = array<i32>} : memref<128x128xf32, #tpu.memory_space<vmem>>, vector<1x16xf32>,
        %get3A_404 = vector.shape_cast %get3A_403 : vector<1x16xf32> to vector<16xf32>
        %get3A_405 = arith.index_cast %mul3A_148 : i32 to index
        %get3A_406 = arith.constant 32 : index
        %get3A_407 = tpu.vector_load %arg9[%get3A_405, %get3A_406] {strides = array<i32>} : memref<128x128xf32, #tpu.memory_space<vmem>>, vector<1x16xf32>,
        %get3A_408 = vector.shape_cast %get3A_407 : vector<1x16xf32> to vector<16xf32>
        %sub3A_409 = arith.subf %get3A_404, %get3A_408 : vector<16xf32>
        %add3A_410 = arith.constant 1 : i32
        %add3A_411 = arith.addi %mul3A_148, %add3A_410 : i32
        %get3A_412 = arith.index_cast %add3A_411 : i32 to index
        %get3A_413 = arith.constant 32 : index
        %get3A_414 = tpu.vector_load %arg8[%get3A_412, %get3A_413] {strides = array<i32>} : memref<128x128xf32, #tpu.memory_space<vmem>>, vector<1x16xf32>,
        %get3A_415 = vector.shape_cast %get3A_414 : vector<1x16xf32> to vector<16xf32>
        %add3A_416 = arith.constant 1 : i32
        %add3A_417 = arith.addi %mul3A_148, %add3A_416 : i32
        %get3A_418 = arith.index_cast %add3A_417 : i32 to index
        %get3A_419 = arith.constant 32 : index
        %get3A_420 = tpu.vector_load %arg9[%get3A_418, %get3A_419] {strides = array<i32>} : memref<128x128xf32, #tpu.memory_space<vmem>>, vector<1x16xf32>,
        %get3A_421 = vector.shape_cast %get3A_420 : vector<1x16xf32> to vector<16xf32>
        %sub3A_422 = arith.subf %get3A_415, %get3A_421 : vector<16xf32>
        %max3A_423 = arith.maximumf %sub3A_409, %sub3A_422 : vector<16xf32>
        %add3A_424 = arith.constant 2 : i32
        %add3A_425 = arith.addi %mul3A_148, %add3A_424 : i32
        %get3A_426 = arith.index_cast %add3A_425 : i32 to index
        %get3A_427 = arith.constant 32 : index
        %get3A_428 = tpu.vector_load %arg8[%get3A_426, %get3A_427] {strides = array<i32>} : memref<128x128xf32, #tpu.memory_space<vmem>>, vector<1x16xf32>,
        %get3A_429 = vector.shape_cast %get3A_428 : vector<1x16xf32> to vector<16xf32>
        %add3A_430 = arith.constant 2 : i32
        %add3A_431 = arith.addi %mul3A_148, %add3A_430 : i32
        %get3A_432 = arith.index_cast %add3A_431 : i32 to index
        %get3A_433 = arith.constant 32 : index
        %get3A_434 = tpu.vector_load %arg9[%get3A_432, %get3A_433] {strides = array<i32>} : memref<128x128xf32, #tpu.memory_space<vmem>>, vector<1x16xf32>,
        %get3A_435 = vector.shape_cast %get3A_434 : vector<1x16xf32> to vector<16xf32>
        %sub3A_436 = arith.subf %get3A_429, %get3A_435 : vector<16xf32>
        %max3A_437 = arith.maximumf %max3A_423, %sub3A_436 : vector<16xf32>
        %add3A_438 = arith.constant 3 : i32
        %add3A_439 = arith.addi %mul3A_148, %add3A_438 : i32
        %get3A_440 = arith.index_cast %add3A_439 : i32 to index
        %get3A_441 = arith.constant 32 : index
        %get3A_442 = tpu.vector_load %arg8[%get3A_440, %get3A_441] {strides = array<i32>} : memref<128x128xf32, #tpu.memory_space<vmem>>, vector<1x16xf32>,
        %get3A_443 = vector.shape_cast %get3A_442 : vector<1x16xf32> to vector<16xf32>
        %add3A_444 = arith.constant 3 : i32
        %add3A_445 = arith.addi %mul3A_148, %add3A_444 : i32
        %get3A_446 = arith.index_cast %add3A_445 : i32 to index
        %get3A_447 = arith.constant 32 : index
        %get3A_448 = tpu.vector_load %arg9[%get3A_446, %get3A_447] {strides = array<i32>} : memref<128x128xf32, #tpu.memory_space<vmem>>, vector<1x16xf32>,
        %get3A_449 = vector.shape_cast %get3A_448 : vector<1x16xf32> to vector<16xf32>
        %sub3A_450 = arith.subf %get3A_443, %get3A_449 : vector<16xf32>
        %max3A_451 = arith.maximumf %max3A_437, %sub3A_450 : vector<16xf32>
        %add3A_452 = arith.constant 4 : i32
        %add3A_453 = arith.addi %mul3A_148, %add3A_452 : i32
        %get3A_454 = arith.index_cast %add3A_453 : i32 to index
        %get3A_455 = arith.constant 32 : index
        %get3A_456 = tpu.vector_load %arg8[%get3A_454, %get3A_455] {strides = array<i32>} : memref<128x128xf32, #tpu.memory_space<vmem>>, vector<1x16xf32>,
        %get3A_457 = vector.shape_cast %get3A_456 : vector<1x16xf32> to vector<16xf32>
        %add3A_458 = arith.constant 4 : i32
        %add3A_459 = arith.addi %mul3A_148, %add3A_458 : i32
        %get3A_460 = arith.index_cast %add3A_459 : i32 to index
        %get3A_461 = arith.constant 32 : index
        %get3A_462 = tpu.vector_load %arg9[%get3A_460, %get3A_461] {strides = array<i32>} : memref<128x128xf32, #tpu.memory_space<vmem>>, vector<1x16xf32>,
        %get3A_463 = vector.shape_cast %get3A_462 : vector<1x16xf32> to vector<16xf32>
        %sub3A_464 = arith.subf %get3A_457, %get3A_463 : vector<16xf32>
        %max3A_465 = arith.maximumf %max3A_451, %sub3A_464 : vector<16xf32>
        %add3A_466 = arith.constant 5 : i32
        %add3A_467 = arith.addi %mul3A_148, %add3A_466 : i32
        %get3A_468 = arith.index_cast %add3A_467 : i32 to index
        %get3A_469 = arith.constant 32 : index
        %get3A_470 = tpu.vector_load %arg8[%get3A_468, %get3A_469] {strides = array<i32>} : memref<128x128xf32, #tpu.memory_space<vmem>>, vector<1x16xf32>,
        %get3A_471 = vector.shape_cast %get3A_470 : vector<1x16xf32> to vector<16xf32>
        %add3A_472 = arith.constant 5 : i32
        %add3A_473 = arith.addi %mul3A_148, %add3A_472 : i32
        %get3A_474 = arith.index_cast %add3A_473 : i32 to index
        %get3A_475 = arith.constant 32 : index
        %get3A_476 = tpu.vector_load %arg9[%get3A_474, %get3A_475] {strides = array<i32>} : memref<128x128xf32, #tpu.memory_space<vmem>>, vector<1x16xf32>,
        %get3A_477 = vector.shape_cast %get3A_476 : vector<1x16xf32> to vector<16xf32>
        %sub3A_478 = arith.subf %get3A_471, %get3A_477 : vector<16xf32>
        %max3A_479 = arith.maximumf %max3A_465, %sub3A_478 : vector<16xf32>
        %add3A_480 = arith.constant 6 : i32
        %add3A_481 = arith.addi %mul3A_148, %add3A_480 : i32
        %get3A_482 = arith.index_cast %add3A_481 : i32 to index
        %get3A_483 = arith.constant 32 : index
        %get3A_484 = tpu.vector_load %arg8[%get3A_482, %get3A_483] {strides = array<i32>} : memref<128x128xf32, #tpu.memory_space<vmem>>, vector<1x16xf32>,
        %get3A_485 = vector.shape_cast %get3A_484 : vector<1x16xf32> to vector<16xf32>
        %add3A_486 = arith.constant 6 : i32
        %add3A_487 = arith.addi %mul3A_148, %add3A_486 : i32
        %get3A_488 = arith.index_cast %add3A_487 : i32 to index
        %get3A_489 = arith.constant 32 : index
        %get3A_490 = tpu.vector_load %arg9[%get3A_488, %get3A_489] {strides = array<i32>} : memref<128x128xf32, #tpu.memory_space<vmem>>, vector<1x16xf32>,
        %get3A_491 = vector.shape_cast %get3A_490 : vector<1x16xf32> to vector<16xf32>
        %sub3A_492 = arith.subf %get3A_485, %get3A_491 : vector<16xf32>
        %max3A_493 = arith.maximumf %max3A_479, %sub3A_492 : vector<16xf32>
        %add3A_494 = arith.constant 7 : i32
        %add3A_495 = arith.addi %mul3A_148, %add3A_494 : i32
        %get3A_496 = arith.index_cast %add3A_495 : i32 to index
        %get3A_497 = arith.constant 32 : index
        %get3A_498 = tpu.vector_load %arg8[%get3A_496, %get3A_497] {strides = array<i32>} : memref<128x128xf32, #tpu.memory_space<vmem>>, vector<1x16xf32>,
        %get3A_499 = vector.shape_cast %get3A_498 : vector<1x16xf32> to vector<16xf32>
        %add3A_500 = arith.constant 7 : i32
        %add3A_501 = arith.addi %mul3A_148, %add3A_500 : i32
        %get3A_502 = arith.index_cast %add3A_501 : i32 to index
        %get3A_503 = arith.constant 32 : index
        %get3A_504 = tpu.vector_load %arg9[%get3A_502, %get3A_503] {strides = array<i32>} : memref<128x128xf32, #tpu.memory_space<vmem>>, vector<1x16xf32>,
        %get3A_505 = vector.shape_cast %get3A_504 : vector<1x16xf32> to vector<16xf32>
        %sub3A_506 = arith.subf %get3A_499, %get3A_505 : vector<16xf32>
        %max3A_507 = arith.maximumf %max3A_493, %sub3A_506 : vector<16xf32>
        %add3A_508 = arith.constant 8 : i32
        %add3A_509 = arith.addi %mul3A_148, %add3A_508 : i32
        %get3A_510 = arith.index_cast %add3A_509 : i32 to index
        %get3A_511 = arith.constant 32 : index
        %get3A_512 = tpu.vector_load %arg8[%get3A_510, %get3A_511] {strides = array<i32>} : memref<128x128xf32, #tpu.memory_space<vmem>>, vector<1x16xf32>,
        %get3A_513 = vector.shape_cast %get3A_512 : vector<1x16xf32> to vector<16xf32>
        %add3A_514 = arith.constant 8 : i32
        %add3A_515 = arith.addi %mul3A_148, %add3A_514 : i32
        %get3A_516 = arith.index_cast %add3A_515 : i32 to index
        %get3A_517 = arith.constant 32 : index
        %get3A_518 = tpu.vector_load %arg9[%get3A_516, %get3A_517] {strides = array<i32>} : memref<128x128xf32, #tpu.memory_space<vmem>>, vector<1x16xf32>,
        %get3A_519 = vector.shape_cast %get3A_518 : vector<1x16xf32> to vector<16xf32>
        %sub3A_520 = arith.subf %get3A_513, %get3A_519 : vector<16xf32>
        %max3A_521 = arith.maximumf %max3A_507, %sub3A_520 : vector<16xf32>
        %add3A_522 = arith.constant 28 : i32
        %add3A_523 = arith.addi %add3A_522, %scan3A_146 : i32
        %swap3A_524 = arith.index_cast %add3A_523 : i32 to index
        %swap3A_525 = arith.constant 32 : index
        %swap3A_526 = tpu.vector_load %arg12[%swap3A_524, %swap3A_525] {strides = array<i32>} : memref<56x128xf32, #tpu.memory_space<vmem>>, vector<1x16xf32>,
        %swap3A_527 = vector.shape_cast %swap3A_526 : vector<1x16xf32> to vector<16xf32>
        %swap3A_528 = vector.shape_cast %max3A_521 : vector<16xf32> to vector<1x16xf32>
        tpu.vector_store %arg12[%swap3A_524, %swap3A_525], %swap3A_528 {strides = array<i32>} : memref<56x128xf32, #tpu.memory_space<vmem>>, vector<1x16xf32>,
        %get3A_529 = arith.index_cast %mul3A_148 : i32 to index
        %get3A_530 = arith.constant 48 : index
        %get3A_531 = tpu.vector_load %arg8[%get3A_529, %get3A_530] {strides = array<i32>} : memref<128x128xf32, #tpu.memory_space<vmem>>, vector<1x16xf32>,
        %get3A_532 = vector.shape_cast %get3A_531 : vector<1x16xf32> to vector<16xf32>
        %get3A_533 = arith.index_cast %mul3A_148 : i32 to index
        %get3A_534 = arith.constant 48 : index
        %get3A_535 = tpu.vector_load %arg9[%get3A_533, %get3A_534] {strides = array<i32>} : memref<128x128xf32, #tpu.memory_space<vmem>>, vector<1x16xf32>,
        %get3A_536 = vector.shape_cast %get3A_535 : vector<1x16xf32> to vector<16xf32>
        %sub3A_537 = arith.subf %get3A_532, %get3A_536 : vector<16xf32>
        %add3A_538 = arith.constant 1 : i32
        %add3A_539 = arith.addi %mul3A_148, %add3A_538 : i32
        %get3A_540 = arith.index_cast %add3A_539 : i32 to index
        %get3A_541 = arith.constant 48 : index
        %get3A_542 = tpu.vector_load %arg8[%get3A_540, %get3A_541] {strides = array<i32>} : memref<128x128xf32, #tpu.memory_space<vmem>>, vector<1x16xf32>,
        %get3A_543 = vector.shape_cast %get3A_542 : vector<1x16xf32> to vector<16xf32>
        %add3A_544 = arith.constant 1 : i32
        %add3A_545 = arith.addi %mul3A_148, %add3A_544 : i32
        %get3A_546 = arith.index_cast %add3A_545 : i32 to index
        %get3A_547 = arith.constant 48 : index
        %get3A_548 = tpu.vector_load %arg9[%get3A_546, %get3A_547] {strides = array<i32>} : memref<128x128xf32, #tpu.memory_space<vmem>>, vector<1x16xf32>,
        %get3A_549 = vector.shape_cast %get3A_548 : vector<1x16xf32> to vector<16xf32>
        %sub3A_550 = arith.subf %get3A_543, %get3A_549 : vector<16xf32>
        %max3A_551 = arith.maximumf %sub3A_537, %sub3A_550 : vector<16xf32>
        %add3A_552 = arith.constant 2 : i32
        %add3A_553 = arith.addi %mul3A_148, %add3A_552 : i32
        %get3A_554 = arith.index_cast %add3A_553 : i32 to index
        %get3A_555 = arith.constant 48 : index
        %get3A_556 = tpu.vector_load %arg8[%get3A_554, %get3A_555] {strides = array<i32>} : memref<128x128xf32, #tpu.memory_space<vmem>>, vector<1x16xf32>,
        %get3A_557 = vector.shape_cast %get3A_556 : vector<1x16xf32> to vector<16xf32>
        %add3A_558 = arith.constant 2 : i32
        %add3A_559 = arith.addi %mul3A_148, %add3A_558 : i32
        %get3A_560 = arith.index_cast %add3A_559 : i32 to index
        %get3A_561 = arith.constant 48 : index
        %get3A_562 = tpu.vector_load %arg9[%get3A_560, %get3A_561] {strides = array<i32>} : memref<128x128xf32, #tpu.memory_space<vmem>>, vector<1x16xf32>,
        %get3A_563 = vector.shape_cast %get3A_562 : vector<1x16xf32> to vector<16xf32>
        %sub3A_564 = arith.subf %get3A_557, %get3A_563 : vector<16xf32>
        %max3A_565 = arith.maximumf %max3A_551, %sub3A_564 : vector<16xf32>
        %add3A_566 = arith.constant 3 : i32
        %add3A_567 = arith.addi %mul3A_148, %add3A_566 : i32
        %get3A_568 = arith.index_cast %add3A_567 : i32 to index
        %get3A_569 = arith.constant 48 : index
        %get3A_570 = tpu.vector_load %arg8[%get3A_568, %get3A_569] {strides = array<i32>} : memref<128x128xf32, #tpu.memory_space<vmem>>, vector<1x16xf32>,
        %get3A_571 = vector.shape_cast %get3A_570 : vector<1x16xf32> to vector<16xf32>
        %add3A_572 = arith.constant 3 : i32
        %add3A_573 = arith.addi %mul3A_148, %add3A_572 : i32
        %get3A_574 = arith.index_cast %add3A_573 : i32 to index
        %get3A_575 = arith.constant 48 : index
        %get3A_576 = tpu.vector_load %arg9[%get3A_574, %get3A_575] {strides = array<i32>} : memref<128x128xf32, #tpu.memory_space<vmem>>, vector<1x16xf32>,
        %get3A_577 = vector.shape_cast %get3A_576 : vector<1x16xf32> to vector<16xf32>
        %sub3A_578 = arith.subf %get3A_571, %get3A_577 : vector<16xf32>
        %max3A_579 = arith.maximumf %max3A_565, %sub3A_578 : vector<16xf32>
        %add3A_580 = arith.constant 4 : i32
        %add3A_581 = arith.addi %mul3A_148, %add3A_580 : i32
        %get3A_582 = arith.index_cast %add3A_581 : i32 to index
        %get3A_583 = arith.constant 48 : index
        %get3A_584 = tpu.vector_load %arg8[%get3A_582, %get3A_583] {strides = array<i32>} : memref<128x128xf32, #tpu.memory_space<vmem>>, vector<1x16xf32>,
        %get3A_585 = vector.shape_cast %get3A_584 : vector<1x16xf32> to vector<16xf32>
        %add3A_586 = arith.constant 4 : i32
        %add3A_587 = arith.addi %mul3A_148, %add3A_586 : i32
        %get3A_588 = arith.index_cast %add3A_587 : i32 to index
        %get3A_589 = arith.constant 48 : index
        %get3A_590 = tpu.vector_load %arg9[%get3A_588, %get3A_589] {strides = array<i32>} : memref<128x128xf32, #tpu.memory_space<vmem>>, vector<1x16xf32>,
        %get3A_591 = vector.shape_cast %get3A_590 : vector<1x16xf32> to vector<16xf32>
        %sub3A_592 = arith.subf %get3A_585, %get3A_591 : vector<16xf32>
        %max3A_593 = arith.maximumf %max3A_579, %sub3A_592 : vector<16xf32>
        %add3A_594 = arith.constant 5 : i32
        %add3A_595 = arith.addi %mul3A_148, %add3A_594 : i32
        %get3A_596 = arith.index_cast %add3A_595 : i32 to index
        %get3A_597 = arith.constant 48 : index
        %get3A_598 = tpu.vector_load %arg8[%get3A_596, %get3A_597] {strides = array<i32>} : memref<128x128xf32, #tpu.memory_space<vmem>>, vector<1x16xf32>,
        %get3A_599 = vector.shape_cast %get3A_598 : vector<1x16xf32> to vector<16xf32>
        %add3A_600 = arith.constant 5 : i32
        %add3A_601 = arith.addi %mul3A_148, %add3A_600 : i32
        %get3A_602 = arith.index_cast %add3A_601 : i32 to index
        %get3A_603 = arith.constant 48 : index
        %get3A_604 = tpu.vector_load %arg9[%get3A_602, %get3A_603] {strides = array<i32>} : memref<128x128xf32, #tpu.memory_space<vmem>>, vector<1x16xf32>,
        %get3A_605 = vector.shape_cast %get3A_604 : vector<1x16xf32> to vector<16xf32>
        %sub3A_606 = arith.subf %get3A_599, %get3A_605 : vector<16xf32>
        %max3A_607 = arith.maximumf %max3A_593, %sub3A_606 : vector<16xf32>
        %add3A_608 = arith.constant 6 : i32
        %add3A_609 = arith.addi %mul3A_148, %add3A_608 : i32
        %get3A_610 = arith.index_cast %add3A_609 : i32 to index
        %get3A_611 = arith.constant 48 : index
        %get3A_612 = tpu.vector_load %arg8[%get3A_610, %get3A_611] {strides = array<i32>} : memref<128x128xf32, #tpu.memory_space<vmem>>, vector<1x16xf32>,
        %get3A_613 = vector.shape_cast %get3A_612 : vector<1x16xf32> to vector<16xf32>
        %add3A_614 = arith.constant 6 : i32
        %add3A_615 = arith.addi %mul3A_148, %add3A_614 : i32
        %get3A_616 = arith.index_cast %add3A_615 : i32 to index
        %get3A_617 = arith.constant 48 : index
        %get3A_618 = tpu.vector_load %arg9[%get3A_616, %get3A_617] {strides = array<i32>} : memref<128x128xf32, #tpu.memory_space<vmem>>, vector<1x16xf32>,
        %get3A_619 = vector.shape_cast %get3A_618 : vector<1x16xf32> to vector<16xf32>
        %sub3A_620 = arith.subf %get3A_613, %get3A_619 : vector<16xf32>
        %max3A_621 = arith.maximumf %max3A_607, %sub3A_620 : vector<16xf32>
        %add3A_622 = arith.constant 7 : i32
        %add3A_623 = arith.addi %mul3A_148, %add3A_622 : i32
        %get3A_624 = arith.index_cast %add3A_623 : i32 to index
        %get3A_625 = arith.constant 48 : index
        %get3A_626 = tpu.vector_load %arg8[%get3A_624, %get3A_625] {strides = array<i32>} : memref<128x128xf32, #tpu.memory_space<vmem>>, vector<1x16xf32>,
        %get3A_627 = vector.shape_cast %get3A_626 : vector<1x16xf32> to vector<16xf32>
        %add3A_628 = arith.constant 7 : i32
        %add3A_629 = arith.addi %mul3A_148, %add3A_628 : i32
        %get3A_630 = arith.index_cast %add3A_629 : i32 to index
        %get3A_631 = arith.constant 48 : index
        %get3A_632 = tpu.vector_load %arg9[%get3A_630, %get3A_631] {strides = array<i32>} : memref<128x128xf32, #tpu.memory_space<vmem>>, vector<1x16xf32>,
        %get3A_633 = vector.shape_cast %get3A_632 : vector<1x16xf32> to vector<16xf32>
        %sub3A_634 = arith.subf %get3A_627, %get3A_633 : vector<16xf32>
        %max3A_635 = arith.maximumf %max3A_621, %sub3A_634 : vector<16xf32>
        %add3A_636 = arith.constant 8 : i32
        %add3A_637 = arith.addi %mul3A_148, %add3A_636 : i32
        %get3A_638 = arith.index_cast %add3A_637 : i32 to index
        %get3A_639 = arith.constant 48 : index
        %get3A_640 = tpu.vector_load %arg8[%get3A_638, %get3A_639] {strides = array<i32>} : memref<128x128xf32, #tpu.memory_space<vmem>>, vector<1x16xf32>,
        %get3A_641 = vector.shape_cast %get3A_640 : vector<1x16xf32> to vector<16xf32>
        %add3A_642 = arith.constant 8 : i32
        %add3A_643 = arith.addi %mul3A_148, %add3A_642 : i32
        %get3A_644 = arith.index_cast %add3A_643 : i32 to index
        %get3A_645 = arith.constant 48 : index
        %get3A_646 = tpu.vector_load %arg9[%get3A_644, %get3A_645] {strides = array<i32>} : memref<128x128xf32, #tpu.memory_space<vmem>>, vector<1x16xf32>,
        %get3A_647 = vector.shape_cast %get3A_646 : vector<1x16xf32> to vector<16xf32>
        %sub3A_648 = arith.subf %get3A_641, %get3A_647 : vector<16xf32>
        %max3A_649 = arith.maximumf %max3A_635, %sub3A_648 : vector<16xf32>
        %add3A_650 = arith.constant 28 : i32
        %add3A_651 = arith.addi %add3A_650, %scan3A_146 : i32
        %swap3A_652 = arith.index_cast %add3A_651 : i32 to index
        %swap3A_653 = arith.constant 48 : index
        %swap3A_654 = tpu.vector_load %arg12[%swap3A_652, %swap3A_653] {strides = array<i32>} : memref<56x128xf32, #tpu.memory_space<vmem>>, vector<1x16xf32>,
        %swap3A_655 = vector.shape_cast %swap3A_654 : vector<1x16xf32> to vector<16xf32>
        %swap3A_656 = vector.shape_cast %max3A_649 : vector<16xf32> to vector<1x16xf32>
        tpu.vector_store %arg12[%swap3A_652, %swap3A_653], %swap3A_656 {strides = array<i32>} : memref<56x128xf32, #tpu.memory_space<vmem>>, vector<1x16xf32>,
        %get3A_657 = arith.index_cast %mul3A_148 : i32 to index
        %get3A_658 = arith.constant 64 : index
        %get3A_659 = tpu.vector_load %arg8[%get3A_657, %get3A_658] {strides = array<i32>} : memref<128x128xf32, #tpu.memory_space<vmem>>, vector<1x16xf32>,
        %get3A_660 = vector.shape_cast %get3A_659 : vector<1x16xf32> to vector<16xf32>
        %get3A_661 = arith.index_cast %mul3A_148 : i32 to index
        %get3A_662 = arith.constant 64 : index
        %get3A_663 = tpu.vector_load %arg9[%get3A_661, %get3A_662] {strides = array<i32>} : memref<128x128xf32, #tpu.memory_space<vmem>>, vector<1x16xf32>,
        %get3A_664 = vector.shape_cast %get3A_663 : vector<1x16xf32> to vector<16xf32>
        %sub3A_665 = arith.subf %get3A_660, %get3A_664 : vector<16xf32>
        %add3A_666 = arith.constant 1 : i32
        %add3A_667 = arith.addi %mul3A_148, %add3A_666 : i32
        %get3A_668 = arith.index_cast %add3A_667 : i32 to index
        %get3A_669 = arith.constant 64 : index
        %get3A_670 = tpu.vector_load %arg8[%get3A_668, %get3A_669] {strides = array<i32>} : memref<128x128xf32, #tpu.memory_space<vmem>>, vector<1x16xf32>,
        %get3A_671 = vector.shape_cast %get3A_670 : vector<1x16xf32> to vector<16xf32>
        %add3A_672 = arith.constant 1 : i32
        %add3A_673 = arith.addi %mul3A_148, %add3A_672 : i32
        %get3A_674 = arith.index_cast %add3A_673 : i32 to index
        %get3A_675 = arith.constant 64 : index
        %get3A_676 = tpu.vector_load %arg9[%get3A_674, %get3A_675] {strides = array<i32>} : memref<128x128xf32, #tpu.memory_space<vmem>>, vector<1x16xf32>,
        %get3A_677 = vector.shape_cast %get3A_676 : vector<1x16xf32> to vector<16xf32>
        %sub3A_678 = arith.subf %get3A_671, %get3A_677 : vector<16xf32>
        %max3A_679 = arith.maximumf %sub3A_665, %sub3A_678 : vector<16xf32>
        %add3A_680 = arith.constant 2 : i32
        %add3A_681 = arith.addi %mul3A_148, %add3A_680 : i32
        %get3A_682 = arith.index_cast %add3A_681 : i32 to index
        %get3A_683 = arith.constant 64 : index
        %get3A_684 = tpu.vector_load %arg8[%get3A_682, %get3A_683] {strides = array<i32>} : memref<128x128xf32, #tpu.memory_space<vmem>>, vector<1x16xf32>,
        %get3A_685 = vector.shape_cast %get3A_684 : vector<1x16xf32> to vector<16xf32>
        %add3A_686 = arith.constant 2 : i32
        %add3A_687 = arith.addi %mul3A_148, %add3A_686 : i32
        %get3A_688 = arith.index_cast %add3A_687 : i32 to index
        %get3A_689 = arith.constant 64 : index
        %get3A_690 = tpu.vector_load %arg9[%get3A_688, %get3A_689] {strides = array<i32>} : memref<128x128xf32, #tpu.memory_space<vmem>>, vector<1x16xf32>,
        %get3A_691 = vector.shape_cast %get3A_690 : vector<1x16xf32> to vector<16xf32>
        %sub3A_692 = arith.subf %get3A_685, %get3A_691 : vector<16xf32>
        %max3A_693 = arith.maximumf %max3A_679, %sub3A_692 : vector<16xf32>
        %add3A_694 = arith.constant 3 : i32
        %add3A_695 = arith.addi %mul3A_148, %add3A_694 : i32
        %get3A_696 = arith.index_cast %add3A_695 : i32 to index
        %get3A_697 = arith.constant 64 : index
        %get3A_698 = tpu.vector_load %arg8[%get3A_696, %get3A_697] {strides = array<i32>} : memref<128x128xf32, #tpu.memory_space<vmem>>, vector<1x16xf32>,
        %get3A_699 = vector.shape_cast %get3A_698 : vector<1x16xf32> to vector<16xf32>
        %add3A_700 = arith.constant 3 : i32
        %add3A_701 = arith.addi %mul3A_148, %add3A_700 : i32
        %get3A_702 = arith.index_cast %add3A_701 : i32 to index
        %get3A_703 = arith.constant 64 : index
        %get3A_704 = tpu.vector_load %arg9[%get3A_702, %get3A_703] {strides = array<i32>} : memref<128x128xf32, #tpu.memory_space<vmem>>, vector<1x16xf32>,
        %get3A_705 = vector.shape_cast %get3A_704 : vector<1x16xf32> to vector<16xf32>
        %sub3A_706 = arith.subf %get3A_699, %get3A_705 : vector<16xf32>
        %max3A_707 = arith.maximumf %max3A_693, %sub3A_706 : vector<16xf32>
        %add3A_708 = arith.constant 4 : i32
        %add3A_709 = arith.addi %mul3A_148, %add3A_708 : i32
        %get3A_710 = arith.index_cast %add3A_709 : i32 to index
        %get3A_711 = arith.constant 64 : index
        %get3A_712 = tpu.vector_load %arg8[%get3A_710, %get3A_711] {strides = array<i32>} : memref<128x128xf32, #tpu.memory_space<vmem>>, vector<1x16xf32>,
        %get3A_713 = vector.shape_cast %get3A_712 : vector<1x16xf32> to vector<16xf32>
        %add3A_714 = arith.constant 4 : i32
        %add3A_715 = arith.addi %mul3A_148, %add3A_714 : i32
        %get3A_716 = arith.index_cast %add3A_715 : i32 to index
        %get3A_717 = arith.constant 64 : index
        %get3A_718 = tpu.vector_load %arg9[%get3A_716, %get3A_717] {strides = array<i32>} : memref<128x128xf32, #tpu.memory_space<vmem>>, vector<1x16xf32>,
        %get3A_719 = vector.shape_cast %get3A_718 : vector<1x16xf32> to vector<16xf32>
        %sub3A_720 = arith.subf %get3A_713, %get3A_719 : vector<16xf32>
        %max3A_721 = arith.maximumf %max3A_707, %sub3A_720 : vector<16xf32>
        %add3A_722 = arith.constant 5 : i32
        %add3A_723 = arith.addi %mul3A_148, %add3A_722 : i32
        %get3A_724 = arith.index_cast %add3A_723 : i32 to index
        %get3A_725 = arith.constant 64 : index
        %get3A_726 = tpu.vector_load %arg8[%get3A_724, %get3A_725] {strides = array<i32>} : memref<128x128xf32, #tpu.memory_space<vmem>>, vector<1x16xf32>,
        %get3A_727 = vector.shape_cast %get3A_726 : vector<1x16xf32> to vector<16xf32>
        %add3A_728 = arith.constant 5 : i32
        %add3A_729 = arith.addi %mul3A_148, %add3A_728 : i32
        %get3A_730 = arith.index_cast %add3A_729 : i32 to index
        %get3A_731 = arith.constant 64 : index
        %get3A_732 = tpu.vector_load %arg9[%get3A_730, %get3A_731] {strides = array<i32>} : memref<128x128xf32, #tpu.memory_space<vmem>>, vector<1x16xf32>,
        %get3A_733 = vector.shape_cast %get3A_732 : vector<1x16xf32> to vector<16xf32>
        %sub3A_734 = arith.subf %get3A_727, %get3A_733 : vector<16xf32>
        %max3A_735 = arith.maximumf %max3A_721, %sub3A_734 : vector<16xf32>
        %add3A_736 = arith.constant 6 : i32
        %add3A_737 = arith.addi %mul3A_148, %add3A_736 : i32
        %get3A_738 = arith.index_cast %add3A_737 : i32 to index
        %get3A_739 = arith.constant 64 : index
        %get3A_740 = tpu.vector_load %arg8[%get3A_738, %get3A_739] {strides = array<i32>} : memref<128x128xf32, #tpu.memory_space<vmem>>, vector<1x16xf32>,
        %get3A_741 = vector.shape_cast %get3A_740 : vector<1x16xf32> to vector<16xf32>
        %add3A_742 = arith.constant 6 : i32
        %add3A_743 = arith.addi %mul3A_148, %add3A_742 : i32
        %get3A_744 = arith.index_cast %add3A_743 : i32 to index
        %get3A_745 = arith.constant 64 : index
        %get3A_746 = tpu.vector_load %arg9[%get3A_744, %get3A_745] {strides = array<i32>} : memref<128x128xf32, #tpu.memory_space<vmem>>, vector<1x16xf32>,
        %get3A_747 = vector.shape_cast %get3A_746 : vector<1x16xf32> to vector<16xf32>
        %sub3A_748 = arith.subf %get3A_741, %get3A_747 : vector<16xf32>
        %max3A_749 = arith.maximumf %max3A_735, %sub3A_748 : vector<16xf32>
        %add3A_750 = arith.constant 7 : i32
        %add3A_751 = arith.addi %mul3A_148, %add3A_750 : i32
        %get3A_752 = arith.index_cast %add3A_751 : i32 to index
        %get3A_753 = arith.constant 64 : index
        %get3A_754 = tpu.vector_load %arg8[%get3A_752, %get3A_753] {strides = array<i32>} : memref<128x128xf32, #tpu.memory_space<vmem>>, vector<1x16xf32>,
        %get3A_755 = vector.shape_cast %get3A_754 : vector<1x16xf32> to vector<16xf32>
        %add3A_756 = arith.constant 7 : i32
        %add3A_757 = arith.addi %mul3A_148, %add3A_756 : i32
        %get3A_758 = arith.index_cast %add3A_757 : i32 to index
        %get3A_759 = arith.constant 64 : index
        %get3A_760 = tpu.vector_load %arg9[%get3A_758, %get3A_759] {strides = array<i32>} : memref<128x128xf32, #tpu.memory_space<vmem>>, vector<1x16xf32>,
        %get3A_761 = vector.shape_cast %get3A_760 : vector<1x16xf32> to vector<16xf32>
        %sub3A_762 = arith.subf %get3A_755, %get3A_761 : vector<16xf32>
        %max3A_763 = arith.maximumf %max3A_749, %sub3A_762 : vector<16xf32>
        %add3A_764 = arith.constant 8 : i32
        %add3A_765 = arith.addi %mul3A_148, %add3A_764 : i32
        %get3A_766 = arith.index_cast %add3A_765 : i32 to index
        %get3A_767 = arith.constant 64 : index
        %get3A_768 = tpu.vector_load %arg8[%get3A_766, %get3A_767] {strides = array<i32>} : memref<128x128xf32, #tpu.memory_space<vmem>>, vector<1x16xf32>,
        %get3A_769 = vector.shape_cast %get3A_768 : vector<1x16xf32> to vector<16xf32>
        %add3A_770 = arith.constant 8 : i32
        %add3A_771 = arith.addi %mul3A_148, %add3A_770 : i32
        %get3A_772 = arith.index_cast %add3A_771 : i32 to index
        %get3A_773 = arith.constant 64 : index
        %get3A_774 = tpu.vector_load %arg9[%get3A_772, %get3A_773] {strides = array<i32>} : memref<128x128xf32, #tpu.memory_space<vmem>>, vector<1x16xf32>,
        %get3A_775 = vector.shape_cast %get3A_774 : vector<1x16xf32> to vector<16xf32>
        %sub3A_776 = arith.subf %get3A_769, %get3A_775 : vector<16xf32>
        %max3A_777 = arith.maximumf %max3A_763, %sub3A_776 : vector<16xf32>
        %add3A_778 = arith.constant 28 : i32
        %add3A_779 = arith.addi %add3A_778, %scan3A_146 : i32
        %swap3A_780 = arith.index_cast %add3A_779 : i32 to index
        %swap3A_781 = arith.constant 64 : index
        %swap3A_782 = tpu.vector_load %arg12[%swap3A_780, %swap3A_781] {strides = array<i32>} : memref<56x128xf32, #tpu.memory_space<vmem>>, vector<1x16xf32>,
        %swap3A_783 = vector.shape_cast %swap3A_782 : vector<1x16xf32> to vector<16xf32>
        %swap3A_784 = vector.shape_cast %max3A_777 : vector<16xf32> to vector<1x16xf32>
        tpu.vector_store %arg12[%swap3A_780, %swap3A_781], %swap3A_784 {strides = array<i32>} : memref<56x128xf32, #tpu.memory_space<vmem>>, vector<1x16xf32>,
        %get3A_785 = arith.index_cast %mul3A_148 : i32 to index
        %get3A_786 = arith.constant 80 : index
        %get3A_787 = tpu.vector_load %arg8[%get3A_785, %get3A_786] {strides = array<i32>} : memref<128x128xf32, #tpu.memory_space<vmem>>, vector<1x16xf32>,
        %get3A_788 = vector.shape_cast %get3A_787 : vector<1x16xf32> to vector<16xf32>
        %get3A_789 = arith.index_cast %mul3A_148 : i32 to index
        %get3A_790 = arith.constant 80 : index
        %get3A_791 = tpu.vector_load %arg9[%get3A_789, %get3A_790] {strides = array<i32>} : memref<128x128xf32, #tpu.memory_space<vmem>>, vector<1x16xf32>,
        %get3A_792 = vector.shape_cast %get3A_791 : vector<1x16xf32> to vector<16xf32>
        %sub3A_793 = arith.subf %get3A_788, %get3A_792 : vector<16xf32>
        %add3A_794 = arith.constant 1 : i32
        %add3A_795 = arith.addi %mul3A_148, %add3A_794 : i32
        %get3A_796 = arith.index_cast %add3A_795 : i32 to index
        %get3A_797 = arith.constant 80 : index
        %get3A_798 = tpu.vector_load %arg8[%get3A_796, %get3A_797] {strides = array<i32>} : memref<128x128xf32, #tpu.memory_space<vmem>>, vector<1x16xf32>,
        %get3A_799 = vector.shape_cast %get3A_798 : vector<1x16xf32> to vector<16xf32>
        %add3A_800 = arith.constant 1 : i32
        %add3A_801 = arith.addi %mul3A_148, %add3A_800 : i32
        %get3A_802 = arith.index_cast %add3A_801 : i32 to index
        %get3A_803 = arith.constant 80 : index
        %get3A_804 = tpu.vector_load %arg9[%get3A_802, %get3A_803] {strides = array<i32>} : memref<128x128xf32, #tpu.memory_space<vmem>>, vector<1x16xf32>,
        %get3A_805 = vector.shape_cast %get3A_804 : vector<1x16xf32> to vector<16xf32>
        %sub3A_806 = arith.subf %get3A_799, %get3A_805 : vector<16xf32>
        %max3A_807 = arith.maximumf %sub3A_793, %sub3A_806 : vector<16xf32>
        %add3A_808 = arith.constant 2 : i32
        %add3A_809 = arith.addi %mul3A_148, %add3A_808 : i32
        %get3A_810 = arith.index_cast %add3A_809 : i32 to index
        %get3A_811 = arith.constant 80 : index
        %get3A_812 = tpu.vector_load %arg8[%get3A_810, %get3A_811] {strides = array<i32>} : memref<128x128xf32, #tpu.memory_space<vmem>>, vector<1x16xf32>,
        %get3A_813 = vector.shape_cast %get3A_812 : vector<1x16xf32> to vector<16xf32>
        %add3A_814 = arith.constant 2 : i32
        %add3A_815 = arith.addi %mul3A_148, %add3A_814 : i32
        %get3A_816 = arith.index_cast %add3A_815 : i32 to index
        %get3A_817 = arith.constant 80 : index
        %get3A_818 = tpu.vector_load %arg9[%get3A_816, %get3A_817] {strides = array<i32>} : memref<128x128xf32, #tpu.memory_space<vmem>>, vector<1x16xf32>,
        %get3A_819 = vector.shape_cast %get3A_818 : vector<1x16xf32> to vector<16xf32>
        %sub3A_820 = arith.subf %get3A_813, %get3A_819 : vector<16xf32>
        %max3A_821 = arith.maximumf %max3A_807, %sub3A_820 : vector<16xf32>
        %add3A_822 = arith.constant 3 : i32
        %add3A_823 = arith.addi %mul3A_148, %add3A_822 : i32
        %get3A_824 = arith.index_cast %add3A_823 : i32 to index
        %get3A_825 = arith.constant 80 : index
        %get3A_826 = tpu.vector_load %arg8[%get3A_824, %get3A_825] {strides = array<i32>} : memref<128x128xf32, #tpu.memory_space<vmem>>, vector<1x16xf32>,
        %get3A_827 = vector.shape_cast %get3A_826 : vector<1x16xf32> to vector<16xf32>
        %add3A_828 = arith.constant 3 : i32
        %add3A_829 = arith.addi %mul3A_148, %add3A_828 : i32
        %get3A_830 = arith.index_cast %add3A_829 : i32 to index
        %get3A_831 = arith.constant 80 : index
        %get3A_832 = tpu.vector_load %arg9[%get3A_830, %get3A_831] {strides = array<i32>} : memref<128x128xf32, #tpu.memory_space<vmem>>, vector<1x16xf32>,
        %get3A_833 = vector.shape_cast %get3A_832 : vector<1x16xf32> to vector<16xf32>
        %sub3A_834 = arith.subf %get3A_827, %get3A_833 : vector<16xf32>
        %max3A_835 = arith.maximumf %max3A_821, %sub3A_834 : vector<16xf32>
        %add3A_836 = arith.constant 4 : i32
        %add3A_837 = arith.addi %mul3A_148, %add3A_836 : i32
        %get3A_838 = arith.index_cast %add3A_837 : i32 to index
        %get3A_839 = arith.constant 80 : index
        %get3A_840 = tpu.vector_load %arg8[%get3A_838, %get3A_839] {strides = array<i32>} : memref<128x128xf32, #tpu.memory_space<vmem>>, vector<1x16xf32>,
        %get3A_841 = vector.shape_cast %get3A_840 : vector<1x16xf32> to vector<16xf32>
        %add3A_842 = arith.constant 4 : i32
        %add3A_843 = arith.addi %mul3A_148, %add3A_842 : i32
        %get3A_844 = arith.index_cast %add3A_843 : i32 to index
        %get3A_845 = arith.constant 80 : index
        %get3A_846 = tpu.vector_load %arg9[%get3A_844, %get3A_845] {strides = array<i32>} : memref<128x128xf32, #tpu.memory_space<vmem>>, vector<1x16xf32>,
        %get3A_847 = vector.shape_cast %get3A_846 : vector<1x16xf32> to vector<16xf32>
        %sub3A_848 = arith.subf %get3A_841, %get3A_847 : vector<16xf32>
        %max3A_849 = arith.maximumf %max3A_835, %sub3A_848 : vector<16xf32>
        %add3A_850 = arith.constant 5 : i32
        %add3A_851 = arith.addi %mul3A_148, %add3A_850 : i32
        %get3A_852 = arith.index_cast %add3A_851 : i32 to index
        %get3A_853 = arith.constant 80 : index
        %get3A_854 = tpu.vector_load %arg8[%get3A_852, %get3A_853] {strides = array<i32>} : memref<128x128xf32, #tpu.memory_space<vmem>>, vector<1x16xf32>,
        %get3A_855 = vector.shape_cast %get3A_854 : vector<1x16xf32> to vector<16xf32>
        %add3A_856 = arith.constant 5 : i32
        %add3A_857 = arith.addi %mul3A_148, %add3A_856 : i32
        %get3A_858 = arith.index_cast %add3A_857 : i32 to index
        %get3A_859 = arith.constant 80 : index
        %get3A_860 = tpu.vector_load %arg9[%get3A_858, %get3A_859] {strides = array<i32>} : memref<128x128xf32, #tpu.memory_space<vmem>>, vector<1x16xf32>,
        %get3A_861 = vector.shape_cast %get3A_860 : vector<1x16xf32> to vector<16xf32>
        %sub3A_862 = arith.subf %get3A_855, %get3A_861 : vector<16xf32>
        %max3A_863 = arith.maximumf %max3A_849, %sub3A_862 : vector<16xf32>
        %add3A_864 = arith.constant 6 : i32
        %add3A_865 = arith.addi %mul3A_148, %add3A_864 : i32
        %get3A_866 = arith.index_cast %add3A_865 : i32 to index
        %get3A_867 = arith.constant 80 : index
        %get3A_868 = tpu.vector_load %arg8[%get3A_866, %get3A_867] {strides = array<i32>} : memref<128x128xf32, #tpu.memory_space<vmem>>, vector<1x16xf32>,
        %get3A_869 = vector.shape_cast %get3A_868 : vector<1x16xf32> to vector<16xf32>
        %add3A_870 = arith.constant 6 : i32
        %add3A_871 = arith.addi %mul3A_148, %add3A_870 : i32
        %get3A_872 = arith.index_cast %add3A_871 : i32 to index
        %get3A_873 = arith.constant 80 : index
        %get3A_874 = tpu.vector_load %arg9[%get3A_872, %get3A_873] {strides = array<i32>} : memref<128x128xf32, #tpu.memory_space<vmem>>, vector<1x16xf32>,
        %get3A_875 = vector.shape_cast %get3A_874 : vector<1x16xf32> to vector<16xf32>
        %sub3A_876 = arith.subf %get3A_869, %get3A_875 : vector<16xf32>
        %max3A_877 = arith.maximumf %max3A_863, %sub3A_876 : vector<16xf32>
        %add3A_878 = arith.constant 7 : i32
        %add3A_879 = arith.addi %mul3A_148, %add3A_878 : i32
        %get3A_880 = arith.index_cast %add3A_879 : i32 to index
        %get3A_881 = arith.constant 80 : index
        %get3A_882 = tpu.vector_load %arg8[%get3A_880, %get3A_881] {strides = array<i32>} : memref<128x128xf32, #tpu.memory_space<vmem>>, vector<1x16xf32>,
        %get3A_883 = vector.shape_cast %get3A_882 : vector<1x16xf32> to vector<16xf32>
        %add3A_884 = arith.constant 7 : i32
        %add3A_885 = arith.addi %mul3A_148, %add3A_884 : i32
        %get3A_886 = arith.index_cast %add3A_885 : i32 to index
        %get3A_887 = arith.constant 80 : index
        %get3A_888 = tpu.vector_load %arg9[%get3A_886, %get3A_887] {strides = array<i32>} : memref<128x128xf32, #tpu.memory_space<vmem>>, vector<1x16xf32>,
        %get3A_889 = vector.shape_cast %get3A_888 : vector<1x16xf32> to vector<16xf32>
        %sub3A_890 = arith.subf %get3A_883, %get3A_889 : vector<16xf32>
        %max3A_891 = arith.maximumf %max3A_877, %sub3A_890 : vector<16xf32>
        %add3A_892 = arith.constant 8 : i32
        %add3A_893 = arith.addi %mul3A_148, %add3A_892 : i32
        %get3A_894 = arith.index_cast %add3A_893 : i32 to index
        %get3A_895 = arith.constant 80 : index
        %get3A_896 = tpu.vector_load %arg8[%get3A_894, %get3A_895] {strides = array<i32>} : memref<128x128xf32, #tpu.memory_space<vmem>>, vector<1x16xf32>,
        %get3A_897 = vector.shape_cast %get3A_896 : vector<1x16xf32> to vector<16xf32>
        %add3A_898 = arith.constant 8 : i32
        %add3A_899 = arith.addi %mul3A_148, %add3A_898 : i32
        %get3A_900 = arith.index_cast %add3A_899 : i32 to index
        %get3A_901 = arith.constant 80 : index
        %get3A_902 = tpu.vector_load %arg9[%get3A_900, %get3A_901] {strides = array<i32>} : memref<128x128xf32, #tpu.memory_space<vmem>>, vector<1x16xf32>,
        %get3A_903 = vector.shape_cast %get3A_902 : vector<1x16xf32> to vector<16xf32>
        %sub3A_904 = arith.subf %get3A_897, %get3A_903 : vector<16xf32>
        %max3A_905 = arith.maximumf %max3A_891, %sub3A_904 : vector<16xf32>
        %add3A_906 = arith.constant 28 : i32
        %add3A_907 = arith.addi %add3A_906, %scan3A_146 : i32
        %swap3A_908 = arith.index_cast %add3A_907 : i32 to index
        %swap3A_909 = arith.constant 80 : index
        %swap3A_910 = tpu.vector_load %arg12[%swap3A_908, %swap3A_909] {strides = array<i32>} : memref<56x128xf32, #tpu.memory_space<vmem>>, vector<1x16xf32>,
        %swap3A_911 = vector.shape_cast %swap3A_910 : vector<1x16xf32> to vector<16xf32>
        %swap3A_912 = vector.shape_cast %max3A_905 : vector<16xf32> to vector<1x16xf32>
        tpu.vector_store %arg12[%swap3A_908, %swap3A_909], %swap3A_912 {strides = array<i32>} : memref<56x128xf32, #tpu.memory_space<vmem>>, vector<1x16xf32>,
        %get3A_913 = arith.index_cast %mul3A_148 : i32 to index
        %get3A_914 = arith.constant 96 : index
        %get3A_915 = tpu.vector_load %arg8[%get3A_913, %get3A_914] {strides = array<i32>} : memref<128x128xf32, #tpu.memory_space<vmem>>, vector<1x16xf32>,
        %get3A_916 = vector.shape_cast %get3A_915 : vector<1x16xf32> to vector<16xf32>
        %get3A_917 = arith.index_cast %mul3A_148 : i32 to index
        %get3A_918 = arith.constant 96 : index
        %get3A_919 = tpu.vector_load %arg9[%get3A_917, %get3A_918] {strides = array<i32>} : memref<128x128xf32, #tpu.memory_space<vmem>>, vector<1x16xf32>,
        %get3A_920 = vector.shape_cast %get3A_919 : vector<1x16xf32> to vector<16xf32>
        %sub3A_921 = arith.subf %get3A_916, %get3A_920 : vector<16xf32>
        %add3A_922 = arith.constant 1 : i32
        %add3A_923 = arith.addi %mul3A_148, %add3A_922 : i32
        %get3A_924 = arith.index_cast %add3A_923 : i32 to index
        %get3A_925 = arith.constant 96 : index
        %get3A_926 = tpu.vector_load %arg8[%get3A_924, %get3A_925] {strides = array<i32>} : memref<128x128xf32, #tpu.memory_space<vmem>>, vector<1x16xf32>,
        %get3A_927 = vector.shape_cast %get3A_926 : vector<1x16xf32> to vector<16xf32>
        %add3A_928 = arith.constant 1 : i32
        %add3A_929 = arith.addi %mul3A_148, %add3A_928 : i32
        %get3A_930 = arith.index_cast %add3A_929 : i32 to index
        %get3A_931 = arith.constant 96 : index
        %get3A_932 = tpu.vector_load %arg9[%get3A_930, %get3A_931] {strides = array<i32>} : memref<128x128xf32, #tpu.memory_space<vmem>>, vector<1x16xf32>,
        %get3A_933 = vector.shape_cast %get3A_932 : vector<1x16xf32> to vector<16xf32>
        %sub3A_934 = arith.subf %get3A_927, %get3A_933 : vector<16xf32>
        %max3A_935 = arith.maximumf %sub3A_921, %sub3A_934 : vector<16xf32>
        %add3A_936 = arith.constant 2 : i32
        %add3A_937 = arith.addi %mul3A_148, %add3A_936 : i32
        %get3A_938 = arith.index_cast %add3A_937 : i32 to index
        %get3A_939 = arith.constant 96 : index
        %get3A_940 = tpu.vector_load %arg8[%get3A_938, %get3A_939] {strides = array<i32>} : memref<128x128xf32, #tpu.memory_space<vmem>>, vector<1x16xf32>,
        %get3A_941 = vector.shape_cast %get3A_940 : vector<1x16xf32> to vector<16xf32>
        %add3A_942 = arith.constant 2 : i32
        %add3A_943 = arith.addi %mul3A_148, %add3A_942 : i32
        %get3A_944 = arith.index_cast %add3A_943 : i32 to index
        %get3A_945 = arith.constant 96 : index
        %get3A_946 = tpu.vector_load %arg9[%get3A_944, %get3A_945] {strides = array<i32>} : memref<128x128xf32, #tpu.memory_space<vmem>>, vector<1x16xf32>,
        %get3A_947 = vector.shape_cast %get3A_946 : vector<1x16xf32> to vector<16xf32>
        %sub3A_948 = arith.subf %get3A_941, %get3A_947 : vector<16xf32>
        %max3A_949 = arith.maximumf %max3A_935, %sub3A_948 : vector<16xf32>
        %add3A_950 = arith.constant 3 : i32
        %add3A_951 = arith.addi %mul3A_148, %add3A_950 : i32
        %get3A_952 = arith.index_cast %add3A_951 : i32 to index
        %get3A_953 = arith.constant 96 : index
        %get3A_954 = tpu.vector_load %arg8[%get3A_952, %get3A_953] {strides = array<i32>} : memref<128x128xf32, #tpu.memory_space<vmem>>, vector<1x16xf32>,
        %get3A_955 = vector.shape_cast %get3A_954 : vector<1x16xf32> to vector<16xf32>
        %add3A_956 = arith.constant 3 : i32
        %add3A_957 = arith.addi %mul3A_148, %add3A_956 : i32
        %get3A_958 = arith.index_cast %add3A_957 : i32 to index
        %get3A_959 = arith.constant 96 : index
        %get3A_960 = tpu.vector_load %arg9[%get3A_958, %get3A_959] {strides = array<i32>} : memref<128x128xf32, #tpu.memory_space<vmem>>, vector<1x16xf32>,
        %get3A_961 = vector.shape_cast %get3A_960 : vector<1x16xf32> to vector<16xf32>
        %sub3A_962 = arith.subf %get3A_955, %get3A_961 : vector<16xf32>
        %max3A_963 = arith.maximumf %max3A_949, %sub3A_962 : vector<16xf32>
        %add3A_964 = arith.constant 4 : i32
        %add3A_965 = arith.addi %mul3A_148, %add3A_964 : i32
        %get3A_966 = arith.index_cast %add3A_965 : i32 to index
        %get3A_967 = arith.constant 96 : index
        %get3A_968 = tpu.vector_load %arg8[%get3A_966, %get3A_967] {strides = array<i32>} : memref<128x128xf32, #tpu.memory_space<vmem>>, vector<1x16xf32>,
        %get3A_969 = vector.shape_cast %get3A_968 : vector<1x16xf32> to vector<16xf32>
        %add3A_970 = arith.constant 4 : i32
        %add3A_971 = arith.addi %mul3A_148, %add3A_970 : i32
        %get3A_972 = arith.index_cast %add3A_971 : i32 to index
        %get3A_973 = arith.constant 96 : index
        %get3A_974 = tpu.vector_load %arg9[%get3A_972, %get3A_973] {strides = array<i32>} : memref<128x128xf32, #tpu.memory_space<vmem>>, vector<1x16xf32>,
        %get3A_975 = vector.shape_cast %get3A_974 : vector<1x16xf32> to vector<16xf32>
        %sub3A_976 = arith.subf %get3A_969, %get3A_975 : vector<16xf32>
        %max3A_977 = arith.maximumf %max3A_963, %sub3A_976 : vector<16xf32>
        %add3A_978 = arith.constant 5 : i32
        %add3A_979 = arith.addi %mul3A_148, %add3A_978 : i32
        %get3A_980 = arith.index_cast %add3A_979 : i32 to index
        %get3A_981 = arith.constant 96 : index
        %get3A_982 = tpu.vector_load %arg8[%get3A_980, %get3A_981] {strides = array<i32>} : memref<128x128xf32, #tpu.memory_space<vmem>>, vector<1x16xf32>,
        %get3A_983 = vector.shape_cast %get3A_982 : vector<1x16xf32> to vector<16xf32>
        %add3A_984 = arith.constant 5 : i32
        %add3A_985 = arith.addi %mul3A_148, %add3A_984 : i32
        %get3A_986 = arith.index_cast %add3A_985 : i32 to index
        %get3A_987 = arith.constant 96 : index
        %get3A_988 = tpu.vector_load %arg9[%get3A_986, %get3A_987] {strides = array<i32>} : memref<128x128xf32, #tpu.memory_space<vmem>>, vector<1x16xf32>,
        %get3A_989 = vector.shape_cast %get3A_988 : vector<1x16xf32> to vector<16xf32>
        %sub3A_990 = arith.subf %get3A_983, %get3A_989 : vector<16xf32>
        %max3A_991 = arith.maximumf %max3A_977, %sub3A_990 : vector<16xf32>
        %add3A_992 = arith.constant 6 : i32
        %add3A_993 = arith.addi %mul3A_148, %add3A_992 : i32
        %get3A_994 = arith.index_cast %add3A_993 : i32 to index
        %get3A_995 = arith.constant 96 : index
        %get3A_996 = tpu.vector_load %arg8[%get3A_994, %get3A_995] {strides = array<i32>} : memref<128x128xf32, #tpu.memory_space<vmem>>, vector<1x16xf32>,
        %get3A_997 = vector.shape_cast %get3A_996 : vector<1x16xf32> to vector<16xf32>
        %add3A_998 = arith.constant 6 : i32
        %add3A_999 = arith.addi %mul3A_148, %add3A_998 : i32
        %get3A_1000 = arith.index_cast %add3A_999 : i32 to index
        %get3A_1001 = arith.constant 96 : index
        %get3A_1002 = tpu.vector_load %arg9[%get3A_1000, %get3A_1001] {strides = array<i32>} : memref<128x128xf32, #tpu.memory_space<vmem>>, vector<1x16xf32>,
        %get3A_1003 = vector.shape_cast %get3A_1002 : vector<1x16xf32> to vector<16xf32>
        %sub3A_1004 = arith.subf %get3A_997, %get3A_1003 : vector<16xf32>
        %max3A_1005 = arith.maximumf %max3A_991, %sub3A_1004 : vector<16xf32>
        %add3A_1006 = arith.constant 7 : i32
        %add3A_1007 = arith.addi %mul3A_148, %add3A_1006 : i32
        %get3A_1008 = arith.index_cast %add3A_1007 : i32 to index
        %get3A_1009 = arith.constant 96 : index
        %get3A_1010 = tpu.vector_load %arg8[%get3A_1008, %get3A_1009] {strides = array<i32>} : memref<128x128xf32, #tpu.memory_space<vmem>>, vector<1x16xf32>,
        %get3A_1011 = vector.shape_cast %get3A_1010 : vector<1x16xf32> to vector<16xf32>
        %add3A_1012 = arith.constant 7 : i32
        %add3A_1013 = arith.addi %mul3A_148, %add3A_1012 : i32
        %get3A_1014 = arith.index_cast %add3A_1013 : i32 to index
        %get3A_1015 = arith.constant 96 : index
        %get3A_1016 = tpu.vector_load %arg9[%get3A_1014, %get3A_1015] {strides = array<i32>} : memref<128x128xf32, #tpu.memory_space<vmem>>, vector<1x16xf32>,
        %get3A_1017 = vector.shape_cast %get3A_1016 : vector<1x16xf32> to vector<16xf32>
        %sub3A_1018 = arith.subf %get3A_1011, %get3A_1017 : vector<16xf32>
        %max3A_1019 = arith.maximumf %max3A_1005, %sub3A_1018 : vector<16xf32>
        %add3A_1020 = arith.constant 8 : i32
        %add3A_1021 = arith.addi %mul3A_148, %add3A_1020 : i32
        %get3A_1022 = arith.index_cast %add3A_1021 : i32 to index
        %get3A_1023 = arith.constant 96 : index
        %get3A_1024 = tpu.vector_load %arg8[%get3A_1022, %get3A_1023] {strides = array<i32>} : memref<128x128xf32, #tpu.memory_space<vmem>>, vector<1x16xf32>,
        %get3A_1025 = vector.shape_cast %get3A_1024 : vector<1x16xf32> to vector<16xf32>
        %add3A_1026 = arith.constant 8 : i32
        %add3A_1027 = arith.addi %mul3A_148, %add3A_1026 : i32
        %get3A_1028 = arith.index_cast %add3A_1027 : i32 to index
        %get3A_1029 = arith.constant 96 : index
        %get3A_1030 = tpu.vector_load %arg9[%get3A_1028, %get3A_1029] {strides = array<i32>} : memref<128x128xf32, #tpu.memory_space<vmem>>, vector<1x16xf32>,
        %get3A_1031 = vector.shape_cast %get3A_1030 : vector<1x16xf32> to vector<16xf32>
        %sub3A_1032 = arith.subf %get3A_1025, %get3A_1031 : vector<16xf32>
        %max3A_1033 = arith.maximumf %max3A_1019, %sub3A_1032 : vector<16xf32>
        %add3A_1034 = arith.constant 28 : i32
        %add3A_1035 = arith.addi %add3A_1034, %scan3A_146 : i32
        %swap3A_1036 = arith.index_cast %add3A_1035 : i32 to index
        %swap3A_1037 = arith.constant 96 : index
        %swap3A_1038 = tpu.vector_load %arg12[%swap3A_1036, %swap3A_1037] {strides = array<i32>} : memref<56x128xf32, #tpu.memory_space<vmem>>, vector<1x16xf32>,
        %swap3A_1039 = vector.shape_cast %swap3A_1038 : vector<1x16xf32> to vector<16xf32>
        %swap3A_1040 = vector.shape_cast %max3A_1033 : vector<16xf32> to vector<1x16xf32>
        tpu.vector_store %arg12[%swap3A_1036, %swap3A_1037], %swap3A_1040 {strides = array<i32>} : memref<56x128xf32, #tpu.memory_space<vmem>>, vector<1x16xf32>,
        %get3A_1041 = arith.index_cast %mul3A_148 : i32 to index
        %get3A_1042 = arith.constant 112 : index
        %get3A_1043 = tpu.vector_load %arg8[%get3A_1041, %get3A_1042] {strides = array<i32>} : memref<128x128xf32, #tpu.memory_space<vmem>>, vector<1x16xf32>,
        %get3A_1044 = vector.shape_cast %get3A_1043 : vector<1x16xf32> to vector<16xf32>
        %get3A_1045 = arith.index_cast %mul3A_148 : i32 to index
        %get3A_1046 = arith.constant 112 : index
        %get3A_1047 = tpu.vector_load %arg9[%get3A_1045, %get3A_1046] {strides = array<i32>} : memref<128x128xf32, #tpu.memory_space<vmem>>, vector<1x16xf32>,
        %get3A_1048 = vector.shape_cast %get3A_1047 : vector<1x16xf32> to vector<16xf32>
        %sub3A_1049 = arith.subf %get3A_1044, %get3A_1048 : vector<16xf32>
        %add3A_1050 = arith.constant 1 : i32
        %add3A_1051 = arith.addi %mul3A_148, %add3A_1050 : i32
        %get3A_1052 = arith.index_cast %add3A_1051 : i32 to index
        %get3A_1053 = arith.constant 112 : index
        %get3A_1054 = tpu.vector_load %arg8[%get3A_1052, %get3A_1053] {strides = array<i32>} : memref<128x128xf32, #tpu.memory_space<vmem>>, vector<1x16xf32>,
        %get3A_1055 = vector.shape_cast %get3A_1054 : vector<1x16xf32> to vector<16xf32>
        %add3A_1056 = arith.constant 1 : i32
        %add3A_1057 = arith.addi %mul3A_148, %add3A_1056 : i32
        %get3A_1058 = arith.index_cast %add3A_1057 : i32 to index
        %get3A_1059 = arith.constant 112 : index
        %get3A_1060 = tpu.vector_load %arg9[%get3A_1058, %get3A_1059] {strides = array<i32>} : memref<128x128xf32, #tpu.memory_space<vmem>>, vector<1x16xf32>,
        %get3A_1061 = vector.shape_cast %get3A_1060 : vector<1x16xf32> to vector<16xf32>
        %sub3A_1062 = arith.subf %get3A_1055, %get3A_1061 : vector<16xf32>
        %max3A_1063 = arith.maximumf %sub3A_1049, %sub3A_1062 : vector<16xf32>
        %add3A_1064 = arith.constant 2 : i32
        %add3A_1065 = arith.addi %mul3A_148, %add3A_1064 : i32
        %get3A_1066 = arith.index_cast %add3A_1065 : i32 to index
        %get3A_1067 = arith.constant 112 : index
        %get3A_1068 = tpu.vector_load %arg8[%get3A_1066, %get3A_1067] {strides = array<i32>} : memref<128x128xf32, #tpu.memory_space<vmem>>, vector<1x16xf32>,
        %get3A_1069 = vector.shape_cast %get3A_1068 : vector<1x16xf32> to vector<16xf32>
        %add3A_1070 = arith.constant 2 : i32
        %add3A_1071 = arith.addi %mul3A_148, %add3A_1070 : i32
        %get3A_1072 = arith.index_cast %add3A_1071 : i32 to index
        %get3A_1073 = arith.constant 112 : index
        %get3A_1074 = tpu.vector_load %arg9[%get3A_1072, %get3A_1073] {strides = array<i32>} : memref<128x128xf32, #tpu.memory_space<vmem>>, vector<1x16xf32>,
        %get3A_1075 = vector.shape_cast %get3A_1074 : vector<1x16xf32> to vector<16xf32>
        %sub3A_1076 = arith.subf %get3A_1069, %get3A_1075 : vector<16xf32>
        %max3A_1077 = arith.maximumf %max3A_1063, %sub3A_1076 : vector<16xf32>
        %add3A_1078 = arith.constant 3 : i32
        %add3A_1079 = arith.addi %mul3A_148, %add3A_1078 : i32
        %get3A_1080 = arith.index_cast %add3A_1079 : i32 to index
        %get3A_1081 = arith.constant 112 : index
        %get3A_1082 = tpu.vector_load %arg8[%get3A_1080, %get3A_1081] {strides = array<i32>} : memref<128x128xf32, #tpu.memory_space<vmem>>, vector<1x16xf32>,
        %get3A_1083 = vector.shape_cast %get3A_1082 : vector<1x16xf32> to vector<16xf32>
        %add3A_1084 = arith.constant 3 : i32
        %add3A_1085 = arith.addi %mul3A_148, %add3A_1084 : i32
        %get3A_1086 = arith.index_cast %add3A_1085 : i32 to index
        %get3A_1087 = arith.constant 112 : index
        %get3A_1088 = tpu.vector_load %arg9[%get3A_1086, %get3A_1087] {strides = array<i32>} : memref<128x128xf32, #tpu.memory_space<vmem>>, vector<1x16xf32>,
        %get3A_1089 = vector.shape_cast %get3A_1088 : vector<1x16xf32> to vector<16xf32>
        %sub3A_1090 = arith.subf %get3A_1083, %get3A_1089 : vector<16xf32>
        %max3A_1091 = arith.maximumf %max3A_1077, %sub3A_1090 : vector<16xf32>
        %add3A_1092 = arith.constant 4 : i32
        %add3A_1093 = arith.addi %mul3A_148, %add3A_1092 : i32
        %get3A_1094 = arith.index_cast %add3A_1093 : i32 to index
        %get3A_1095 = arith.constant 112 : index
        %get3A_1096 = tpu.vector_load %arg8[%get3A_1094, %get3A_1095] {strides = array<i32>} : memref<128x128xf32, #tpu.memory_space<vmem>>, vector<1x16xf32>,
        %get3A_1097 = vector.shape_cast %get3A_1096 : vector<1x16xf32> to vector<16xf32>
        %add3A_1098 = arith.constant 4 : i32
        %add3A_1099 = arith.addi %mul3A_148, %add3A_1098 : i32
        %get3A_1100 = arith.index_cast %add3A_1099 : i32 to index
        %get3A_1101 = arith.constant 112 : index
        %get3A_1102 = tpu.vector_load %arg9[%get3A_1100, %get3A_1101] {strides = array<i32>} : memref<128x128xf32, #tpu.memory_space<vmem>>, vector<1x16xf32>,
        %get3A_1103 = vector.shape_cast %get3A_1102 : vector<1x16xf32> to vector<16xf32>
        %sub3A_1104 = arith.subf %get3A_1097, %get3A_1103 : vector<16xf32>
        %max3A_1105 = arith.maximumf %max3A_1091, %sub3A_1104 : vector<16xf32>
        %add3A_1106 = arith.constant 5 : i32
        %add3A_1107 = arith.addi %mul3A_148, %add3A_1106 : i32
        %get3A_1108 = arith.index_cast %add3A_1107 : i32 to index
        %get3A_1109 = arith.constant 112 : index
        %get3A_1110 = tpu.vector_load %arg8[%get3A_1108, %get3A_1109] {strides = array<i32>} : memref<128x128xf32, #tpu.memory_space<vmem>>, vector<1x16xf32>,
        %get3A_1111 = vector.shape_cast %get3A_1110 : vector<1x16xf32> to vector<16xf32>
        %add3A_1112 = arith.constant 5 : i32
        %add3A_1113 = arith.addi %mul3A_148, %add3A_1112 : i32
        %get3A_1114 = arith.index_cast %add3A_1113 : i32 to index
        %get3A_1115 = arith.constant 112 : index
        %get3A_1116 = tpu.vector_load %arg9[%get3A_1114, %get3A_1115] {strides = array<i32>} : memref<128x128xf32, #tpu.memory_space<vmem>>, vector<1x16xf32>,
        %get3A_1117 = vector.shape_cast %get3A_1116 : vector<1x16xf32> to vector<16xf32>
        %sub3A_1118 = arith.subf %get3A_1111, %get3A_1117 : vector<16xf32>
        %max3A_1119 = arith.maximumf %max3A_1105, %sub3A_1118 : vector<16xf32>
        %add3A_1120 = arith.constant 6 : i32
        %add3A_1121 = arith.addi %mul3A_148, %add3A_1120 : i32
        %get3A_1122 = arith.index_cast %add3A_1121 : i32 to index
        %get3A_1123 = arith.constant 112 : index
        %get3A_1124 = tpu.vector_load %arg8[%get3A_1122, %get3A_1123] {strides = array<i32>} : memref<128x128xf32, #tpu.memory_space<vmem>>, vector<1x16xf32>,
        %get3A_1125 = vector.shape_cast %get3A_1124 : vector<1x16xf32> to vector<16xf32>
        %add3A_1126 = arith.constant 6 : i32
        %add3A_1127 = arith.addi %mul3A_148, %add3A_1126 : i32
        %get3A_1128 = arith.index_cast %add3A_1127 : i32 to index
        %get3A_1129 = arith.constant 112 : index
        %get3A_1130 = tpu.vector_load %arg9[%get3A_1128, %get3A_1129] {strides = array<i32>} : memref<128x128xf32, #tpu.memory_space<vmem>>, vector<1x16xf32>,
        %get3A_1131 = vector.shape_cast %get3A_1130 : vector<1x16xf32> to vector<16xf32>
        %sub3A_1132 = arith.subf %get3A_1125, %get3A_1131 : vector<16xf32>
        %max3A_1133 = arith.maximumf %max3A_1119, %sub3A_1132 : vector<16xf32>
        %add3A_1134 = arith.constant 7 : i32
        %add3A_1135 = arith.addi %mul3A_148, %add3A_1134 : i32
        %get3A_1136 = arith.index_cast %add3A_1135 : i32 to index
        %get3A_1137 = arith.constant 112 : index
        %get3A_1138 = tpu.vector_load %arg8[%get3A_1136, %get3A_1137] {strides = array<i32>} : memref<128x128xf32, #tpu.memory_space<vmem>>, vector<1x16xf32>,
        %get3A_1139 = vector.shape_cast %get3A_1138 : vector<1x16xf32> to vector<16xf32>
        %add3A_1140 = arith.constant 7 : i32
        %add3A_1141 = arith.addi %mul3A_148, %add3A_1140 : i32
        %get3A_1142 = arith.index_cast %add3A_1141 : i32 to index
        %get3A_1143 = arith.constant 112 : index
        %get3A_1144 = tpu.vector_load %arg9[%get3A_1142, %get3A_1143] {strides = array<i32>} : memref<128x128xf32, #tpu.memory_space<vmem>>, vector<1x16xf32>,
        %get3A_1145 = vector.shape_cast %get3A_1144 : vector<1x16xf32> to vector<16xf32>
        %sub3A_1146 = arith.subf %get3A_1139, %get3A_1145 : vector<16xf32>
        %max3A_1147 = arith.maximumf %max3A_1133, %sub3A_1146 : vector<16xf32>
        %add3A_1148 = arith.constant 8 : i32
        %add3A_1149 = arith.addi %mul3A_148, %add3A_1148 : i32
        %get3A_1150 = arith.index_cast %add3A_1149 : i32 to index
        %get3A_1151 = arith.constant 112 : index
        %get3A_1152 = tpu.vector_load %arg8[%get3A_1150, %get3A_1151] {strides = array<i32>} : memref<128x128xf32, #tpu.memory_space<vmem>>, vector<1x16xf32>,
        %get3A_1153 = vector.shape_cast %get3A_1152 : vector<1x16xf32> to vector<16xf32>
        %add3A_1154 = arith.constant 8 : i32
        %add3A_1155 = arith.addi %mul3A_148, %add3A_1154 : i32
        %get3A_1156 = arith.index_cast %add3A_1155 : i32 to index
        %get3A_1157 = arith.constant 112 : index
        %get3A_1158 = tpu.vector_load %arg9[%get3A_1156, %get3A_1157] {strides = array<i32>} : memref<128x128xf32, #tpu.memory_space<vmem>>, vector<1x16xf32>,
        %get3A_1159 = vector.shape_cast %get3A_1158 : vector<1x16xf32> to vector<16xf32>
        %sub3A_1160 = arith.subf %get3A_1153, %get3A_1159 : vector<16xf32>
        %max3A_1161 = arith.maximumf %max3A_1147, %sub3A_1160 : vector<16xf32>
        %add3A_1162 = arith.constant 28 : i32
        %add3A_1163 = arith.addi %add3A_1162, %scan3A_146 : i32
        %swap3A_1164 = arith.index_cast %add3A_1163 : i32 to index
        %swap3A_1165 = arith.constant 112 : index
        %swap3A_1166 = tpu.vector_load %arg12[%swap3A_1164, %swap3A_1165] {strides = array<i32>} : memref<56x128xf32, #tpu.memory_space<vmem>>, vector<1x16xf32>,
        %swap3A_1167 = vector.shape_cast %swap3A_1166 : vector<1x16xf32> to vector<16xf32>
        %swap3A_1168 = vector.shape_cast %max3A_1161 : vector<16xf32> to vector<1x16xf32>
        tpu.vector_store %arg12[%swap3A_1164, %swap3A_1165], %swap3A_1168 {strides = array<i32>} : memref<56x128xf32, #tpu.memory_space<vmem>>, vector<1x16xf32>,
      }
      %scan3A_106 = arith.constant 14 : i32
      %mul3A_107 = arith.constant 4 : i32
      %mul3A_108 = arith.muli %scan3A_6, %mul3A_107 : i32
      %add3A_109 = arith.constant 3 : i32
      %add3A_110 = arith.addi %mul3A_108, %add3A_109 : i32
      %dma_start3A_111 = arith.constant 0 : i32
      %dma_start3A_112 = tpu.memref_slice %arg6[%add3A_110, %dma_start3A_111] : memref<116x128xi32, #tpu.memory_space<vmem>> -> memref<1x128xi32, #tpu.memory_space<vmem>>
      %dma_start3A_113 = tpu.memref_squeeze %dma_start3A_112 : memref<1x128xi32, #tpu.memory_space<vmem>> -> memref<128xi32, #tpu.memory_space<vmem>>
      %dma_start3A_114 = arith.constant 0 : i32
      %dma_start3A_115 = arith.constant 0 : i32
      %dma_start3A_116 = tpu.memref_slice %arg2[%dma_start3A_114, %dma_start3A_115] : memref<50176x128xf32, #tpu.memory_space<hbm>> -> memref<50176x128xf32, #tpu.memory_space<hbm>>
      tpu.enqueue_indirect_dma source(%dma_start3A_116 : memref<50176x128xf32, #tpu.memory_space<hbm>>) target(%arg10 : memref<128x128xf32, #tpu.memory_space<vmem>>) offsets(%dma_start3A_113 : memref<128xi32, #tpu.memory_space<vmem>>) semaphore(%arg14 : memref<!tpu.dma_semaphore, #tpu.memory_space<semaphore_mem>>)
      %dma_start3A_117 = arith.constant 0 : i32
      %dma_start3A_118 = tpu.memref_slice %arg7[%add3A_110, %dma_start3A_117] : memref<116x128xi32, #tpu.memory_space<vmem>> -> memref<1x128xi32, #tpu.memory_space<vmem>>
      %dma_start3A_119 = tpu.memref_squeeze %dma_start3A_118 : memref<1x128xi32, #tpu.memory_space<vmem>> -> memref<128xi32, #tpu.memory_space<vmem>>
      %dma_start3A_120 = arith.constant 0 : i32
      %dma_start3A_121 = arith.constant 0 : i32
      %dma_start3A_122 = tpu.memref_slice %arg2[%dma_start3A_120, %dma_start3A_121] : memref<50176x128xf32, #tpu.memory_space<hbm>> -> memref<50176x128xf32, #tpu.memory_space<hbm>>
      tpu.enqueue_indirect_dma source(%dma_start3A_122 : memref<50176x128xf32, #tpu.memory_space<hbm>>) target(%arg11 : memref<128x128xf32, #tpu.memory_space<vmem>>) offsets(%dma_start3A_119 : memref<128xi32, #tpu.memory_space<vmem>>) semaphore(%arg14 : memref<!tpu.dma_semaphore, #tpu.memory_space<semaphore_mem>>)
      %dma_wait3A_123 = arith.constant 0 : i32
      %dma_wait3A_124 = arith.constant 0 : i32
      %dma_wait3A_125 = tpu.memref_slice %arg2[%dma_wait3A_123, %dma_wait3A_124] : memref<50176x128xf32, #tpu.memory_space<hbm>> -> memref<128x128xf32, #tpu.memory_space<hbm>>
      %dma_wait3A_126 = arith.constant 0 : i32
      %dma_wait3A_127 = arith.constant 0 : i32
      %dma_wait3A_128 = tpu.memref_slice %arg2[%dma_wait3A_126, %dma_wait3A_127] : memref<50176x128xf32, #tpu.memory_space<hbm>> -> memref<128x128xf32, #tpu.memory_space<hbm>>
      tpu.wait_dma2 semaphore(%arg14 : memref<!tpu.dma_semaphore, #tpu.memory_space<semaphore_mem>>) src(%dma_wait3A_128 : memref<128x128xf32, #tpu.memory_space<hbm>>) dst(%arg10 : memref<128x128xf32, #tpu.memory_space<vmem>>)
      %dma_wait3A_129 = arith.constant 0 : i32
      %dma_wait3A_130 = arith.constant 0 : i32
      %dma_wait3A_131 = tpu.memref_slice %arg2[%dma_wait3A_129, %dma_wait3A_130] : memref<50176x128xf32, #tpu.memory_space<hbm>> -> memref<128x128xf32, #tpu.memory_space<hbm>>
      %dma_wait3A_132 = arith.constant 0 : i32
      %dma_wait3A_133 = arith.constant 0 : i32
      %dma_wait3A_134 = tpu.memref_slice %arg2[%dma_wait3A_132, %dma_wait3A_133] : memref<50176x128xf32, #tpu.memory_space<hbm>> -> memref<128x128xf32, #tpu.memory_space<hbm>>
      tpu.wait_dma2 semaphore(%arg14 : memref<!tpu.dma_semaphore, #tpu.memory_space<semaphore_mem>>) src(%dma_wait3A_134 : memref<128x128xf32, #tpu.memory_space<hbm>>) dst(%arg11 : memref<128x128xf32, #tpu.memory_space<vmem>>)
      %scan3A_135 = arith.constant 0 : i32
      %scan3A_136 = arith.constant 0 : i32
      %scan3A_137 = arith.constant 14 : i32
      %scan3A_138 = arith.addi %scan3A_136, %scan3A_137 : i32
      %scan3A_139 = arith.constant 1 : i32
      scf.for %scan3A_146 = %scan3A_136 to %scan3A_138 step %scan3A_139  : i32 {
        %mul3A_147 = arith.constant 9 : i32
        %mul3A_148 = arith.muli %scan3A_146, %mul3A_147 : i32
        %get3A = arith.index_cast %mul3A_148 : i32 to index
        %get3A_149 = arith.constant 0 : index
        %get3A_150 = tpu.vector_load %arg10[%get3A, %get3A_149] {strides = array<i32>} : memref<128x128xf32, #tpu.memory_space<vmem>>, vector<1x16xf32>,
        %get3A_151 = vector.shape_cast %get3A_150 : vector<1x16xf32> to vector<16xf32>
        %get3A_152 = arith.index_cast %mul3A_148 : i32 to index
        %get3A_153 = arith.constant 0 : index
        %get3A_154 = tpu.vector_load %arg11[%get3A_152, %get3A_153] {strides = array<i32>} : memref<128x128xf32, #tpu.memory_space<vmem>>, vector<1x16xf32>,
        %get3A_155 = vector.shape_cast %get3A_154 : vector<1x16xf32> to vector<16xf32>
        %sub3A = arith.subf %get3A_151, %get3A_155 : vector<16xf32>
        %add3A_156 = arith.constant 1 : i32
        %add3A_157 = arith.addi %mul3A_148, %add3A_156 : i32
        %get3A_158 = arith.index_cast %add3A_157 : i32 to index
        %get3A_159 = arith.constant 0 : index
        %get3A_160 = tpu.vector_load %arg10[%get3A_158, %get3A_159] {strides = array<i32>} : memref<128x128xf32, #tpu.memory_space<vmem>>, vector<1x16xf32>,
        %get3A_161 = vector.shape_cast %get3A_160 : vector<1x16xf32> to vector<16xf32>
        %add3A_162 = arith.constant 1 : i32
        %add3A_163 = arith.addi %mul3A_148, %add3A_162 : i32
        %get3A_164 = arith.index_cast %add3A_163 : i32 to index
        %get3A_165 = arith.constant 0 : index
        %get3A_166 = tpu.vector_load %arg11[%get3A_164, %get3A_165] {strides = array<i32>} : memref<128x128xf32, #tpu.memory_space<vmem>>, vector<1x16xf32>,
        %get3A_167 = vector.shape_cast %get3A_166 : vector<1x16xf32> to vector<16xf32>
        %sub3A_168 = arith.subf %get3A_161, %get3A_167 : vector<16xf32>
        %max3A = arith.maximumf %sub3A, %sub3A_168 : vector<16xf32>
        %add3A_169 = arith.constant 2 : i32
        %add3A_170 = arith.addi %mul3A_148, %add3A_169 : i32
        %get3A_171 = arith.index_cast %add3A_170 : i32 to index
        %get3A_172 = arith.constant 0 : index
        %get3A_173 = tpu.vector_load %arg10[%get3A_171, %get3A_172] {strides = array<i32>} : memref<128x128xf32, #tpu.memory_space<vmem>>, vector<1x16xf32>,
        %get3A_174 = vector.shape_cast %get3A_173 : vector<1x16xf32> to vector<16xf32>
        %add3A_175 = arith.constant 2 : i32
        %add3A_176 = arith.addi %mul3A_148, %add3A_175 : i32
        %get3A_177 = arith.index_cast %add3A_176 : i32 to index
        %get3A_178 = arith.constant 0 : index
        %get3A_179 = tpu.vector_load %arg11[%get3A_177, %get3A_178] {strides = array<i32>} : memref<128x128xf32, #tpu.memory_space<vmem>>, vector<1x16xf32>,
        %get3A_180 = vector.shape_cast %get3A_179 : vector<1x16xf32> to vector<16xf32>
        %sub3A_181 = arith.subf %get3A_174, %get3A_180 : vector<16xf32>
        %max3A_182 = arith.maximumf %max3A, %sub3A_181 : vector<16xf32>
        %add3A_183 = arith.constant 3 : i32
        %add3A_184 = arith.addi %mul3A_148, %add3A_183 : i32
        %get3A_185 = arith.index_cast %add3A_184 : i32 to index
        %get3A_186 = arith.constant 0 : index
        %get3A_187 = tpu.vector_load %arg10[%get3A_185, %get3A_186] {strides = array<i32>} : memref<128x128xf32, #tpu.memory_space<vmem>>, vector<1x16xf32>,
        %get3A_188 = vector.shape_cast %get3A_187 : vector<1x16xf32> to vector<16xf32>
        %add3A_189 = arith.constant 3 : i32
        %add3A_190 = arith.addi %mul3A_148, %add3A_189 : i32
        %get3A_191 = arith.index_cast %add3A_190 : i32 to index
        %get3A_192 = arith.constant 0 : index
        %get3A_193 = tpu.vector_load %arg11[%get3A_191, %get3A_192] {strides = array<i32>} : memref<128x128xf32, #tpu.memory_space<vmem>>, vector<1x16xf32>,
        %get3A_194 = vector.shape_cast %get3A_193 : vector<1x16xf32> to vector<16xf32>
        %sub3A_195 = arith.subf %get3A_188, %get3A_194 : vector<16xf32>
        %max3A_196 = arith.maximumf %max3A_182, %sub3A_195 : vector<16xf32>
        %add3A_197 = arith.constant 4 : i32
        %add3A_198 = arith.addi %mul3A_148, %add3A_197 : i32
        %get3A_199 = arith.index_cast %add3A_198 : i32 to index
        %get3A_200 = arith.constant 0 : index
        %get3A_201 = tpu.vector_load %arg10[%get3A_199, %get3A_200] {strides = array<i32>} : memref<128x128xf32, #tpu.memory_space<vmem>>, vector<1x16xf32>,
        %get3A_202 = vector.shape_cast %get3A_201 : vector<1x16xf32> to vector<16xf32>
        %add3A_203 = arith.constant 4 : i32
        %add3A_204 = arith.addi %mul3A_148, %add3A_203 : i32
        %get3A_205 = arith.index_cast %add3A_204 : i32 to index
        %get3A_206 = arith.constant 0 : index
        %get3A_207 = tpu.vector_load %arg11[%get3A_205, %get3A_206] {strides = array<i32>} : memref<128x128xf32, #tpu.memory_space<vmem>>, vector<1x16xf32>,
        %get3A_208 = vector.shape_cast %get3A_207 : vector<1x16xf32> to vector<16xf32>
        %sub3A_209 = arith.subf %get3A_202, %get3A_208 : vector<16xf32>
        %max3A_210 = arith.maximumf %max3A_196, %sub3A_209 : vector<16xf32>
        %add3A_211 = arith.constant 5 : i32
        %add3A_212 = arith.addi %mul3A_148, %add3A_211 : i32
        %get3A_213 = arith.index_cast %add3A_212 : i32 to index
        %get3A_214 = arith.constant 0 : index
        %get3A_215 = tpu.vector_load %arg10[%get3A_213, %get3A_214] {strides = array<i32>} : memref<128x128xf32, #tpu.memory_space<vmem>>, vector<1x16xf32>,
        %get3A_216 = vector.shape_cast %get3A_215 : vector<1x16xf32> to vector<16xf32>
        %add3A_217 = arith.constant 5 : i32
        %add3A_218 = arith.addi %mul3A_148, %add3A_217 : i32
        %get3A_219 = arith.index_cast %add3A_218 : i32 to index
        %get3A_220 = arith.constant 0 : index
        %get3A_221 = tpu.vector_load %arg11[%get3A_219, %get3A_220] {strides = array<i32>} : memref<128x128xf32, #tpu.memory_space<vmem>>, vector<1x16xf32>,
        %get3A_222 = vector.shape_cast %get3A_221 : vector<1x16xf32> to vector<16xf32>
        %sub3A_223 = arith.subf %get3A_216, %get3A_222 : vector<16xf32>
        %max3A_224 = arith.maximumf %max3A_210, %sub3A_223 : vector<16xf32>
        %add3A_225 = arith.constant 6 : i32
        %add3A_226 = arith.addi %mul3A_148, %add3A_225 : i32
        %get3A_227 = arith.index_cast %add3A_226 : i32 to index
        %get3A_228 = arith.constant 0 : index
        %get3A_229 = tpu.vector_load %arg10[%get3A_227, %get3A_228] {strides = array<i32>} : memref<128x128xf32, #tpu.memory_space<vmem>>, vector<1x16xf32>,
        %get3A_230 = vector.shape_cast %get3A_229 : vector<1x16xf32> to vector<16xf32>
        %add3A_231 = arith.constant 6 : i32
        %add3A_232 = arith.addi %mul3A_148, %add3A_231 : i32
        %get3A_233 = arith.index_cast %add3A_232 : i32 to index
        %get3A_234 = arith.constant 0 : index
        %get3A_235 = tpu.vector_load %arg11[%get3A_233, %get3A_234] {strides = array<i32>} : memref<128x128xf32, #tpu.memory_space<vmem>>, vector<1x16xf32>,
        %get3A_236 = vector.shape_cast %get3A_235 : vector<1x16xf32> to vector<16xf32>
        %sub3A_237 = arith.subf %get3A_230, %get3A_236 : vector<16xf32>
        %max3A_238 = arith.maximumf %max3A_224, %sub3A_237 : vector<16xf32>
        %add3A_239 = arith.constant 7 : i32
        %add3A_240 = arith.addi %mul3A_148, %add3A_239 : i32
        %get3A_241 = arith.index_cast %add3A_240 : i32 to index
        %get3A_242 = arith.constant 0 : index
        %get3A_243 = tpu.vector_load %arg10[%get3A_241, %get3A_242] {strides = array<i32>} : memref<128x128xf32, #tpu.memory_space<vmem>>, vector<1x16xf32>,
        %get3A_244 = vector.shape_cast %get3A_243 : vector<1x16xf32> to vector<16xf32>
        %add3A_245 = arith.constant 7 : i32
        %add3A_246 = arith.addi %mul3A_148, %add3A_245 : i32
        %get3A_247 = arith.index_cast %add3A_246 : i32 to index
        %get3A_248 = arith.constant 0 : index
        %get3A_249 = tpu.vector_load %arg11[%get3A_247, %get3A_248] {strides = array<i32>} : memref<128x128xf32, #tpu.memory_space<vmem>>, vector<1x16xf32>,
        %get3A_250 = vector.shape_cast %get3A_249 : vector<1x16xf32> to vector<16xf32>
        %sub3A_251 = arith.subf %get3A_244, %get3A_250 : vector<16xf32>
        %max3A_252 = arith.maximumf %max3A_238, %sub3A_251 : vector<16xf32>
        %add3A_253 = arith.constant 8 : i32
        %add3A_254 = arith.addi %mul3A_148, %add3A_253 : i32
        %get3A_255 = arith.index_cast %add3A_254 : i32 to index
        %get3A_256 = arith.constant 0 : index
        %get3A_257 = tpu.vector_load %arg10[%get3A_255, %get3A_256] {strides = array<i32>} : memref<128x128xf32, #tpu.memory_space<vmem>>, vector<1x16xf32>,
        %get3A_258 = vector.shape_cast %get3A_257 : vector<1x16xf32> to vector<16xf32>
        %add3A_259 = arith.constant 8 : i32
        %add3A_260 = arith.addi %mul3A_148, %add3A_259 : i32
        %get3A_261 = arith.index_cast %add3A_260 : i32 to index
        %get3A_262 = arith.constant 0 : index
        %get3A_263 = tpu.vector_load %arg11[%get3A_261, %get3A_262] {strides = array<i32>} : memref<128x128xf32, #tpu.memory_space<vmem>>, vector<1x16xf32>,
        %get3A_264 = vector.shape_cast %get3A_263 : vector<1x16xf32> to vector<16xf32>
        %sub3A_265 = arith.subf %get3A_258, %get3A_264 : vector<16xf32>
        %max3A_266 = arith.maximumf %max3A_252, %sub3A_265 : vector<16xf32>
        %add3A_267 = arith.constant 42 : i32
        %add3A_268 = arith.addi %add3A_267, %scan3A_146 : i32
        %swap3A = arith.index_cast %add3A_268 : i32 to index
        %swap3A_269 = arith.constant 0 : index
        %swap3A_270 = tpu.vector_load %arg12[%swap3A, %swap3A_269] {strides = array<i32>} : memref<56x128xf32, #tpu.memory_space<vmem>>, vector<1x16xf32>,
        %swap3A_271 = vector.shape_cast %swap3A_270 : vector<1x16xf32> to vector<16xf32>
        %swap3A_272 = vector.shape_cast %max3A_266 : vector<16xf32> to vector<1x16xf32>
        tpu.vector_store %arg12[%swap3A, %swap3A_269], %swap3A_272 {strides = array<i32>} : memref<56x128xf32, #tpu.memory_space<vmem>>, vector<1x16xf32>,
        %get3A_273 = arith.index_cast %mul3A_148 : i32 to index
        %get3A_274 = arith.constant 16 : index
        %get3A_275 = tpu.vector_load %arg10[%get3A_273, %get3A_274] {strides = array<i32>} : memref<128x128xf32, #tpu.memory_space<vmem>>, vector<1x16xf32>,
        %get3A_276 = vector.shape_cast %get3A_275 : vector<1x16xf32> to vector<16xf32>
        %get3A_277 = arith.index_cast %mul3A_148 : i32 to index
        %get3A_278 = arith.constant 16 : index
        %get3A_279 = tpu.vector_load %arg11[%get3A_277, %get3A_278] {strides = array<i32>} : memref<128x128xf32, #tpu.memory_space<vmem>>, vector<1x16xf32>,
        %get3A_280 = vector.shape_cast %get3A_279 : vector<1x16xf32> to vector<16xf32>
        %sub3A_281 = arith.subf %get3A_276, %get3A_280 : vector<16xf32>
        %add3A_282 = arith.constant 1 : i32
        %add3A_283 = arith.addi %mul3A_148, %add3A_282 : i32
        %get3A_284 = arith.index_cast %add3A_283 : i32 to index
        %get3A_285 = arith.constant 16 : index
        %get3A_286 = tpu.vector_load %arg10[%get3A_284, %get3A_285] {strides = array<i32>} : memref<128x128xf32, #tpu.memory_space<vmem>>, vector<1x16xf32>,
        %get3A_287 = vector.shape_cast %get3A_286 : vector<1x16xf32> to vector<16xf32>
        %add3A_288 = arith.constant 1 : i32
        %add3A_289 = arith.addi %mul3A_148, %add3A_288 : i32
        %get3A_290 = arith.index_cast %add3A_289 : i32 to index
        %get3A_291 = arith.constant 16 : index
        %get3A_292 = tpu.vector_load %arg11[%get3A_290, %get3A_291] {strides = array<i32>} : memref<128x128xf32, #tpu.memory_space<vmem>>, vector<1x16xf32>,
        %get3A_293 = vector.shape_cast %get3A_292 : vector<1x16xf32> to vector<16xf32>
        %sub3A_294 = arith.subf %get3A_287, %get3A_293 : vector<16xf32>
        %max3A_295 = arith.maximumf %sub3A_281, %sub3A_294 : vector<16xf32>
        %add3A_296 = arith.constant 2 : i32
        %add3A_297 = arith.addi %mul3A_148, %add3A_296 : i32
        %get3A_298 = arith.index_cast %add3A_297 : i32 to index
        %get3A_299 = arith.constant 16 : index
        %get3A_300 = tpu.vector_load %arg10[%get3A_298, %get3A_299] {strides = array<i32>} : memref<128x128xf32, #tpu.memory_space<vmem>>, vector<1x16xf32>,
        %get3A_301 = vector.shape_cast %get3A_300 : vector<1x16xf32> to vector<16xf32>
        %add3A_302 = arith.constant 2 : i32
        %add3A_303 = arith.addi %mul3A_148, %add3A_302 : i32
        %get3A_304 = arith.index_cast %add3A_303 : i32 to index
        %get3A_305 = arith.constant 16 : index
        %get3A_306 = tpu.vector_load %arg11[%get3A_304, %get3A_305] {strides = array<i32>} : memref<128x128xf32, #tpu.memory_space<vmem>>, vector<1x16xf32>,
        %get3A_307 = vector.shape_cast %get3A_306 : vector<1x16xf32> to vector<16xf32>
        %sub3A_308 = arith.subf %get3A_301, %get3A_307 : vector<16xf32>
        %max3A_309 = arith.maximumf %max3A_295, %sub3A_308 : vector<16xf32>
        %add3A_310 = arith.constant 3 : i32
        %add3A_311 = arith.addi %mul3A_148, %add3A_310 : i32
        %get3A_312 = arith.index_cast %add3A_311 : i32 to index
        %get3A_313 = arith.constant 16 : index
        %get3A_314 = tpu.vector_load %arg10[%get3A_312, %get3A_313] {strides = array<i32>} : memref<128x128xf32, #tpu.memory_space<vmem>>, vector<1x16xf32>,
        %get3A_315 = vector.shape_cast %get3A_314 : vector<1x16xf32> to vector<16xf32>
        %add3A_316 = arith.constant 3 : i32
        %add3A_317 = arith.addi %mul3A_148, %add3A_316 : i32
        %get3A_318 = arith.index_cast %add3A_317 : i32 to index
        %get3A_319 = arith.constant 16 : index
        %get3A_320 = tpu.vector_load %arg11[%get3A_318, %get3A_319] {strides = array<i32>} : memref<128x128xf32, #tpu.memory_space<vmem>>, vector<1x16xf32>,
        %get3A_321 = vector.shape_cast %get3A_320 : vector<1x16xf32> to vector<16xf32>
        %sub3A_322 = arith.subf %get3A_315, %get3A_321 : vector<16xf32>
        %max3A_323 = arith.maximumf %max3A_309, %sub3A_322 : vector<16xf32>
        %add3A_324 = arith.constant 4 : i32
        %add3A_325 = arith.addi %mul3A_148, %add3A_324 : i32
        %get3A_326 = arith.index_cast %add3A_325 : i32 to index
        %get3A_327 = arith.constant 16 : index
        %get3A_328 = tpu.vector_load %arg10[%get3A_326, %get3A_327] {strides = array<i32>} : memref<128x128xf32, #tpu.memory_space<vmem>>, vector<1x16xf32>,
        %get3A_329 = vector.shape_cast %get3A_328 : vector<1x16xf32> to vector<16xf32>
        %add3A_330 = arith.constant 4 : i32
        %add3A_331 = arith.addi %mul3A_148, %add3A_330 : i32
        %get3A_332 = arith.index_cast %add3A_331 : i32 to index
        %get3A_333 = arith.constant 16 : index
        %get3A_334 = tpu.vector_load %arg11[%get3A_332, %get3A_333] {strides = array<i32>} : memref<128x128xf32, #tpu.memory_space<vmem>>, vector<1x16xf32>,
        %get3A_335 = vector.shape_cast %get3A_334 : vector<1x16xf32> to vector<16xf32>
        %sub3A_336 = arith.subf %get3A_329, %get3A_335 : vector<16xf32>
        %max3A_337 = arith.maximumf %max3A_323, %sub3A_336 : vector<16xf32>
        %add3A_338 = arith.constant 5 : i32
        %add3A_339 = arith.addi %mul3A_148, %add3A_338 : i32
        %get3A_340 = arith.index_cast %add3A_339 : i32 to index
        %get3A_341 = arith.constant 16 : index
        %get3A_342 = tpu.vector_load %arg10[%get3A_340, %get3A_341] {strides = array<i32>} : memref<128x128xf32, #tpu.memory_space<vmem>>, vector<1x16xf32>,
        %get3A_343 = vector.shape_cast %get3A_342 : vector<1x16xf32> to vector<16xf32>
        %add3A_344 = arith.constant 5 : i32
        %add3A_345 = arith.addi %mul3A_148, %add3A_344 : i32
        %get3A_346 = arith.index_cast %add3A_345 : i32 to index
        %get3A_347 = arith.constant 16 : index
        %get3A_348 = tpu.vector_load %arg11[%get3A_346, %get3A_347] {strides = array<i32>} : memref<128x128xf32, #tpu.memory_space<vmem>>, vector<1x16xf32>,
        %get3A_349 = vector.shape_cast %get3A_348 : vector<1x16xf32> to vector<16xf32>
        %sub3A_350 = arith.subf %get3A_343, %get3A_349 : vector<16xf32>
        %max3A_351 = arith.maximumf %max3A_337, %sub3A_350 : vector<16xf32>
        %add3A_352 = arith.constant 6 : i32
        %add3A_353 = arith.addi %mul3A_148, %add3A_352 : i32
        %get3A_354 = arith.index_cast %add3A_353 : i32 to index
        %get3A_355 = arith.constant 16 : index
        %get3A_356 = tpu.vector_load %arg10[%get3A_354, %get3A_355] {strides = array<i32>} : memref<128x128xf32, #tpu.memory_space<vmem>>, vector<1x16xf32>,
        %get3A_357 = vector.shape_cast %get3A_356 : vector<1x16xf32> to vector<16xf32>
        %add3A_358 = arith.constant 6 : i32
        %add3A_359 = arith.addi %mul3A_148, %add3A_358 : i32
        %get3A_360 = arith.index_cast %add3A_359 : i32 to index
        %get3A_361 = arith.constant 16 : index
        %get3A_362 = tpu.vector_load %arg11[%get3A_360, %get3A_361] {strides = array<i32>} : memref<128x128xf32, #tpu.memory_space<vmem>>, vector<1x16xf32>,
        %get3A_363 = vector.shape_cast %get3A_362 : vector<1x16xf32> to vector<16xf32>
        %sub3A_364 = arith.subf %get3A_357, %get3A_363 : vector<16xf32>
        %max3A_365 = arith.maximumf %max3A_351, %sub3A_364 : vector<16xf32>
        %add3A_366 = arith.constant 7 : i32
        %add3A_367 = arith.addi %mul3A_148, %add3A_366 : i32
        %get3A_368 = arith.index_cast %add3A_367 : i32 to index
        %get3A_369 = arith.constant 16 : index
        %get3A_370 = tpu.vector_load %arg10[%get3A_368, %get3A_369] {strides = array<i32>} : memref<128x128xf32, #tpu.memory_space<vmem>>, vector<1x16xf32>,
        %get3A_371 = vector.shape_cast %get3A_370 : vector<1x16xf32> to vector<16xf32>
        %add3A_372 = arith.constant 7 : i32
        %add3A_373 = arith.addi %mul3A_148, %add3A_372 : i32
        %get3A_374 = arith.index_cast %add3A_373 : i32 to index
        %get3A_375 = arith.constant 16 : index
        %get3A_376 = tpu.vector_load %arg11[%get3A_374, %get3A_375] {strides = array<i32>} : memref<128x128xf32, #tpu.memory_space<vmem>>, vector<1x16xf32>,
        %get3A_377 = vector.shape_cast %get3A_376 : vector<1x16xf32> to vector<16xf32>
        %sub3A_378 = arith.subf %get3A_371, %get3A_377 : vector<16xf32>
        %max3A_379 = arith.maximumf %max3A_365, %sub3A_378 : vector<16xf32>
        %add3A_380 = arith.constant 8 : i32
        %add3A_381 = arith.addi %mul3A_148, %add3A_380 : i32
        %get3A_382 = arith.index_cast %add3A_381 : i32 to index
        %get3A_383 = arith.constant 16 : index
        %get3A_384 = tpu.vector_load %arg10[%get3A_382, %get3A_383] {strides = array<i32>} : memref<128x128xf32, #tpu.memory_space<vmem>>, vector<1x16xf32>,
        %get3A_385 = vector.shape_cast %get3A_384 : vector<1x16xf32> to vector<16xf32>
        %add3A_386 = arith.constant 8 : i32
        %add3A_387 = arith.addi %mul3A_148, %add3A_386 : i32
        %get3A_388 = arith.index_cast %add3A_387 : i32 to index
        %get3A_389 = arith.constant 16 : index
        %get3A_390 = tpu.vector_load %arg11[%get3A_388, %get3A_389] {strides = array<i32>} : memref<128x128xf32, #tpu.memory_space<vmem>>, vector<1x16xf32>,
        %get3A_391 = vector.shape_cast %get3A_390 : vector<1x16xf32> to vector<16xf32>
        %sub3A_392 = arith.subf %get3A_385, %get3A_391 : vector<16xf32>
        %max3A_393 = arith.maximumf %max3A_379, %sub3A_392 : vector<16xf32>
        %add3A_394 = arith.constant 42 : i32
        %add3A_395 = arith.addi %add3A_394, %scan3A_146 : i32
        %swap3A_396 = arith.index_cast %add3A_395 : i32 to index
        %swap3A_397 = arith.constant 16 : index
        %swap3A_398 = tpu.vector_load %arg12[%swap3A_396, %swap3A_397] {strides = array<i32>} : memref<56x128xf32, #tpu.memory_space<vmem>>, vector<1x16xf32>,
        %swap3A_399 = vector.shape_cast %swap3A_398 : vector<1x16xf32> to vector<16xf32>
        %swap3A_400 = vector.shape_cast %max3A_393 : vector<16xf32> to vector<1x16xf32>
        tpu.vector_store %arg12[%swap3A_396, %swap3A_397], %swap3A_400 {strides = array<i32>} : memref<56x128xf32, #tpu.memory_space<vmem>>, vector<1x16xf32>,
        %get3A_401 = arith.index_cast %mul3A_148 : i32 to index
        %get3A_402 = arith.constant 32 : index
        %get3A_403 = tpu.vector_load %arg10[%get3A_401, %get3A_402] {strides = array<i32>} : memref<128x128xf32, #tpu.memory_space<vmem>>, vector<1x16xf32>,
        %get3A_404 = vector.shape_cast %get3A_403 : vector<1x16xf32> to vector<16xf32>
        %get3A_405 = arith.index_cast %mul3A_148 : i32 to index
        %get3A_406 = arith.constant 32 : index
        %get3A_407 = tpu.vector_load %arg11[%get3A_405, %get3A_406] {strides = array<i32>} : memref<128x128xf32, #tpu.memory_space<vmem>>, vector<1x16xf32>,
        %get3A_408 = vector.shape_cast %get3A_407 : vector<1x16xf32> to vector<16xf32>
        %sub3A_409 = arith.subf %get3A_404, %get3A_408 : vector<16xf32>
        %add3A_410 = arith.constant 1 : i32
        %add3A_411 = arith.addi %mul3A_148, %add3A_410 : i32
        %get3A_412 = arith.index_cast %add3A_411 : i32 to index
        %get3A_413 = arith.constant 32 : index
        %get3A_414 = tpu.vector_load %arg10[%get3A_412, %get3A_413] {strides = array<i32>} : memref<128x128xf32, #tpu.memory_space<vmem>>, vector<1x16xf32>,
        %get3A_415 = vector.shape_cast %get3A_414 : vector<1x16xf32> to vector<16xf32>
        %add3A_416 = arith.constant 1 : i32
        %add3A_417 = arith.addi %mul3A_148, %add3A_416 : i32
        %get3A_418 = arith.index_cast %add3A_417 : i32 to index
        %get3A_419 = arith.constant 32 : index
        %get3A_420 = tpu.vector_load %arg11[%get3A_418, %get3A_419] {strides = array<i32>} : memref<128x128xf32, #tpu.memory_space<vmem>>, vector<1x16xf32>,
        %get3A_421 = vector.shape_cast %get3A_420 : vector<1x16xf32> to vector<16xf32>
        %sub3A_422 = arith.subf %get3A_415, %get3A_421 : vector<16xf32>
        %max3A_423 = arith.maximumf %sub3A_409, %sub3A_422 : vector<16xf32>
        %add3A_424 = arith.constant 2 : i32
        %add3A_425 = arith.addi %mul3A_148, %add3A_424 : i32
        %get3A_426 = arith.index_cast %add3A_425 : i32 to index
        %get3A_427 = arith.constant 32 : index
        %get3A_428 = tpu.vector_load %arg10[%get3A_426, %get3A_427] {strides = array<i32>} : memref<128x128xf32, #tpu.memory_space<vmem>>, vector<1x16xf32>,
        %get3A_429 = vector.shape_cast %get3A_428 : vector<1x16xf32> to vector<16xf32>
        %add3A_430 = arith.constant 2 : i32
        %add3A_431 = arith.addi %mul3A_148, %add3A_430 : i32
        %get3A_432 = arith.index_cast %add3A_431 : i32 to index
        %get3A_433 = arith.constant 32 : index
        %get3A_434 = tpu.vector_load %arg11[%get3A_432, %get3A_433] {strides = array<i32>} : memref<128x128xf32, #tpu.memory_space<vmem>>, vector<1x16xf32>,
        %get3A_435 = vector.shape_cast %get3A_434 : vector<1x16xf32> to vector<16xf32>
        %sub3A_436 = arith.subf %get3A_429, %get3A_435 : vector<16xf32>
        %max3A_437 = arith.maximumf %max3A_423, %sub3A_436 : vector<16xf32>
        %add3A_438 = arith.constant 3 : i32
        %add3A_439 = arith.addi %mul3A_148, %add3A_438 : i32
        %get3A_440 = arith.index_cast %add3A_439 : i32 to index
        %get3A_441 = arith.constant 32 : index
        %get3A_442 = tpu.vector_load %arg10[%get3A_440, %get3A_441] {strides = array<i32>} : memref<128x128xf32, #tpu.memory_space<vmem>>, vector<1x16xf32>,
        %get3A_443 = vector.shape_cast %get3A_442 : vector<1x16xf32> to vector<16xf32>
        %add3A_444 = arith.constant 3 : i32
        %add3A_445 = arith.addi %mul3A_148, %add3A_444 : i32
        %get3A_446 = arith.index_cast %add3A_445 : i32 to index
        %get3A_447 = arith.constant 32 : index
        %get3A_448 = tpu.vector_load %arg11[%get3A_446, %get3A_447] {strides = array<i32>} : memref<128x128xf32, #tpu.memory_space<vmem>>, vector<1x16xf32>,
        %get3A_449 = vector.shape_cast %get3A_448 : vector<1x16xf32> to vector<16xf32>
        %sub3A_450 = arith.subf %get3A_443, %get3A_449 : vector<16xf32>
        %max3A_451 = arith.maximumf %max3A_437, %sub3A_450 : vector<16xf32>
        %add3A_452 = arith.constant 4 : i32
        %add3A_453 = arith.addi %mul3A_148, %add3A_452 : i32
        %get3A_454 = arith.index_cast %add3A_453 : i32 to index
        %get3A_455 = arith.constant 32 : index
        %get3A_456 = tpu.vector_load %arg10[%get3A_454, %get3A_455] {strides = array<i32>} : memref<128x128xf32, #tpu.memory_space<vmem>>, vector<1x16xf32>,
        %get3A_457 = vector.shape_cast %get3A_456 : vector<1x16xf32> to vector<16xf32>
        %add3A_458 = arith.constant 4 : i32
        %add3A_459 = arith.addi %mul3A_148, %add3A_458 : i32
        %get3A_460 = arith.index_cast %add3A_459 : i32 to index
        %get3A_461 = arith.constant 32 : index
        %get3A_462 = tpu.vector_load %arg11[%get3A_460, %get3A_461] {strides = array<i32>} : memref<128x128xf32, #tpu.memory_space<vmem>>, vector<1x16xf32>,
        %get3A_463 = vector.shape_cast %get3A_462 : vector<1x16xf32> to vector<16xf32>
        %sub3A_464 = arith.subf %get3A_457, %get3A_463 : vector<16xf32>
        %max3A_465 = arith.maximumf %max3A_451, %sub3A_464 : vector<16xf32>
        %add3A_466 = arith.constant 5 : i32
        %add3A_467 = arith.addi %mul3A_148, %add3A_466 : i32
        %get3A_468 = arith.index_cast %add3A_467 : i32 to index
        %get3A_469 = arith.constant 32 : index
        %get3A_470 = tpu.vector_load %arg10[%get3A_468, %get3A_469] {strides = array<i32>} : memref<128x128xf32, #tpu.memory_space<vmem>>, vector<1x16xf32>,
        %get3A_471 = vector.shape_cast %get3A_470 : vector<1x16xf32> to vector<16xf32>
        %add3A_472 = arith.constant 5 : i32
        %add3A_473 = arith.addi %mul3A_148, %add3A_472 : i32
        %get3A_474 = arith.index_cast %add3A_473 : i32 to index
        %get3A_475 = arith.constant 32 : index
        %get3A_476 = tpu.vector_load %arg11[%get3A_474, %get3A_475] {strides = array<i32>} : memref<128x128xf32, #tpu.memory_space<vmem>>, vector<1x16xf32>,
        %get3A_477 = vector.shape_cast %get3A_476 : vector<1x16xf32> to vector<16xf32>
        %sub3A_478 = arith.subf %get3A_471, %get3A_477 : vector<16xf32>
        %max3A_479 = arith.maximumf %max3A_465, %sub3A_478 : vector<16xf32>
        %add3A_480 = arith.constant 6 : i32
        %add3A_481 = arith.addi %mul3A_148, %add3A_480 : i32
        %get3A_482 = arith.index_cast %add3A_481 : i32 to index
        %get3A_483 = arith.constant 32 : index
        %get3A_484 = tpu.vector_load %arg10[%get3A_482, %get3A_483] {strides = array<i32>} : memref<128x128xf32, #tpu.memory_space<vmem>>, vector<1x16xf32>,
        %get3A_485 = vector.shape_cast %get3A_484 : vector<1x16xf32> to vector<16xf32>
        %add3A_486 = arith.constant 6 : i32
        %add3A_487 = arith.addi %mul3A_148, %add3A_486 : i32
        %get3A_488 = arith.index_cast %add3A_487 : i32 to index
        %get3A_489 = arith.constant 32 : index
        %get3A_490 = tpu.vector_load %arg11[%get3A_488, %get3A_489] {strides = array<i32>} : memref<128x128xf32, #tpu.memory_space<vmem>>, vector<1x16xf32>,
        %get3A_491 = vector.shape_cast %get3A_490 : vector<1x16xf32> to vector<16xf32>
        %sub3A_492 = arith.subf %get3A_485, %get3A_491 : vector<16xf32>
        %max3A_493 = arith.maximumf %max3A_479, %sub3A_492 : vector<16xf32>
        %add3A_494 = arith.constant 7 : i32
        %add3A_495 = arith.addi %mul3A_148, %add3A_494 : i32
        %get3A_496 = arith.index_cast %add3A_495 : i32 to index
        %get3A_497 = arith.constant 32 : index
        %get3A_498 = tpu.vector_load %arg10[%get3A_496, %get3A_497] {strides = array<i32>} : memref<128x128xf32, #tpu.memory_space<vmem>>, vector<1x16xf32>,
        %get3A_499 = vector.shape_cast %get3A_498 : vector<1x16xf32> to vector<16xf32>
        %add3A_500 = arith.constant 7 : i32
        %add3A_501 = arith.addi %mul3A_148, %add3A_500 : i32
        %get3A_502 = arith.index_cast %add3A_501 : i32 to index
        %get3A_503 = arith.constant 32 : index
        %get3A_504 = tpu.vector_load %arg11[%get3A_502, %get3A_503] {strides = array<i32>} : memref<128x128xf32, #tpu.memory_space<vmem>>, vector<1x16xf32>,
        %get3A_505 = vector.shape_cast %get3A_504 : vector<1x16xf32> to vector<16xf32>
        %sub3A_506 = arith.subf %get3A_499, %get3A_505 : vector<16xf32>
        %max3A_507 = arith.maximumf %max3A_493, %sub3A_506 : vector<16xf32>
        %add3A_508 = arith.constant 8 : i32
        %add3A_509 = arith.addi %mul3A_148, %add3A_508 : i32
        %get3A_510 = arith.index_cast %add3A_509 : i32 to index
        %get3A_511 = arith.constant 32 : index
        %get3A_512 = tpu.vector_load %arg10[%get3A_510, %get3A_511] {strides = array<i32>} : memref<128x128xf32, #tpu.memory_space<vmem>>, vector<1x16xf32>,
        %get3A_513 = vector.shape_cast %get3A_512 : vector<1x16xf32> to vector<16xf32>
        %add3A_514 = arith.constant 8 : i32
        %add3A_515 = arith.addi %mul3A_148, %add3A_514 : i32
        %get3A_516 = arith.index_cast %add3A_515 : i32 to index
        %get3A_517 = arith.constant 32 : index
        %get3A_518 = tpu.vector_load %arg11[%get3A_516, %get3A_517] {strides = array<i32>} : memref<128x128xf32, #tpu.memory_space<vmem>>, vector<1x16xf32>,
        %get3A_519 = vector.shape_cast %get3A_518 : vector<1x16xf32> to vector<16xf32>
        %sub3A_520 = arith.subf %get3A_513, %get3A_519 : vector<16xf32>
        %max3A_521 = arith.maximumf %max3A_507, %sub3A_520 : vector<16xf32>
        %add3A_522 = arith.constant 42 : i32
        %add3A_523 = arith.addi %add3A_522, %scan3A_146 : i32
        %swap3A_524 = arith.index_cast %add3A_523 : i32 to index
        %swap3A_525 = arith.constant 32 : index
        %swap3A_526 = tpu.vector_load %arg12[%swap3A_524, %swap3A_525] {strides = array<i32>} : memref<56x128xf32, #tpu.memory_space<vmem>>, vector<1x16xf32>,
        %swap3A_527 = vector.shape_cast %swap3A_526 : vector<1x16xf32> to vector<16xf32>
        %swap3A_528 = vector.shape_cast %max3A_521 : vector<16xf32> to vector<1x16xf32>
        tpu.vector_store %arg12[%swap3A_524, %swap3A_525], %swap3A_528 {strides = array<i32>} : memref<56x128xf32, #tpu.memory_space<vmem>>, vector<1x16xf32>,
        %get3A_529 = arith.index_cast %mul3A_148 : i32 to index
        %get3A_530 = arith.constant 48 : index
        %get3A_531 = tpu.vector_load %arg10[%get3A_529, %get3A_530] {strides = array<i32>} : memref<128x128xf32, #tpu.memory_space<vmem>>, vector<1x16xf32>,
        %get3A_532 = vector.shape_cast %get3A_531 : vector<1x16xf32> to vector<16xf32>
        %get3A_533 = arith.index_cast %mul3A_148 : i32 to index
        %get3A_534 = arith.constant 48 : index
        %get3A_535 = tpu.vector_load %arg11[%get3A_533, %get3A_534] {strides = array<i32>} : memref<128x128xf32, #tpu.memory_space<vmem>>, vector<1x16xf32>,
        %get3A_536 = vector.shape_cast %get3A_535 : vector<1x16xf32> to vector<16xf32>
        %sub3A_537 = arith.subf %get3A_532, %get3A_536 : vector<16xf32>
        %add3A_538 = arith.constant 1 : i32
        %add3A_539 = arith.addi %mul3A_148, %add3A_538 : i32
        %get3A_540 = arith.index_cast %add3A_539 : i32 to index
        %get3A_541 = arith.constant 48 : index
        %get3A_542 = tpu.vector_load %arg10[%get3A_540, %get3A_541] {strides = array<i32>} : memref<128x128xf32, #tpu.memory_space<vmem>>, vector<1x16xf32>,
        %get3A_543 = vector.shape_cast %get3A_542 : vector<1x16xf32> to vector<16xf32>
        %add3A_544 = arith.constant 1 : i32
        %add3A_545 = arith.addi %mul3A_148, %add3A_544 : i32
        %get3A_546 = arith.index_cast %add3A_545 : i32 to index
        %get3A_547 = arith.constant 48 : index
        %get3A_548 = tpu.vector_load %arg11[%get3A_546, %get3A_547] {strides = array<i32>} : memref<128x128xf32, #tpu.memory_space<vmem>>, vector<1x16xf32>,
        %get3A_549 = vector.shape_cast %get3A_548 : vector<1x16xf32> to vector<16xf32>
        %sub3A_550 = arith.subf %get3A_543, %get3A_549 : vector<16xf32>
        %max3A_551 = arith.maximumf %sub3A_537, %sub3A_550 : vector<16xf32>
        %add3A_552 = arith.constant 2 : i32
        %add3A_553 = arith.addi %mul3A_148, %add3A_552 : i32
        %get3A_554 = arith.index_cast %add3A_553 : i32 to index
        %get3A_555 = arith.constant 48 : index
        %get3A_556 = tpu.vector_load %arg10[%get3A_554, %get3A_555] {strides = array<i32>} : memref<128x128xf32, #tpu.memory_space<vmem>>, vector<1x16xf32>,
        %get3A_557 = vector.shape_cast %get3A_556 : vector<1x16xf32> to vector<16xf32>
        %add3A_558 = arith.constant 2 : i32
        %add3A_559 = arith.addi %mul3A_148, %add3A_558 : i32
        %get3A_560 = arith.index_cast %add3A_559 : i32 to index
        %get3A_561 = arith.constant 48 : index
        %get3A_562 = tpu.vector_load %arg11[%get3A_560, %get3A_561] {strides = array<i32>} : memref<128x128xf32, #tpu.memory_space<vmem>>, vector<1x16xf32>,
        %get3A_563 = vector.shape_cast %get3A_562 : vector<1x16xf32> to vector<16xf32>
        %sub3A_564 = arith.subf %get3A_557, %get3A_563 : vector<16xf32>
        %max3A_565 = arith.maximumf %max3A_551, %sub3A_564 : vector<16xf32>
        %add3A_566 = arith.constant 3 : i32
        %add3A_567 = arith.addi %mul3A_148, %add3A_566 : i32
        %get3A_568 = arith.index_cast %add3A_567 : i32 to index
        %get3A_569 = arith.constant 48 : index
        %get3A_570 = tpu.vector_load %arg10[%get3A_568, %get3A_569] {strides = array<i32>} : memref<128x128xf32, #tpu.memory_space<vmem>>, vector<1x16xf32>,
        %get3A_571 = vector.shape_cast %get3A_570 : vector<1x16xf32> to vector<16xf32>
        %add3A_572 = arith.constant 3 : i32
        %add3A_573 = arith.addi %mul3A_148, %add3A_572 : i32
        %get3A_574 = arith.index_cast %add3A_573 : i32 to index
        %get3A_575 = arith.constant 48 : index
        %get3A_576 = tpu.vector_load %arg11[%get3A_574, %get3A_575] {strides = array<i32>} : memref<128x128xf32, #tpu.memory_space<vmem>>, vector<1x16xf32>,
        %get3A_577 = vector.shape_cast %get3A_576 : vector<1x16xf32> to vector<16xf32>
        %sub3A_578 = arith.subf %get3A_571, %get3A_577 : vector<16xf32>
        %max3A_579 = arith.maximumf %max3A_565, %sub3A_578 : vector<16xf32>
        %add3A_580 = arith.constant 4 : i32
        %add3A_581 = arith.addi %mul3A_148, %add3A_580 : i32
        %get3A_582 = arith.index_cast %add3A_581 : i32 to index
        %get3A_583 = arith.constant 48 : index
        %get3A_584 = tpu.vector_load %arg10[%get3A_582, %get3A_583] {strides = array<i32>} : memref<128x128xf32, #tpu.memory_space<vmem>>, vector<1x16xf32>,
        %get3A_585 = vector.shape_cast %get3A_584 : vector<1x16xf32> to vector<16xf32>
        %add3A_586 = arith.constant 4 : i32
        %add3A_587 = arith.addi %mul3A_148, %add3A_586 : i32
        %get3A_588 = arith.index_cast %add3A_587 : i32 to index
        %get3A_589 = arith.constant 48 : index
        %get3A_590 = tpu.vector_load %arg11[%get3A_588, %get3A_589] {strides = array<i32>} : memref<128x128xf32, #tpu.memory_space<vmem>>, vector<1x16xf32>,
        %get3A_591 = vector.shape_cast %get3A_590 : vector<1x16xf32> to vector<16xf32>
        %sub3A_592 = arith.subf %get3A_585, %get3A_591 : vector<16xf32>
        %max3A_593 = arith.maximumf %max3A_579, %sub3A_592 : vector<16xf32>
        %add3A_594 = arith.constant 5 : i32
        %add3A_595 = arith.addi %mul3A_148, %add3A_594 : i32
        %get3A_596 = arith.index_cast %add3A_595 : i32 to index
        %get3A_597 = arith.constant 48 : index
        %get3A_598 = tpu.vector_load %arg10[%get3A_596, %get3A_597] {strides = array<i32>} : memref<128x128xf32, #tpu.memory_space<vmem>>, vector<1x16xf32>,
        %get3A_599 = vector.shape_cast %get3A_598 : vector<1x16xf32> to vector<16xf32>
        %add3A_600 = arith.constant 5 : i32
        %add3A_601 = arith.addi %mul3A_148, %add3A_600 : i32
        %get3A_602 = arith.index_cast %add3A_601 : i32 to index
        %get3A_603 = arith.constant 48 : index
        %get3A_604 = tpu.vector_load %arg11[%get3A_602, %get3A_603] {strides = array<i32>} : memref<128x128xf32, #tpu.memory_space<vmem>>, vector<1x16xf32>,
        %get3A_605 = vector.shape_cast %get3A_604 : vector<1x16xf32> to vector<16xf32>
        %sub3A_606 = arith.subf %get3A_599, %get3A_605 : vector<16xf32>
        %max3A_607 = arith.maximumf %max3A_593, %sub3A_606 : vector<16xf32>
        %add3A_608 = arith.constant 6 : i32
        %add3A_609 = arith.addi %mul3A_148, %add3A_608 : i32
        %get3A_610 = arith.index_cast %add3A_609 : i32 to index
        %get3A_611 = arith.constant 48 : index
        %get3A_612 = tpu.vector_load %arg10[%get3A_610, %get3A_611] {strides = array<i32>} : memref<128x128xf32, #tpu.memory_space<vmem>>, vector<1x16xf32>,
        %get3A_613 = vector.shape_cast %get3A_612 : vector<1x16xf32> to vector<16xf32>
        %add3A_614 = arith.constant 6 : i32
        %add3A_615 = arith.addi %mul3A_148, %add3A_614 : i32
        %get3A_616 = arith.index_cast %add3A_615 : i32 to index
        %get3A_617 = arith.constant 48 : index
        %get3A_618 = tpu.vector_load %arg11[%get3A_616, %get3A_617] {strides = array<i32>} : memref<128x128xf32, #tpu.memory_space<vmem>>, vector<1x16xf32>,
        %get3A_619 = vector.shape_cast %get3A_618 : vector<1x16xf32> to vector<16xf32>
        %sub3A_620 = arith.subf %get3A_613, %get3A_619 : vector<16xf32>
        %max3A_621 = arith.maximumf %max3A_607, %sub3A_620 : vector<16xf32>
        %add3A_622 = arith.constant 7 : i32
        %add3A_623 = arith.addi %mul3A_148, %add3A_622 : i32
        %get3A_624 = arith.index_cast %add3A_623 : i32 to index
        %get3A_625 = arith.constant 48 : index
        %get3A_626 = tpu.vector_load %arg10[%get3A_624, %get3A_625] {strides = array<i32>} : memref<128x128xf32, #tpu.memory_space<vmem>>, vector<1x16xf32>,
        %get3A_627 = vector.shape_cast %get3A_626 : vector<1x16xf32> to vector<16xf32>
        %add3A_628 = arith.constant 7 : i32
        %add3A_629 = arith.addi %mul3A_148, %add3A_628 : i32
        %get3A_630 = arith.index_cast %add3A_629 : i32 to index
        %get3A_631 = arith.constant 48 : index
        %get3A_632 = tpu.vector_load %arg11[%get3A_630, %get3A_631] {strides = array<i32>} : memref<128x128xf32, #tpu.memory_space<vmem>>, vector<1x16xf32>,
        %get3A_633 = vector.shape_cast %get3A_632 : vector<1x16xf32> to vector<16xf32>
        %sub3A_634 = arith.subf %get3A_627, %get3A_633 : vector<16xf32>
        %max3A_635 = arith.maximumf %max3A_621, %sub3A_634 : vector<16xf32>
        %add3A_636 = arith.constant 8 : i32
        %add3A_637 = arith.addi %mul3A_148, %add3A_636 : i32
        %get3A_638 = arith.index_cast %add3A_637 : i32 to index
        %get3A_639 = arith.constant 48 : index
        %get3A_640 = tpu.vector_load %arg10[%get3A_638, %get3A_639] {strides = array<i32>} : memref<128x128xf32, #tpu.memory_space<vmem>>, vector<1x16xf32>,
        %get3A_641 = vector.shape_cast %get3A_640 : vector<1x16xf32> to vector<16xf32>
        %add3A_642 = arith.constant 8 : i32
        %add3A_643 = arith.addi %mul3A_148, %add3A_642 : i32
        %get3A_644 = arith.index_cast %add3A_643 : i32 to index
        %get3A_645 = arith.constant 48 : index
        %get3A_646 = tpu.vector_load %arg11[%get3A_644, %get3A_645] {strides = array<i32>} : memref<128x128xf32, #tpu.memory_space<vmem>>, vector<1x16xf32>,
        %get3A_647 = vector.shape_cast %get3A_646 : vector<1x16xf32> to vector<16xf32>
        %sub3A_648 = arith.subf %get3A_641, %get3A_647 : vector<16xf32>
        %max3A_649 = arith.maximumf %max3A_635, %sub3A_648 : vector<16xf32>
        %add3A_650 = arith.constant 42 : i32
        %add3A_651 = arith.addi %add3A_650, %scan3A_146 : i32
        %swap3A_652 = arith.index_cast %add3A_651 : i32 to index
        %swap3A_653 = arith.constant 48 : index
        %swap3A_654 = tpu.vector_load %arg12[%swap3A_652, %swap3A_653] {strides = array<i32>} : memref<56x128xf32, #tpu.memory_space<vmem>>, vector<1x16xf32>,
        %swap3A_655 = vector.shape_cast %swap3A_654 : vector<1x16xf32> to vector<16xf32>
        %swap3A_656 = vector.shape_cast %max3A_649 : vector<16xf32> to vector<1x16xf32>
        tpu.vector_store %arg12[%swap3A_652, %swap3A_653], %swap3A_656 {strides = array<i32>} : memref<56x128xf32, #tpu.memory_space<vmem>>, vector<1x16xf32>,
        %get3A_657 = arith.index_cast %mul3A_148 : i32 to index
        %get3A_658 = arith.constant 64 : index
        %get3A_659 = tpu.vector_load %arg10[%get3A_657, %get3A_658] {strides = array<i32>} : memref<128x128xf32, #tpu.memory_space<vmem>>, vector<1x16xf32>,
        %get3A_660 = vector.shape_cast %get3A_659 : vector<1x16xf32> to vector<16xf32>
        %get3A_661 = arith.index_cast %mul3A_148 : i32 to index
        %get3A_662 = arith.constant 64 : index
        %get3A_663 = tpu.vector_load %arg11[%get3A_661, %get3A_662] {strides = array<i32>} : memref<128x128xf32, #tpu.memory_space<vmem>>, vector<1x16xf32>,
        %get3A_664 = vector.shape_cast %get3A_663 : vector<1x16xf32> to vector<16xf32>
        %sub3A_665 = arith.subf %get3A_660, %get3A_664 : vector<16xf32>
        %add3A_666 = arith.constant 1 : i32
        %add3A_667 = arith.addi %mul3A_148, %add3A_666 : i32
        %get3A_668 = arith.index_cast %add3A_667 : i32 to index
        %get3A_669 = arith.constant 64 : index
        %get3A_670 = tpu.vector_load %arg10[%get3A_668, %get3A_669] {strides = array<i32>} : memref<128x128xf32, #tpu.memory_space<vmem>>, vector<1x16xf32>,
        %get3A_671 = vector.shape_cast %get3A_670 : vector<1x16xf32> to vector<16xf32>
        %add3A_672 = arith.constant 1 : i32
        %add3A_673 = arith.addi %mul3A_148, %add3A_672 : i32
        %get3A_674 = arith.index_cast %add3A_673 : i32 to index
        %get3A_675 = arith.constant 64 : index
        %get3A_676 = tpu.vector_load %arg11[%get3A_674, %get3A_675] {strides = array<i32>} : memref<128x128xf32, #tpu.memory_space<vmem>>, vector<1x16xf32>,
        %get3A_677 = vector.shape_cast %get3A_676 : vector<1x16xf32> to vector<16xf32>
        %sub3A_678 = arith.subf %get3A_671, %get3A_677 : vector<16xf32>
        %max3A_679 = arith.maximumf %sub3A_665, %sub3A_678 : vector<16xf32>
        %add3A_680 = arith.constant 2 : i32
        %add3A_681 = arith.addi %mul3A_148, %add3A_680 : i32
        %get3A_682 = arith.index_cast %add3A_681 : i32 to index
        %get3A_683 = arith.constant 64 : index
        %get3A_684 = tpu.vector_load %arg10[%get3A_682, %get3A_683] {strides = array<i32>} : memref<128x128xf32, #tpu.memory_space<vmem>>, vector<1x16xf32>,
        %get3A_685 = vector.shape_cast %get3A_684 : vector<1x16xf32> to vector<16xf32>
        %add3A_686 = arith.constant 2 : i32
        %add3A_687 = arith.addi %mul3A_148, %add3A_686 : i32
        %get3A_688 = arith.index_cast %add3A_687 : i32 to index
        %get3A_689 = arith.constant 64 : index
        %get3A_690 = tpu.vector_load %arg11[%get3A_688, %get3A_689] {strides = array<i32>} : memref<128x128xf32, #tpu.memory_space<vmem>>, vector<1x16xf32>,
        %get3A_691 = vector.shape_cast %get3A_690 : vector<1x16xf32> to vector<16xf32>
        %sub3A_692 = arith.subf %get3A_685, %get3A_691 : vector<16xf32>
        %max3A_693 = arith.maximumf %max3A_679, %sub3A_692 : vector<16xf32>
        %add3A_694 = arith.constant 3 : i32
        %add3A_695 = arith.addi %mul3A_148, %add3A_694 : i32
        %get3A_696 = arith.index_cast %add3A_695 : i32 to index
        %get3A_697 = arith.constant 64 : index
        %get3A_698 = tpu.vector_load %arg10[%get3A_696, %get3A_697] {strides = array<i32>} : memref<128x128xf32, #tpu.memory_space<vmem>>, vector<1x16xf32>,
        %get3A_699 = vector.shape_cast %get3A_698 : vector<1x16xf32> to vector<16xf32>
        %add3A_700 = arith.constant 3 : i32
        %add3A_701 = arith.addi %mul3A_148, %add3A_700 : i32
        %get3A_702 = arith.index_cast %add3A_701 : i32 to index
        %get3A_703 = arith.constant 64 : index
        %get3A_704 = tpu.vector_load %arg11[%get3A_702, %get3A_703] {strides = array<i32>} : memref<128x128xf32, #tpu.memory_space<vmem>>, vector<1x16xf32>,
        %get3A_705 = vector.shape_cast %get3A_704 : vector<1x16xf32> to vector<16xf32>
        %sub3A_706 = arith.subf %get3A_699, %get3A_705 : vector<16xf32>
        %max3A_707 = arith.maximumf %max3A_693, %sub3A_706 : vector<16xf32>
        %add3A_708 = arith.constant 4 : i32
        %add3A_709 = arith.addi %mul3A_148, %add3A_708 : i32
        %get3A_710 = arith.index_cast %add3A_709 : i32 to index
        %get3A_711 = arith.constant 64 : index
        %get3A_712 = tpu.vector_load %arg10[%get3A_710, %get3A_711] {strides = array<i32>} : memref<128x128xf32, #tpu.memory_space<vmem>>, vector<1x16xf32>,
        %get3A_713 = vector.shape_cast %get3A_712 : vector<1x16xf32> to vector<16xf32>
        %add3A_714 = arith.constant 4 : i32
        %add3A_715 = arith.addi %mul3A_148, %add3A_714 : i32
        %get3A_716 = arith.index_cast %add3A_715 : i32 to index
        %get3A_717 = arith.constant 64 : index
        %get3A_718 = tpu.vector_load %arg11[%get3A_716, %get3A_717] {strides = array<i32>} : memref<128x128xf32, #tpu.memory_space<vmem>>, vector<1x16xf32>,
        %get3A_719 = vector.shape_cast %get3A_718 : vector<1x16xf32> to vector<16xf32>
        %sub3A_720 = arith.subf %get3A_713, %get3A_719 : vector<16xf32>
        %max3A_721 = arith.maximumf %max3A_707, %sub3A_720 : vector<16xf32>
        %add3A_722 = arith.constant 5 : i32
        %add3A_723 = arith.addi %mul3A_148, %add3A_722 : i32
        %get3A_724 = arith.index_cast %add3A_723 : i32 to index
        %get3A_725 = arith.constant 64 : index
        %get3A_726 = tpu.vector_load %arg10[%get3A_724, %get3A_725] {strides = array<i32>} : memref<128x128xf32, #tpu.memory_space<vmem>>, vector<1x16xf32>,
        %get3A_727 = vector.shape_cast %get3A_726 : vector<1x16xf32> to vector<16xf32>
        %add3A_728 = arith.constant 5 : i32
        %add3A_729 = arith.addi %mul3A_148, %add3A_728 : i32
        %get3A_730 = arith.index_cast %add3A_729 : i32 to index
        %get3A_731 = arith.constant 64 : index
        %get3A_732 = tpu.vector_load %arg11[%get3A_730, %get3A_731] {strides = array<i32>} : memref<128x128xf32, #tpu.memory_space<vmem>>, vector<1x16xf32>,
        %get3A_733 = vector.shape_cast %get3A_732 : vector<1x16xf32> to vector<16xf32>
        %sub3A_734 = arith.subf %get3A_727, %get3A_733 : vector<16xf32>
        %max3A_735 = arith.maximumf %max3A_721, %sub3A_734 : vector<16xf32>
        %add3A_736 = arith.constant 6 : i32
        %add3A_737 = arith.addi %mul3A_148, %add3A_736 : i32
        %get3A_738 = arith.index_cast %add3A_737 : i32 to index
        %get3A_739 = arith.constant 64 : index
        %get3A_740 = tpu.vector_load %arg10[%get3A_738, %get3A_739] {strides = array<i32>} : memref<128x128xf32, #tpu.memory_space<vmem>>, vector<1x16xf32>,
        %get3A_741 = vector.shape_cast %get3A_740 : vector<1x16xf32> to vector<16xf32>
        %add3A_742 = arith.constant 6 : i32
        %add3A_743 = arith.addi %mul3A_148, %add3A_742 : i32
        %get3A_744 = arith.index_cast %add3A_743 : i32 to index
        %get3A_745 = arith.constant 64 : index
        %get3A_746 = tpu.vector_load %arg11[%get3A_744, %get3A_745] {strides = array<i32>} : memref<128x128xf32, #tpu.memory_space<vmem>>, vector<1x16xf32>,
        %get3A_747 = vector.shape_cast %get3A_746 : vector<1x16xf32> to vector<16xf32>
        %sub3A_748 = arith.subf %get3A_741, %get3A_747 : vector<16xf32>
        %max3A_749 = arith.maximumf %max3A_735, %sub3A_748 : vector<16xf32>
        %add3A_750 = arith.constant 7 : i32
        %add3A_751 = arith.addi %mul3A_148, %add3A_750 : i32
        %get3A_752 = arith.index_cast %add3A_751 : i32 to index
        %get3A_753 = arith.constant 64 : index
        %get3A_754 = tpu.vector_load %arg10[%get3A_752, %get3A_753] {strides = array<i32>} : memref<128x128xf32, #tpu.memory_space<vmem>>, vector<1x16xf32>,
        %get3A_755 = vector.shape_cast %get3A_754 : vector<1x16xf32> to vector<16xf32>
        %add3A_756 = arith.constant 7 : i32
        %add3A_757 = arith.addi %mul3A_148, %add3A_756 : i32
        %get3A_758 = arith.index_cast %add3A_757 : i32 to index
        %get3A_759 = arith.constant 64 : index
        %get3A_760 = tpu.vector_load %arg11[%get3A_758, %get3A_759] {strides = array<i32>} : memref<128x128xf32, #tpu.memory_space<vmem>>, vector<1x16xf32>,
        %get3A_761 = vector.shape_cast %get3A_760 : vector<1x16xf32> to vector<16xf32>
        %sub3A_762 = arith.subf %get3A_755, %get3A_761 : vector<16xf32>
        %max3A_763 = arith.maximumf %max3A_749, %sub3A_762 : vector<16xf32>
        %add3A_764 = arith.constant 8 : i32
        %add3A_765 = arith.addi %mul3A_148, %add3A_764 : i32
        %get3A_766 = arith.index_cast %add3A_765 : i32 to index
        %get3A_767 = arith.constant 64 : index
        %get3A_768 = tpu.vector_load %arg10[%get3A_766, %get3A_767] {strides = array<i32>} : memref<128x128xf32, #tpu.memory_space<vmem>>, vector<1x16xf32>,
        %get3A_769 = vector.shape_cast %get3A_768 : vector<1x16xf32> to vector<16xf32>
        %add3A_770 = arith.constant 8 : i32
        %add3A_771 = arith.addi %mul3A_148, %add3A_770 : i32
        %get3A_772 = arith.index_cast %add3A_771 : i32 to index
        %get3A_773 = arith.constant 64 : index
        %get3A_774 = tpu.vector_load %arg11[%get3A_772, %get3A_773] {strides = array<i32>} : memref<128x128xf32, #tpu.memory_space<vmem>>, vector<1x16xf32>,
        %get3A_775 = vector.shape_cast %get3A_774 : vector<1x16xf32> to vector<16xf32>
        %sub3A_776 = arith.subf %get3A_769, %get3A_775 : vector<16xf32>
        %max3A_777 = arith.maximumf %max3A_763, %sub3A_776 : vector<16xf32>
        %add3A_778 = arith.constant 42 : i32
        %add3A_779 = arith.addi %add3A_778, %scan3A_146 : i32
        %swap3A_780 = arith.index_cast %add3A_779 : i32 to index
        %swap3A_781 = arith.constant 64 : index
        %swap3A_782 = tpu.vector_load %arg12[%swap3A_780, %swap3A_781] {strides = array<i32>} : memref<56x128xf32, #tpu.memory_space<vmem>>, vector<1x16xf32>,
        %swap3A_783 = vector.shape_cast %swap3A_782 : vector<1x16xf32> to vector<16xf32>
        %swap3A_784 = vector.shape_cast %max3A_777 : vector<16xf32> to vector<1x16xf32>
        tpu.vector_store %arg12[%swap3A_780, %swap3A_781], %swap3A_784 {strides = array<i32>} : memref<56x128xf32, #tpu.memory_space<vmem>>, vector<1x16xf32>,
        %get3A_785 = arith.index_cast %mul3A_148 : i32 to index
        %get3A_786 = arith.constant 80 : index
        %get3A_787 = tpu.vector_load %arg10[%get3A_785, %get3A_786] {strides = array<i32>} : memref<128x128xf32, #tpu.memory_space<vmem>>, vector<1x16xf32>,
        %get3A_788 = vector.shape_cast %get3A_787 : vector<1x16xf32> to vector<16xf32>
        %get3A_789 = arith.index_cast %mul3A_148 : i32 to index
        %get3A_790 = arith.constant 80 : index
        %get3A_791 = tpu.vector_load %arg11[%get3A_789, %get3A_790] {strides = array<i32>} : memref<128x128xf32, #tpu.memory_space<vmem>>, vector<1x16xf32>,
        %get3A_792 = vector.shape_cast %get3A_791 : vector<1x16xf32> to vector<16xf32>
        %sub3A_793 = arith.subf %get3A_788, %get3A_792 : vector<16xf32>
        %add3A_794 = arith.constant 1 : i32
        %add3A_795 = arith.addi %mul3A_148, %add3A_794 : i32
        %get3A_796 = arith.index_cast %add3A_795 : i32 to index
        %get3A_797 = arith.constant 80 : index
        %get3A_798 = tpu.vector_load %arg10[%get3A_796, %get3A_797] {strides = array<i32>} : memref<128x128xf32, #tpu.memory_space<vmem>>, vector<1x16xf32>,
        %get3A_799 = vector.shape_cast %get3A_798 : vector<1x16xf32> to vector<16xf32>
        %add3A_800 = arith.constant 1 : i32
        %add3A_801 = arith.addi %mul3A_148, %add3A_800 : i32
        %get3A_802 = arith.index_cast %add3A_801 : i32 to index
        %get3A_803 = arith.constant 80 : index
        %get3A_804 = tpu.vector_load %arg11[%get3A_802, %get3A_803] {strides = array<i32>} : memref<128x128xf32, #tpu.memory_space<vmem>>, vector<1x16xf32>,
        %get3A_805 = vector.shape_cast %get3A_804 : vector<1x16xf32> to vector<16xf32>
        %sub3A_806 = arith.subf %get3A_799, %get3A_805 : vector<16xf32>
        %max3A_807 = arith.maximumf %sub3A_793, %sub3A_806 : vector<16xf32>
        %add3A_808 = arith.constant 2 : i32
        %add3A_809 = arith.addi %mul3A_148, %add3A_808 : i32
        %get3A_810 = arith.index_cast %add3A_809 : i32 to index
        %get3A_811 = arith.constant 80 : index
        %get3A_812 = tpu.vector_load %arg10[%get3A_810, %get3A_811] {strides = array<i32>} : memref<128x128xf32, #tpu.memory_space<vmem>>, vector<1x16xf32>,
        %get3A_813 = vector.shape_cast %get3A_812 : vector<1x16xf32> to vector<16xf32>
        %add3A_814 = arith.constant 2 : i32
        %add3A_815 = arith.addi %mul3A_148, %add3A_814 : i32
        %get3A_816 = arith.index_cast %add3A_815 : i32 to index
        %get3A_817 = arith.constant 80 : index
        %get3A_818 = tpu.vector_load %arg11[%get3A_816, %get3A_817] {strides = array<i32>} : memref<128x128xf32, #tpu.memory_space<vmem>>, vector<1x16xf32>,
        %get3A_819 = vector.shape_cast %get3A_818 : vector<1x16xf32> to vector<16xf32>
        %sub3A_820 = arith.subf %get3A_813, %get3A_819 : vector<16xf32>
        %max3A_821 = arith.maximumf %max3A_807, %sub3A_820 : vector<16xf32>
        %add3A_822 = arith.constant 3 : i32
        %add3A_823 = arith.addi %mul3A_148, %add3A_822 : i32
        %get3A_824 = arith.index_cast %add3A_823 : i32 to index
        %get3A_825 = arith.constant 80 : index
        %get3A_826 = tpu.vector_load %arg10[%get3A_824, %get3A_825] {strides = array<i32>} : memref<128x128xf32, #tpu.memory_space<vmem>>, vector<1x16xf32>,
        %get3A_827 = vector.shape_cast %get3A_826 : vector<1x16xf32> to vector<16xf32>
        %add3A_828 = arith.constant 3 : i32
        %add3A_829 = arith.addi %mul3A_148, %add3A_828 : i32
        %get3A_830 = arith.index_cast %add3A_829 : i32 to index
        %get3A_831 = arith.constant 80 : index
        %get3A_832 = tpu.vector_load %arg11[%get3A_830, %get3A_831] {strides = array<i32>} : memref<128x128xf32, #tpu.memory_space<vmem>>, vector<1x16xf32>,
        %get3A_833 = vector.shape_cast %get3A_832 : vector<1x16xf32> to vector<16xf32>
        %sub3A_834 = arith.subf %get3A_827, %get3A_833 : vector<16xf32>
        %max3A_835 = arith.maximumf %max3A_821, %sub3A_834 : vector<16xf32>
        %add3A_836 = arith.constant 4 : i32
        %add3A_837 = arith.addi %mul3A_148, %add3A_836 : i32
        %get3A_838 = arith.index_cast %add3A_837 : i32 to index
        %get3A_839 = arith.constant 80 : index
        %get3A_840 = tpu.vector_load %arg10[%get3A_838, %get3A_839] {strides = array<i32>} : memref<128x128xf32, #tpu.memory_space<vmem>>, vector<1x16xf32>,
        %get3A_841 = vector.shape_cast %get3A_840 : vector<1x16xf32> to vector<16xf32>
        %add3A_842 = arith.constant 4 : i32
        %add3A_843 = arith.addi %mul3A_148, %add3A_842 : i32
        %get3A_844 = arith.index_cast %add3A_843 : i32 to index
        %get3A_845 = arith.constant 80 : index
        %get3A_846 = tpu.vector_load %arg11[%get3A_844, %get3A_845] {strides = array<i32>} : memref<128x128xf32, #tpu.memory_space<vmem>>, vector<1x16xf32>,
        %get3A_847 = vector.shape_cast %get3A_846 : vector<1x16xf32> to vector<16xf32>
        %sub3A_848 = arith.subf %get3A_841, %get3A_847 : vector<16xf32>
        %max3A_849 = arith.maximumf %max3A_835, %sub3A_848 : vector<16xf32>
        %add3A_850 = arith.constant 5 : i32
        %add3A_851 = arith.addi %mul3A_148, %add3A_850 : i32
        %get3A_852 = arith.index_cast %add3A_851 : i32 to index
        %get3A_853 = arith.constant 80 : index
        %get3A_854 = tpu.vector_load %arg10[%get3A_852, %get3A_853] {strides = array<i32>} : memref<128x128xf32, #tpu.memory_space<vmem>>, vector<1x16xf32>,
        %get3A_855 = vector.shape_cast %get3A_854 : vector<1x16xf32> to vector<16xf32>
        %add3A_856 = arith.constant 5 : i32
        %add3A_857 = arith.addi %mul3A_148, %add3A_856 : i32
        %get3A_858 = arith.index_cast %add3A_857 : i32 to index
        %get3A_859 = arith.constant 80 : index
        %get3A_860 = tpu.vector_load %arg11[%get3A_858, %get3A_859] {strides = array<i32>} : memref<128x128xf32, #tpu.memory_space<vmem>>, vector<1x16xf32>,
        %get3A_861 = vector.shape_cast %get3A_860 : vector<1x16xf32> to vector<16xf32>
        %sub3A_862 = arith.subf %get3A_855, %get3A_861 : vector<16xf32>
        %max3A_863 = arith.maximumf %max3A_849, %sub3A_862 : vector<16xf32>
        %add3A_864 = arith.constant 6 : i32
        %add3A_865 = arith.addi %mul3A_148, %add3A_864 : i32
        %get3A_866 = arith.index_cast %add3A_865 : i32 to index
        %get3A_867 = arith.constant 80 : index
        %get3A_868 = tpu.vector_load %arg10[%get3A_866, %get3A_867] {strides = array<i32>} : memref<128x128xf32, #tpu.memory_space<vmem>>, vector<1x16xf32>,
        %get3A_869 = vector.shape_cast %get3A_868 : vector<1x16xf32> to vector<16xf32>
        %add3A_870 = arith.constant 6 : i32
        %add3A_871 = arith.addi %mul3A_148, %add3A_870 : i32
        %get3A_872 = arith.index_cast %add3A_871 : i32 to index
        %get3A_873 = arith.constant 80 : index
        %get3A_874 = tpu.vector_load %arg11[%get3A_872, %get3A_873] {strides = array<i32>} : memref<128x128xf32, #tpu.memory_space<vmem>>, vector<1x16xf32>,
        %get3A_875 = vector.shape_cast %get3A_874 : vector<1x16xf32> to vector<16xf32>
        %sub3A_876 = arith.subf %get3A_869, %get3A_875 : vector<16xf32>
        %max3A_877 = arith.maximumf %max3A_863, %sub3A_876 : vector<16xf32>
        %add3A_878 = arith.constant 7 : i32
        %add3A_879 = arith.addi %mul3A_148, %add3A_878 : i32
        %get3A_880 = arith.index_cast %add3A_879 : i32 to index
        %get3A_881 = arith.constant 80 : index
        %get3A_882 = tpu.vector_load %arg10[%get3A_880, %get3A_881] {strides = array<i32>} : memref<128x128xf32, #tpu.memory_space<vmem>>, vector<1x16xf32>,
        %get3A_883 = vector.shape_cast %get3A_882 : vector<1x16xf32> to vector<16xf32>
        %add3A_884 = arith.constant 7 : i32
        %add3A_885 = arith.addi %mul3A_148, %add3A_884 : i32
        %get3A_886 = arith.index_cast %add3A_885 : i32 to index
        %get3A_887 = arith.constant 80 : index
        %get3A_888 = tpu.vector_load %arg11[%get3A_886, %get3A_887] {strides = array<i32>} : memref<128x128xf32, #tpu.memory_space<vmem>>, vector<1x16xf32>,
        %get3A_889 = vector.shape_cast %get3A_888 : vector<1x16xf32> to vector<16xf32>
        %sub3A_890 = arith.subf %get3A_883, %get3A_889 : vector<16xf32>
        %max3A_891 = arith.maximumf %max3A_877, %sub3A_890 : vector<16xf32>
        %add3A_892 = arith.constant 8 : i32
        %add3A_893 = arith.addi %mul3A_148, %add3A_892 : i32
        %get3A_894 = arith.index_cast %add3A_893 : i32 to index
        %get3A_895 = arith.constant 80 : index
        %get3A_896 = tpu.vector_load %arg10[%get3A_894, %get3A_895] {strides = array<i32>} : memref<128x128xf32, #tpu.memory_space<vmem>>, vector<1x16xf32>,
        %get3A_897 = vector.shape_cast %get3A_896 : vector<1x16xf32> to vector<16xf32>
        %add3A_898 = arith.constant 8 : i32
        %add3A_899 = arith.addi %mul3A_148, %add3A_898 : i32
        %get3A_900 = arith.index_cast %add3A_899 : i32 to index
        %get3A_901 = arith.constant 80 : index
        %get3A_902 = tpu.vector_load %arg11[%get3A_900, %get3A_901] {strides = array<i32>} : memref<128x128xf32, #tpu.memory_space<vmem>>, vector<1x16xf32>,
        %get3A_903 = vector.shape_cast %get3A_902 : vector<1x16xf32> to vector<16xf32>
        %sub3A_904 = arith.subf %get3A_897, %get3A_903 : vector<16xf32>
        %max3A_905 = arith.maximumf %max3A_891, %sub3A_904 : vector<16xf32>
        %add3A_906 = arith.constant 42 : i32
        %add3A_907 = arith.addi %add3A_906, %scan3A_146 : i32
        %swap3A_908 = arith.index_cast %add3A_907 : i32 to index
        %swap3A_909 = arith.constant 80 : index
        %swap3A_910 = tpu.vector_load %arg12[%swap3A_908, %swap3A_909] {strides = array<i32>} : memref<56x128xf32, #tpu.memory_space<vmem>>, vector<1x16xf32>,
        %swap3A_911 = vector.shape_cast %swap3A_910 : vector<1x16xf32> to vector<16xf32>
        %swap3A_912 = vector.shape_cast %max3A_905 : vector<16xf32> to vector<1x16xf32>
        tpu.vector_store %arg12[%swap3A_908, %swap3A_909], %swap3A_912 {strides = array<i32>} : memref<56x128xf32, #tpu.memory_space<vmem>>, vector<1x16xf32>,
        %get3A_913 = arith.index_cast %mul3A_148 : i32 to index
        %get3A_914 = arith.constant 96 : index
        %get3A_915 = tpu.vector_load %arg10[%get3A_913, %get3A_914] {strides = array<i32>} : memref<128x128xf32, #tpu.memory_space<vmem>>, vector<1x16xf32>,
        %get3A_916 = vector.shape_cast %get3A_915 : vector<1x16xf32> to vector<16xf32>
        %get3A_917 = arith.index_cast %mul3A_148 : i32 to index
        %get3A_918 = arith.constant 96 : index
        %get3A_919 = tpu.vector_load %arg11[%get3A_917, %get3A_918] {strides = array<i32>} : memref<128x128xf32, #tpu.memory_space<vmem>>, vector<1x16xf32>,
        %get3A_920 = vector.shape_cast %get3A_919 : vector<1x16xf32> to vector<16xf32>
        %sub3A_921 = arith.subf %get3A_916, %get3A_920 : vector<16xf32>
        %add3A_922 = arith.constant 1 : i32
        %add3A_923 = arith.addi %mul3A_148, %add3A_922 : i32
        %get3A_924 = arith.index_cast %add3A_923 : i32 to index
        %get3A_925 = arith.constant 96 : index
        %get3A_926 = tpu.vector_load %arg10[%get3A_924, %get3A_925] {strides = array<i32>} : memref<128x128xf32, #tpu.memory_space<vmem>>, vector<1x16xf32>,
        %get3A_927 = vector.shape_cast %get3A_926 : vector<1x16xf32> to vector<16xf32>
        %add3A_928 = arith.constant 1 : i32
        %add3A_929 = arith.addi %mul3A_148, %add3A_928 : i32
        %get3A_930 = arith.index_cast %add3A_929 : i32 to index
        %get3A_931 = arith.constant 96 : index
        %get3A_932 = tpu.vector_load %arg11[%get3A_930, %get3A_931] {strides = array<i32>} : memref<128x128xf32, #tpu.memory_space<vmem>>, vector<1x16xf32>,
        %get3A_933 = vector.shape_cast %get3A_932 : vector<1x16xf32> to vector<16xf32>
        %sub3A_934 = arith.subf %get3A_927, %get3A_933 : vector<16xf32>
        %max3A_935 = arith.maximumf %sub3A_921, %sub3A_934 : vector<16xf32>
        %add3A_936 = arith.constant 2 : i32
        %add3A_937 = arith.addi %mul3A_148, %add3A_936 : i32
        %get3A_938 = arith.index_cast %add3A_937 : i32 to index
        %get3A_939 = arith.constant 96 : index
        %get3A_940 = tpu.vector_load %arg10[%get3A_938, %get3A_939] {strides = array<i32>} : memref<128x128xf32, #tpu.memory_space<vmem>>, vector<1x16xf32>,
        %get3A_941 = vector.shape_cast %get3A_940 : vector<1x16xf32> to vector<16xf32>
        %add3A_942 = arith.constant 2 : i32
        %add3A_943 = arith.addi %mul3A_148, %add3A_942 : i32
        %get3A_944 = arith.index_cast %add3A_943 : i32 to index
        %get3A_945 = arith.constant 96 : index
        %get3A_946 = tpu.vector_load %arg11[%get3A_944, %get3A_945] {strides = array<i32>} : memref<128x128xf32, #tpu.memory_space<vmem>>, vector<1x16xf32>,
        %get3A_947 = vector.shape_cast %get3A_946 : vector<1x16xf32> to vector<16xf32>
        %sub3A_948 = arith.subf %get3A_941, %get3A_947 : vector<16xf32>
        %max3A_949 = arith.maximumf %max3A_935, %sub3A_948 : vector<16xf32>
        %add3A_950 = arith.constant 3 : i32
        %add3A_951 = arith.addi %mul3A_148, %add3A_950 : i32
        %get3A_952 = arith.index_cast %add3A_951 : i32 to index
        %get3A_953 = arith.constant 96 : index
        %get3A_954 = tpu.vector_load %arg10[%get3A_952, %get3A_953] {strides = array<i32>} : memref<128x128xf32, #tpu.memory_space<vmem>>, vector<1x16xf32>,
        %get3A_955 = vector.shape_cast %get3A_954 : vector<1x16xf32> to vector<16xf32>
        %add3A_956 = arith.constant 3 : i32
        %add3A_957 = arith.addi %mul3A_148, %add3A_956 : i32
        %get3A_958 = arith.index_cast %add3A_957 : i32 to index
        %get3A_959 = arith.constant 96 : index
        %get3A_960 = tpu.vector_load %arg11[%get3A_958, %get3A_959] {strides = array<i32>} : memref<128x128xf32, #tpu.memory_space<vmem>>, vector<1x16xf32>,
        %get3A_961 = vector.shape_cast %get3A_960 : vector<1x16xf32> to vector<16xf32>
        %sub3A_962 = arith.subf %get3A_955, %get3A_961 : vector<16xf32>
        %max3A_963 = arith.maximumf %max3A_949, %sub3A_962 : vector<16xf32>
        %add3A_964 = arith.constant 4 : i32
        %add3A_965 = arith.addi %mul3A_148, %add3A_964 : i32
        %get3A_966 = arith.index_cast %add3A_965 : i32 to index
        %get3A_967 = arith.constant 96 : index
        %get3A_968 = tpu.vector_load %arg10[%get3A_966, %get3A_967] {strides = array<i32>} : memref<128x128xf32, #tpu.memory_space<vmem>>, vector<1x16xf32>,
        %get3A_969 = vector.shape_cast %get3A_968 : vector<1x16xf32> to vector<16xf32>
        %add3A_970 = arith.constant 4 : i32
        %add3A_971 = arith.addi %mul3A_148, %add3A_970 : i32
        %get3A_972 = arith.index_cast %add3A_971 : i32 to index
        %get3A_973 = arith.constant 96 : index
        %get3A_974 = tpu.vector_load %arg11[%get3A_972, %get3A_973] {strides = array<i32>} : memref<128x128xf32, #tpu.memory_space<vmem>>, vector<1x16xf32>,
        %get3A_975 = vector.shape_cast %get3A_974 : vector<1x16xf32> to vector<16xf32>
        %sub3A_976 = arith.subf %get3A_969, %get3A_975 : vector<16xf32>
        %max3A_977 = arith.maximumf %max3A_963, %sub3A_976 : vector<16xf32>
        %add3A_978 = arith.constant 5 : i32
        %add3A_979 = arith.addi %mul3A_148, %add3A_978 : i32
        %get3A_980 = arith.index_cast %add3A_979 : i32 to index
        %get3A_981 = arith.constant 96 : index
        %get3A_982 = tpu.vector_load %arg10[%get3A_980, %get3A_981] {strides = array<i32>} : memref<128x128xf32, #tpu.memory_space<vmem>>, vector<1x16xf32>,
        %get3A_983 = vector.shape_cast %get3A_982 : vector<1x16xf32> to vector<16xf32>
        %add3A_984 = arith.constant 5 : i32
        %add3A_985 = arith.addi %mul3A_148, %add3A_984 : i32
        %get3A_986 = arith.index_cast %add3A_985 : i32 to index
        %get3A_987 = arith.constant 96 : index
        %get3A_988 = tpu.vector_load %arg11[%get3A_986, %get3A_987] {strides = array<i32>} : memref<128x128xf32, #tpu.memory_space<vmem>>, vector<1x16xf32>,
        %get3A_989 = vector.shape_cast %get3A_988 : vector<1x16xf32> to vector<16xf32>
        %sub3A_990 = arith.subf %get3A_983, %get3A_989 : vector<16xf32>
        %max3A_991 = arith.maximumf %max3A_977, %sub3A_990 : vector<16xf32>
        %add3A_992 = arith.constant 6 : i32
        %add3A_993 = arith.addi %mul3A_148, %add3A_992 : i32
        %get3A_994 = arith.index_cast %add3A_993 : i32 to index
        %get3A_995 = arith.constant 96 : index
        %get3A_996 = tpu.vector_load %arg10[%get3A_994, %get3A_995] {strides = array<i32>} : memref<128x128xf32, #tpu.memory_space<vmem>>, vector<1x16xf32>,
        %get3A_997 = vector.shape_cast %get3A_996 : vector<1x16xf32> to vector<16xf32>
        %add3A_998 = arith.constant 6 : i32
        %add3A_999 = arith.addi %mul3A_148, %add3A_998 : i32
        %get3A_1000 = arith.index_cast %add3A_999 : i32 to index
        %get3A_1001 = arith.constant 96 : index
        %get3A_1002 = tpu.vector_load %arg11[%get3A_1000, %get3A_1001] {strides = array<i32>} : memref<128x128xf32, #tpu.memory_space<vmem>>, vector<1x16xf32>,
        %get3A_1003 = vector.shape_cast %get3A_1002 : vector<1x16xf32> to vector<16xf32>
        %sub3A_1004 = arith.subf %get3A_997, %get3A_1003 : vector<16xf32>
        %max3A_1005 = arith.maximumf %max3A_991, %sub3A_1004 : vector<16xf32>
        %add3A_1006 = arith.constant 7 : i32
        %add3A_1007 = arith.addi %mul3A_148, %add3A_1006 : i32
        %get3A_1008 = arith.index_cast %add3A_1007 : i32 to index
        %get3A_1009 = arith.constant 96 : index
        %get3A_1010 = tpu.vector_load %arg10[%get3A_1008, %get3A_1009] {strides = array<i32>} : memref<128x128xf32, #tpu.memory_space<vmem>>, vector<1x16xf32>,
        %get3A_1011 = vector.shape_cast %get3A_1010 : vector<1x16xf32> to vector<16xf32>
        %add3A_1012 = arith.constant 7 : i32
        %add3A_1013 = arith.addi %mul3A_148, %add3A_1012 : i32
        %get3A_1014 = arith.index_cast %add3A_1013 : i32 to index
        %get3A_1015 = arith.constant 96 : index
        %get3A_1016 = tpu.vector_load %arg11[%get3A_1014, %get3A_1015] {strides = array<i32>} : memref<128x128xf32, #tpu.memory_space<vmem>>, vector<1x16xf32>,
        %get3A_1017 = vector.shape_cast %get3A_1016 : vector<1x16xf32> to vector<16xf32>
        %sub3A_1018 = arith.subf %get3A_1011, %get3A_1017 : vector<16xf32>
        %max3A_1019 = arith.maximumf %max3A_1005, %sub3A_1018 : vector<16xf32>
        %add3A_1020 = arith.constant 8 : i32
        %add3A_1021 = arith.addi %mul3A_148, %add3A_1020 : i32
        %get3A_1022 = arith.index_cast %add3A_1021 : i32 to index
        %get3A_1023 = arith.constant 96 : index
        %get3A_1024 = tpu.vector_load %arg10[%get3A_1022, %get3A_1023] {strides = array<i32>} : memref<128x128xf32, #tpu.memory_space<vmem>>, vector<1x16xf32>,
        %get3A_1025 = vector.shape_cast %get3A_1024 : vector<1x16xf32> to vector<16xf32>
        %add3A_1026 = arith.constant 8 : i32
        %add3A_1027 = arith.addi %mul3A_148, %add3A_1026 : i32
        %get3A_1028 = arith.index_cast %add3A_1027 : i32 to index
        %get3A_1029 = arith.constant 96 : index
        %get3A_1030 = tpu.vector_load %arg11[%get3A_1028, %get3A_1029] {strides = array<i32>} : memref<128x128xf32, #tpu.memory_space<vmem>>, vector<1x16xf32>,
        %get3A_1031 = vector.shape_cast %get3A_1030 : vector<1x16xf32> to vector<16xf32>
        %sub3A_1032 = arith.subf %get3A_1025, %get3A_1031 : vector<16xf32>
        %max3A_1033 = arith.maximumf %max3A_1019, %sub3A_1032 : vector<16xf32>
        %add3A_1034 = arith.constant 42 : i32
        %add3A_1035 = arith.addi %add3A_1034, %scan3A_146 : i32
        %swap3A_1036 = arith.index_cast %add3A_1035 : i32 to index
        %swap3A_1037 = arith.constant 96 : index
        %swap3A_1038 = tpu.vector_load %arg12[%swap3A_1036, %swap3A_1037] {strides = array<i32>} : memref<56x128xf32, #tpu.memory_space<vmem>>, vector<1x16xf32>,
        %swap3A_1039 = vector.shape_cast %swap3A_1038 : vector<1x16xf32> to vector<16xf32>
        %swap3A_1040 = vector.shape_cast %max3A_1033 : vector<16xf32> to vector<1x16xf32>
        tpu.vector_store %arg12[%swap3A_1036, %swap3A_1037], %swap3A_1040 {strides = array<i32>} : memref<56x128xf32, #tpu.memory_space<vmem>>, vector<1x16xf32>,
        %get3A_1041 = arith.index_cast %mul3A_148 : i32 to index
        %get3A_1042 = arith.constant 112 : index
        %get3A_1043 = tpu.vector_load %arg10[%get3A_1041, %get3A_1042] {strides = array<i32>} : memref<128x128xf32, #tpu.memory_space<vmem>>, vector<1x16xf32>,
        %get3A_1044 = vector.shape_cast %get3A_1043 : vector<1x16xf32> to vector<16xf32>
        %get3A_1045 = arith.index_cast %mul3A_148 : i32 to index
        %get3A_1046 = arith.constant 112 : index
        %get3A_1047 = tpu.vector_load %arg11[%get3A_1045, %get3A_1046] {strides = array<i32>} : memref<128x128xf32, #tpu.memory_space<vmem>>, vector<1x16xf32>,
        %get3A_1048 = vector.shape_cast %get3A_1047 : vector<1x16xf32> to vector<16xf32>
        %sub3A_1049 = arith.subf %get3A_1044, %get3A_1048 : vector<16xf32>
        %add3A_1050 = arith.constant 1 : i32
        %add3A_1051 = arith.addi %mul3A_148, %add3A_1050 : i32
        %get3A_1052 = arith.index_cast %add3A_1051 : i32 to index
        %get3A_1053 = arith.constant 112 : index
        %get3A_1054 = tpu.vector_load %arg10[%get3A_1052, %get3A_1053] {strides = array<i32>} : memref<128x128xf32, #tpu.memory_space<vmem>>, vector<1x16xf32>,
        %get3A_1055 = vector.shape_cast %get3A_1054 : vector<1x16xf32> to vector<16xf32>
        %add3A_1056 = arith.constant 1 : i32
        %add3A_1057 = arith.addi %mul3A_148, %add3A_1056 : i32
        %get3A_1058 = arith.index_cast %add3A_1057 : i32 to index
        %get3A_1059 = arith.constant 112 : index
        %get3A_1060 = tpu.vector_load %arg11[%get3A_1058, %get3A_1059] {strides = array<i32>} : memref<128x128xf32, #tpu.memory_space<vmem>>, vector<1x16xf32>,
        %get3A_1061 = vector.shape_cast %get3A_1060 : vector<1x16xf32> to vector<16xf32>
        %sub3A_1062 = arith.subf %get3A_1055, %get3A_1061 : vector<16xf32>
        %max3A_1063 = arith.maximumf %sub3A_1049, %sub3A_1062 : vector<16xf32>
        %add3A_1064 = arith.constant 2 : i32
        %add3A_1065 = arith.addi %mul3A_148, %add3A_1064 : i32
        %get3A_1066 = arith.index_cast %add3A_1065 : i32 to index
        %get3A_1067 = arith.constant 112 : index
        %get3A_1068 = tpu.vector_load %arg10[%get3A_1066, %get3A_1067] {strides = array<i32>} : memref<128x128xf32, #tpu.memory_space<vmem>>, vector<1x16xf32>,
        %get3A_1069 = vector.shape_cast %get3A_1068 : vector<1x16xf32> to vector<16xf32>
        %add3A_1070 = arith.constant 2 : i32
        %add3A_1071 = arith.addi %mul3A_148, %add3A_1070 : i32
        %get3A_1072 = arith.index_cast %add3A_1071 : i32 to index
        %get3A_1073 = arith.constant 112 : index
        %get3A_1074 = tpu.vector_load %arg11[%get3A_1072, %get3A_1073] {strides = array<i32>} : memref<128x128xf32, #tpu.memory_space<vmem>>, vector<1x16xf32>,
        %get3A_1075 = vector.shape_cast %get3A_1074 : vector<1x16xf32> to vector<16xf32>
        %sub3A_1076 = arith.subf %get3A_1069, %get3A_1075 : vector<16xf32>
        %max3A_1077 = arith.maximumf %max3A_1063, %sub3A_1076 : vector<16xf32>
        %add3A_1078 = arith.constant 3 : i32
        %add3A_1079 = arith.addi %mul3A_148, %add3A_1078 : i32
        %get3A_1080 = arith.index_cast %add3A_1079 : i32 to index
        %get3A_1081 = arith.constant 112 : index
        %get3A_1082 = tpu.vector_load %arg10[%get3A_1080, %get3A_1081] {strides = array<i32>} : memref<128x128xf32, #tpu.memory_space<vmem>>, vector<1x16xf32>,
        %get3A_1083 = vector.shape_cast %get3A_1082 : vector<1x16xf32> to vector<16xf32>
        %add3A_1084 = arith.constant 3 : i32
        %add3A_1085 = arith.addi %mul3A_148, %add3A_1084 : i32
        %get3A_1086 = arith.index_cast %add3A_1085 : i32 to index
        %get3A_1087 = arith.constant 112 : index
        %get3A_1088 = tpu.vector_load %arg11[%get3A_1086, %get3A_1087] {strides = array<i32>} : memref<128x128xf32, #tpu.memory_space<vmem>>, vector<1x16xf32>,
        %get3A_1089 = vector.shape_cast %get3A_1088 : vector<1x16xf32> to vector<16xf32>
        %sub3A_1090 = arith.subf %get3A_1083, %get3A_1089 : vector<16xf32>
        %max3A_1091 = arith.maximumf %max3A_1077, %sub3A_1090 : vector<16xf32>
        %add3A_1092 = arith.constant 4 : i32
        %add3A_1093 = arith.addi %mul3A_148, %add3A_1092 : i32
        %get3A_1094 = arith.index_cast %add3A_1093 : i32 to index
        %get3A_1095 = arith.constant 112 : index
        %get3A_1096 = tpu.vector_load %arg10[%get3A_1094, %get3A_1095] {strides = array<i32>} : memref<128x128xf32, #tpu.memory_space<vmem>>, vector<1x16xf32>,
        %get3A_1097 = vector.shape_cast %get3A_1096 : vector<1x16xf32> to vector<16xf32>
        %add3A_1098 = arith.constant 4 : i32
        %add3A_1099 = arith.addi %mul3A_148, %add3A_1098 : i32
        %get3A_1100 = arith.index_cast %add3A_1099 : i32 to index
        %get3A_1101 = arith.constant 112 : index
        %get3A_1102 = tpu.vector_load %arg11[%get3A_1100, %get3A_1101] {strides = array<i32>} : memref<128x128xf32, #tpu.memory_space<vmem>>, vector<1x16xf32>,
        %get3A_1103 = vector.shape_cast %get3A_1102 : vector<1x16xf32> to vector<16xf32>
        %sub3A_1104 = arith.subf %get3A_1097, %get3A_1103 : vector<16xf32>
        %max3A_1105 = arith.maximumf %max3A_1091, %sub3A_1104 : vector<16xf32>
        %add3A_1106 = arith.constant 5 : i32
        %add3A_1107 = arith.addi %mul3A_148, %add3A_1106 : i32
        %get3A_1108 = arith.index_cast %add3A_1107 : i32 to index
        %get3A_1109 = arith.constant 112 : index
        %get3A_1110 = tpu.vector_load %arg10[%get3A_1108, %get3A_1109] {strides = array<i32>} : memref<128x128xf32, #tpu.memory_space<vmem>>, vector<1x16xf32>,
        %get3A_1111 = vector.shape_cast %get3A_1110 : vector<1x16xf32> to vector<16xf32>
        %add3A_1112 = arith.constant 5 : i32
        %add3A_1113 = arith.addi %mul3A_148, %add3A_1112 : i32
        %get3A_1114 = arith.index_cast %add3A_1113 : i32 to index
        %get3A_1115 = arith.constant 112 : index
        %get3A_1116 = tpu.vector_load %arg11[%get3A_1114, %get3A_1115] {strides = array<i32>} : memref<128x128xf32, #tpu.memory_space<vmem>>, vector<1x16xf32>,
        %get3A_1117 = vector.shape_cast %get3A_1116 : vector<1x16xf32> to vector<16xf32>
        %sub3A_1118 = arith.subf %get3A_1111, %get3A_1117 : vector<16xf32>
        %max3A_1119 = arith.maximumf %max3A_1105, %sub3A_1118 : vector<16xf32>
        %add3A_1120 = arith.constant 6 : i32
        %add3A_1121 = arith.addi %mul3A_148, %add3A_1120 : i32
        %get3A_1122 = arith.index_cast %add3A_1121 : i32 to index
        %get3A_1123 = arith.constant 112 : index
        %get3A_1124 = tpu.vector_load %arg10[%get3A_1122, %get3A_1123] {strides = array<i32>} : memref<128x128xf32, #tpu.memory_space<vmem>>, vector<1x16xf32>,
        %get3A_1125 = vector.shape_cast %get3A_1124 : vector<1x16xf32> to vector<16xf32>
        %add3A_1126 = arith.constant 6 : i32
        %add3A_1127 = arith.addi %mul3A_148, %add3A_1126 : i32
        %get3A_1128 = arith.index_cast %add3A_1127 : i32 to index
        %get3A_1129 = arith.constant 112 : index
        %get3A_1130 = tpu.vector_load %arg11[%get3A_1128, %get3A_1129] {strides = array<i32>} : memref<128x128xf32, #tpu.memory_space<vmem>>, vector<1x16xf32>,
        %get3A_1131 = vector.shape_cast %get3A_1130 : vector<1x16xf32> to vector<16xf32>
        %sub3A_1132 = arith.subf %get3A_1125, %get3A_1131 : vector<16xf32>
        %max3A_1133 = arith.maximumf %max3A_1119, %sub3A_1132 : vector<16xf32>
        %add3A_1134 = arith.constant 7 : i32
        %add3A_1135 = arith.addi %mul3A_148, %add3A_1134 : i32
        %get3A_1136 = arith.index_cast %add3A_1135 : i32 to index
        %get3A_1137 = arith.constant 112 : index
        %get3A_1138 = tpu.vector_load %arg10[%get3A_1136, %get3A_1137] {strides = array<i32>} : memref<128x128xf32, #tpu.memory_space<vmem>>, vector<1x16xf32>,
        %get3A_1139 = vector.shape_cast %get3A_1138 : vector<1x16xf32> to vector<16xf32>
        %add3A_1140 = arith.constant 7 : i32
        %add3A_1141 = arith.addi %mul3A_148, %add3A_1140 : i32
        %get3A_1142 = arith.index_cast %add3A_1141 : i32 to index
        %get3A_1143 = arith.constant 112 : index
        %get3A_1144 = tpu.vector_load %arg11[%get3A_1142, %get3A_1143] {strides = array<i32>} : memref<128x128xf32, #tpu.memory_space<vmem>>, vector<1x16xf32>,
        %get3A_1145 = vector.shape_cast %get3A_1144 : vector<1x16xf32> to vector<16xf32>
        %sub3A_1146 = arith.subf %get3A_1139, %get3A_1145 : vector<16xf32>
        %max3A_1147 = arith.maximumf %max3A_1133, %sub3A_1146 : vector<16xf32>
        %add3A_1148 = arith.constant 8 : i32
        %add3A_1149 = arith.addi %mul3A_148, %add3A_1148 : i32
        %get3A_1150 = arith.index_cast %add3A_1149 : i32 to index
        %get3A_1151 = arith.constant 112 : index
        %get3A_1152 = tpu.vector_load %arg10[%get3A_1150, %get3A_1151] {strides = array<i32>} : memref<128x128xf32, #tpu.memory_space<vmem>>, vector<1x16xf32>,
        %get3A_1153 = vector.shape_cast %get3A_1152 : vector<1x16xf32> to vector<16xf32>
        %add3A_1154 = arith.constant 8 : i32
        %add3A_1155 = arith.addi %mul3A_148, %add3A_1154 : i32
        %get3A_1156 = arith.index_cast %add3A_1155 : i32 to index
        %get3A_1157 = arith.constant 112 : index
        %get3A_1158 = tpu.vector_load %arg11[%get3A_1156, %get3A_1157] {strides = array<i32>} : memref<128x128xf32, #tpu.memory_space<vmem>>, vector<1x16xf32>,
        %get3A_1159 = vector.shape_cast %get3A_1158 : vector<1x16xf32> to vector<16xf32>
        %sub3A_1160 = arith.subf %get3A_1153, %get3A_1159 : vector<16xf32>
        %max3A_1161 = arith.maximumf %max3A_1147, %sub3A_1160 : vector<16xf32>
        %add3A_1162 = arith.constant 42 : i32
        %add3A_1163 = arith.addi %add3A_1162, %scan3A_146 : i32
        %swap3A_1164 = arith.index_cast %add3A_1163 : i32 to index
        %swap3A_1165 = arith.constant 112 : index
        %swap3A_1166 = tpu.vector_load %arg12[%swap3A_1164, %swap3A_1165] {strides = array<i32>} : memref<56x128xf32, #tpu.memory_space<vmem>>, vector<1x16xf32>,
        %swap3A_1167 = vector.shape_cast %swap3A_1166 : vector<1x16xf32> to vector<16xf32>
        %swap3A_1168 = vector.shape_cast %max3A_1161 : vector<16xf32> to vector<1x16xf32>
        tpu.vector_store %arg12[%swap3A_1164, %swap3A_1165], %swap3A_1168 {strides = array<i32>} : memref<56x128xf32, #tpu.memory_space<vmem>>, vector<1x16xf32>,
      }
      %scan3A_140 = arith.constant 14 : i32
      %mul3A_141 = arith.constant 1568 : i32
      %mul3A_142 = arith.muli %add3A, %mul3A_141 : i32
      %mul3A_143 = arith.constant 56 : i32
      %mul3A_144 = arith.muli %scan3A_6, %mul3A_143 : i32
      %add3A_145 = arith.addi %mul3A_142, %mul3A_144 : i32
      "tpu.region"() ({
        %run_scoped3A = tpu.sem_alloc : memref<!tpu.dma_semaphore, #tpu.memory_space<semaphore_mem>>
        %dma_start3A_146 = arith.constant 0 : i32
        %dma_start3A_147 = tpu.memref_slice %arg5[%add3A_145, %dma_start3A_146] : memref<50176x128xf32, #tpu.memory_space<hbm>> -> memref<56x128xf32, #tpu.memory_space<hbm>>
        %dma_start3A_148 = arith.constant 0 : i32
        %dma_start3A_149 = tpu.memref_slice %arg5[%add3A_145, %dma_start3A_148] : memref<50176x128xf32, #tpu.memory_space<hbm>> -> memref<56x128xf32, #tpu.memory_space<hbm>>
        tpu.enqueue_dma source(%arg12 : memref<56x128xf32, #tpu.memory_space<vmem>>) target(%dma_start3A_149 : memref<56x128xf32, #tpu.memory_space<hbm>>) target_semaphore(%run_scoped3A : memref<!tpu.dma_semaphore, #tpu.memory_space<semaphore_mem>>)
        %dma_wait3A_150 = arith.constant 0 : i32
        %dma_wait3A_151 = tpu.memref_slice %arg5[%add3A_145, %dma_wait3A_150] : memref<50176x128xf32, #tpu.memory_space<hbm>> -> memref<56x128xf32, #tpu.memory_space<hbm>>
        %dma_wait3A_152 = arith.constant 0 : i32
        %dma_wait3A_153 = tpu.memref_slice %arg5[%add3A_145, %dma_wait3A_152] : memref<50176x128xf32, #tpu.memory_space<hbm>> -> memref<56x128xf32, #tpu.memory_space<hbm>>
        tpu.wait_dma2 semaphore(%run_scoped3A : memref<!tpu.dma_semaphore, #tpu.memory_space<semaphore_mem>>) src(%arg12 : memref<56x128xf32, #tpu.memory_space<vmem>>) dst(%dma_wait3A_153 : memref<56x128xf32, #tpu.memory_space<hbm>>)
        tpu.yield
      }) : () -> ()
    }
    %scan3A_5 = arith.constant 28 : i32
    return
  }
}

module attributes {stable_mosaic.version = 14 : i64} {
  func.func @k1(%arg0: i32, %arg1: memref<128x1024xf32, #tpu.memory_space<vmem>>, %arg2: memref<1024x128xf32, #tpu.memory_space<vmem>>) attributes {dimension_semantics = [#tpu.dimension_semantics<arbitrary>], iteration_bounds = array<i64: 49>, scalar_prefetch = 0 : i64, scratch_operands = 0 : i64, tpu.core_type = #tpu.core_type<tc>, window_params = [{transform_indices = @transform_0, window_bounds = array<i64: 128, 1024>}, {transform_indices = @transform_1, window_bounds = array<i64: 1024, 128>}]} {
    %get3A = arith.constant 0 : index
    %get3A_0 = arith.constant 0 : index
    %get3A_1 = vector.load %arg1[%get3A, %get3A_0] : memref<128x1024xf32, #tpu.memory_space<vmem>>, vector<128x1024xf32>
    %transpose3A = tpu.transpose %get3A_1, [1, 0] : vector<128x1024xf32> -> vector<1024x128xf32>
    %swap3A = arith.constant 0 : index
    %swap3A_2 = arith.constant 0 : index
    %swap3A_3 = vector.load %arg2[%swap3A, %swap3A_2] : memref<1024x128xf32, #tpu.memory_space<vmem>>, vector<1024x128xf32>
    tpu.vector_store %arg2[%swap3A, %swap3A_2], %transpose3A {strides = array<i32>} : memref<1024x128xf32, #tpu.memory_space<vmem>>, vector<1024x128xf32>,
    return
  }
  func.func @transform_0(%arg0: i32) -> (i32, i32) {
    %c0_i32 = arith.constant 0 : i32
    %c0_i32_0 = arith.constant 0 : i32
    return %c0_i32, %arg0 : i32, i32
  }
  func.func @transform_1(%arg0: i32) -> (i32, i32) {
    %c0_i32 = arith.constant 0 : i32
    %c0_i32_0 = arith.constant 0 : i32
    return %arg0, %c0_i32 : i32, i32
  }
}

module attributes {stable_mosaic.version = 14 : i64} {
  func.func @k3(%arg0: i32, %arg1: memref<128x1024xf32, #tpu.memory_space<vmem>>, %arg2: memref<1024x128xf32, #tpu.memory_space<vmem>>, %arg3: memref<256x256xf32, #tpu.memory_space<vmem>>, %arg4: memref<256x1xf32, #tpu.memory_space<vmem>>, %arg5: memref<256x1xf32, #tpu.memory_space<vmem>>, %arg6: memref<256x1xf32, #tpu.memory_space<vmem>>, %arg7: memref<256x256xf32, #tpu.memory_space<vmem>>, %arg8: memref<256x1xf32, #tpu.memory_space<vmem>>, %arg9: memref<128x128xf32, #tpu.memory_space<vmem>>, %arg10: memref<128x128xf32, #tpu.memory_space<vmem>>, %arg11: memref<128x128xf32, #tpu.memory_space<vmem>>, %arg12: memref<128x1xf32, #tpu.memory_space<vmem>>, %arg13: memref<1x128xf32, #tpu.memory_space<vmem>>) attributes {dimension_semantics = [#tpu.dimension_semantics<arbitrary>], iteration_bounds = array<i64: 49>, scalar_prefetch = 0 : i64, scratch_operands = 5 : i64, tpu.core_type = #tpu.core_type<tc>, window_params = [{transform_indices = @transform_0, window_bounds = array<i64: 128, 1024>}, {transform_indices = @transform_1, window_bounds = array<i64: 1024, 128>}, {pipeline_mode = #tpu.pipeline_mode<synchronous>, transform_indices = @transform_2, window_bounds = array<i64: 256, 256>}, {pipeline_mode = #tpu.pipeline_mode<synchronous>, transform_indices = @transform_3, window_bounds = array<i64: 256, 1>}, {pipeline_mode = #tpu.pipeline_mode<synchronous>, transform_indices = @transform_4, window_bounds = array<i64: 256, 1>}, {pipeline_mode = #tpu.pipeline_mode<synchronous>, transform_indices = @transform_5, window_bounds = array<i64: 256, 1>}, {pipeline_mode = #tpu.pipeline_mode<synchronous>, transform_indices = @transform_6, window_bounds = array<i64: 256, 256>}, {pipeline_mode = #tpu.pipeline_mode<synchronous>, transform_indices = @transform_7, window_bounds = array<i64: 256, 1>}]} {
    %eq3A = arith.constant 0 : i32
    %eq3A_0 = arith.cmpi eq, %arg0, %eq3A : i32
    %convert_element_type3A = arith.extui %eq3A_0 : i1 to i32
    %cond3A = arith.constant 0 : i32
    %cond3A_1 = arith.cmpi ne, %convert_element_type3A, %cond3A : i32
    scf.if %cond3A_1 {
      %broadcast_in_dim3A_54 = arith.constant 0.000000e+00 : f32
      %broadcast_in_dim3A_55 = vector.broadcast %broadcast_in_dim3A_54 : f32 to vector<128x128xf32>
      %swap3A_56 = arith.constant 0 : index
      %swap3A_57 = arith.constant 0 : index
      %swap3A_58 = vector.load %arg9[%swap3A_56, %swap3A_57] : memref<128x128xf32, #tpu.memory_space<vmem>>, vector<128x128xf32>
      tpu.vector_store %arg9[%swap3A_56, %swap3A_57], %broadcast_in_dim3A_55 {strides = array<i32>} : memref<128x128xf32, #tpu.memory_space<vmem>>, vector<128x128xf32>,
      %broadcast_in_dim3A_59 = arith.constant 0.000000e+00 : f32
      %broadcast_in_dim3A_60 = vector.broadcast %broadcast_in_dim3A_59 : f32 to vector<128x128xf32>
      %swap3A_61 = arith.constant 0 : index
      %swap3A_62 = arith.constant 0 : index
      %swap3A_63 = vector.load %arg10[%swap3A_61, %swap3A_62] : memref<128x128xf32, #tpu.memory_space<vmem>>, vector<128x128xf32>
      tpu.vector_store %arg10[%swap3A_61, %swap3A_62], %broadcast_in_dim3A_60 {strides = array<i32>} : memref<128x128xf32, #tpu.memory_space<vmem>>, vector<128x128xf32>,
      %broadcast_in_dim3A_64 = arith.constant 0.000000e+00 : f32
      %broadcast_in_dim3A_65 = vector.broadcast %broadcast_in_dim3A_64 : f32 to vector<128x128xf32>
      %swap3A_66 = arith.constant 0 : index
      %swap3A_67 = arith.constant 0 : index
      %swap3A_68 = vector.load %arg11[%swap3A_66, %swap3A_67] : memref<128x128xf32, #tpu.memory_space<vmem>>, vector<128x128xf32>
      tpu.vector_store %arg11[%swap3A_66, %swap3A_67], %broadcast_in_dim3A_65 {strides = array<i32>} : memref<128x128xf32, #tpu.memory_space<vmem>>, vector<128x128xf32>,
      %broadcast_in_dim3A_69 = arith.constant 0.000000e+00 : f32
      %broadcast_in_dim3A_70 = vector.broadcast %broadcast_in_dim3A_69 : f32 to vector<128x1xf32>
      %swap3A_71 = arith.constant 0 : index
      %swap3A_72 = arith.constant 0 : index
      %swap3A_73 = vector.load %arg12[%swap3A_71, %swap3A_72] : memref<128x1xf32, #tpu.memory_space<vmem>>, vector<128x1xf32>
      tpu.vector_store %arg12[%swap3A_71, %swap3A_72], %broadcast_in_dim3A_70 {strides = array<i32>} : memref<128x1xf32, #tpu.memory_space<vmem>>, vector<128x1xf32>,
      %broadcast_in_dim3A_74 = arith.constant 0.000000e+00 : f32
      %broadcast_in_dim3A_75 = vector.broadcast %broadcast_in_dim3A_74 : f32 to vector<1x128xf32>
      %swap3A_76 = arith.constant 0 : index
      %swap3A_77 = arith.constant 0 : index
      %swap3A_78 = vector.load %arg13[%swap3A_76, %swap3A_77] : memref<1x128xf32, #tpu.memory_space<vmem>>, vector<1x128xf32>
      tpu.vector_store %arg13[%swap3A_76, %swap3A_77], %broadcast_in_dim3A_75 {strides = array<i32>} : memref<1x128xf32, #tpu.memory_space<vmem>>, vector<1x128xf32>,
    } else {
    }
    %get3A = arith.constant 0 : index
    %get3A_2 = arith.constant 0 : index
    %get3A_3 = vector.load %arg1[%get3A, %get3A_2] : memref<128x1024xf32, #tpu.memory_space<vmem>>, vector<128x1024xf32>
    %get3A_4 = arith.constant 0 : index
    %get3A_5 = arith.constant 0 : index
    %get3A_6 = vector.load %arg2[%get3A_4, %get3A_5] : memref<1024x128xf32, #tpu.memory_space<vmem>>, vector<1024x128xf32>
    %get3A_7 = arith.constant 0 : index
    %get3A_8 = arith.constant 0 : index
    %get3A_9 = vector.load %arg9[%get3A_7, %get3A_8] : memref<128x128xf32, #tpu.memory_space<vmem>>, vector<128x128xf32>
    %dot_general3A = arith.constant dense<0.000000e+00> : vector<128x128xf32>
    %dot_general3A_10 = tpu.matmul %get3A_3, %get3A_3, %dot_general3A {dimension_numbers = #tpu.dot_dimension_numbers<[1], [1], [0], [0], [0, 0, 1, 0], [], []>, transpose_lhs_hint = false} : vector<128x1024xf32>, vector<128x1024xf32>, vector<128x128xf32> -> vector<128x128xf32>
    %add3A = arith.addf %get3A_9, %dot_general3A_10 : vector<128x128xf32>
    %swap3A = arith.constant 0 : index
    %swap3A_11 = arith.constant 0 : index
    %swap3A_12 = vector.load %arg9[%swap3A, %swap3A_11] : memref<128x128xf32, #tpu.memory_space<vmem>>, vector<128x128xf32>
    tpu.vector_store %arg9[%swap3A, %swap3A_11], %add3A {strides = array<i32>} : memref<128x128xf32, #tpu.memory_space<vmem>>, vector<128x128xf32>,
    %get3A_13 = arith.constant 0 : index
    %get3A_14 = arith.constant 0 : index
    %get3A_15 = vector.load %arg10[%get3A_13, %get3A_14] : memref<128x128xf32, #tpu.memory_space<vmem>>, vector<128x128xf32>
    %dot_general3A_16 = arith.constant dense<0.000000e+00> : vector<128x128xf32>
    %dot_general3A_17 = tpu.matmul %get3A_3, %get3A_6, %dot_general3A_16 {dimension_numbers = #tpu.dot_dimension_numbers<[1], [0], [0], [1], [0, 0, 1, 1], [], []>, transpose_lhs_hint = false} : vector<128x1024xf32>, vector<1024x128xf32>, vector<128x128xf32> -> vector<128x128xf32>
    %add3A_18 = arith.addf %get3A_15, %dot_general3A_17 : vector<128x128xf32>
    %swap3A_19 = arith.constant 0 : index
    %swap3A_20 = arith.constant 0 : index
    %swap3A_21 = vector.load %arg10[%swap3A_19, %swap3A_20] : memref<128x128xf32, #tpu.memory_space<vmem>>, vector<128x128xf32>
    tpu.vector_store %arg10[%swap3A_19, %swap3A_20], %add3A_18 {strides = array<i32>} : memref<128x128xf32, #tpu.memory_space<vmem>>, vector<128x128xf32>,
    %get3A_22 = arith.constant 0 : index
    %get3A_23 = arith.constant 0 : index
    %get3A_24 = vector.load %arg11[%get3A_22, %get3A_23] : memref<128x128xf32, #tpu.memory_space<vmem>>, vector<128x128xf32>
    %dot_general3A_25 = arith.constant dense<0.000000e+00> : vector<128x128xf32>
    %dot_general3A_26 = tpu.matmul %get3A_6, %get3A_6, %dot_general3A_25 {dimension_numbers = #tpu.dot_dimension_numbers<[0], [0], [1], [1], [0, 1, 1, 1], [], []>, transpose_lhs_hint = false} : vector<1024x128xf32>, vector<1024x128xf32>, vector<128x128xf32> -> vector<128x128xf32>
    %add3A_27 = arith.addf %get3A_24, %dot_general3A_26 : vector<128x128xf32>
    %swap3A_28 = arith.constant 0 : index
    %swap3A_29 = arith.constant 0 : index
    %swap3A_30 = vector.load %arg11[%swap3A_28, %swap3A_29] : memref<128x128xf32, #tpu.memory_space<vmem>>, vector<128x128xf32>
    tpu.vector_store %arg11[%swap3A_28, %swap3A_29], %add3A_27 {strides = array<i32>} : memref<128x128xf32, #tpu.memory_space<vmem>>, vector<128x128xf32>,
    %get3A_31 = arith.constant 0 : index
    %get3A_32 = arith.constant 0 : index
    %get3A_33 = vector.load %arg12[%get3A_31, %get3A_32] : memref<128x1xf32, #tpu.memory_space<vmem>>, vector<128x1xf32>
    %reduce_sum3A = arith.constant dense<0.000000e+00> : vector<128xf32>
    %reduce_sum3A_34 = vector.multi_reduction <add>, %get3A_3, %reduce_sum3A [1] : vector<128x1024xf32> to vector<128xf32>
    %broadcast_in_dim3A = vector.shape_cast %reduce_sum3A_34 : vector<128xf32> to vector<128x1xf32>
    %add3A_35 = arith.addf %get3A_33, %broadcast_in_dim3A : vector<128x1xf32>
    %swap3A_36 = arith.constant 0 : index
    %swap3A_37 = arith.constant 0 : index
    %swap3A_38 = vector.load %arg12[%swap3A_36, %swap3A_37] : memref<128x1xf32, #tpu.memory_space<vmem>>, vector<128x1xf32>
    tpu.vector_store %arg12[%swap3A_36, %swap3A_37], %add3A_35 {strides = array<i32>} : memref<128x1xf32, #tpu.memory_space<vmem>>, vector<128x1xf32>,
    %get3A_39 = arith.constant 0 : index
    %get3A_40 = arith.constant 0 : index
    %get3A_41 = vector.load %arg13[%get3A_39, %get3A_40] : memref<1x128xf32, #tpu.memory_space<vmem>>, vector<1x128xf32>
    %reduce_sum3A_42 = arith.constant dense<0.000000e+00> : vector<128xf32>
    %reduce_sum3A_43 = vector.multi_reduction <add>, %get3A_6, %reduce_sum3A_42 [0] : vector<1024x128xf32> to vector<128xf32>
    %broadcast_in_dim3A_44 = vector.shape_cast %reduce_sum3A_43 : vector<128xf32> to vector<1x128xf32>
    %add3A_45 = arith.addf %get3A_41, %broadcast_in_dim3A_44 : vector<1x128xf32>
    %swap3A_46 = arith.constant 0 : index
    %swap3A_47 = arith.constant 0 : index
    %swap3A_48 = vector.load %arg13[%swap3A_46, %swap3A_47] : memref<1x128xf32, #tpu.memory_space<vmem>>, vector<1x128xf32>
    tpu.vector_store %arg13[%swap3A_46, %swap3A_47], %add3A_45 {strides = array<i32>} : memref<1x128xf32, #tpu.memory_space<vmem>>, vector<1x128xf32>,
    %eq3A_49 = arith.constant 48 : i32
    %eq3A_50 = arith.cmpi eq, %arg0, %eq3A_49 : i32
    %convert_element_type3A_51 = arith.extui %eq3A_50 : i1 to i32
    %cond3A_52 = arith.constant 0 : i32
    %cond3A_53 = arith.cmpi ne, %convert_element_type3A_51, %cond3A_52 : i32
    scf.if %cond3A_53 {
      %get3A_54 = arith.constant 0 : index
      %get3A_55 = arith.constant 0 : index
      %get3A_56 = vector.load %arg9[%get3A_54, %get3A_55] : memref<128x128xf32, #tpu.memory_space<vmem>>, vector<128x128xf32>
      %get3A_57 = arith.constant 0 : index
      %get3A_58 = arith.constant 0 : index
      %get3A_59 = vector.load %arg10[%get3A_57, %get3A_58] : memref<128x128xf32, #tpu.memory_space<vmem>>, vector<128x128xf32>
      %concatenate3A = tpu.concatenate %get3A_56, %get3A_59 in 1 : vector<128x128xf32>, vector<128x128xf32> -> vector<128x256xf32>
      %get3A_60 = arith.constant 0 : index
      %get3A_61 = arith.constant 0 : index
      %get3A_62 = vector.load %arg10[%get3A_60, %get3A_61] : memref<128x128xf32, #tpu.memory_space<vmem>>, vector<128x128xf32>
      %transpose3A = tpu.transpose %get3A_62, [1, 0] : vector<128x128xf32> -> vector<128x128xf32>
      %get3A_63 = arith.constant 0 : index
      %get3A_64 = arith.constant 0 : index
      %get3A_65 = vector.load %arg11[%get3A_63, %get3A_64] : memref<128x128xf32, #tpu.memory_space<vmem>>, vector<128x128xf32>
      %concatenate3A_66 = tpu.concatenate %transpose3A, %get3A_65 in 1 : vector<128x128xf32>, vector<128x128xf32> -> vector<128x256xf32>
      %concatenate3A_67 = tpu.concatenate %concatenate3A, %concatenate3A_66 in 0 : vector<128x256xf32>, vector<128x256xf32> -> vector<256x256xf32>
      %get3A_68 = arith.constant 0 : index
      %get3A_69 = arith.constant 0 : index
      %get3A_70 = vector.load %arg12[%get3A_68, %get3A_69] : memref<128x1xf32, #tpu.memory_space<vmem>>, vector<128x1xf32>
      %get3A_71 = arith.constant 0 : index
      %get3A_72 = arith.constant 0 : index
      %get3A_73 = vector.load %arg13[%get3A_71, %get3A_72] : memref<1x128xf32, #tpu.memory_space<vmem>>, vector<1x128xf32>
      %transpose3A_74 = tpu.transpose %get3A_73, [1, 0] : vector<1x128xf32> -> vector<128x1xf32>
      %concatenate3A_75 = tpu.concatenate %get3A_70, %transpose3A_74 in 0 : vector<128x1xf32>, vector<128x1xf32> -> vector<256x1xf32>
      %mul3A = arith.constant 2.000000e-05 : f32
      %mul3A_76 = vector.broadcast %mul3A : f32 to vector<256x1xf32>
      %mul3A_77 = arith.mulf %concatenate3A_75, %mul3A_76 : vector<256x1xf32>
      %mul3A_78 = arith.constant 2.000000e-05 : f32
      %mul3A_79 = vector.broadcast %mul3A_78 : f32 to vector<256x256xf32>
      %mul3A_80 = arith.mulf %concatenate3A_67, %mul3A_79 : vector<256x256xf32>
      %dot_general3A_81 = arith.constant dense<0.000000e+00> : vector<256x256xf32>
      %dot_general3A_82 = tpu.matmul %mul3A_77, %mul3A_77, %dot_general3A_81 {dimension_numbers = #tpu.dot_dimension_numbers<[1], [1], [0], [0], [0, 0, 1, 0], [], []>, precision = #tpu.contract_precision<fp32>, transpose_lhs_hint = false} : vector<256x1xf32>, vector<256x1xf32>, vector<256x256xf32> -> vector<256x256xf32>
      %sub3A = arith.subf %mul3A_80, %dot_general3A_82 : vector<256x256xf32>
      %get3A_83 = arith.constant 0 : index
      %get3A_84 = arith.constant 0 : index
      %get3A_85 = vector.load %arg3[%get3A_83, %get3A_84] : memref<256x256xf32, #tpu.memory_space<vmem>>, vector<256x256xf32>
      %dot_general3A_86 = arith.constant dense<0.000000e+00> : vector<256x256xf32>
      %dot_general3A_87 = tpu.matmul %get3A_85, %sub3A, %dot_general3A_86 {dimension_numbers = #tpu.dot_dimension_numbers<[1], [0], [0], [1], [0, 0, 1, 1], [], []>, precision = #tpu.contract_precision<fp32>, transpose_lhs_hint = false} : vector<256x256xf32>, vector<256x256xf32>, vector<256x256xf32> -> vector<256x256xf32>
      %mul3A_88 = arith.mulf %dot_general3A_87, %get3A_85 : vector<256x256xf32>
      %reduce_sum3A_89 = arith.constant dense<0.000000e+00> : vector<256xf32>
      %reduce_sum3A_90 = vector.multi_reduction <add>, %mul3A_88, %reduce_sum3A_89 [1] : vector<256x256xf32> to vector<256xf32>
      %broadcast_in_dim3A_91 = vector.shape_cast %reduce_sum3A_90 : vector<256xf32> to vector<256x1xf32>
      %dot_general3A_92 = arith.constant dense<0.000000e+00> : vector<256x1xf32>
      %dot_general3A_93 = tpu.matmul %get3A_85, %mul3A_77, %dot_general3A_92 {dimension_numbers = #tpu.dot_dimension_numbers<[1], [0], [0], [1], [0, 0, 1, 1], [], []>, precision = #tpu.contract_precision<fp32>, transpose_lhs_hint = false} : vector<256x256xf32>, vector<256x1xf32>, vector<256x1xf32> -> vector<256x1xf32>
      %get3A_94 = arith.constant 0 : index
      %get3A_95 = arith.constant 0 : index
      %get3A_96 = vector.load %arg4[%get3A_94, %get3A_95] : memref<256x1xf32, #tpu.memory_space<vmem>>, vector<256x1xf32>
      %add3A_97 = arith.addf %dot_general3A_93, %get3A_96 : vector<256x1xf32>
      %get3A_98 = arith.constant 0 : index
      %get3A_99 = arith.constant 0 : index
      %get3A_100 = vector.load %arg5[%get3A_98, %get3A_99] : memref<256x1xf32, #tpu.memory_space<vmem>>, vector<256x1xf32>
      %add3A_101 = arith.constant 9.99999974E-6 : f32
      %add3A_102 = vector.broadcast %add3A_101 : f32 to vector<256x1xf32>
      %add3A_103 = arith.addf %broadcast_in_dim3A_91, %add3A_102 : vector<256x1xf32>
      %rsqrt3A = math.rsqrt %add3A_103 : vector<256x1xf32>
      %mul3A_104 = arith.mulf %get3A_100, %rsqrt3A : vector<256x1xf32>
      %mul3A_105 = vector.broadcast %mul3A_104 : vector<256x1xf32> to vector<256x256xf32>
      %mul3A_106 = arith.mulf %mul3A_105, %get3A_85 : vector<256x256xf32>
      %swap3A_107 = arith.constant 0 : index
      %swap3A_108 = arith.constant 0 : index
      %swap3A_109 = vector.load %arg7[%swap3A_107, %swap3A_108] : memref<256x256xf32, #tpu.memory_space<vmem>>, vector<256x256xf32>
      tpu.vector_store %arg7[%swap3A_107, %swap3A_108], %mul3A_106 {strides = array<i32>} : memref<256x256xf32, #tpu.memory_space<vmem>>, vector<256x256xf32>,
      %get3A_110 = arith.constant 0 : index
      %get3A_111 = arith.constant 0 : index
      %get3A_112 = vector.load %arg4[%get3A_110, %get3A_111] : memref<256x1xf32, #tpu.memory_space<vmem>>, vector<256x1xf32>
      %sub3A_113 = arith.subf %get3A_112, %add3A_97 : vector<256x1xf32>
      %mul3A_114 = arith.mulf %mul3A_104, %sub3A_113 : vector<256x1xf32>
      %get3A_115 = arith.constant 0 : index
      %get3A_116 = arith.constant 0 : index
      %get3A_117 = vector.load %arg6[%get3A_115, %get3A_116] : memref<256x1xf32, #tpu.memory_space<vmem>>, vector<256x1xf32>
      %add3A_118 = arith.addf %mul3A_114, %get3A_117 : vector<256x1xf32>
      %swap3A_119 = arith.constant 0 : index
      %swap3A_120 = arith.constant 0 : index
      %swap3A_121 = vector.load %arg8[%swap3A_119, %swap3A_120] : memref<256x1xf32, #tpu.memory_space<vmem>>, vector<256x1xf32>
      tpu.vector_store %arg8[%swap3A_119, %swap3A_120], %add3A_118 {strides = array<i32>} : memref<256x1xf32, #tpu.memory_space<vmem>>, vector<256x1xf32>,
    } else {
    }
    return
  }
  func.func @transform_0(%arg0: i32) -> (i32, i32) {
    %c0_i32 = arith.constant 0 : i32
    %c0_i32_0 = arith.constant 0 : i32
    return %c0_i32, %arg0 : i32, i32
  }
  func.func @transform_1(%arg0: i32) -> (i32, i32) {
    %c0_i32 = arith.constant 0 : i32
    %c0_i32_0 = arith.constant 0 : i32
    return %arg0, %c0_i32 : i32, i32
  }
  func.func @transform_2(%arg0: i32) -> (i32, i32) {
    %c0_i32 = arith.constant 0 : i32
    %c0_i32_0 = arith.constant 0 : i32
    %c0_i32_1 = arith.constant 0 : i32
    return %c0_i32, %c0_i32_0 : i32, i32
  }
  func.func @transform_3(%arg0: i32) -> (i32, i32) {
    %c0_i32 = arith.constant 0 : i32
    %c0_i32_0 = arith.constant 0 : i32
    %c0_i32_1 = arith.constant 0 : i32
    return %c0_i32, %c0_i32_0 : i32, i32
  }
  func.func @transform_4(%arg0: i32) -> (i32, i32) {
    %c0_i32 = arith.constant 0 : i32
    %c0_i32_0 = arith.constant 0 : i32
    %c0_i32_1 = arith.constant 0 : i32
    return %c0_i32, %c0_i32_0 : i32, i32
  }
  func.func @transform_5(%arg0: i32) -> (i32, i32) {
    %c0_i32 = arith.constant 0 : i32
    %c0_i32_0 = arith.constant 0 : i32
    %c0_i32_1 = arith.constant 0 : i32
    return %c0_i32, %c0_i32_0 : i32, i32
  }
  func.func @transform_6(%arg0: i32) -> (i32, i32) {
    %c0_i32 = arith.constant 0 : i32
    %c0_i32_0 = arith.constant 0 : i32
    %c0_i32_1 = arith.constant 0 : i32
    return %c0_i32, %c0_i32_0 : i32, i32
  }
  func.func @transform_7(%arg0: i32) -> (i32, i32) {
    %c0_i32 = arith.constant 0 : i32
    %c0_i32_0 = arith.constant 0 : i32
    %c0_i32_1 = arith.constant 0 : i32
    return %c0_i32, %c0_i32_0 : i32, i32
  }
}

module attributes {stable_mosaic.version = 14 : i64} {
  func.func @k4(%arg0: i32, %arg1: memref<128x1024xf32, #tpu.memory_space<vmem>>, %arg2: memref<1024x128xf32, #tpu.memory_space<vmem>>, %arg3: memref<256x256xf32, #tpu.memory_space<vmem>>, %arg4: memref<256x1xf32, #tpu.memory_space<vmem>>, %arg5: memref<256x1024xf32, #tpu.memory_space<vmem>>) attributes {dimension_semantics = [#tpu.dimension_semantics<arbitrary>], iteration_bounds = array<i64: 49>, scalar_prefetch = 0 : i64, scratch_operands = 0 : i64, tpu.core_type = #tpu.core_type<tc>, window_params = [{transform_indices = @transform_0, window_bounds = array<i64: 128, 1024>}, {transform_indices = @transform_1, window_bounds = array<i64: 1024, 128>}, {pipeline_mode = #tpu.pipeline_mode<synchronous>, transform_indices = @transform_2, window_bounds = array<i64: 256, 256>}, {pipeline_mode = #tpu.pipeline_mode<synchronous>, transform_indices = @transform_3, window_bounds = array<i64: 256, 1>}, {transform_indices = @transform_4, window_bounds = array<i64: 256, 1024>}]} {
    %get3A = arith.constant 0 : index
    %get3A_0 = arith.constant 0 : index
    %get3A_1 = vector.load %arg3[%get3A, %get3A_0] : memref<256x256xf32, #tpu.memory_space<vmem>>, vector<256x128xf32>
    %get3A_2 = arith.constant 0 : index
    %get3A_3 = arith.constant 0 : index
    %get3A_4 = vector.load %arg1[%get3A_2, %get3A_3] : memref<128x1024xf32, #tpu.memory_space<vmem>>, vector<128x1024xf32>
    %dot_general3A = arith.constant dense<0.000000e+00> : vector<256x1024xf32>
    %dot_general3A_5 = tpu.matmul %get3A_1, %get3A_4, %dot_general3A {dimension_numbers = #tpu.dot_dimension_numbers<[1], [0], [0], [1], [0, 0, 1, 1], [], []>, precision = #tpu.contract_precision<fp32>, transpose_lhs_hint = false} : vector<256x128xf32>, vector<128x1024xf32>, vector<256x1024xf32> -> vector<256x1024xf32>
    %get3A_6 = arith.constant 0 : index
    %get3A_7 = arith.constant 128 : index
    %get3A_8 = vector.load %arg3[%get3A_6, %get3A_7] : memref<256x256xf32, #tpu.memory_space<vmem>>, vector<256x128xf32>
    %get3A_9 = arith.constant 0 : index
    %get3A_10 = arith.constant 0 : index
    %get3A_11 = vector.load %arg2[%get3A_9, %get3A_10] : memref<1024x128xf32, #tpu.memory_space<vmem>>, vector<1024x128xf32>
    %dot_general3A_12 = arith.constant dense<0.000000e+00> : vector<256x1024xf32>
    %dot_general3A_13 = tpu.matmul %get3A_8, %get3A_11, %dot_general3A_12 {dimension_numbers = #tpu.dot_dimension_numbers<[1], [1], [0], [0], [0, 0, 1, 0], [], []>, precision = #tpu.contract_precision<fp32>, transpose_lhs_hint = false} : vector<256x128xf32>, vector<1024x128xf32>, vector<256x1024xf32> -> vector<256x1024xf32>
    %add3A = arith.addf %dot_general3A_5, %dot_general3A_13 : vector<256x1024xf32>
    %get3A_14 = arith.constant 0 : index
    %get3A_15 = arith.constant 0 : index
    %get3A_16 = vector.load %arg4[%get3A_14, %get3A_15] : memref<256x1xf32, #tpu.memory_space<vmem>>, vector<256x1xf32>
    %add3A_17 = vector.broadcast %get3A_16 : vector<256x1xf32> to vector<256x1024xf32>
    %add3A_18 = arith.addf %add3A, %add3A_17 : vector<256x1024xf32>
    %max3A = arith.constant 0.000000e+00 : f32
    %max3A_19 = vector.broadcast %max3A : f32 to vector<256x1024xf32>
    %max3A_20 = arith.maximumf %add3A_18, %max3A_19 : vector<256x1024xf32>
    %swap3A = arith.constant 0 : index
    %swap3A_21 = arith.constant 0 : index
    %swap3A_22 = vector.load %arg5[%swap3A, %swap3A_21] : memref<256x1024xf32, #tpu.memory_space<vmem>>, vector<256x1024xf32>
    tpu.vector_store %arg5[%swap3A, %swap3A_21], %max3A_20 {strides = array<i32>} : memref<256x1024xf32, #tpu.memory_space<vmem>>, vector<256x1024xf32>,
    return
  }
  func.func @transform_0(%arg0: i32) -> (i32, i32) {
    %c0_i32 = arith.constant 0 : i32
    %c0_i32_0 = arith.constant 0 : i32
    return %c0_i32, %arg0 : i32, i32
  }
  func.func @transform_1(%arg0: i32) -> (i32, i32) {
    %c0_i32 = arith.constant 0 : i32
    %c0_i32_0 = arith.constant 0 : i32
    return %arg0, %c0_i32 : i32, i32
  }
  func.func @transform_2(%arg0: i32) -> (i32, i32) {
    %c0_i32 = arith.constant 0 : i32
    %c0_i32_0 = arith.constant 0 : i32
    %c0_i32_1 = arith.constant 0 : i32
    return %c0_i32, %c0_i32_0 : i32, i32
  }
  func.func @transform_3(%arg0: i32) -> (i32, i32) {
    %c0_i32 = arith.constant 0 : i32
    %c0_i32_0 = arith.constant 0 : i32
    %c0_i32_1 = arith.constant 0 : i32
    return %c0_i32, %c0_i32_0 : i32, i32
  }
  func.func @transform_4(%arg0: i32) -> (i32, i32) {
    %c0_i32 = arith.constant 0 : i32
    %c0_i32_0 = arith.constant 0 : i32
    return %c0_i32, %arg0 : i32, i32
  }
}

</mosaic_0001>

<sc_bundles>
// kernel: kernel.6.cloned.1.call-start
scs
__scs_entry_jumppad:
0x0: {  	(pc) =	sbr.rel $0x88, $3  }
0x1: {  	(tag) =	ssettag $0x0;
	lr =	simm.s32 $0x1  }
0x2: {  	[smem:$0x3F9B] =	sst lr;
	_ =	strace $0xD0000000  }
0x3: {  	_ = 	snop  }
0x4: {  	_ = 	snop  }
0x5: {  	_ = 	snop  }
0x6: {  	_ = 	snop  }
0x7: {  	_ = 	snop  }
__scs_overlays_trampoline_lowered:
0x8: {  	[smem:$0x3FAA] =	sst s0  }
0x9: {  	[smem:$0x3FAB] =	sst s1  }
0xa: {  	[smem:$0x3FAC] =	sst s2  }
0xb: {  	[smem:$0x3FAD] =	sst s3  }
0xc: {  	[smem:$0x3FAE] =	sst s4  }
0xd: {  	[smem:$0x3FAF] =	sst s5  }
0xe: {  	[smem:$0x3FB0] =	sst s6  }
0xf: {  	[smem:$0x3FB1] =	sst s7  }
0x10: {  	[smem:$0x3FB2] =	sst s8  }
0x11: {  	[smem:$0x3FB3] =	sst s9;
	s0 =	simm.s32 @!p0 $0x0  }
0x12: {  	s1 =	sld [smem:$0x3F99];
	s0 =	simm.s32 @p0 $0x1  }
0x13: {  	[smem:$0x3FB4] =	sst s0;
	s0 =	simm.s32 @!p1 $0x0  }
0x14: {  	s2 =	sld [smem:$0x3F98];
	s0 =	simm.s32 @p1 $0x1  }
0x15: {  	[smem:$0x3FB5] =	sst s0;
	s0 =	simm.s32 @!p2 $0x0  }
0x16: {  	s3 =	sld [smem:$0x3FDB];
	s0 =	simm.s32 @p2 $0x1  }
0x17: {  	s4 =	simm.s32 $0x1BF5;
	[smem:$0x3FB7] =	sst s0  }
0x18: {  	s0 =	sld [smem:$0x3F9A];
	_ =	swait.ge [sflag:s4], $0x0  }
0x19: {  	s7 =	sld [smem:$0x3F9B]  }
0x1a: {  	s8 =	sadd.s32 $0xFFFFE003, lr  }
0x1b: {  	s9 =	sadd.s32 $0xFFFFFEF7, lr;
	s5 =	simm.s32 $0xFFFFFFFF;
	p2 =	slt.u32 s8, $0xFFFFF086  }
0x1c: {  	p1 =	slt.u32 s9, $0xF7A;
	s5 =	simm.s32 @!p2 $0x0  }
0x1d: {  	s5 =	simm.s32 @p1 $0x1;
	p0 =	seq.s32 s7, s2  }
0x1e: {  	s7 =	smul.u32 @!p0 $0xF7A, s2;
	p2 =	seq.s32 @!p0 s5, $0x0  }
0x1f: {  	s9 =	smul.u32 $0xF7A, s1;
	s8 =	simm.s32 @!p0 $0x1BF5;
	p2 =	por !p2, p0  }
0x20: {  	[sflag:s8] =	ssyncset.s32 @!p0 $0xFFFFF086;
	s6 =	sadd.s32 @!p0 s3, s7;
	s7 =	simm.s32 @!p0 $0x108  }
0x21: {  	s3 =	sadd.s32 s3, s9;
	s6 =	sadd.s32 @!p0 $0x88, s6;
	s7 =	simm.s32 @p2 $0x1082  }
0x22: {  	[simem:s7], [sflag:s8] =	dma.local @!p0 [hbm:s6], $0xF7A  }
0x23: {  	s9 =	sor.u32 $0xD0000000, s2;
	s6 =	simm.s32 $0x108;
	_ =	swait.ge @!p0 [sflag:s8], $0x0  }
0x24: {  	s3 =	sadd.s32 $0x88, s3;
	s6 =	simm.s32 @!p1 $0x1082;
	[sflag:s4] =	ssyncset.s32 $0xFFFFF086  }
0x25: {  	[simem:s6], [sflag:s4] =	dma.local [hbm:s3], $0xF7A  }
0x26: {  	[smem:$0x3F9B] =	sst s1;
	(tag) =	ssettag s2;
	_ =	strace s9  }
0x27: {  	s1 =	sld [smem:$0x3FAB]  }
0x28: {  	s2 =	sld [smem:$0x3FAC]  }
0x29: {  	s4 =	sld [smem:$0x3FAE]  }
0x2a: {  	p0 =	seq.s32 s5, $0x0;
	s5 =	sld [smem:$0x3FAF]  }
0x2b: {  	s6 =	sld [smem:$0x3FB0]  }
0x2c: {  	s7 =	sld [smem:$0x3FB1]  }
0x2d: {  	s3 =	simm.s32 $0x108;
	s8 =	sld [smem:$0x3FB2]  }
0x2e: {  	s3 =	simm.s32 @!p0 $0x1082;
	s9 =	sld [smem:$0x3FB3]  }
0x2f: {  	lr =	sadd.s32 s0, s3;
	s0 =	sld [smem:$0x3FAA]  }
0x30: {  	s3 =	sld [smem:$0x3FAD]  }
0x31: {  	[smem:$0x3FB6] =	sst s10  }
0x32: {  	s10 =	sld [smem:$0x3FB4];
	_ =	sdelay $0x3  }
0x33: {  	p0 =	seq.s32 s10, $0x1;
	s10 =	sld [smem:$0x3FB6];
	_ =	sdelay $0x3  }
0x34: {  	[smem:$0x3FB6] =	sst s10  }
0x35: {  	s10 =	sld [smem:$0x3FB5];
	_ =	sdelay $0x3  }
0x36: {  	p1 =	seq.s32 s10, $0x1;
	s10 =	sld [smem:$0x3FB6];
	_ =	sdelay $0x3  }
0x37: {  	[smem:$0x3FB6] =	sst s10  }
0x38: {  	s10 =	sld [smem:$0x3FB7]  }
0x39: {  	_ = 	snop;
	(pc) =	sbr.ind lr, $3  }
0x3a: {  	_ = 	snop  }
0x3b: {  	_ = 	snop  }
0x3c: {  	p2 =	seq.s32 s10, $0x1;
	s10 =	sld [smem:$0x3FB6]  }
0x3d: {  	_ =	shalt  }
0x3e: {  	_ =	shalt  }
0x3f: {  	_ =	shalt  }
0x40: {  	_ =	shalt  }
0x41: {  	_ =	shalt  }
0x42: {  	_ =	shalt  }
0x43: {  	_ =	shalt  }
0x44: {  	_ =	shalt  }
0x45: {  	_ =	shalt  }
0x46: {  	_ =	shalt  }
0x47: {  	_ =	shalt  }
0x48: {  	_ =	shalt  }
0x49: {  	_ =	shalt  }
0x4a: {  	_ =	shalt  }
0x4b: {  	_ =	shalt  }
0x4c: {  	_ =	shalt  }
0x4d: {  	_ =	shalt  }
0x4e: {  	_ =	shalt  }
0x4f: {  	_ =	shalt  }
0x50: {  	_ =	shalt  }
0x51: {  	_ =	shalt  }
0x52: {  	_ =	shalt  }
0x53: {  	_ =	shalt  }
0x54: {  	_ =	shalt  }
0x55: {  	_ =	shalt  }
0x56: {  	_ =	shalt  }
0x57: {  	_ =	shalt  }
0x58: {  	_ =	shalt  }
0x59: {  	_ =	shalt  }
0x5a: {  	_ =	shalt  }
0x5b: {  	_ =	shalt  }
0x5c: {  	_ =	shalt  }
0x5d: {  	_ =	shalt  }
0x5e: {  	_ =	shalt  }
0x5f: {  	_ =	shalt  }
0x60: {  	_ =	shalt  }
0x61: {  	_ =	shalt  }
0x62: {  	_ =	shalt  }
0x63: {  	_ =	shalt  }
0x64: {  	_ =	shalt  }
0x65: {  	_ =	shalt  }
0x66: {  	_ =	shalt  }
0x67: {  	_ =	shalt  }
0x68: {  	_ =	shalt  }
0x69: {  	_ =	shalt  }
0x6a: {  	_ =	shalt  }
0x6b: {  	_ =	shalt  }
0x6c: {  	_ =	shalt  }
0x6d: {  	_ =	shalt  }
0x6e: {  	_ =	shalt  }
0x6f: {  	_ =	shalt  }
0x70: {  	_ =	shalt  }
0x71: {  	_ =	shalt  }
0x72: {  	_ =	shalt  }
0x73: {  	_ =	shalt  }
0x74: {  	_ =	shalt  }
0x75: {  	_ =	shalt  }
0x76: {  	_ =	shalt  }
0x77: {  	_ =	shalt  }
0x78: {  	_ =	shalt  }
0x79: {  	_ =	shalt  }
0x7a: {  	_ =	shalt  }
0x7b: {  	_ =	shalt  }
0x7c: {  	_ =	shalt  }
0x7d: {  	_ =	shalt  }
0x7e: {  	_ =	shalt  }
0x7f: {  	_ =	shalt  }
0x80: {  	_ =	shalt  }
0x81: {  	_ =	shalt  }
0x82: {  	_ =	shalt  }
0x83: {  	_ =	shalt  }
0x84: {  	_ =	shalt  }
0x85: {  	_ =	shalt  }
0x86: {  	_ =	shalt  }
0x87: {  	_ =	shalt  }
.Lfunc_end0:
.L_simem_size_0:
called_computation.1_lowered:
.L_overlay_start_0:
0x88: {  	s2 =	sld [smem:$0x3FD9]  }
0x89: {  	s3 =	sld [smem:$0x3FFE];
	_ =	sdelay $0x1  }
0x8a: {  	s1 =	srdreg.scid  }
0x8b: {  	s0 =	sand.u32 $0x1, s1  }
0x8c: {  	s17 =	sshll.u32 s0, $0xA;
	s2 =	sadd.s32 s3, s2  }
0x8d: {  	s2 =	sadd.s32 s2, s17  }
0x8e: {  	[smem:$0x3FC2] =	sst s2  }
0x8f: {  	_ = 	snop  }
0x90: {  	s2 =	sld [smem:$0x3FD0];
	(tm) =	ssettm $0x1  }
0x91: {  	s18 =	sld [smem:$0x3FFB];
	_ =	sdelay $0x3  }
0x92: {  	_ =	strace s18  }
0x93: {  	s3 =	sld [smem:$0x3FFC];
	_ =	sdelay $0x3  }
0x94: {  	_ =	strace s3  }
0x95: {  	s3 =	sld [smem:$0x3FFD];
	_ =	sdelay $0x3  }
0x96: {  	_ =	strace s3  }
0x97: {  	_ =	strace $0x8FFFFFFF  }
0x98: {  	s19 =	sld [smem:$0x3FDB];
	_ =	sdelay $0x1  }
0x99: {  	s4 =	simm.s32 $_scs_section_size  }
0x9a: {  	s5 =	simm.s32 $_size__tile_overlayer_lowered;
	s6 =	simm.s32 $_tile_overlayer_lowered  }
0x9b: {  	s22 =	simm.s32 $0x1BFF;
	s21 =	sshll.u32 s6, $0x1;
	s3 =	sadd.s32 s4, s19  }
0x9c: {  	s7 =	simm.s32 $0x0;
	s20 =	sshll.u32 s5, $0x1;
	s5 =	sadd.s32 s21, s3  }
0x9d: {  	[timem:s7], [sflag:s22] =	dma.local [hbm:s5], s20  }
0x9e: {  	_ =	swait.ge [sflag:s22], s20  }
0x9f: {  	s4 =	ssub.s32 $0x0, s20;
	[sflag:s22] =	ssyncset.done $0x0  }
0xa0: {  	[sflag:s22] =	ssyncadd.s32 s4;
	_ =	sdelay $0x1  }
0xa1: {  	s23 =	simm.s32 $0x1B8B  }
0xa2: {  	_ =	swait.ge [sflag:s23], $0x1  }
0xa3: {  	[sflag:s23] =	ssyncset.done $0x0  }
0xa4: {  	s25 =	simm.s32 $0x1B8E;
	s24 =	sld [smem:$0x3FFE];
	[sflag:s23] =	ssyncadd.s32 $0xFFFFFFFF  }
0xa5: {  	s26 =	simm.s32 $execute0_lowered;
	[smem:$0x3FD2] =	sst s25  }
0xa6: {  	s5 =	sshll.u32 s26, $0x1;
	_ =	strace $0x80000046;
	[dreg:$0x1] =	wrdreg $0xFFFFFFFF  }
0xa7: {  	s28 =	simm.s32 $_size_execute0_lowered;
	s3 =	sadd.s32 s3, s5;
	[dreg:$0x0] =	wrdreg $0x0  }
0xa8: {  	s5 =	sshll.u32 s28, $0x1;
	[dreg:$0x2] =	wrdreg s3  }
0xa9: {  	[dreg:$0x3] =	wrdreg s5  }
0xaa: {  	[dreg:$0x4] =	wrdreg $0xC0  }
0xab: {  	_ =	task [dreg:s7], $0x5FFFF  }
0xac: {  	[dreg:$0x1] =	wrdreg $0xFFFFFFFF  }
0xad: {  	[dreg:$0x0] =	wrdreg $0x60  }
0xae: {  	[dreg:$0x2] =	wrdreg s24  }
0xaf: {  	[dreg:$0x3] =	wrdreg s2  }
0xb0: {  	[dreg:$0x4] =	wrdreg $0x9  }
0xb1: {  	_ =	task.clear_ibuf [dreg:s7], $0x5FFFF;
	_ =	strace $0x90000046  }
0xb2: {  	s29 =	simm.s32 $0x9;
	_ =	strace $0x80000048  }
0xb3: {  	_ =	swait.ge [sflag:s29], $0x1  }
0xb4: {  	[sflag:s29] =	ssyncadd.s32 $0xFFFFFFFF  }
0xb5: {  	_ =	strace $0x90000048  }
0xb6: {  	_ =	sfence  }
0xb7: {  	s30 =	sld [smem:$0x0];
	_ =	sdelay $0x2  }
0xb8: {  	s31 =	sshll.u32 s1, $0xD;
	s1 =	sshrl.u32 s1, $0x2  }
0xb9: {  	s3 =	sand.u32 $0x4000, s31;
	s1 =	sadd.s32 s1, s30  }
0xba: {  	s0 =	sor.u32 s3, s0;
	s1 =	sshll.u32 s1, $0x11  }
0xbb: {  	s0 =	sor.u32 s1, s0  }
0xbc: {  	s0 =	sadd.s32 $0x8F2B, s0  }
0xbd: {  	[sflag:s0] =	ssyncadd.remote.s32 $0x1  }
0xbe: {  	_ =	sfence.sel $0xFFFF  }
0xbf: {  	[dreg:$0x0] =	wrdreg $0xFFFFFFFF;
	(pc) =	sbr.abs _section_cstart, $3  }
0xc0: {  	[dreg:$0x1] =	wrdreg $0xFFFFFFFF  }
0xc1: {  	_ =	task.clear_ibuf [dreg:s7], $0x2FFFF;
	_ =	strace $0x9FFFFFFF  }
0xc2: {  	(tm) =	ssettm $0x7FFFFFFF  }
0xc3: {  	_ =	shalt  }
tec
execute0_lowered:
.L_overlay_start_1:
0x0: {  	(tag) =	ssettag $0x1  }
0x1: {  	s4 =	rddreg [dreg:$0x0]  }
0x2: {  	s1 =	srdreg.scid;
	s0 =	stileid.u32  }
0x3: {  	s6 =	rddreg [dreg:$0x1];
	s2 =	simm.s32 $0x0;
	s11 =	simm.s32 $0x7800  }
0x4: {  	s12 =	simm.s32 $0xB800;
	s13 =	simm.s32 $0x1;
	s14 =	simm.s32 $0xF800  }
0x5: {  	s15 =	simm.s32 $0x13800;
	s16 =	simm.s32 $0x2;
	s17 =	simm.s32 $0x17800  }
0x6: {  	s3 =	sand.u32 $0x1, s1;
	s5 =	sshll.u32 s0, $0x1;
	s1 =	rddreg [dreg:$0x2]  }
0x7: {  	s18 =	simm.s32 $0x0;
	[smem:$0x7FF] =	sst s2;
	s5 =	sor.u32 s3, s5  }
0x8: {  	s8 =	ssub.s32 $0x2, s3;
	_ =	strace $0x80000047;
	s7 =	smul.u32 $0x780, s5  }
0x9: {  	s3 =	sadd.s32 $0xC5600, s4;
	s9 =	sshrl.u32 s8, $0x1;
	s10 =	smul.u32 $0x6200, s5  }
0xa: {  	s31 =	ssub.s32 s8, s9;
	s8 =	simm.s32 $0x3;
	s9 =	simm.s32 $0x3C00  }
0xb: {  	s30 =	sadd.s32 s7, s4;
	s6 =	sadd.s32 s6, s10;
	s7 =	smax.u32 s31, $0x1  }
0xc: {  	s10 =	simm.s32 $0x80;
	s4 =	sadd.s32 $0x198600, s30;
	s5 =	sadd.s32 $0x189600, s30  }
.LBB2_1:
0xd: {  	[tilespmem:s2], [sflag:$0x3] =	stream.linear.gather [hbm4b:s4+s2], $0x3A00, $0x38;
	[tilespmem:$0x19400] =	vst v63  }
0xe: {  	_ =	swait.ge [sflag:s8], $0x3A00  }
0xf: {  	[sflag:s8] =	ssyncset.done $0x0  }
0x10: {  	[sflag:s8] =	ssyncadd.s32 $0xFFFFC600  }
0x11: {  	[tilespmem:s9], [sflag:$0x3] =	stream.linear.gather [hbm4b:s5+s2], $0x3A00, $0x38;
	[tilespmem:$0x19400] =	vst v63  }
0x12: {  	_ =	swait.ge [sflag:s8], $0x3A00  }
0x13: {  	[sflag:s8] =	ssyncset.done $0x0  }
0x14: {  	s19 =	simm.s32 $0x0;
	[sflag:s8] =	ssyncadd.s32 $0xFFFFC600  }
.LBB2_2:
0x15: {  	s20 =	sshll.u32 s19, $0x9  }
0x16: {  	[tilespmem:s11], [sflag:$0x1] =	stream.indirect.gather [hbm4b:s3+s10], $0x80, s20, s10, $0xb8;
	[tilespmem:$0x19400] =	vst v63  }
0x17: {  	s21 =	sadd.s32 $0x3C00, s20  }
0x18: {  	[tilespmem:s12], [sflag:$0x1] =	stream.indirect.gather [hbm4b:s3+s10], $0x80, s21, s10, $0xb8;
	[tilespmem:$0x19400] =	vst v63  }
0x19: {  	_ =	swait.ge [sflag:s13], $0x4000  }
0x1a: {  	[sflag:s13] =	ssyncset.done $0x0  }
0x1b: {  	[sflag:s13] =	ssyncadd.s32 $0xFFFFC000  }
0x1c: {  	_ =	swait.ge [sflag:s13], $0x4000  }
0x1d: {  	[sflag:s13] =	ssyncset.done $0x0  }
0x1e: {  	s22 =	simm.s32 $0x17840;
	s21 =	simm.s32 $0x0;
	[sflag:s13] =	ssyncadd.s32 $0xFFFFC000  }
.LBB2_3:
0x1f: {  	s23 =	sshra.s32 s21, $0x2  }
0x20: {  	v0 =	vld [tilespmem:s23+$0x7800]  }
0x21: {  	v1 =	vld [tilespmem:s23+$0xB800]  }
0x22: {  	v2 =	vld [tilespmem:s23+$0x7880]  }
0x23: {  	v3 =	vld [tilespmem:s23+$0xB880]  }
0x24: {  	v4 =	vld [tilespmem:s23+$0x7900]  }
0x25: {  	v5 =	vld [tilespmem:s23+$0xB900]  }
0x26: {  	v6 =	vld [tilespmem:s23+$0x7980]  }
0x27: {  	v7 =	vld [tilespmem:s23+$0xB980]  }
0x28: {  	v8 =	vld [tilespmem:s23+$0x7A00]  }
0x29: {  	v9 =	vld [tilespmem:s23+$0xBA00]  }
0x2a: {  	v10 =	vld [tilespmem:s23+$0x7A80]  }
0x2b: {  	v11 =	vld [tilespmem:s23+$0xBA80]  }
0x2c: {  	v12 =	vld [tilespmem:s23+$0x7B00]  }
0x2d: {  	v13 =	vld [tilespmem:s23+$0xBB00]  }
0x2e: {  	v14 =	vld [tilespmem:s23+$0x7B80]  }
0x2f: {  	v23 =	vld [tilespmem:s23+$0xBB80];
	v0 =	vsub.f32 v0, v1;
	v22 =	vsub.f32 v2, v3  }
0x30: {  	v25 =	vld [tilespmem:s23+$0x7C00];
	v24 =	vsub.f32 v4, v5  }
0x31: {  	v27 =	vld [tilespmem:s23+$0xBC00];
	v26 =	vsub.f32 v6, v7;
	v0 =	vmax.f32 v0, v22  }
0x32: {  	v28 =	vsub.f32 v8, v9;
	v0 =	vmax.f32 v0, v24  }
0x33: {  	v29 =	vsub.f32 v10, v11;
	v0 =	vmax.f32 v0, v26  }
0x34: {  	v30 =	vsub.f32 v12, v13;
	v0 =	vmax.f32 v0, v28  }
0x35: {  	v31 =	vsub.f32 v14, v23;
	v0 =	vmax.f32 v0, v29  }
0x36: {  	v32 =	vsub.f32 v25, v27;
	v0 =	vmax.f32 v0, v30  }
0x37: {  	v0 =	vmax.f32 v0, v31  }
0x38: {  	v0 =	vmax.f32 v0, v32  }
0x39: {  	[tilespmem:s22+$0xFFFFFFC0] =	vst v0  }
0x3a: {  	v0 =	vld [tilespmem:s23+$0x7810]  }
0x3b: {  	v33 =	vld [tilespmem:s23+$0xB810]  }
0x3c: {  	v34 =	vld [tilespmem:s23+$0x7890]  }
0x3d: {  	v35 =	vld [tilespmem:s23+$0xB890]  }
0x3e: {  	v36 =	vld [tilespmem:s23+$0x7910]  }
0x3f: {  	v37 =	vld [tilespmem:s23+$0xB910]  }
0x40: {  	v38 =	vld [tilespmem:s23+$0x7990]  }
0x41: {  	v39 =	vld [tilespmem:s23+$0xB990]  }
0x42: {  	v40 =	vld [tilespmem:s23+$0x7A10]  }
0x43: {  	v41 =	vld [tilespmem:s23+$0xBA10]  }
0x44: {  	v42 =	vld [tilespmem:s23+$0x7A90]  }
0x45: {  	v43 =	vld [tilespmem:s23+$0xBA90]  }
0x46: {  	v44 =	vld [tilespmem:s23+$0x7B10]  }
0x47: {  	v45 =	vld [tilespmem:s23+$0xBB10]  }
0x48: {  	v46 =	vld [tilespmem:s23+$0x7B90]  }
0x49: {  	v48 =	vld [tilespmem:s23+$0xBB90];
	v0 =	vsub.f32 v0, v33;
	v47 =	vsub.f32 v34, v35  }
0x4a: {  	v50 =	vld [tilespmem:s23+$0x7C10];
	v49 =	vsub.f32 v36, v37  }
0x4b: {  	v52 =	vld [tilespmem:s23+$0xBC10];
	v51 =	vsub.f32 v38, v39;
	v0 =	vmax.f32 v0, v47  }
0x4c: {  	v53 =	vsub.f32 v40, v41;
	v0 =	vmax.f32 v0, v49  }
0x4d: {  	v54 =	vsub.f32 v42, v43;
	v0 =	vmax.f32 v0, v51  }
0x4e: {  	v55 =	vsub.f32 v44, v45;
	v0 =	vmax.f32 v0, v53  }
0x4f: {  	v56 =	vsub.f32 v46, v48;
	v0 =	vmax.f32 v0, v54  }
0x50: {  	v57 =	vsub.f32 v50, v52;
	v0 =	vmax.f32 v0, v55  }
0x51: {  	v0 =	vmax.f32 v0, v56  }
0x52: {  	v0 =	vmax.f32 v0, v57  }
0x53: {  	[tilespmem:s22+$0xFFFFFFD0] =	vst v0  }
0x54: {  	v0 =	vld [tilespmem:s23+$0x7820]  }
0x55: {  	v58 =	vld [tilespmem:s23+$0xB820]  }
0x56: {  	v59 =	vld [tilespmem:s23+$0x78A0]  }
0x57: {  	v60 =	vld [tilespmem:s23+$0xB8A0]  }
0x58: {  	v61 =	vld [tilespmem:s23+$0x7920]  }
0x59: {  	v62 =	vld [tilespmem:s23+$0xB920]  }
0x5a: {  	v63 =	vld [tilespmem:s23+$0x79A0]  }
0x5b: {  	v16 =	vld [tilespmem:s23+$0xB9A0]  }
0x5c: {  	v17 =	vld [tilespmem:s23+$0x7A20]  }
0x5d: {  	v18 =	vld [tilespmem:s23+$0xBA20]  }
0x5e: {  	v19 =	vld [tilespmem:s23+$0x7AA0]  }
0x5f: {  	v20 =	vld [tilespmem:s23+$0xBAA0]  }
0x60: {  	v21 =	vld [tilespmem:s23+$0x7B20]  }
0x61: {  	v22 =	vld [tilespmem:s23+$0xBB20]  }
0x62: {  	v23 =	vld [tilespmem:s23+$0x7BA0]  }
0x63: {  	v25 =	vld [tilespmem:s23+$0xBBA0];
	v0 =	vsub.f32 v0, v58;
	v24 =	vsub.f32 v59, v60  }
0x64: {  	v27 =	vld [tilespmem:s23+$0x7C20];
	v26 =	vsub.f32 v61, v62  }
0x65: {  	v29 =	vld [tilespmem:s23+$0xBC20];
	v28 =	vsub.f32 v63, v16;
	v0 =	vmax.f32 v0, v24  }
0x66: {  	v30 =	vsub.f32 v17, v18;
	v0 =	vmax.f32 v0, v26  }
0x67: {  	v31 =	vsub.f32 v19, v20;
	v0 =	vmax.f32 v0, v28  }
0x68: {  	v32 =	vsub.f32 v21, v22;
	v0 =	vmax.f32 v0, v30  }
0x69: {  	v33 =	vsub.f32 v23, v25;
	v0 =	vmax.f32 v0, v31  }
0x6a: {  	v34 =	vsub.f32 v27, v29;
	v0 =	vmax.f32 v0, v32  }
0x6b: {  	v0 =	vmax.f32 v0, v33  }
0x6c: {  	v0 =	vmax.f32 v0, v34  }
0x6d: {  	[tilespmem:s22+$0xFFFFFFE0] =	vst v0  }
0x6e: {  	v0 =	vld [tilespmem:s23+$0x7830]  }
0x6f: {  	v35 =	vld [tilespmem:s23+$0xB830]  }
0x70: {  	v36 =	vld [tilespmem:s23+$0x78B0]  }
0x71: {  	v37 =	vld [tilespmem:s23+$0xB8B0]  }
0x72: {  	v38 =	vld [tilespmem:s23+$0x7930]  }
0x73: {  	v39 =	vld [tilespmem:s23+$0xB930]  }
0x74: {  	v40 =	vld [tilespmem:s23+$0x79B0]  }
0x75: {  	v41 =	vld [tilespmem:s23+$0xB9B0]  }
0x76: {  	v42 =	vld [tilespmem:s23+$0x7A30]  }
0x77: {  	v43 =	vld [tilespmem:s23+$0xBA30]  }
0x78: {  	v44 =	vld [tilespmem:s23+$0x7AB0]  }
0x79: {  	v45 =	vld [tilespmem:s23+$0xBAB0]  }
0x7a: {  	v46 =	vld [tilespmem:s23+$0x7B30]  }
0x7b: {  	v47 =	vld [tilespmem:s23+$0xBB30]  }
0x7c: {  	v48 =	vld [tilespmem:s23+$0x7BB0]  }
0x7d: {  	v50 =	vld [tilespmem:s23+$0xBBB0];
	v0 =	vsub.f32 v0, v35;
	v49 =	vsub.f32 v36, v37  }
0x7e: {  	v52 =	vld [tilespmem:s23+$0x7C30];
	v51 =	vsub.f32 v38, v39  }
0x7f: {  	v54 =	vld [tilespmem:s23+$0xBC30];
	v53 =	vsub.f32 v40, v41;
	v0 =	vmax.f32 v0, v49  }
0x80: {  	v55 =	vsub.f32 v42, v43;
	v0 =	vmax.f32 v0, v51  }
0x81: {  	v56 =	vsub.f32 v44, v45;
	v0 =	vmax.f32 v0, v53  }
0x82: {  	v57 =	vsub.f32 v46, v47;
	v0 =	vmax.f32 v0, v55  }
0x83: {  	v58 =	vsub.f32 v48, v50;
	v0 =	vmax.f32 v0, v56  }
0x84: {  	v59 =	vsub.f32 v52, v54;
	v0 =	vmax.f32 v0, v57  }
0x85: {  	v0 =	vmax.f32 v0, v58  }
0x86: {  	v0 =	vmax.f32 v0, v59  }
0x87: {  	[tilespmem:s22+$0xFFFFFFF0] =	vst v0  }
0x88: {  	v0 =	vld [tilespmem:s23+$0x7840]  }
0x89: {  	v60 =	vld [tilespmem:s23+$0xB840]  }
0x8a: {  	v61 =	vld [tilespmem:s23+$0x78C0]  }
0x8b: {  	v62 =	vld [tilespmem:s23+$0xB8C0]  }
0x8c: {  	v63 =	vld [tilespmem:s23+$0x7940]  }
0x8d: {  	v16 =	vld [tilespmem:s23+$0xB940]  }
0x8e: {  	v17 =	vld [tilespmem:s23+$0x79C0]  }
0x8f: {  	v18 =	vld [tilespmem:s23+$0xB9C0]  }
0x90: {  	v19 =	vld [tilespmem:s23+$0x7A40]  }
0x91: {  	v20 =	vld [tilespmem:s23+$0xBA40]  }
0x92: {  	v21 =	vld [tilespmem:s23+$0x7AC0]  }
0x93: {  	v22 =	vld [tilespmem:s23+$0xBAC0]  }
0x94: {  	v23 =	vld [tilespmem:s23+$0x7B40]  }
0x95: {  	v24 =	vld [tilespmem:s23+$0xBB40]  }
0x96: {  	v25 =	vld [tilespmem:s23+$0x7BC0]  }
0x97: {  	v27 =	vld [tilespmem:s23+$0xBBC0];
	v0 =	vsub.f32 v0, v60;
	v26 =	vsub.f32 v61, v62  }
0x98: {  	v29 =	vld [tilespmem:s23+$0x7C40];
	v28 =	vsub.f32 v63, v16  }
0x99: {  	v31 =	vld [tilespmem:s23+$0xBC40];
	v30 =	vsub.f32 v17, v18;
	v0 =	vmax.f32 v0, v26  }
0x9a: {  	v32 =	vsub.f32 v19, v20;
	v0 =	vmax.f32 v0, v28  }
0x9b: {  	v33 =	vsub.f32 v21, v22;
	v0 =	vmax.f32 v0, v30  }
0x9c: {  	v34 =	vsub.f32 v23, v24;
	v0 =	vmax.f32 v0, v32  }
0x9d: {  	v35 =	vsub.f32 v25, v27;
	v0 =	vmax.f32 v0, v33  }
0x9e: {  	v36 =	vsub.f32 v29, v31;
	v0 =	vmax.f32 v0, v34  }
0x9f: {  	v0 =	vmax.f32 v0, v35  }
0xa0: {  	v0 =	vmax.f32 v0, v36  }
0xa1: {  	[tilespmem:s22+$0x0] =	vst v0  }
0xa2: {  	v0 =	vld [tilespmem:s23+$0x7850]  }
0xa3: {  	v37 =	vld [tilespmem:s23+$0xB850]  }
0xa4: {  	v38 =	vld [tilespmem:s23+$0x78D0]  }
0xa5: {  	v39 =	vld [tilespmem:s23+$0xB8D0]  }
0xa6: {  	v40 =	vld [tilespmem:s23+$0x7950]  }
0xa7: {  	v41 =	vld [tilespmem:s23+$0xB950]  }
0xa8: {  	v42 =	vld [tilespmem:s23+$0x79D0]  }
0xa9: {  	v43 =	vld [tilespmem:s23+$0xB9D0]  }
0xaa: {  	v44 =	vld [tilespmem:s23+$0x7A50]  }
0xab: {  	v45 =	vld [tilespmem:s23+$0xBA50]  }
0xac: {  	v46 =	vld [tilespmem:s23+$0x7AD0]  }
0xad: {  	v47 =	vld [tilespmem:s23+$0xBAD0]  }
0xae: {  	v48 =	vld [tilespmem:s23+$0x7B50]  }
0xaf: {  	v49 =	vld [tilespmem:s23+$0xBB50]  }
0xb0: {  	v50 =	vld [tilespmem:s23+$0x7BD0]  }
0xb1: {  	v52 =	vld [tilespmem:s23+$0xBBD0];
	v0 =	vsub.f32 v0, v37;
	v51 =	vsub.f32 v38, v39  }
0xb2: {  	v54 =	vld [tilespmem:s23+$0x7C50];
	v53 =	vsub.f32 v40, v41  }
0xb3: {  	v56 =	vld [tilespmem:s23+$0xBC50];
	v55 =	vsub.f32 v42, v43;
	v0 =	vmax.f32 v0, v51  }
0xb4: {  	v57 =	vsub.f32 v44, v45;
	v0 =	vmax.f32 v0, v53  }
0xb5: {  	v58 =	vsub.f32 v46, v47;
	v0 =	vmax.f32 v0, v55  }
0xb6: {  	v59 =	vsub.f32 v48, v49;
	v0 =	vmax.f32 v0, v57  }
0xb7: {  	v60 =	vsub.f32 v50, v52;
	v0 =	vmax.f32 v0, v58  }
0xb8: {  	v61 =	vsub.f32 v54, v56;
	v0 =	vmax.f32 v0, v59  }
0xb9: {  	v0 =	vmax.f32 v0, v60  }
0xba: {  	v0 =	vmax.f32 v0, v61  }
0xbb: {  	[tilespmem:s22+$0x10] =	vst v0  }
0xbc: {  	v0 =	vld [tilespmem:s23+$0x7860]  }
0xbd: {  	v62 =	vld [tilespmem:s23+$0xB860]  }
0xbe: {  	v63 =	vld [tilespmem:s23+$0x78E0]  }
0xbf: {  	v16 =	vld [tilespmem:s23+$0xB8E0]  }
0xc0: {  	v17 =	vld [tilespmem:s23+$0x7960]  }
0xc1: {  	v18 =	vld [tilespmem:s23+$0xB960]  }
0xc2: {  	v19 =	vld [tilespmem:s23+$0x79E0]  }
0xc3: {  	v20 =	vld [tilespmem:s23+$0xB9E0]  }
0xc4: {  	v21 =	vld [tilespmem:s23+$0x7A60]  }
0xc5: {  	v22 =	vld [tilespmem:s23+$0xBA60]  }
0xc6: {  	v23 =	vld [tilespmem:s23+$0x7AE0]  }
0xc7: {  	v24 =	vld [tilespmem:s23+$0xBAE0]  }
0xc8: {  	v25 =	vld [tilespmem:s23+$0x7B60]  }
0xc9: {  	v26 =	vld [tilespmem:s23+$0xBB60]  }
0xca: {  	v27 =	vld [tilespmem:s23+$0x7BE0]  }
0xcb: {  	v29 =	vld [tilespmem:s23+$0xBBE0];
	v0 =	vsub.f32 v0, v62;
	v28 =	vsub.f32 v63, v16  }
0xcc: {  	v31 =	vld [tilespmem:s23+$0x7C60];
	v30 =	vsub.f32 v17, v18  }
0xcd: {  	v33 =	vld [tilespmem:s23+$0xBC60];
	v32 =	vsub.f32 v19, v20;
	v0 =	vmax.f32 v0, v28  }
0xce: {  	v34 =	vsub.f32 v21, v22;
	v0 =	vmax.f32 v0, v30  }
0xcf: {  	v35 =	vsub.f32 v23, v24;
	v0 =	vmax.f32 v0, v32  }
0xd0: {  	v36 =	vsub.f32 v25, v26;
	v0 =	vmax.f32 v0, v34  }
0xd1: {  	v37 =	vsub.f32 v27, v29;
	v0 =	vmax.f32 v0, v35  }
0xd2: {  	v38 =	vsub.f32 v31, v33;
	v0 =	vmax.f32 v0, v36  }
0xd3: {  	v0 =	vmax.f32 v0, v37  }
0xd4: {  	v0 =	vmax.f32 v0, v38  }
0xd5: {  	[tilespmem:s22+$0x20] =	vst v0  }
0xd6: {  	v0 =	vld [tilespmem:s23+$0x7870]  }
0xd7: {  	v39 =	vld [tilespmem:s23+$0xB870]  }
0xd8: {  	v40 =	vld [tilespmem:s23+$0x78F0]  }
0xd9: {  	v41 =	vld [tilespmem:s23+$0xB8F0]  }
0xda: {  	v42 =	vld [tilespmem:s23+$0x7970]  }
0xdb: {  	v43 =	vld [tilespmem:s23+$0xB970]  }
0xdc: {  	v44 =	vld [tilespmem:s23+$0x79F0]  }
0xdd: {  	v45 =	vld [tilespmem:s23+$0xB9F0]  }
0xde: {  	v46 =	vld [tilespmem:s23+$0x7A70]  }
0xdf: {  	v47 =	vld [tilespmem:s23+$0xBA70]  }
0xe0: {  	v48 =	vld [tilespmem:s23+$0x7AF0]  }
0xe1: {  	v49 =	vld [tilespmem:s23+$0xBAF0]  }
0xe2: {  	v50 =	vld [tilespmem:s23+$0x7B70]  }
0xe3: {  	v51 =	vld [tilespmem:s23+$0xBB70]  }
0xe4: {  	v52 =	vld [tilespmem:s23+$0x7BF0]  }
0xe5: {  	v54 =	vld [tilespmem:s23+$0xBBF0];
	v0 =	vsub.f32 v0, v39;
	v53 =	vsub.f32 v40, v41  }
0xe6: {  	v56 =	vld [tilespmem:s23+$0x7C70];
	v55 =	vsub.f32 v42, v43  }
0xe7: {  	v58 =	vld [tilespmem:s23+$0xBC70];
	v57 =	vsub.f32 v44, v45;
	v0 =	vmax.f32 v0, v53  }
0xe8: {  	v59 =	vsub.f32 v46, v47;
	v0 =	vmax.f32 v0, v55  }
0xe9: {  	v60 =	vsub.f32 v48, v49;
	v0 =	vmax.f32 v0, v57  }
0xea: {  	p0 =	sne.s32 s21, $0xEA00;
	v61 =	vsub.f32 v50, v51;
	v0 =	vmax.f32 v0, v59  }
.Ltmp0:
0xeb: {  	v62 =	vsub.f32 v52, v54;
	v0 =	vmax.f32 v0, v60;
	(pc) =	sbr.rel @p0 .LBB2_3-.Ltmp0, $4  }
0xec: {  	v63 =	vsub.f32 v56, v58;
	v0 =	vmax.f32 v0, v61  }
0xed: {  	v0 =	vmax.f32 v0, v62  }
0xee: {  	v0 =	vmax.f32 v0, v63  }
0xef: {  	s21 =	sadd.s32 $0x1200, s21;
	[tilespmem:s22+$0x30] =	vst v0;
	s22 =	sadd.s32 $0x80, s22  }
0xf0: {  	s21 =	sor.u32 $0x80, s20  }
0xf1: {  	[tilespmem:s14], [sflag:$0x2] =	stream.indirect.gather [hbm4b:s3+s10], $0x80, s21, s10, $0xb8;
	[tilespmem:$0x19400] =	vst v63  }
0xf2: {  	s31 =	sadd.s32 $0x3C80, s20  }
0xf3: {  	[tilespmem:s15], [sflag:$0x2] =	stream.indirect.gather [hbm4b:s3+s10], $0x80, s31, s10, $0xb8;
	[tilespmem:$0x19400] =	vst v63  }
0xf4: {  	_ =	swait.ge [sflag:s16], $0x4000  }
0xf5: {  	[sflag:s16] =	ssyncset.done $0x0  }
0xf6: {  	[sflag:s16] =	ssyncadd.s32 $0xFFFFC000  }
0xf7: {  	_ =	swait.ge [sflag:s16], $0x4000  }
0xf8: {  	[sflag:s16] =	ssyncset.done $0x0  }
0xf9: {  	s22 =	simm.s32 $0x17F70;
	s21 =	simm.s32 $0x0;
	[sflag:s16] =	ssyncadd.s32 $0xFFFFC000  }
.LBB2_5:
0xfa: {  	s23 =	sshra.s32 s21, $0x2  }
0xfb: {  	v0 =	vld [tilespmem:s23+$0xF800]  }
0xfc: {  	v1 =	vld [tilespmem:s23+$0x13800]  }
0xfd: {  	v2 =	vld [tilespmem:s23+$0xF880]  }
0xfe: {  	v3 =	vld [tilespmem:s23+$0x13880]  }
0xff: {  	v4 =	vld [tilespmem:s23+$0xF900]  }
0x100: {  	v5 =	vld [tilespmem:s23+$0x13900]  }
0x101: {  	v6 =	vld [tilespmem:s23+$0xF980]  }
0x102: {  	v7 =	vld [tilespmem:s23+$0x13980]  }
0x103: {  	v8 =	vld [tilespmem:s23+$0xFA00]  }
0x104: {  	v9 =	vld [tilespmem:s23+$0x13A00]  }
0x105: {  	v10 =	vld [tilespmem:s23+$0xFA80]  }
0x106: {  	v11 =	vld [tilespmem:s23+$0x13A80]  }
0x107: {  	v12 =	vld [tilespmem:s23+$0xFB00]  }
0x108: {  	v13 =	vld [tilespmem:s23+$0x13B00]  }
0x109: {  	v14 =	vld [tilespmem:s23+$0xFB80]  }
0x10a: {  	v23 =	vld [tilespmem:s23+$0x13B80];
	v0 =	vsub.f32 v0, v1;
	v22 =	vsub.f32 v2, v3  }
0x10b: {  	v25 =	vld [tilespmem:s23+$0xFC00];
	v24 =	vsub.f32 v4, v5  }
0x10c: {  	v27 =	vld [tilespmem:s23+$0x13C00];
	v26 =	vsub.f32 v6, v7;
	v0 =	vmax.f32 v0, v22  }
0x10d: {  	v28 =	vsub.f32 v8, v9;
	v0 =	vmax.f32 v0, v24  }
0x10e: {  	v29 =	vsub.f32 v10, v11;
	v0 =	vmax.f32 v0, v26  }
0x10f: {  	v30 =	vsub.f32 v12, v13;
	v0 =	vmax.f32 v0, v28  }
0x110: {  	v31 =	vsub.f32 v14, v23;
	v0 =	vmax.f32 v0, v29  }
0x111: {  	v32 =	vsub.f32 v25, v27;
	v0 =	vmax.f32 v0, v30  }
0x112: {  	v0 =	vmax.f32 v0, v31  }
0x113: {  	v0 =	vmax.f32 v0, v32  }
0x114: {  	[tilespmem:s22+$0xFFFFFF90] =	vst v0  }
0x115: {  	v0 =	vld [tilespmem:s23+$0xF810]  }
0x116: {  	v33 =	vld [tilespmem:s23+$0x13810]  }
0x117: {  	v34 =	vld [tilespmem:s23+$0xF890]  }
0x118: {  	v35 =	vld [tilespmem:s23+$0x13890]  }
0x119: {  	v36 =	vld [tilespmem:s23+$0xF910]  }
0x11a: {  	v37 =	vld [tilespmem:s23+$0x13910]  }
0x11b: {  	v38 =	vld [tilespmem:s23+$0xF990]  }
0x11c: {  	v39 =	vld [tilespmem:s23+$0x13990]  }
0x11d: {  	v40 =	vld [tilespmem:s23+$0xFA10]  }
0x11e: {  	v41 =	vld [tilespmem:s23+$0x13A10]  }
0x11f: {  	v42 =	vld [tilespmem:s23+$0xFA90]  }
0x120: {  	v43 =	vld [tilespmem:s23+$0x13A90]  }
0x121: {  	v44 =	vld [tilespmem:s23+$0xFB10]  }
0x122: {  	v45 =	vld [tilespmem:s23+$0x13B10]  }
0x123: {  	v46 =	vld [tilespmem:s23+$0xFB90]  }
0x124: {  	v48 =	vld [tilespmem:s23+$0x13B90];
	v0 =	vsub.f32 v0, v33;
	v47 =	vsub.f32 v34, v35  }
0x125: {  	v50 =	vld [tilespmem:s23+$0xFC10];
	v49 =	vsub.f32 v36, v37  }
0x126: {  	v52 =	vld [tilespmem:s23+$0x13C10];
	v51 =	vsub.f32 v38, v39;
	v0 =	vmax.f32 v0, v47  }
0x127: {  	v53 =	vsub.f32 v40, v41;
	v0 =	vmax.f32 v0, v49  }
0x128: {  	v54 =	vsub.f32 v42, v43;
	v0 =	vmax.f32 v0, v51  }
0x129: {  	v55 =	vsub.f32 v44, v45;
	v0 =	vmax.f32 v0, v53  }
0x12a: {  	v56 =	vsub.f32 v46, v48;
	v0 =	vmax.f32 v0, v54  }
0x12b: {  	v57 =	vsub.f32 v50, v52;
	v0 =	vmax.f32 v0, v55  }
0x12c: {  	v0 =	vmax.f32 v0, v56  }
0x12d: {  	v0 =	vmax.f32 v0, v57  }
0x12e: {  	[tilespmem:s22+$0xFFFFFFA0] =	vst v0  }
0x12f: {  	v0 =	vld [tilespmem:s23+$0xF820]  }
0x130: {  	v58 =	vld [tilespmem:s23+$0x13820]  }
0x131: {  	v59 =	vld [tilespmem:s23+$0xF8A0]  }
0x132: {  	v60 =	vld [tilespmem:s23+$0x138A0]  }
0x133: {  	v61 =	vld [tilespmem:s23+$0xF920]  }
0x134: {  	v62 =	vld [tilespmem:s23+$0x13920]  }
0x135: {  	v63 =	vld [tilespmem:s23+$0xF9A0]  }
0x136: {  	v16 =	vld [tilespmem:s23+$0x139A0]  }
0x137: {  	v17 =	vld [tilespmem:s23+$0xFA20]  }
0x138: {  	v18 =	vld [tilespmem:s23+$0x13A20]  }
0x139: {  	v19 =	vld [tilespmem:s23+$0xFAA0]  }
0x13a: {  	v20 =	vld [tilespmem:s23+$0x13AA0]  }
0x13b: {  	v21 =	vld [tilespmem:s23+$0xFB20]  }
0x13c: {  	v22 =	vld [tilespmem:s23+$0x13B20]  }
0x13d: {  	v23 =	vld [tilespmem:s23+$0xFBA0]  }
0x13e: {  	v25 =	vld [tilespmem:s23+$0x13BA0];
	v0 =	vsub.f32 v0, v58;
	v24 =	vsub.f32 v59, v60  }
0x13f: {  	v27 =	vld [tilespmem:s23+$0xFC20];
	v26 =	vsub.f32 v61, v62  }
0x140: {  	v29 =	vld [tilespmem:s23+$0x13C20];
	v28 =	vsub.f32 v63, v16;
	v0 =	vmax.f32 v0, v24  }
0x141: {  	v30 =	vsub.f32 v17, v18;
	v0 =	vmax.f32 v0, v26  }
0x142: {  	v31 =	vsub.f32 v19, v20;
	v0 =	vmax.f32 v0, v28  }
0x143: {  	v32 =	vsub.f32 v21, v22;
	v0 =	vmax.f32 v0, v30  }
0x144: {  	v33 =	vsub.f32 v23, v25;
	v0 =	vmax.f32 v0, v31  }
0x145: {  	v34 =	vsub.f32 v27, v29;
	v0 =	vmax.f32 v0, v32  }
0x146: {  	v0 =	vmax.f32 v0, v33  }
0x147: {  	v0 =	vmax.f32 v0, v34  }
0x148: {  	[tilespmem:s22+$0xFFFFFFB0] =	vst v0  }
0x149: {  	v0 =	vld [tilespmem:s23+$0xF830]  }
0x14a: {  	v35 =	vld [tilespmem:s23+$0x13830]  }
0x14b: {  	v36 =	vld [tilespmem:s23+$0xF8B0]  }
0x14c: {  	v37 =	vld [tilespmem:s23+$0x138B0]  }
0x14d: {  	v38 =	vld [tilespmem:s23+$0xF930]  }
0x14e: {  	v39 =	vld [tilespmem:s23+$0x13930]  }
0x14f: {  	v40 =	vld [tilespmem:s23+$0xF9B0]  }
0x150: {  	v41 =	vld [tilespmem:s23+$0x139B0]  }
0x151: {  	v42 =	vld [tilespmem:s23+$0xFA30]  }
0x152: {  	v43 =	vld [tilespmem:s23+$0x13A30]  }
0x153: {  	v44 =	vld [tilespmem:s23+$0xFAB0]  }
0x154: {  	v45 =	vld [tilespmem:s23+$0x13AB0]  }
0x155: {  	v46 =	vld [tilespmem:s23+$0xFB30]  }
0x156: {  	v47 =	vld [tilespmem:s23+$0x13B30]  }
0x157: {  	v48 =	vld [tilespmem:s23+$0xFBB0]  }
0x158: {  	v50 =	vld [tilespmem:s23+$0x13BB0];
	v0 =	vsub.f32 v0, v35;
	v49 =	vsub.f32 v36, v37  }
0x159: {  	v52 =	vld [tilespmem:s23+$0xFC30];
	v51 =	vsub.f32 v38, v39  }
0x15a: {  	v54 =	vld [tilespmem:s23+$0x13C30];
	v53 =	vsub.f32 v40, v41;
	v0 =	vmax.f32 v0, v49  }
0x15b: {  	v55 =	vsub.f32 v42, v43;
	v0 =	vmax.f32 v0, v51  }
0x15c: {  	v56 =	vsub.f32 v44, v45;
	v0 =	vmax.f32 v0, v53  }
0x15d: {  	v57 =	vsub.f32 v46, v47;
	v0 =	vmax.f32 v0, v55  }
0x15e: {  	v58 =	vsub.f32 v48, v50;
	v0 =	vmax.f32 v0, v56  }
0x15f: {  	v59 =	vsub.f32 v52, v54;
	v0 =	vmax.f32 v0, v57  }
0x160: {  	v0 =	vmax.f32 v0, v58  }
0x161: {  	v0 =	vmax.f32 v0, v59  }
0x162: {  	[tilespmem:s22+$0xFFFFFFC0] =	vst v0  }
0x163: {  	v0 =	vld [tilespmem:s23+$0xF840]  }
0x164: {  	v60 =	vld [tilespmem:s23+$0x13840]  }
0x165: {  	v61 =	vld [tilespmem:s23+$0xF8C0]  }
0x166: {  	v62 =	vld [tilespmem:s23+$0x138C0]  }
0x167: {  	v63 =	vld [tilespmem:s23+$0xF940]  }
0x168: {  	v16 =	vld [tilespmem:s23+$0x13940]  }
0x169: {  	v17 =	vld [tilespmem:s23+$0xF9C0]  }
0x16a: {  	v18 =	vld [tilespmem:s23+$0x139C0]  }
0x16b: {  	v19 =	vld [tilespmem:s23+$0xFA40]  }
0x16c: {  	v20 =	vld [tilespmem:s23+$0x13A40]  }
0x16d: {  	v21 =	vld [tilespmem:s23+$0xFAC0]  }
0x16e: {  	v22 =	vld [tilespmem:s23+$0x13AC0]  }
0x16f: {  	v23 =	vld [tilespmem:s23+$0xFB40]  }
0x170: {  	v24 =	vld [tilespmem:s23+$0x13B40]  }
0x171: {  	v25 =	vld [tilespmem:s23+$0xFBC0]  }
0x172: {  	v27 =	vld [tilespmem:s23+$0x13BC0];
	v0 =	vsub.f32 v0, v60;
	v26 =	vsub.f32 v61, v62  }
0x173: {  	v29 =	vld [tilespmem:s23+$0xFC40];
	v28 =	vsub.f32 v63, v16  }
0x174: {  	v31 =	vld [tilespmem:s23+$0x13C40];
	v30 =	vsub.f32 v17, v18;
	v0 =	vmax.f32 v0, v26  }
0x175: {  	v32 =	vsub.f32 v19, v20;
	v0 =	vmax.f32 v0, v28  }
0x176: {  	v33 =	vsub.f32 v21, v22;
	v0 =	vmax.f32 v0, v30  }
0x177: {  	v34 =	vsub.f32 v23, v24;
	v0 =	vmax.f32 v0, v32  }
0x178: {  	v35 =	vsub.f32 v25, v27;
	v0 =	vmax.f32 v0, v33  }
0x179: {  	v36 =	vsub.f32 v29, v31;
	v0 =	vmax.f32 v0, v34  }
0x17a: {  	v0 =	vmax.f32 v0, v35  }
0x17b: {  	v0 =	vmax.f32 v0, v36  }
0x17c: {  	[tilespmem:s22+$0xFFFFFFD0] =	vst v0  }
0x17d: {  	v0 =	vld [tilespmem:s23+$0xF850]  }
0x17e: {  	v37 =	vld [tilespmem:s23+$0x13850]  }
0x17f: {  	v38 =	vld [tilespmem:s23+$0xF8D0]  }
0x180: {  	v39 =	vld [tilespmem:s23+$0x138D0]  }
0x181: {  	v40 =	vld [tilespmem:s23+$0xF950]  }
0x182: {  	v41 =	vld [tilespmem:s23+$0x13950]  }
0x183: {  	v42 =	vld [tilespmem:s23+$0xF9D0]  }
0x184: {  	v43 =	vld [tilespmem:s23+$0x139D0]  }
0x185: {  	v44 =	vld [tilespmem:s23+$0xFA50]  }
0x186: {  	v45 =	vld [tilespmem:s23+$0x13A50]  }
0x187: {  	v46 =	vld [tilespmem:s23+$0xFAD0]  }
0x188: {  	v47 =	vld [tilespmem:s23+$0x13AD0]  }
0x189: {  	v48 =	vld [tilespmem:s23+$0xFB50]  }
0x18a: {  	v49 =	vld [tilespmem:s23+$0x13B50]  }
0x18b: {  	v50 =	vld [tilespmem:s23+$0xFBD0]  }
0x18c: {  	v52 =	vld [tilespmem:s23+$0x13BD0];
	v0 =	vsub.f32 v0, v37;
	v51 =	vsub.f32 v38, v39  }
0x18d: {  	v54 =	vld [tilespmem:s23+$0xFC50];
	v53 =	vsub.f32 v40, v41  }
0x18e: {  	v56 =	vld [tilespmem:s23+$0x13C50];
	v55 =	vsub.f32 v42, v43;
	v0 =	vmax.f32 v0, v51  }
0x18f: {  	v57 =	vsub.f32 v44, v45;
	v0 =	vmax.f32 v0, v53  }
0x190: {  	v58 =	vsub.f32 v46, v47;
	v0 =	vmax.f32 v0, v55  }
0x191: {  	v59 =	vsub.f32 v48, v49;
	v0 =	vmax.f32 v0, v57  }
0x192: {  	v60 =	vsub.f32 v50, v52;
	v0 =	vmax.f32 v0, v58  }
0x193: {  	v61 =	vsub.f32 v54, v56;
	v0 =	vmax.f32 v0, v59  }
0x194: {  	v0 =	vmax.f32 v0, v60  }
0x195: {  	v0 =	vmax.f32 v0, v61  }
0x196: {  	[tilespmem:s22+$0xFFFFFFE0] =	vst v0  }
0x197: {  	v0 =	vld [tilespmem:s23+$0xF860]  }
0x198: {  	v62 =	vld [tilespmem:s23+$0x13860]  }
0x199: {  	v63 =	vld [tilespmem:s23+$0xF8E0]  }
0x19a: {  	v16 =	vld [tilespmem:s23+$0x138E0]  }
0x19b: {  	v17 =	vld [tilespmem:s23+$0xF960]  }
0x19c: {  	v18 =	vld [tilespmem:s23+$0x13960]  }
0x19d: {  	v19 =	vld [tilespmem:s23+$0xF9E0]  }
0x19e: {  	v20 =	vld [tilespmem:s23+$0x139E0]  }
0x19f: {  	v21 =	vld [tilespmem:s23+$0xFA60]  }
0x1a0: {  	v22 =	vld [tilespmem:s23+$0x13A60]  }
0x1a1: {  	v23 =	vld [tilespmem:s23+$0xFAE0]  }
0x1a2: {  	v24 =	vld [tilespmem:s23+$0x13AE0]  }
0x1a3: {  	v25 =	vld [tilespmem:s23+$0xFB60]  }
0x1a4: {  	v26 =	vld [tilespmem:s23+$0x13B60]  }
0x1a5: {  	v27 =	vld [tilespmem:s23+$0xFBE0]  }
0x1a6: {  	v29 =	vld [tilespmem:s23+$0x13BE0];
	v0 =	vsub.f32 v0, v62;
	v28 =	vsub.f32 v63, v16  }
0x1a7: {  	v31 =	vld [tilespmem:s23+$0xFC60];
	v30 =	vsub.f32 v17, v18  }
0x1a8: {  	v33 =	vld [tilespmem:s23+$0x13C60];
	v32 =	vsub.f32 v19, v20;
	v0 =	vmax.f32 v0, v28  }
0x1a9: {  	v34 =	vsub.f32 v21, v22;
	v0 =	vmax.f32 v0, v30  }
0x1aa: {  	v35 =	vsub.f32 v23, v24;
	v0 =	vmax.f32 v0, v32  }
0x1ab: {  	v36 =	vsub.f32 v25, v26;
	v0 =	vmax.f32 v0, v34  }
0x1ac: {  	v37 =	vsub.f32 v27, v29;
	v0 =	vmax.f32 v0, v35  }
0x1ad: {  	v38 =	vsub.f32 v31, v33;
	v0 =	vmax.f32 v0, v36  }
0x1ae: {  	v0 =	vmax.f32 v0, v37  }
0x1af: {  	v0 =	vmax.f32 v0, v38  }
0x1b0: {  	[tilespmem:s22+$0xFFFFFFF0] =	vst v0  }
0x1b1: {  	v0 =	vld [tilespmem:s23+$0xF870]  }
0x1b2: {  	v39 =	vld [tilespmem:s23+$0x13870]  }
0x1b3: {  	v40 =	vld [tilespmem:s23+$0xF8F0]  }
0x1b4: {  	v41 =	vld [tilespmem:s23+$0x138F0]  }
0x1b5: {  	v42 =	vld [tilespmem:s23+$0xF970]  }
0x1b6: {  	v43 =	vld [tilespmem:s23+$0x13970]  }
0x1b7: {  	v44 =	vld [tilespmem:s23+$0xF9F0]  }
0x1b8: {  	v45 =	vld [tilespmem:s23+$0x139F0]  }
0x1b9: {  	v46 =	vld [tilespmem:s23+$0xFA70]  }
0x1ba: {  	v47 =	vld [tilespmem:s23+$0x13A70]  }
0x1bb: {  	v48 =	vld [tilespmem:s23+$0xFAF0]  }
0x1bc: {  	v49 =	vld [tilespmem:s23+$0x13AF0]  }
0x1bd: {  	v50 =	vld [tilespmem:s23+$0xFB70]  }
0x1be: {  	v51 =	vld [tilespmem:s23+$0x13B70]  }
0x1bf: {  	v52 =	vld [tilespmem:s23+$0xFBF0]  }
0x1c0: {  	v54 =	vld [tilespmem:s23+$0x13BF0];
	v0 =	vsub.f32 v0, v39;
	v53 =	vsub.f32 v40, v41  }
0x1c1: {  	v56 =	vld [tilespmem:s23+$0xFC70];
	v55 =	vsub.f32 v42, v43  }
0x1c2: {  	v58 =	vld [tilespmem:s23+$0x13C70];
	v57 =	vsub.f32 v44, v45;
	v0 =	vmax.f32 v0, v53  }
0x1c3: {  	v59 =	vsub.f32 v46, v47;
	v0 =	vmax.f32 v0, v55  }
0x1c4: {  	v60 =	vsub.f32 v48, v49;
	v0 =	vmax.f32 v0, v57  }
0x1c5: {  	p0 =	sne.s32 s21, $0xEA00;
	v61 =	vsub.f32 v50, v51;
	v0 =	vmax.f32 v0, v59  }
.Ltmp1:
0x1c6: {  	v62 =	vsub.f32 v52, v54;
	v0 =	vmax.f32 v0, v60;
	(pc) =	sbr.rel @p0 .LBB2_5-.Ltmp1, $4  }
0x1c7: {  	v63 =	vsub.f32 v56, v58;
	v0 =	vmax.f32 v0, v61  }
0x1c8: {  	v0 =	vmax.f32 v0, v62  }
0x1c9: {  	v0 =	vmax.f32 v0, v63  }
0x1ca: {  	s21 =	sadd.s32 $0x1200, s21;
	[tilespmem:s22+$0x0] =	vst v0;
	s22 =	sadd.s32 $0x80, s22  }
0x1cb: {  	s21 =	sor.u32 $0x100, s20  }
0x1cc: {  	[tilespmem:s11], [sflag:$0x1] =	stream.indirect.gather [hbm4b:s3+s10], $0x80, s21, s10, $0xb8;
	[tilespmem:$0x19400] =	vst v63  }
0x1cd: {  	s31 =	sadd.s32 $0x3D00, s20  }
0x1ce: {  	[tilespmem:s12], [sflag:$0x1] =	stream.indirect.gather [hbm4b:s3+s10], $0x80, s31, s10, $0xb8;
	[tilespmem:$0x19400] =	vst v63  }
0x1cf: {  	_ =	swait.ge [sflag:s13], $0x4000  }
0x1d0: {  	[sflag:s13] =	ssyncset.done $0x0  }
0x1d1: {  	[sflag:s13] =	ssyncadd.s32 $0xFFFFC000  }
0x1d2: {  	_ =	swait.ge [sflag:s13], $0x4000  }
0x1d3: {  	[sflag:s13] =	ssyncset.done $0x0  }
0x1d4: {  	s22 =	simm.s32 $0x18670;
	s21 =	simm.s32 $0x0;
	[sflag:s13] =	ssyncadd.s32 $0xFFFFC000  }
.LBB2_7:
0x1d5: {  	s23 =	sshra.s32 s21, $0x2  }
0x1d6: {  	v0 =	vld [tilespmem:s23+$0x7800]  }
0x1d7: {  	v1 =	vld [tilespmem:s23+$0xB800]  }
0x1d8: {  	v2 =	vld [tilespmem:s23+$0x7880]  }
0x1d9: {  	v3 =	vld [tilespmem:s23+$0xB880]  }
0x1da: {  	v4 =	vld [tilespmem:s23+$0x7900]  }
0x1db: {  	v5 =	vld [tilespmem:s23+$0xB900]  }
0x1dc: {  	v6 =	vld [tilespmem:s23+$0x7980]  }
0x1dd: {  	v7 =	vld [tilespmem:s23+$0xB980]  }
0x1de: {  	v8 =	vld [tilespmem:s23+$0x7A00]  }
0x1df: {  	v9 =	vld [tilespmem:s23+$0xBA00]  }
0x1e0: {  	v10 =	vld [tilespmem:s23+$0x7A80]  }
0x1e1: {  	v11 =	vld [tilespmem:s23+$0xBA80]  }
0x1e2: {  	v12 =	vld [tilespmem:s23+$0x7B00]  }
0x1e3: {  	v13 =	vld [tilespmem:s23+$0xBB00]  }
0x1e4: {  	v14 =	vld [tilespmem:s23+$0x7B80]  }
0x1e5: {  	v23 =	vld [tilespmem:s23+$0xBB80];
	v0 =	vsub.f32 v0, v1;
	v22 =	vsub.f32 v2, v3  }
0x1e6: {  	v25 =	vld [tilespmem:s23+$0x7C00];
	v24 =	vsub.f32 v4, v5  }
0x1e7: {  	v27 =	vld [tilespmem:s23+$0xBC00];
	v26 =	vsub.f32 v6, v7;
	v0 =	vmax.f32 v0, v22  }
0x1e8: {  	v28 =	vsub.f32 v8, v9;
	v0 =	vmax.f32 v0, v24  }
0x1e9: {  	v29 =	vsub.f32 v10, v11;
	v0 =	vmax.f32 v0, v26  }
0x1ea: {  	v30 =	vsub.f32 v12, v13;
	v0 =	vmax.f32 v0, v28  }
0x1eb: {  	v31 =	vsub.f32 v14, v23;
	v0 =	vmax.f32 v0, v29  }
0x1ec: {  	v32 =	vsub.f32 v25, v27;
	v0 =	vmax.f32 v0, v30  }
0x1ed: {  	v0 =	vmax.f32 v0, v31  }
0x1ee: {  	v0 =	vmax.f32 v0, v32  }
0x1ef: {  	[tilespmem:s22+$0xFFFFFF90] =	vst v0  }
0x1f0: {  	v0 =	vld [tilespmem:s23+$0x7810]  }
0x1f1: {  	v33 =	vld [tilespmem:s23+$0xB810]  }
0x1f2: {  	v34 =	vld [tilespmem:s23+$0x7890]  }
0x1f3: {  	v35 =	vld [tilespmem:s23+$0xB890]  }
0x1f4: {  	v36 =	vld [tilespmem:s23+$0x7910]  }
0x1f5: {  	v37 =	vld [tilespmem:s23+$0xB910]  }
0x1f6: {  	v38 =	vld [tilespmem:s23+$0x7990]  }
0x1f7: {  	v39 =	vld [tilespmem:s23+$0xB990]  }
0x1f8: {  	v40 =	vld [tilespmem:s23+$0x7A10]  }
0x1f9: {  	v41 =	vld [tilespmem:s23+$0xBA10]  }
0x1fa: {  	v42 =	vld [tilespmem:s23+$0x7A90]  }
0x1fb: {  	v43 =	vld [tilespmem:s23+$0xBA90]  }
0x1fc: {  	v44 =	vld [tilespmem:s23+$0x7B10]  }
0x1fd: {  	v45 =	vld [tilespmem:s23+$0xBB10]  }
0x1fe: {  	v46 =	vld [tilespmem:s23+$0x7B90]  }
0x1ff: {  	v48 =	vld [tilespmem:s23+$0xBB90];
	v0 =	vsub.f32 v0, v33;
	v47 =	vsub.f32 v34, v35  }
0x200: {  	v50 =	vld [tilespmem:s23+$0x7C10];
	v49 =	vsub.f32 v36, v37  }
0x201: {  	v52 =	vld [tilespmem:s23+$0xBC10];
	v51 =	vsub.f32 v38, v39;
	v0 =	vmax.f32 v0, v47  }
0x202: {  	v53 =	vsub.f32 v40, v41;
	v0 =	vmax.f32 v0, v49  }
0x203: {  	v54 =	vsub.f32 v42, v43;
	v0 =	vmax.f32 v0, v51  }
0x204: {  	v55 =	vsub.f32 v44, v45;
	v0 =	vmax.f32 v0, v53  }
0x205: {  	v56 =	vsub.f32 v46, v48;
	v0 =	vmax.f32 v0, v54  }
0x206: {  	v57 =	vsub.f32 v50, v52;
	v0 =	vmax.f32 v0, v55  }
0x207: {  	v0 =	vmax.f32 v0, v56  }
0x208: {  	v0 =	vmax.f32 v0, v57  }
0x209: {  	[tilespmem:s22+$0xFFFFFFA0] =	vst v0  }
0x20a: {  	v0 =	vld [tilespmem:s23+$0x7820]  }
0x20b: {  	v58 =	vld [tilespmem:s23+$0xB820]  }
0x20c: {  	v59 =	vld [tilespmem:s23+$0x78A0]  }
0x20d: {  	v60 =	vld [tilespmem:s23+$0xB8A0]  }
0x20e: {  	v61 =	vld [tilespmem:s23+$0x7920]  }
0x20f: {  	v62 =	vld [tilespmem:s23+$0xB920]  }
0x210: {  	v63 =	vld [tilespmem:s23+$0x79A0]  }
0x211: {  	v16 =	vld [tilespmem:s23+$0xB9A0]  }
0x212: {  	v17 =	vld [tilespmem:s23+$0x7A20]  }
0x213: {  	v18 =	vld [tilespmem:s23+$0xBA20]  }
0x214: {  	v19 =	vld [tilespmem:s23+$0x7AA0]  }
0x215: {  	v20 =	vld [tilespmem:s23+$0xBAA0]  }
0x216: {  	v21 =	vld [tilespmem:s23+$0x7B20]  }
0x217: {  	v22 =	vld [tilespmem:s23+$0xBB20]  }
0x218: {  	v23 =	vld [tilespmem:s23+$0x7BA0]  }
0x219: {  	v25 =	vld [tilespmem:s23+$0xBBA0];
	v0 =	vsub.f32 v0, v58;
	v24 =	vsub.f32 v59, v60  }
0x21a: {  	v27 =	vld [tilespmem:s23+$0x7C20];
	v26 =	vsub.f32 v61, v62  }
0x21b: {  	v29 =	vld [tilespmem:s23+$0xBC20];
	v28 =	vsub.f32 v63, v16;
	v0 =	vmax.f32 v0, v24  }
0x21c: {  	v30 =	vsub.f32 v17, v18;
	v0 =	vmax.f32 v0, v26  }
0x21d: {  	v31 =	vsub.f32 v19, v20;
	v0 =	vmax.f32 v0, v28  }
0x21e: {  	v32 =	vsub.f32 v21, v22;
	v0 =	vmax.f32 v0, v30  }
0x21f: {  	v33 =	vsub.f32 v23, v25;
	v0 =	vmax.f32 v0, v31  }
0x220: {  	v34 =	vsub.f32 v27, v29;
	v0 =	vmax.f32 v0, v32  }
0x221: {  	v0 =	vmax.f32 v0, v33  }
0x222: {  	v0 =	vmax.f32 v0, v34  }
0x223: {  	[tilespmem:s22+$0xFFFFFFB0] =	vst v0  }
0x224: {  	v0 =	vld [tilespmem:s23+$0x7830]  }
0x225: {  	v35 =	vld [tilespmem:s23+$0xB830]  }
0x226: {  	v36 =	vld [tilespmem:s23+$0x78B0]  }
0x227: {  	v37 =	vld [tilespmem:s23+$0xB8B0]  }
0x228: {  	v38 =	vld [tilespmem:s23+$0x7930]  }
0x229: {  	v39 =	vld [tilespmem:s23+$0xB930]  }
0x22a: {  	v40 =	vld [tilespmem:s23+$0x79B0]  }
0x22b: {  	v41 =	vld [tilespmem:s23+$0xB9B0]  }
0x22c: {  	v42 =	vld [tilespmem:s23+$0x7A30]  }
0x22d: {  	v43 =	vld [tilespmem:s23+$0xBA30]  }
0x22e: {  	v44 =	vld [tilespmem:s23+$0x7AB0]  }
0x22f: {  	v45 =	vld [tilespmem:s23+$0xBAB0]  }
0x230: {  	v46 =	vld [tilespmem:s23+$0x7B30]  }
0x231: {  	v47 =	vld [tilespmem:s23+$0xBB30]  }
0x232: {  	v48 =	vld [tilespmem:s23+$0x7BB0]  }
0x233: {  	v50 =	vld [tilespmem:s23+$0xBBB0];
	v0 =	vsub.f32 v0, v35;
	v49 =	vsub.f32 v36, v37  }
0x234: {  	v52 =	vld [tilespmem:s23+$0x7C30];
	v51 =	vsub.f32 v38, v39  }
0x235: {  	v54 =	vld [tilespmem:s23+$0xBC30];
	v53 =	vsub.f32 v40, v41;
	v0 =	vmax.f32 v0, v49  }
0x236: {  	v55 =	vsub.f32 v42, v43;
	v0 =	vmax.f32 v0, v51  }
0x237: {  	v56 =	vsub.f32 v44, v45;
	v0 =	vmax.f32 v0, v53  }
0x238: {  	v57 =	vsub.f32 v46, v47;
	v0 =	vmax.f32 v0, v55  }
0x239: {  	v58 =	vsub.f32 v48, v50;
	v0 =	vmax.f32 v0, v56  }
0x23a: {  	v59 =	vsub.f32 v52, v54;
	v0 =	vmax.f32 v0, v57  }
0x23b: {  	v0 =	vmax.f32 v0, v58  }
0x23c: {  	v0 =	vmax.f32 v0, v59  }
0x23d: {  	[tilespmem:s22+$0xFFFFFFC0] =	vst v0  }
0x23e: {  	v0 =	vld [tilespmem:s23+$0x7840]  }
0x23f: {  	v60 =	vld [tilespmem:s23+$0xB840]  }
0x240: {  	v61 =	vld [tilespmem:s23+$0x78C0]  }
0x241: {  	v62 =	vld [tilespmem:s23+$0xB8C0]  }
0x242: {  	v63 =	vld [tilespmem:s23+$0x7940]  }
0x243: {  	v16 =	vld [tilespmem:s23+$0xB940]  }
0x244: {  	v17 =	vld [tilespmem:s23+$0x79C0]  }
0x245: {  	v18 =	vld [tilespmem:s23+$0xB9C0]  }
0x246: {  	v19 =	vld [tilespmem:s23+$0x7A40]  }
0x247: {  	v20 =	vld [tilespmem:s23+$0xBA40]  }
0x248: {  	v21 =	vld [tilespmem:s23+$0x7AC0]  }
0x249: {  	v22 =	vld [tilespmem:s23+$0xBAC0]  }
0x24a: {  	v23 =	vld [tilespmem:s23+$0x7B40]  }
0x24b: {  	v24 =	vld [tilespmem:s23+$0xBB40]  }
0x24c: {  	v25 =	vld [tilespmem:s23+$0x7BC0]  }
0x24d: {  	v27 =	vld [tilespmem:s23+$0xBBC0];
	v0 =	vsub.f32 v0, v60;
	v26 =	vsub.f32 v61, v62  }
0x24e: {  	v29 =	vld [tilespmem:s23+$0x7C40];
	v28 =	vsub.f32 v63, v16  }
0x24f: {  	v31 =	vld [tilespmem:s23+$0xBC40];
	v30 =	vsub.f32 v17, v18;
	v0 =	vmax.f32 v0, v26  }
0x250: {  	v32 =	vsub.f32 v19, v20;
	v0 =	vmax.f32 v0, v28  }
0x251: {  	v33 =	vsub.f32 v21, v22;
	v0 =	vmax.f32 v0, v30  }
0x252: {  	v34 =	vsub.f32 v23, v24;
	v0 =	vmax.f32 v0, v32  }
0x253: {  	v35 =	vsub.f32 v25, v27;
	v0 =	vmax.f32 v0, v33  }
0x254: {  	v36 =	vsub.f32 v29, v31;
	v0 =	vmax.f32 v0, v34  }
0x255: {  	v0 =	vmax.f32 v0, v35  }
0x256: {  	v0 =	vmax.f32 v0, v36  }
0x257: {  	[tilespmem:s22+$0xFFFFFFD0] =	vst v0  }
0x258: {  	v0 =	vld [tilespmem:s23+$0x7850]  }
0x259: {  	v37 =	vld [tilespmem:s23+$0xB850]  }
0x25a: {  	v38 =	vld [tilespmem:s23+$0x78D0]  }
0x25b: {  	v39 =	vld [tilespmem:s23+$0xB8D0]  }
0x25c: {  	v40 =	vld [tilespmem:s23+$0x7950]  }
0x25d: {  	v41 =	vld [tilespmem:s23+$0xB950]  }
0x25e: {  	v42 =	vld [tilespmem:s23+$0x79D0]  }
0x25f: {  	v43 =	vld [tilespmem:s23+$0xB9D0]  }
0x260: {  	v44 =	vld [tilespmem:s23+$0x7A50]  }
0x261: {  	v45 =	vld [tilespmem:s23+$0xBA50]  }
0x262: {  	v46 =	vld [tilespmem:s23+$0x7AD0]  }
0x263: {  	v47 =	vld [tilespmem:s23+$0xBAD0]  }
0x264: {  	v48 =	vld [tilespmem:s23+$0x7B50]  }
0x265: {  	v49 =	vld [tilespmem:s23+$0xBB50]  }
0x266: {  	v50 =	vld [tilespmem:s23+$0x7BD0]  }
0x267: {  	v52 =	vld [tilespmem:s23+$0xBBD0];
	v0 =	vsub.f32 v0, v37;
	v51 =	vsub.f32 v38, v39  }
0x268: {  	v54 =	vld [tilespmem:s23+$0x7C50];
	v53 =	vsub.f32 v40, v41  }
0x269: {  	v56 =	vld [tilespmem:s23+$0xBC50];
	v55 =	vsub.f32 v42, v43;
	v0 =	vmax.f32 v0, v51  }
0x26a: {  	v57 =	vsub.f32 v44, v45;
	v0 =	vmax.f32 v0, v53  }
0x26b: {  	v58 =	vsub.f32 v46, v47;
	v0 =	vmax.f32 v0, v55  }
0x26c: {  	v59 =	vsub.f32 v48, v49;
	v0 =	vmax.f32 v0, v57  }
0x26d: {  	v60 =	vsub.f32 v50, v52;
	v0 =	vmax.f32 v0, v58  }
0x26e: {  	v61 =	vsub.f32 v54, v56;
	v0 =	vmax.f32 v0, v59  }
0x26f: {  	v0 =	vmax.f32 v0, v60  }
0x270: {  	v0 =	vmax.f32 v0, v61  }
0x271: {  	[tilespmem:s22+$0xFFFFFFE0] =	vst v0  }
0x272: {  	v0 =	vld [tilespmem:s23+$0x7860]  }
0x273: {  	v62 =	vld [tilespmem:s23+$0xB860]  }
0x274: {  	v63 =	vld [tilespmem:s23+$0x78E0]  }
0x275: {  	v16 =	vld [tilespmem:s23+$0xB8E0]  }
0x276: {  	v17 =	vld [tilespmem:s23+$0x7960]  }
0x277: {  	v18 =	vld [tilespmem:s23+$0xB960]  }
0x278: {  	v19 =	vld [tilespmem:s23+$0x79E0]  }
0x279: {  	v20 =	vld [tilespmem:s23+$0xB9E0]  }
0x27a: {  	v21 =	vld [tilespmem:s23+$0x7A60]  }
0x27b: {  	v22 =	vld [tilespmem:s23+$0xBA60]  }
0x27c: {  	v23 =	vld [tilespmem:s23+$0x7AE0]  }
0x27d: {  	v24 =	vld [tilespmem:s23+$0xBAE0]  }
0x27e: {  	v25 =	vld [tilespmem:s23+$0x7B60]  }
0x27f: {  	v26 =	vld [tilespmem:s23+$0xBB60]  }
0x280: {  	v27 =	vld [tilespmem:s23+$0x7BE0]  }
0x281: {  	v29 =	vld [tilespmem:s23+$0xBBE0];
	v0 =	vsub.f32 v0, v62;
	v28 =	vsub.f32 v63, v16  }
0x282: {  	v31 =	vld [tilespmem:s23+$0x7C60];
	v30 =	vsub.f32 v17, v18  }
0x283: {  	v33 =	vld [tilespmem:s23+$0xBC60];
	v32 =	vsub.f32 v19, v20;
	v0 =	vmax.f32 v0, v28  }
0x284: {  	v34 =	vsub.f32 v21, v22;
	v0 =	vmax.f32 v0, v30  }
0x285: {  	v35 =	vsub.f32 v23, v24;
	v0 =	vmax.f32 v0, v32  }
0x286: {  	v36 =	vsub.f32 v25, v26;
	v0 =	vmax.f32 v0, v34  }
0x287: {  	v37 =	vsub.f32 v27, v29;
	v0 =	vmax.f32 v0, v35  }
0x288: {  	v38 =	vsub.f32 v31, v33;
	v0 =	vmax.f32 v0, v36  }
0x289: {  	v0 =	vmax.f32 v0, v37  }
0x28a: {  	v0 =	vmax.f32 v0, v38  }
0x28b: {  	[tilespmem:s22+$0xFFFFFFF0] =	vst v0  }
0x28c: {  	v0 =	vld [tilespmem:s23+$0x7870]  }
0x28d: {  	v39 =	vld [tilespmem:s23+$0xB870]  }
0x28e: {  	v40 =	vld [tilespmem:s23+$0x78F0]  }
0x28f: {  	v41 =	vld [tilespmem:s23+$0xB8F0]  }
0x290: {  	v42 =	vld [tilespmem:s23+$0x7970]  }
0x291: {  	v43 =	vld [tilespmem:s23+$0xB970]  }
0x292: {  	v44 =	vld [tilespmem:s23+$0x79F0]  }
0x293: {  	v45 =	vld [tilespmem:s23+$0xB9F0]  }
0x294: {  	v46 =	vld [tilespmem:s23+$0x7A70]  }
0x295: {  	v47 =	vld [tilespmem:s23+$0xBA70]  }
0x296: {  	v48 =	vld [tilespmem:s23+$0x7AF0]  }
0x297: {  	v49 =	vld [tilespmem:s23+$0xBAF0]  }
0x298: {  	v50 =	vld [tilespmem:s23+$0x7B70]  }
0x299: {  	v51 =	vld [tilespmem:s23+$0xBB70]  }
0x29a: {  	v52 =	vld [tilespmem:s23+$0x7BF0]  }
0x29b: {  	v54 =	vld [tilespmem:s23+$0xBBF0];
	v0 =	vsub.f32 v0, v39;
	v53 =	vsub.f32 v40, v41  }
0x29c: {  	v56 =	vld [tilespmem:s23+$0x7C70];
	v55 =	vsub.f32 v42, v43  }
0x29d: {  	v58 =	vld [tilespmem:s23+$0xBC70];
	v57 =	vsub.f32 v44, v45;
	v0 =	vmax.f32 v0, v53  }
0x29e: {  	v59 =	vsub.f32 v46, v47;
	v0 =	vmax.f32 v0, v55  }
0x29f: {  	v60 =	vsub.f32 v48, v49;
	v0 =	vmax.f32 v0, v57  }
0x2a0: {  	p0 =	sne.s32 s21, $0xEA00;
	v61 =	vsub.f32 v50, v51;
	v0 =	vmax.f32 v0, v59  }
.Ltmp2:
0x2a1: {  	v62 =	vsub.f32 v52, v54;
	v0 =	vmax.f32 v0, v60;
	(pc) =	sbr.rel @p0 .LBB2_7-.Ltmp2, $4  }
0x2a2: {  	v63 =	vsub.f32 v56, v58;
	v0 =	vmax.f32 v0, v61  }
0x2a3: {  	v0 =	vmax.f32 v0, v62  }
0x2a4: {  	v0 =	vmax.f32 v0, v63  }
0x2a5: {  	s21 =	sadd.s32 $0x1200, s21;
	[tilespmem:s22+$0x0] =	vst v0;
	s22 =	sadd.s32 $0x80, s22  }
0x2a6: {  	s21 =	sor.u32 $0x180, s20  }
0x2a7: {  	[tilespmem:s14], [sflag:$0x2] =	stream.indirect.gather [hbm4b:s3+s10], $0x80, s21, s10, $0xb8;
	[tilespmem:$0x19400] =	vst v63  }
0x2a8: {  	s31 =	sadd.s32 $0x3D80, s20  }
0x2a9: {  	[tilespmem:s15], [sflag:$0x2] =	stream.indirect.gather [hbm4b:s3+s10], $0x80, s31, s10, $0xb8;
	[tilespmem:$0x19400] =	vst v63  }
0x2aa: {  	_ =	swait.ge [sflag:s16], $0x4000  }
0x2ab: {  	[sflag:s16] =	ssyncset.done $0x0  }
0x2ac: {  	[sflag:s16] =	ssyncadd.s32 $0xFFFFC000  }
0x2ad: {  	_ =	swait.ge [sflag:s16], $0x4000  }
0x2ae: {  	[sflag:s16] =	ssyncset.done $0x0  }
0x2af: {  	s20 =	simm.s32 $0x0;
	s21 =	simm.s32 $0x18D70;
	[sflag:s16] =	ssyncadd.s32 $0xFFFFC000  }
.LBB2_9:
0x2b0: {  	s22 =	sshra.s32 s20, $0x2  }
0x2b1: {  	v0 =	vld [tilespmem:s22+$0xF800]  }
0x2b2: {  	v1 =	vld [tilespmem:s22+$0x13800]  }
0x2b3: {  	v2 =	vld [tilespmem:s22+$0xF880]  }
0x2b4: {  	v3 =	vld [tilespmem:s22+$0x13880]  }
0x2b5: {  	v4 =	vld [tilespmem:s22+$0xF900]  }
0x2b6: {  	v5 =	vld [tilespmem:s22+$0x13900]  }
0x2b7: {  	v6 =	vld [tilespmem:s22+$0xF980]  }
0x2b8: {  	v7 =	vld [tilespmem:s22+$0x13980]  }
0x2b9: {  	v8 =	vld [tilespmem:s22+$0xFA00]  }
0x2ba: {  	v9 =	vld [tilespmem:s22+$0x13A00]  }
0x2bb: {  	v10 =	vld [tilespmem:s22+$0xFA80]  }
0x2bc: {  	v11 =	vld [tilespmem:s22+$0x13A80]  }
0x2bd: {  	v12 =	vld [tilespmem:s22+$0xFB00]  }
0x2be: {  	v13 =	vld [tilespmem:s22+$0x13B00]  }
0x2bf: {  	v14 =	vld [tilespmem:s22+$0xFB80]  }
0x2c0: {  	v23 =	vld [tilespmem:s22+$0x13B80];
	v0 =	vsub.f32 v0, v1;
	v22 =	vsub.f32 v2, v3  }
0x2c1: {  	v25 =	vld [tilespmem:s22+$0xFC00];
	v24 =	vsub.f32 v4, v5  }
0x2c2: {  	v27 =	vld [tilespmem:s22+$0x13C00];
	v26 =	vsub.f32 v6, v7;
	v0 =	vmax.f32 v0, v22  }
0x2c3: {  	v28 =	vsub.f32 v8, v9;
	v0 =	vmax.f32 v0, v24  }
0x2c4: {  	v29 =	vsub.f32 v10, v11;
	v0 =	vmax.f32 v0, v26  }
0x2c5: {  	v30 =	vsub.f32 v12, v13;
	v0 =	vmax.f32 v0, v28  }
0x2c6: {  	v31 =	vsub.f32 v14, v23;
	v0 =	vmax.f32 v0, v29  }
0x2c7: {  	v32 =	vsub.f32 v25, v27;
	v0 =	vmax.f32 v0, v30  }
0x2c8: {  	v0 =	vmax.f32 v0, v31  }
0x2c9: {  	v0 =	vmax.f32 v0, v32  }
0x2ca: {  	[tilespmem:s21+$0xFFFFFF90] =	vst v0  }
0x2cb: {  	v0 =	vld [tilespmem:s22+$0xF810]  }
0x2cc: {  	v33 =	vld [tilespmem:s22+$0x13810]  }
0x2cd: {  	v34 =	vld [tilespmem:s22+$0xF890]  }
0x2ce: {  	v35 =	vld [tilespmem:s22+$0x13890]  }
0x2cf: {  	v36 =	vld [tilespmem:s22+$0xF910]  }
0x2d0: {  	v37 =	vld [tilespmem:s22+$0x13910]  }
0x2d1: {  	v38 =	vld [tilespmem:s22+$0xF990]  }
0x2d2: {  	v39 =	vld [tilespmem:s22+$0x13990]  }
0x2d3: {  	v40 =	vld [tilespmem:s22+$0xFA10]  }
0x2d4: {  	v41 =	vld [tilespmem:s22+$0x13A10]  }
0x2d5: {  	v42 =	vld [tilespmem:s22+$0xFA90]  }
0x2d6: {  	v43 =	vld [tilespmem:s22+$0x13A90]  }
0x2d7: {  	v44 =	vld [tilespmem:s22+$0xFB10]  }
0x2d8: {  	v45 =	vld [tilespmem:s22+$0x13B10]  }
0x2d9: {  	v46 =	vld [tilespmem:s22+$0xFB90]  }
0x2da: {  	v48 =	vld [tilespmem:s22+$0x13B90];
	v0 =	vsub.f32 v0, v33;
	v47 =	vsub.f32 v34, v35  }
0x2db: {  	v50 =	vld [tilespmem:s22+$0xFC10];
	v49 =	vsub.f32 v36, v37  }
0x2dc: {  	v52 =	vld [tilespmem:s22+$0x13C10];
	v51 =	vsub.f32 v38, v39;
	v0 =	vmax.f32 v0, v47  }
0x2dd: {  	v53 =	vsub.f32 v40, v41;
	v0 =	vmax.f32 v0, v49  }
0x2de: {  	v54 =	vsub.f32 v42, v43;
	v0 =	vmax.f32 v0, v51  }
0x2df: {  	v55 =	vsub.f32 v44, v45;
	v0 =	vmax.f32 v0, v53  }
0x2e0: {  	v56 =	vsub.f32 v46, v48;
	v0 =	vmax.f32 v0, v54  }
0x2e1: {  	v57 =	vsub.f32 v50, v52;
	v0 =	vmax.f32 v0, v55  }
0x2e2: {  	v0 =	vmax.f32 v0, v56  }
0x2e3: {  	v0 =	vmax.f32 v0, v57  }
0x2e4: {  	[tilespmem:s21+$0xFFFFFFA0] =	vst v0  }
0x2e5: {  	v0 =	vld [tilespmem:s22+$0xF820]  }
0x2e6: {  	v58 =	vld [tilespmem:s22+$0x13820]  }
0x2e7: {  	v59 =	vld [tilespmem:s22+$0xF8A0]  }
0x2e8: {  	v60 =	vld [tilespmem:s22+$0x138A0]  }
0x2e9: {  	v61 =	vld [tilespmem:s22+$0xF920]  }
0x2ea: {  	v62 =	vld [tilespmem:s22+$0x13920]  }
0x2eb: {  	v63 =	vld [tilespmem:s22+$0xF9A0]  }
0x2ec: {  	v16 =	vld [tilespmem:s22+$0x139A0]  }
0x2ed: {  	v17 =	vld [tilespmem:s22+$0xFA20]  }
0x2ee: {  	v18 =	vld [tilespmem:s22+$0x13A20]  }
0x2ef: {  	v19 =	vld [tilespmem:s22+$0xFAA0]  }
0x2f0: {  	v20 =	vld [tilespmem:s22+$0x13AA0]  }
0x2f1: {  	v21 =	vld [tilespmem:s22+$0xFB20]  }
0x2f2: {  	v22 =	vld [tilespmem:s22+$0x13B20]  }
0x2f3: {  	v23 =	vld [tilespmem:s22+$0xFBA0]  }
0x2f4: {  	v25 =	vld [tilespmem:s22+$0x13BA0];
	v0 =	vsub.f32 v0, v58;
	v24 =	vsub.f32 v59, v60  }
0x2f5: {  	v27 =	vld [tilespmem:s22+$0xFC20];
	v26 =	vsub.f32 v61, v62  }
0x2f6: {  	v29 =	vld [tilespmem:s22+$0x13C20];
	v28 =	vsub.f32 v63, v16;
	v0 =	vmax.f32 v0, v24  }
0x2f7: {  	v30 =	vsub.f32 v17, v18;
	v0 =	vmax.f32 v0, v26  }
0x2f8: {  	v31 =	vsub.f32 v19, v20;
	v0 =	vmax.f32 v0, v28  }
0x2f9: {  	v32 =	vsub.f32 v21, v22;
	v0 =	vmax.f32 v0, v30  }
0x2fa: {  	v33 =	vsub.f32 v23, v25;
	v0 =	vmax.f32 v0, v31  }
0x2fb: {  	v34 =	vsub.f32 v27, v29;
	v0 =	vmax.f32 v0, v32  }
0x2fc: {  	v0 =	vmax.f32 v0, v33  }
0x2fd: {  	v0 =	vmax.f32 v0, v34  }
0x2fe: {  	[tilespmem:s21+$0xFFFFFFB0] =	vst v0  }
0x2ff: {  	v0 =	vld [tilespmem:s22+$0xF830]  }
0x300: {  	v35 =	vld [tilespmem:s22+$0x13830]  }
0x301: {  	v36 =	vld [tilespmem:s22+$0xF8B0]  }
0x302: {  	v37 =	vld [tilespmem:s22+$0x138B0]  }
0x303: {  	v38 =	vld [tilespmem:s22+$0xF930]  }
0x304: {  	v39 =	vld [tilespmem:s22+$0x13930]  }
0x305: {  	v40 =	vld [tilespmem:s22+$0xF9B0]  }
0x306: {  	v41 =	vld [tilespmem:s22+$0x139B0]  }
0x307: {  	v42 =	vld [tilespmem:s22+$0xFA30]  }
0x308: {  	v43 =	vld [tilespmem:s22+$0x13A30]  }
0x309: {  	v44 =	vld [tilespmem:s22+$0xFAB0]  }
0x30a: {  	v45 =	vld [tilespmem:s22+$0x13AB0]  }
0x30b: {  	v46 =	vld [tilespmem:s22+$0xFB30]  }
0x30c: {  	v47 =	vld [tilespmem:s22+$0x13B30]  }
0x30d: {  	v48 =	vld [tilespmem:s22+$0xFBB0]  }
0x30e: {  	v50 =	vld [tilespmem:s22+$0x13BB0];
	v0 =	vsub.f32 v0, v35;
	v49 =	vsub.f32 v36, v37  }
0x30f: {  	v52 =	vld [tilespmem:s22+$0xFC30];
	v51 =	vsub.f32 v38, v39  }
0x310: {  	v54 =	vld [tilespmem:s22+$0x13C30];
	v53 =	vsub.f32 v40, v41;
	v0 =	vmax.f32 v0, v49  }
0x311: {  	v55 =	vsub.f32 v42, v43;
	v0 =	vmax.f32 v0, v51  }
0x312: {  	v56 =	vsub.f32 v44, v45;
	v0 =	vmax.f32 v0, v53  }
0x313: {  	v57 =	vsub.f32 v46, v47;
	v0 =	vmax.f32 v0, v55  }
0x314: {  	v58 =	vsub.f32 v48, v50;
	v0 =	vmax.f32 v0, v56  }
0x315: {  	v59 =	vsub.f32 v52, v54;
	v0 =	vmax.f32 v0, v57  }
0x316: {  	v0 =	vmax.f32 v0, v58  }
0x317: {  	v0 =	vmax.f32 v0, v59  }
0x318: {  	[tilespmem:s21+$0xFFFFFFC0] =	vst v0  }
0x319: {  	v0 =	vld [tilespmem:s22+$0xF840]  }
0x31a: {  	v60 =	vld [tilespmem:s22+$0x13840]  }
0x31b: {  	v61 =	vld [tilespmem:s22+$0xF8C0]  }
0x31c: {  	v62 =	vld [tilespmem:s22+$0x138C0]  }
0x31d: {  	v63 =	vld [tilespmem:s22+$0xF940]  }
0x31e: {  	v16 =	vld [tilespmem:s22+$0x13940]  }
0x31f: {  	v17 =	vld [tilespmem:s22+$0xF9C0]  }
0x320: {  	v18 =	vld [tilespmem:s22+$0x139C0]  }
0x321: {  	v19 =	vld [tilespmem:s22+$0xFA40]  }
0x322: {  	v20 =	vld [tilespmem:s22+$0x13A40]  }
0x323: {  	v21 =	vld [tilespmem:s22+$0xFAC0]  }
0x324: {  	v22 =	vld [tilespmem:s22+$0x13AC0]  }
0x325: {  	v23 =	vld [tilespmem:s22+$0xFB40]  }
0x326: {  	v24 =	vld [tilespmem:s22+$0x13B40]  }
0x327: {  	v25 =	vld [tilespmem:s22+$0xFBC0]  }
0x328: {  	v27 =	vld [tilespmem:s22+$0x13BC0];
	v0 =	vsub.f32 v0, v60;
	v26 =	vsub.f32 v61, v62  }
0x329: {  	v29 =	vld [tilespmem:s22+$0xFC40];
	v28 =	vsub.f32 v63, v16  }
0x32a: {  	v31 =	vld [tilespmem:s22+$0x13C40];
	v30 =	vsub.f32 v17, v18;
	v0 =	vmax.f32 v0, v26  }
0x32b: {  	v32 =	vsub.f32 v19, v20;
	v0 =	vmax.f32 v0, v28  }
0x32c: {  	v33 =	vsub.f32 v21, v22;
	v0 =	vmax.f32 v0, v30  }
0x32d: {  	v34 =	vsub.f32 v23, v24;
	v0 =	vmax.f32 v0, v32  }
0x32e: {  	v35 =	vsub.f32 v25, v27;
	v0 =	vmax.f32 v0, v33  }
0x32f: {  	v36 =	vsub.f32 v29, v31;
	v0 =	vmax.f32 v0, v34  }
0x330: {  	v0 =	vmax.f32 v0, v35  }
0x331: {  	v0 =	vmax.f32 v0, v36  }
0x332: {  	[tilespmem:s21+$0xFFFFFFD0] =	vst v0  }
0x333: {  	v0 =	vld [tilespmem:s22+$0xF850]  }
0x334: {  	v37 =	vld [tilespmem:s22+$0x13850]  }
0x335: {  	v38 =	vld [tilespmem:s22+$0xF8D0]  }
0x336: {  	v39 =	vld [tilespmem:s22+$0x138D0]  }
0x337: {  	v40 =	vld [tilespmem:s22+$0xF950]  }
0x338: {  	v41 =	vld [tilespmem:s22+$0x13950]  }
0x339: {  	v42 =	vld [tilespmem:s22+$0xF9D0]  }
0x33a: {  	v43 =	vld [tilespmem:s22+$0x139D0]  }
0x33b: {  	v44 =	vld [tilespmem:s22+$0xFA50]  }
0x33c: {  	v45 =	vld [tilespmem:s22+$0x13A50]  }
0x33d: {  	v46 =	vld [tilespmem:s22+$0xFAD0]  }
0x33e: {  	v47 =	vld [tilespmem:s22+$0x13AD0]  }
0x33f: {  	v48 =	vld [tilespmem:s22+$0xFB50]  }
0x340: {  	v49 =	vld [tilespmem:s22+$0x13B50]  }
0x341: {  	v50 =	vld [tilespmem:s22+$0xFBD0]  }
0x342: {  	v52 =	vld [tilespmem:s22+$0x13BD0];
	v0 =	vsub.f32 v0, v37;
	v51 =	vsub.f32 v38, v39  }
0x343: {  	v54 =	vld [tilespmem:s22+$0xFC50];
	v53 =	vsub.f32 v40, v41  }
0x344: {  	v56 =	vld [tilespmem:s22+$0x13C50];
	v55 =	vsub.f32 v42, v43;
	v0 =	vmax.f32 v0, v51  }
0x345: {  	v57 =	vsub.f32 v44, v45;
	v0 =	vmax.f32 v0, v53  }
0x346: {  	v58 =	vsub.f32 v46, v47;
	v0 =	vmax.f32 v0, v55  }
0x347: {  	v59 =	vsub.f32 v48, v49;
	v0 =	vmax.f32 v0, v57  }
0x348: {  	v60 =	vsub.f32 v50, v52;
	v0 =	vmax.f32 v0, v58  }
0x349: {  	v61 =	vsub.f32 v54, v56;
	v0 =	vmax.f32 v0, v59  }
0x34a: {  	v0 =	vmax.f32 v0, v60  }
0x34b: {  	v0 =	vmax.f32 v0, v61  }
0x34c: {  	[tilespmem:s21+$0xFFFFFFE0] =	vst v0  }
0x34d: {  	v0 =	vld [tilespmem:s22+$0xF860]  }
0x34e: {  	v62 =	vld [tilespmem:s22+$0x13860]  }
0x34f: {  	v63 =	vld [tilespmem:s22+$0xF8E0]  }
0x350: {  	v16 =	vld [tilespmem:s22+$0x138E0]  }
0x351: {  	v17 =	vld [tilespmem:s22+$0xF960]  }
0x352: {  	v18 =	vld [tilespmem:s22+$0x13960]  }
0x353: {  	v19 =	vld [tilespmem:s22+$0xF9E0]  }
0x354: {  	v20 =	vld [tilespmem:s22+$0x139E0]  }
0x355: {  	v21 =	vld [tilespmem:s22+$0xFA60]  }
0x356: {  	v22 =	vld [tilespmem:s22+$0x13A60]  }
0x357: {  	v23 =	vld [tilespmem:s22+$0xFAE0]  }
0x358: {  	v24 =	vld [tilespmem:s22+$0x13AE0]  }
0x359: {  	v25 =	vld [tilespmem:s22+$0xFB60]  }
0x35a: {  	v26 =	vld [tilespmem:s22+$0x13B60]  }
0x35b: {  	v27 =	vld [tilespmem:s22+$0xFBE0]  }
0x35c: {  	v29 =	vld [tilespmem:s22+$0x13BE0];
	v0 =	vsub.f32 v0, v62;
	v28 =	vsub.f32 v63, v16  }
0x35d: {  	v31 =	vld [tilespmem:s22+$0xFC60];
	v30 =	vsub.f32 v17, v18  }
0x35e: {  	v33 =	vld [tilespmem:s22+$0x13C60];
	v32 =	vsub.f32 v19, v20;
	v0 =	vmax.f32 v0, v28  }
0x35f: {  	v34 =	vsub.f32 v21, v22;
	v0 =	vmax.f32 v0, v30  }
0x360: {  	v35 =	vsub.f32 v23, v24;
	v0 =	vmax.f32 v0, v32  }
0x361: {  	v36 =	vsub.f32 v25, v26;
	v0 =	vmax.f32 v0, v34  }
0x362: {  	v37 =	vsub.f32 v27, v29;
	v0 =	vmax.f32 v0, v35  }
0x363: {  	v38 =	vsub.f32 v31, v33;
	v0 =	vmax.f32 v0, v36  }
0x364: {  	v0 =	vmax.f32 v0, v37  }
0x365: {  	v0 =	vmax.f32 v0, v38  }
0x366: {  	[tilespmem:s21+$0xFFFFFFF0] =	vst v0  }
0x367: {  	v0 =	vld [tilespmem:s22+$0xF870]  }
0x368: {  	v39 =	vld [tilespmem:s22+$0x13870]  }
0x369: {  	v40 =	vld [tilespmem:s22+$0xF8F0]  }
0x36a: {  	v41 =	vld [tilespmem:s22+$0x138F0]  }
0x36b: {  	v42 =	vld [tilespmem:s22+$0xF970]  }
0x36c: {  	v43 =	vld [tilespmem:s22+$0x13970]  }
0x36d: {  	v44 =	vld [tilespmem:s22+$0xF9F0]  }
0x36e: {  	v45 =	vld [tilespmem:s22+$0x139F0]  }
0x36f: {  	v46 =	vld [tilespmem:s22+$0xFA70]  }
0x370: {  	v47 =	vld [tilespmem:s22+$0x13A70]  }
0x371: {  	v48 =	vld [tilespmem:s22+$0xFAF0]  }
0x372: {  	v49 =	vld [tilespmem:s22+$0x13AF0]  }
0x373: {  	v50 =	vld [tilespmem:s22+$0xFB70]  }
0x374: {  	v51 =	vld [tilespmem:s22+$0x13B70]  }
0x375: {  	v52 =	vld [tilespmem:s22+$0xFBF0]  }
0x376: {  	v54 =	vld [tilespmem:s22+$0x13BF0];
	v0 =	vsub.f32 v0, v39;
	v53 =	vsub.f32 v40, v41  }
0x377: {  	v56 =	vld [tilespmem:s22+$0xFC70];
	v55 =	vsub.f32 v42, v43  }
0x378: {  	v58 =	vld [tilespmem:s22+$0x13C70];
	v57 =	vsub.f32 v44, v45;
	v0 =	vmax.f32 v0, v53  }
0x379: {  	v59 =	vsub.f32 v46, v47;
	v0 =	vmax.f32 v0, v55  }
0x37a: {  	v60 =	vsub.f32 v48, v49;
	v0 =	vmax.f32 v0, v57  }
0x37b: {  	p0 =	sne.s32 s20, $0xEA00;
	v61 =	vsub.f32 v50, v51;
	v0 =	vmax.f32 v0, v59  }
.Ltmp3:
0x37c: {  	v62 =	vsub.f32 v52, v54;
	v0 =	vmax.f32 v0, v60;
	(pc) =	sbr.rel @p0 .LBB2_9-.Ltmp3, $4  }
0x37d: {  	v63 =	vsub.f32 v56, v58;
	v0 =	vmax.f32 v0, v61  }
0x37e: {  	v0 =	vmax.f32 v0, v62  }
0x37f: {  	v0 =	vmax.f32 v0, v63  }
0x380: {  	s20 =	sadd.s32 $0x1200, s20;
	[tilespmem:s21+$0x0] =	vst v0;
	s21 =	sadd.s32 $0x80, s21  }
0x381: {  	s20 =	smul.u32 $0x380, s19;
	s19 =	sadd.s32 $0x1, s19  }
0x382: {  	p0 =	sne.s32 s19, $0x1C  }
.Ltmp4:
0x383: {  	s20 =	sadd.s32 s6, s20;
	(pc) =	sbr.rel @p0 .LBB2_2-.Ltmp4, $4  }
0x384: {  	[hbm4b:s20+s2] =	stream.linear.scatter [tilespmem:s17], [sflag:$0x3], $0x1C00, $0x38;
	[tilespmem:$0x19400] =	vst v63  }
0x385: {  	_ =	swait.ge [sflag:s8], $0x1C00  }
0x386: {  	[sflag:s8] =	ssyncset.done $0x0  }
0x387: {  	[sflag:s8] =	ssyncadd.s32 $0xFFFFE400  }
0x388: {  	s18 =	sadd.s32 $0x1, s18  }
0x389: {  	p0 =	sne.s32 s18, s7  }
.Ltmp5:
0x38a: {  	_ = 	snop;
	(pc) =	sbr.rel @p0 .LBB2_1-.Ltmp5, $1  }
0x38b: {  	_ =	sdelay $0x3  }
0x38c: {  	_ =	sfence.sel $0x180000  }
0x38d: {  	[bflag:$0x0] =	sbarrier.arrive $0xFFFF  }
0x38e: {  	p0 =	sne.s32 s0, $0x0;
	_ =	strace $0x90000047  }
0x38f: {  	s0 =	sadd.s32 @!p0 $0x100000, s1;
	[bflag:$0x2] =	sbarrier.arrive $0xFFFF  }
0x390: {  	[sflag:s0] =	ssyncadd.tile.s32 @!p0 $0x1;
	_ =	shalt  }
.Lfunc_end2:
_tile_overlayer_lowered:
.L_overlay_start_2:
0x391: {  	(tag) =	ssettag $0x2  }
0x392: {  	s0 =	rddreg [dreg:$0x0];
	s2 =	stileid.u32  }
0x393: {  	s1 =	rddreg [dreg:$0x1];
	p0 =	sne.s32 s2, $0x0  }
0x394: {  	s3 =	rddreg [dreg:$0x2];
	[bflag:$0x3] =	sbarrier.arrive $0xFFFF;
	s2 =	simm.s32 @!p0 $0x1C03  }
0x395: {  	[timem:s3], [sflag:s2] =	dma.local @!p0 [hbm:s0], s1  }
0x396: {  	s0 =	simm.s32 @!p0 $0x3  }
0x397: {  	_ =	swait.ge @!p0 [sflag:s0], s1  }
0x398: {  	s1 =	ssub.s32 @!p0 $0x0, s1;
	[sflag:s0] =	ssyncset.done @!p0 $0x0  }
0x399: {  	[sflag:s0] =	ssyncadd.s32 @!p0 s1  }
0x39a: {  	[bflag:$0x3] =	sbarrier.arrive $0xFFFF  }
0x39b: {  	_ =	shalt  }

// kernel: sparse-core-data-format-call.cloned.1.call-start
scs
called_computation_lowered:
.L_overlay_start_0:
0x0: {  	s2 =	sld [smem:$0x3FD9]  }
0x1: {  	s3 =	sld [smem:$0x3FFE];
	_ =	sdelay $0x1  }
0x2: {  	s1 =	srdreg.scid  }
0x3: {  	s0 =	sand.u32 $0x1, s1  }
0x4: {  	s18 =	sshll.u32 s0, $0xA;
	s2 =	sadd.s32 s3, s2  }
0x5: {  	s2 =	sadd.s32 s2, s18  }
0x6: {  	[smem:$0x3FC2] =	sst s2  }
0x7: {  	_ = 	snop  }
0x8: {  	s2 =	sld [smem:$0x3FD0];
	(tm) =	ssettm $0x1  }
0x9: {  	s19 =	sld [smem:$0x3FFB];
	_ =	sdelay $0x3  }
0xa: {  	_ =	strace s19  }
0xb: {  	s3 =	sld [smem:$0x3FFC];
	_ =	sdelay $0x3  }
0xc: {  	_ =	strace s3  }
0xd: {  	s3 =	sld [smem:$0x3FFD];
	_ =	sdelay $0x3  }
0xe: {  	_ =	strace s3  }
0xf: {  	_ =	strace $0x8FFFFFFF  }
0x10: {  	s20 =	sld [smem:$0x3FDB];
	_ =	sdelay $0x1  }
0x11: {  	s4 =	simm.s32 $_scs_section_size  }
0x12: {  	s5 =	simm.s32 $_size__tile_overlayer_lowered;
	s6 =	simm.s32 $_tile_overlayer_lowered  }
0x13: {  	s23 =	simm.s32 $0x1BFF;
	s22 =	sshll.u32 s6, $0x1;
	s3 =	sadd.s32 s4, s20  }
0x14: {  	s7 =	simm.s32 $0x0;
	s21 =	sshll.u32 s5, $0x1;
	s5 =	sadd.s32 s22, s3  }
0x15: {  	[timem:s7], [sflag:s23] =	dma.local [hbm:s5], s21  }
0x16: {  	_ =	swait.ge [sflag:s23], s21  }
0x17: {  	s4 =	ssub.s32 $0x0, s21;
	[sflag:s23] =	ssyncset.done $0x0  }
0x18: {  	[sflag:s23] =	ssyncadd.s32 s4;
	_ =	sdelay $0x1  }
0x19: {  	s24 =	simm.s32 $0x1B8B  }
0x1a: {  	_ =	swait.ge [sflag:s24], $0x1  }
0x1b: {  	[sflag:s24] =	ssyncset.done $0x0  }
0x1c: {  	s26 =	simm.s32 $0x1B8E;
	s25 =	sld [smem:$0x3FFE];
	[sflag:s24] =	ssyncadd.s32 $0xFFFFFFFF  }
0x1d: {  	s27 =	simm.s32 $execute0_lowered;
	[smem:$0x3FD2] =	sst s26  }
0x1e: {  	s5 =	sshll.u32 s27, $0x1;
	_ =	strace $0x80000049;
	[dreg:$0x1] =	wrdreg $0xFFFFFFFF  }
0x1f: {  	s28 =	simm.s32 $_size_execute0_lowered;
	s3 =	sadd.s32 s3, s5;
	[dreg:$0x0] =	wrdreg $0x0  }
0x20: {  	s5 =	sshll.u32 s28, $0x1;
	[dreg:$0x2] =	wrdreg s3  }
0x21: {  	[dreg:$0x3] =	wrdreg s5  }
0x22: {  	[dreg:$0x4] =	wrdreg $0xC0  }
0x23: {  	_ =	task [dreg:s7], $0x5FFFF  }
0x24: {  	[dreg:$0x1] =	wrdreg $0xFFFFFFFF  }
0x25: {  	[dreg:$0x0] =	wrdreg $0x60  }
0x26: {  	[dreg:$0x2] =	wrdreg s25  }
0x27: {  	[dreg:$0x3] =	wrdreg s2  }
0x28: {  	[dreg:$0x4] =	wrdreg $0x9  }
0x29: {  	_ =	task.clear_ibuf [dreg:s7], $0x5FFFF;
	_ =	strace $0x90000049  }
0x2a: {  	s29 =	simm.s32 $0x9;
	_ =	strace $0x8000004B  }
0x2b: {  	_ =	swait.ge [sflag:s29], $0x1  }
0x2c: {  	[sflag:s29] =	ssyncadd.s32 $0xFFFFFFFF  }
0x2d: {  	_ =	strace $0x9000004B  }
0x2e: {  	_ =	sfence  }
0x2f: {  	s30 =	sld [smem:$0x0];
	_ =	sdelay $0x2  }
0x30: {  	s31 =	sshll.u32 s1, $0xD;
	s1 =	sshrl.u32 s1, $0x2  }
0x31: {  	s3 =	sand.u32 $0x4000, s31;
	s1 =	sadd.s32 s1, s30  }
0x32: {  	s0 =	sor.u32 s3, s0;
	s1 =	sshll.u32 s1, $0x11  }
0x33: {  	s0 =	sor.u32 s1, s0  }
0x34: {  	s0 =	sadd.s32 $0x8F2B, s0  }
0x35: {  	[sflag:s0] =	ssyncadd.remote.s32 $0x1  }
0x36: {  	_ =	sfence.sel $0xFFFF  }
0x37: {  	[dreg:$0x0] =	wrdreg $0xFFFFFFFF;
	(pc) =	sbr.abs _section_cstart, $3  }
0x38: {  	[dreg:$0x1] =	wrdreg $0xFFFFFFFF  }
0x39: {  	_ =	task.clear_ibuf [dreg:s7], $0x2FFFF;
	_ =	strace $0x9FFFFFFF  }
0x3a: {  	(tm) =	ssettm $0x7FFFFFFF  }
0x3b: {  	_ =	shalt  }
tec
execute0_lowered:
.L_overlay_start_1:
0x0: {  	(tag) =	ssettag $0x1  }
0x1: {  	s0 =	stileid.u32  }
0x2: {  	s1 =	srdreg.scid;
	s7 =	rddreg [dreg:$0x0];
	s31 =	simm.s32 $0x2  }
0x3: {  	s16 =	simm.s32 $0x0;
	p0 =	por $0x0, $0x0;
	s9 =	simm.s32 $0x100  }
0x4: {  	s15 =	simm.s32 $0x0;
	s10 =	simm.s32 $0x0;
	s11 =	simm.s32 $0x0  }
0x5: {  	s2 =	sshll.u32 s0, $0x7;
	s3 =	sshll.u32 s0, $0x6;
	s4 =	sshll.u32 s1, $0xA  }
0x6: {  	s14 =	simm.s32 $0x0;
	s1 =	sand.u32 $0x80, s2;
	s29 =	sor.u32 s3, s4  }
0x7: {  	s4 =	rddreg [dreg:$0x1];
	s3 =	sand.u32 $0x780, s29;
	s30 =	ssub.s32 $0x100, s1  }
0x8: {  	s5 =	sshrl.u32 s30, $0x7;
	s6 =	ssub.s32 $0xC300, s3;
	s8 =	sshrl.u32 s30, $0x8  }
.Ltmp0:
0x9: {  	s5 =	sand.u32 $0x1, s5;
	s6 =	sshrl.u32 s6, $0xB;
	(pc) =	sbr.rel .LBB1_1-.Ltmp0, $4  }
0xa: {  	s2 =	rddreg [dreg:$0x2];
	s8 =	sadd.s32 s8, s5;
	s6 =	sadd.s32 $0x1, s6  }
0xb: {  	_ =	strace $0x8000004A;
	s5 =	simm.s32 $0x1;
	s6 =	smul.u32 s8, s6  }
0xc: {  	s7 =	sadd.s32 $0xC5600, s7;
	s13 =	smov.u32 s1;
	[sflag:s5] =	ssyncpa.u1 $0x0  }
0xd: {  	s12 =	smov.u32 s3;
	[sflag:s31] =	ssyncpa.u1 $0x0;
	s8 =	sadd.s32 $0x1, s6  }
.LBB1_4:
0xe: {  	v5 =	vld [tilespmem:s18+$0xFFFFFFD0];
	[tilespmem:s20+$0x2040 ss:$0x81] =	vst.msk $0xffff, v3  }
0xf: {  	v58 =	vld [tilespmem:s18+$0xFFFFFFE0];
	[tilespmem:s20+$0x2850 ss:$0x81] =	vst.msk $0xffff, v4;
	s21 =	sshra.s32 s21, $0x2;
	p1 =	sgt.s32 s10, $0xC2D0;
	s22 =	smov.u32 s10  }
0x10: {  	v59 =	vld [tilespmem:s18+$0xFFFFFFF0];
	[tilespmem:s20+$0x3060 ss:$0x81] =	vst.msk $0xffff, v2;
	s30 =	sshra.s32 s10, $0x1F;
	s23 =	sshra.s32 s11, $0x1F;
	s19 =	sadd.s32 s21, s19  }
0x11: {  	v60 =	vld [tilespmem:s18+$0x0];
	[tilespmem:s20+$0x0 ss:$0x81] =	vst.msk $0xffff, v1;
	s22 =	simm.s32 @!p1 $0xC2D0;
	p1 =	sgt.s32 s11, $0x80;
	s21 =	smov.u32 s11  }
0x12: {  	v61 =	vld [tilespmem:s18+$0x10];
	s31 =	sand.u32 s30, s10;
	s23 =	sand.u32 s23, s11;
	[tilespmem:s19+$0x3870 ss:$0x81] =	vst.msk $0xffff, v0;
	s21 =	simm.s32 @!p1 $0x80  }
0x13: {  	v62 =	vld [tilespmem:s18+$0x20];
	s20 =	ssub.s32 s22, s31;
	s21 =	ssub.s32 s21, s23;
	[tilespmem:s19+$0x810 ss:$0x81] =	vst.msk $0xffff, v5  }
0x14: {  	v63 =	vld [tilespmem:s18+$0xFFFFFFC0];
	s24 =	sadd.s32 $0xFFFF3D30, s20;
	s20 =	ssub.s32 $0xC350, s20;
	s25 =	sadd.s32 $0xFFFFFF80, s21;
	[tilespmem:s19+$0x1020 ss:$0x81] =	vst.msk $0xffff, v58  }
0x15: {  	p1 =	sgt.s32 s24, $0x7F;
	s18 =	ssub.s32 $0x100, s21;
	[tilespmem:s19+$0x1830 ss:$0x81] =	vst.msk $0xffff, v59;
	p2 =	sgt.s32 s25, $0x7F  }
0x16: {  	s26 =	sshrl.u32 s11, $0x3;
	s20 =	simm.s32 @p1 $0x0;
	[tilespmem:s19+$0x2040 ss:$0x81] =	vst.msk $0xffff, v60;
	s18 =	simm.s32 @p2 $0x0  }
0x17: {  	s28 =	sand.u32 $0x7, s11;
	s27 =	sand.u32 $0x1F, s26;
	[tilespmem:s19+$0x2850 ss:$0x81] =	vst.msk $0xffff, v61;
	s18 =	smul.u32 s18, s20  }
0x18: {  	s29 =	sshll.u32 s10, $0x5;
	s21 =	sshll.u32 s28, $0x12;
	[tilespmem:s19+$0x3060 ss:$0x81] =	vst.msk $0xffff, v62;
	s20 =	sadd.s32 s4, s27  }
0x19: {  	[tilespmem:s19+$0x0 ss:$0x81] =	vst.msk $0xffff, v63;
	s31 =	sor.u32 $0x80, s21;
	s30 =	sadd.s32 s29, s20;
	s18 =	sand.u32 $0x3FFFFFFF, s18  }
0x1a: {  	[hbm4b:s30+s31] =	stream.strided.scatter [tilespmem:s17], [sflag:$0x2], s18, s9, s31, $0x20;
	[tilespmem:$0x10100] =	vst v63  }
.LBB1_5:
0x1b: {  	p1 =	slt.u32 s14, $0x2  }
0x1c: {  	s18 =	smov.u32 s16;
	p2 =	sgt.s32 @!p1 s16, $0xC2D0;
	s17 =	sshra.s32 @!p1 s16, $0x1F  }
0x1d: {  	p3 =	sgt.s32 @!p1 s15, $0x80;
	s19 =	sshra.s32 @!p1 s15, $0x1F;
	p2 =	por !p2, p1  }
0x1e: {  	s16 =	sand.u32 @!p1 s17, s16;
	p3 =	por !p3, p1;
	s17 =	smov.u32 s15  }
0x1f: {  	s15 =	sand.u32 @!p1 s19, s15;
	s18 =	simm.s32 @p2 $0xC2D0;
	s17 =	simm.s32 @p3 $0x80  }
0x20: {  	s16 =	ssub.s32 @!p1 s18, s16;
	s15 =	ssub.s32 @!p1 s17, s15  }
0x21: {  	s19 =	smov.u32 s13;
	s17 =	sadd.s32 @!p1 $0xFFFF3D30, s16;
	s18 =	sadd.s32 @!p1 $0xFFFFFF80, s15  }
0x22: {  	s16 =	ssub.s32 @!p1 $0xC350, s16;
	p2 =	sgt.s32 @!p1 s17, $0x7F;
	p3 =	sgt.s32 @!p1 s18, $0x7F  }
0x23: {  	s15 =	ssub.s32 @!p1 $0x100, s15;
	p2 =	por !p2, p1;
	p3 =	por !p3, p1  }
0x24: {  	s17 =	sadd.s32 $0x800, s12;
	s16 =	simm.s32 @!p2 $0x0;
	s15 =	simm.s32 @!p3 $0x0  }
0x25: {  	p2 =	sgt.s32 s17, $0xC34F;
	s15 =	smul.u32 @!p1 s15, s16;
	s16 =	sadd.s32 $0x100, s13  }
0x26: {  	s19 =	smov.u32 @p2 s16  }
0x27: {  	s17 =	smov.u32 @p2 s3;
	p2 =	sgt.s32 s19, $0xFF  }
0x28: {  	s19 =	smov.u32 @p2 s1;
	p2 =	sne.s32 s14, s8  }
.Ltmp1:
0x29: {  	p0 =	por !p0, !p0;
	s18 =	simm.s32 @!p1 $0x2;
	(pc) =	sbr.rel @!p2 .LBB1_6-.Ltmp1, $4  }
0x2a: {  	s16 =	smov.u32 s10;
	s10 =	smov.u32 s12;
	s15 =	sand.u32 @!p1 $0x3FFFFFFF, s15  }
0x2b: {  	s12 =	smov.u32 s17;
	_ =	swait.ge @!p1 [sflag:s18], s15;
	s20 =	ssub.s32 @!p1 $0x0, s15  }
0x2c: {  	s15 =	smov.u32 s11;
	s14 =	sadd.s32 $0x1, s14;
	[sflag:s18] =	ssyncset.done @!p1 $0x0  }
0x2d: {  	s11 =	smov.u32 s13;
	s13 =	smov.u32 s19;
	[sflag:s18] =	ssyncadd.s32 @!p1 s20  }
.LBB1_1:
0x2e: {  	p1 =	sge.u32 s14, s6  }
0x2f: {  	s17 =	sshrl.u32 @!p1 s13, $0x3  }
0x30: {  	s18 =	sshll.u32 @!p1 s12, $0x3;
	s17 =	smul.u32 @!p1 $0x61C00, s17  }
0x31: {  	s19 =	sshll.u32 @!p1 s13, $0x7;
	s18 =	sand.u32 @!p1 $0xFFFFFC00, s18  }
0x32: {  	s17 =	sadd.s32 @!p1 s17, s18;
	s18 =	sand.u32 @!p1 $0x380, s19  }
0x33: {  	s19 =	sand.u32 @!p1 $0x7F, s12;
	s17 =	sor.u32 @!p1 s18, s17  }
0x34: {  	s18 =	sor.u32 @!p1 s19, s17  }
0x35: {  	s19 =	smulhi.u32 @!p1 $0xA79C7B17, s18;
	_ =	sdelay $0x1  }
0x36: {  	s17 =	smulhi.u32 @!p1 $0xA79C7B17, s17;
	s19 =	sshrl.u32 @!p1 s19, $0xF  }
0x37: {  	s19 =	smul.u32 @!p1 $0xC380, s19  }
0x38: {  	s31 =	sadd.s32 $0xFFFFFFFF, s14;
	s20 =	sxor.u32 @!p1 $0xFFFFFFFF, s14;
	s17 =	sshrl.u32 @!p1 s17, $0xF  }
0x39: {  	s20 =	sshll.u32 @!p1 s20, $0xE;
	s17 =	sand.u32 @!p1 $0xFF, s17;
	s18 =	ssub.s32 @!p1 s18, s19  }
0x3a: {  	s17 =	smul.u32 @!p1 $0x1870, s17;
	s19 =	sshrl.u32 @!p1 s18, $0x3;
	s18 =	sand.u32 @!p1 $0x7, s18  }
0x3b: {  	s20 =	sand.u32 @!p1 $0x4000, s20;
	s19 =	sadd.s32 @!p1 s7, s19;
	s18 =	sshll.u32 @!p1 s18, $0x12  }
0x3c: {  	s17 =	sadd.s32 @!p1 s17, s19;
	s18 =	sor.u32 @!p1 $0x400, s18;
	s19 =	simm.s32 @!p1 $0x61C00  }
0x3d: {  	[tilespmem:s20], [sflag:$0x1] =	stream.strided.gather @!p1 [hbm4b:s17+s18], $0x4000, s19, s18, $0x38;
	[tilespmem:$0x10100] =	vst v63  }
0x3e: {  	p1 =	sge.u32 s31, s6  }
.Ltmp2:
0x3f: {  	_ = 	snop;
	(pc) =	sbr.rel @p1 .LBB1_5-.Ltmp2, $1  }
0x40: {  	_ =	sdelay $0x3  }
0x41: {  	s17 =	simm.s32 $0x1  }
0x42: {  	_ =	swait.ge [sflag:s5], $0x4000;
	s17 =	simm.s32 @!p0 $0x0  }
0x43: {  	[sflag:s5] =	ssyncset.done $0x0;
	s18 =	sshll.u32 s17, $0xE  }
0x44: {  	[sflag:s5] =	ssyncadd.s32 $0xFFFFC000;
	s18 =	sor.u32 $0x40, s18  }
0x45: {  	s17 =	smul.u32 $0x10200, s17;
	v0 =	vld [tilespmem:s18+$0x30]  }
0x46: {  	v1 =	vld [tilespmem:s18+$0xFFFFFFD0]  }
0x47: {  	s17 =	sshrl.u32 s17, $0x2;
	v5 =	vld [tilespmem:s18+$0xFFFFFFE0]  }
0x48: {  	v6 =	vld [tilespmem:s18+$0xFFFFFFF0];
	s19 =	sor.u32 $0x8000, s17  }
0x49: {  	s31 =	sand.u32 $0x1, s14;
	v3 =	vld [tilespmem:s18+$0x0];
	s20 =	sadd.s32 $0x0, s19  }
0x4a: {  	v4 =	vld [tilespmem:s18+$0x10];
	s17 =	smul.u32 $0x10200, s31;
	[tilespmem:s20+$0x3870 ss:$0x81] =	vst.msk $0xffff, v0  }
0x4b: {  	v2 =	vld [tilespmem:s18+$0x20];
	[tilespmem:s20+$0x810 ss:$0x81] =	vst.msk $0xffff, v1  }
0x4c: {  	s17 =	sshrl.u32 s17, $0x2;
	v1 =	vld [tilespmem:s18+$0xFFFFFFC0];
	[tilespmem:s20+$0x1020 ss:$0x81] =	vst.msk $0xffff, v5;
	s18 =	sadd.s32 $0x80, s18  }
0x4d: {  	s21 =	simm.s32 $0x4;
	s22 =	simm.s32 $0x8;
	s17 =	sor.u32 $0x8000, s17;
	[tilespmem:s20+$0x1830 ss:$0x81] =	vst.msk $0xffff, v6;
	v0 =	vld [tilespmem:s18+$0x30]  }
.LBB1_3:
0x4e: {  	p1 =	sne.s32 s22, $0x1FC;
	v5 =	vld [tilespmem:s18+$0xFFFFFFD0];
	[tilespmem:s20+$0x2040 ss:$0x81] =	vst.msk $0xffff, v3  }
0x4f: {  	v6 =	vld [tilespmem:s18+$0xFFFFFFE0];
	[tilespmem:s20+$0x2850 ss:$0x81] =	vst.msk $0xffff, v4  }
0x50: {  	s23 =	sshra.s32 s21, $0x2;
	s21 =	smov.u32 s22;
	v7 =	vld [tilespmem:s18+$0xFFFFFFF0];
	[tilespmem:s20+$0x3060 ss:$0x81] =	vst.msk $0xffff, v2  }
.Ltmp3:
0x51: {  	v3 =	vld [tilespmem:s18+$0x0];
	[tilespmem:s20+$0x0 ss:$0x81] =	vst.msk $0xffff, v1;
	s20 =	sadd.s32 s23, s19;
	(pc) =	sbr.rel @p1 .LBB1_3-.Ltmp3, $4  }
0x52: {  	v4 =	vld [tilespmem:s18+$0x10];
	[tilespmem:s20+$0x3870 ss:$0x81] =	vst.msk $0xffff, v0  }
0x53: {  	[tilespmem:s20+$0x810 ss:$0x81] =	vst.msk $0xffff, v5;
	v2 =	vld [tilespmem:s18+$0x20]  }
0x54: {  	v1 =	vld [tilespmem:s18+$0xFFFFFFC0];
	[tilespmem:s20+$0x1020 ss:$0x81] =	vst.msk $0xffff, v6;
	s18 =	sadd.s32 $0x80, s18  }
0x55: {  	s22 =	sadd.s32 $0x4, s22;
	v0 =	vld [tilespmem:s18+$0x30];
	[tilespmem:s20+$0x1830 ss:$0x81] =	vst.msk $0xffff, v7  }
.Ltmp4:
0x56: {  	_ = 	snop;
	(pc) =	sbr.rel .LBB1_4-.Ltmp4, $1  }
0x57: {  	_ =	sdelay $0x3  }
.LBB1_6:
0x58: {  	_ =	sfence.sel $0x180000  }
0x59: {  	s1 =	simm.s32 $0x1;
	[bflag:$0x0] =	sbarrier.arrive $0xFFFF  }
0x5a: {  	s31 =	simm.s32 $0x2;
	[sflag:s1] =	ssyncpa.u1 $0x1  }
0x5b: {  	[sflag:s31] =	ssyncpa.u1 $0x1  }
0x5c: {  	p0 =	sne.s32 s0, $0x0;
	_ =	strace $0x9000004A  }
0x5d: {  	s0 =	sadd.s32 @!p0 $0x100000, s2;
	[bflag:$0x2] =	sbarrier.arrive $0xFFFF  }
0x5e: {  	[sflag:s0] =	ssyncadd.tile.s32 @!p0 $0x1;
	_ =	shalt  }
.Lfunc_end1:
_tile_overlayer_lowered:
.L_overlay_start_2:
0x5f: {  	(tag) =	ssettag $0x2  }
0x60: {  	s0 =	rddreg [dreg:$0x0];
	s2 =	stileid.u32  }
0x61: {  	s1 =	rddreg [dreg:$0x1];
	p0 =	sne.s32 s2, $0x0  }
0x62: {  	s3 =	rddreg [dreg:$0x2];
	[bflag:$0x3] =	sbarrier.arrive $0xFFFF;
	s2 =	simm.s32 @!p0 $0x1C01  }
0x63: {  	[timem:s3], [sflag:s2] =	dma.local @!p0 [hbm:s0], s1  }
0x64: {  	s0 =	simm.s32 @!p0 $0x1  }
0x65: {  	_ =	swait.ge @!p0 [sflag:s0], s1  }
0x66: {  	s1 =	ssub.s32 @!p0 $0x0, s1;
	[sflag:s0] =	ssyncset.done @!p0 $0x0  }
0x67: {  	[sflag:s0] =	ssyncadd.s32 @!p0 s1  }
0x68: {  	[bflag:$0x3] =	sbarrier.arrive $0xFFFF  }
0x69: {  	_ =	shalt  }

</sc_bundles>
